<compile_context>
chip_gen: v7x
topology: tpu7x:2x2x1
jax: 0.10.2.dev20260603
libtpu: 0.0.44.dev20260713+nightly
codegen_flags: <defaults>
</compile_context>

<pallas_src>
import functools

import jax
import jax.numpy as jnp
from jax import lax
from jax.experimental import pallas as pl
from jax.experimental.pallas import tpu as pltpu
from jax.experimental.pallas import tpu_sc as plsc

N = 50000
E = 800000
NG = 256
DIN = 128
DH = 64
HF = 32
GRPH = 64

EP = 819200
EROWS = EP // 128
NC = 2
NS = 16
RPT = EROWS // (NS)
K = 2
CHUNKS = RPT // K
TRIPS = 66
SACC = 50176
SAPT = SACC // NS
ACC_ROWS = 51200
ZROWS = 64
APT = ACC_ROWS // NS

RB = 2000
GB = N // RB
PB = 512
PK = ACC_ROWS // 4
PN = N // 4
PKV = SACC // 4


def _bd4(W):
    return jnp.kron(jnp.eye(4, dtype=W.dtype), W)


def _t4(b):
    return jnp.tile(b, 4).reshape(1, -1)


def _mm0_body(x_ref, wa_ref, wb_ref, ba_ref, bb_ref, o_ref):
    xb = x_ref[...]
    o_ref[0] = jnp.dot(xb, wa_ref[...],
                       preferred_element_type=jnp.float32) + ba_ref[...]
    o_ref[1] = jnp.dot(xb, wb_ref[...],
                       preferred_element_type=jnp.float32) + bb_ref[...]


def _dense0(x, W0, b0):
    xp = x.reshape(PN, 4 * DIN)
    wspec = pl.BlockSpec((4 * DIN, 128), lambda i: (0, 0))
    bspec = pl.BlockSpec((1, 128), lambda i: (0, 0))
    return pl.pallas_call(
        _mm0_body,
        grid=(GB,),
        in_specs=[
            pl.BlockSpec((PB, 4 * DIN), lambda i: (i, 0)),
            wspec, wspec, bspec, bspec,
        ],
        out_specs=pl.BlockSpec((2, PB, 128), lambda i: (0, i, 0)),
        out_shape=jax.ShapeDtypeStruct((2, PK, 128), jnp.float32),
    )(xp, _bd4(W0[:, :HF]), _bd4(W0[:, HF:]), _t4(b0[:HF]), _t4(b0[HF:]))


def _sage_body(aa_ref, ab_ref, dq_ref, sel_ref, xa_ref, xb_ref,
               wlaa, wlba, wraa, wrba, wlab, wlbb, wrab, wrbb,
               ba_ref, bb_ref, o_ref):
    def mm(a, b):
        return jnp.dot(a, b[...], preferred_element_type=jnp.float32)
    dpk = jnp.dot(dq_ref[...], sel_ref[...],
                  preferred_element_type=jnp.float32)
    inv = 1.0 / jnp.maximum(dpk, 1.0)
    na = aa_ref[0] * inv
    nb = ab_ref[0] * inv
    xa = xa_ref[0]
    xb = xb_ref[0]
    o_ref[0] = (mm(na, wlaa) + mm(nb, wlba) + mm(xa, wraa) + mm(xb, wrba)
                + ba_ref[...])
    o_ref[1] = (mm(na, wlab) + mm(nb, wlbb) + mm(xa, wrab) + mm(xb, wrbb)
                + bb_ref[...])


def _dense_sage(aggs, degq, sel, xs, Wl, bl, Wr):
    half = pl.BlockSpec((1, PB, 128), lambda i: (0, i, 0))
    half2 = pl.BlockSpec((1, PB, 128), lambda i: (1, i, 0))
    wspec = pl.BlockSpec((128, 128), lambda i: (0, 0))
    bspec = pl.BlockSpec((1, 128), lambda i: (0, 0))
    aggp = aggs.reshape(2, PK, 128)
    ws = [_bd4(Wl[:HF, :HF]), _bd4(Wl[HF:, :HF]),
          _bd4(Wr[:HF, :HF]), _bd4(Wr[HF:, :HF]),
          _bd4(Wl[:HF, HF:]), _bd4(Wl[HF:, HF:]),
          _bd4(Wr[:HF, HF:]), _bd4(Wr[HF:, HF:])]
    return pl.pallas_call(
        _sage_body,
        grid=(GB,),
        in_specs=[half, half2, pl.BlockSpec((PB, 4), lambda i: (i, 0)),
                  pl.BlockSpec((4, 128), lambda i: (0, 0)),
                  half, half2] + [wspec] * 8 + [bspec, bspec],
        out_specs=pl.BlockSpec((2, PB, 128), lambda i: (0, i, 0)),
        out_shape=jax.ShapeDtypeStruct((2, PK, 128), jnp.float32),
    )(aggp, aggp, degq, sel, xs, xs, *ws, _t4(bl[:HF]), _t4(bl[HF:]))


def _make_sc_agg(with_deg):
    mesh = plsc.VectorSubcoreMesh(core_axis_name="c", subcore_axis_name="s")
    out_type = [jax.ShapeDtypeStruct((2, ACC_ROWS, HF), jnp.float32)]
    scratch = [
        pltpu.VMEM((2, K * 128), jnp.int32),
        pltpu.VMEM((2, K * 128), jnp.int32),
        pltpu.VMEM((2, K * 128), jnp.int32),
        pltpu.VMEM((K * 128, HF), jnp.float32),
        pltpu.VMEM((K * 128, HF), jnp.float32),
        pltpu.VMEM((K * 128, HF), jnp.float32),
        pltpu.VMEM_SHARED((SACC, HF), jnp.float32),
        pltpu.SemaphoreType.DMA,
        pltpu.SemaphoreType.DMA,
        pltpu.SemaphoreType.DMA,
        pltpu.SemaphoreType.DMA,
        pltpu.SemaphoreType.DMA,
        pltpu.SemaphoreType.DMA,
        pltpu.SemaphoreType.DMA,
        pltpu.SemaphoreType.DMA,
        pltpu.SemaphoreType.DMA,
    ]
    if with_deg:
        out_type.append(jax.ShapeDtypeStruct((SACC,), jnp.float32))
        scratch += [
            pltpu.VMEM((448,), jnp.float32),
            pltpu.VMEM((K * 128,), jnp.float32),
            pltpu.VMEM_SHARED((SACC,), jnp.float32),
        ]

    def body(tbl_ref, ei_ref, out_ref, *rest):
        if with_deg:
            (deg_out, sd0, sd1, sd2, rows0, rows1, rows2, acc,
             isem0, isem1, isem2, gsem0, gsem1, gsem2, ssem0, ssem1, ssem2,
             zbuf1, ones, dacc) = rest
        else:
            (sd0, sd1, sd2, rows0, rows1, rows2, acc,
             isem0, isem1, isem2, gsem0, gsem1, gsem2, ssem0, ssem1, ssem2) = rest
        c = lax.axis_index("c")
        s = lax.axis_index("s")
        mytbl = tbl_ref.at[c]
        myout = out_ref.at[c]
        sds = [sd0, sd1, sd2]
        rows = [rows0, rows1, rows2]
        isems = [isem0, isem1, isem2]
        gsems = [gsem0, gsem1, gsem2]
        ssems = [ssem0, ssem1, ssem2]

        zero16 = jnp.zeros((16,), jnp.float32)

        def zero_acc():
            NZ = K * 128
            @pl.loop(0, NZ)
            def _zfill(r):
                rows0[r, pl.ds(0, 16)] = zero16
                rows0[r, pl.ds(16, 16)] = zero16

            @pl.loop(0, SAPT // NZ)
            def _zacc(r):
                pltpu.sync_copy(rows0, acc.at[pl.ds(s * SAPT + r * NZ, NZ)])
            pltpu.sync_copy(rows0.at[pl.ds(0, SAPT % NZ)],
                            acc.at[pl.ds(s * SAPT + (SAPT // NZ) * NZ,
                                         SAPT % NZ)])

            if with_deg:
                @pl.when(c == 0)
                def _zdeg():
                    @pl.loop(0, 28)
                    def _zf1(r):
                        zbuf1[pl.ds(r * 16, 16)] = zero16
                    one16 = jnp.ones((16,), jnp.float32)

                    @pl.loop(0, K * 8)
                    def _of(r):
                        ones[pl.ds(r * 16, 16)] = one16
                    @pl.loop(0, 7)
                    def _zd(r):
                        pltpu.sync_copy(zbuf1,
                                        dacc.at[pl.ds(s * SAPT + r * 448, 448)])

        def fire_idx(chunk_base, q):
            pltpu.async_copy(ei_ref.at[0, chunk_base], sds[q].at[0], isems[q])
            d = pltpu.async_copy(ei_ref.at[1, chunk_base], sds[q].at[1],
                                 isems[q])
            class _W:
                def wait(self):
                    pltpu.make_async_copy(ei_ref.at[0, chunk_base],
                                          sds[q].at[0], isems[q]).wait()
                    d.wait()
            return _W()

        def fire_gathers(q):
            pltpu.async_copy(mytbl.at[sds[q].at[0]], rows[q], gsems[q])

        def wait_gathers(q):
            pltpu.make_async_copy(mytbl.at[sds[q].at[0]], rows[q],
                                  gsems[q]).wait()

        def fire_scatters(q):
            pltpu.async_copy(rows[q], acc.at[sds[q].at[1]], ssems[q], add=True)
            if with_deg:
                @pl.when(c == 0)
                def _dfire():
                    pltpu.async_copy(ones, dacc.at[sds[q].at[1]],
                                     ssems[q], add=True)

        def wait_scatters(q):
            pltpu.make_async_copy(rows[q], acc.at[sds[q].at[1]],
                                  ssems[q]).wait()
            if with_deg:
                @pl.when(c == 0)
                def _dwait():
                    pltpu.make_async_copy(ones, dacc.at[sds[q].at[1]],
                                          ssems[q]).wait()

        tbase = s * (RPT // 2)
        for q in (1, 2):
            fire_idx(tbase + q, q).wait()
            fire_gathers(q)
        zero_acc()
        fire_idx(tbase, 0).wait()
        fire_gathers(0)
        plsc.subcore_barrier()

        @pl.loop(0, TRIPS)
        def _trip(h):
            base = tbase + 3 * h
            for q in range(3):
                wait_gathers(q)
                fire_scatters(q)
            for q in range(3):
                wait_scatters(q)
                if q < 2:
                    fire_idx(base + q + 3, q).wait()
                    fire_gathers(q)
                else:
                    @pl.when(h < TRIPS - 1)
                    def _nextC():
                        fire_idx(base + 5, 2).wait()
                        fire_gathers(2)

        for q in range(2):
            wait_gathers(q)
            fire_scatters(q)
        for q in range(2):
            wait_scatters(q)

        plsc.subcore_barrier()

        pltpu.sync_copy(acc.at[pl.ds(s * SAPT, SAPT)],
                        myout.at[pl.ds(s * SAPT, SAPT)])
        if with_deg:
            @pl.when(c == 0)
            def _wdeg():
                pltpu.sync_copy(dacc.at[pl.ds(s * SAPT, SAPT)],
                                deg_out.at[pl.ds(s * SAPT, SAPT)])

    return pl.kernel(body, out_type=out_type, mesh=mesh, scratch_types=scratch,
                     compiler_params=pltpu.CompilerParams(
                         use_tc_tiling_on_sc=False))


_make_sc_agg = functools.cache(_make_sc_agg)


def _final_body(x0a, x0b, x1a, x1b, x2a, x2b, bat_ref,
                we0t, we0b, be0, we1t, we1b, be1, we2t, we2b, be2,
                wm0, wm1, wm2, bm, wg, bg, wv, bv, wo, bo,
                out_ref, m_ref, gsum_ref, pooled_ref):
    i = pl.program_id(0)

    @pl.when(i == 0)
    def _init():
        m_ref[...] = jnp.full((NG, 1), -1e30, jnp.float32)
        gsum_ref[...] = jnp.zeros((NG, 1), jnp.float32)
        pooled_ref[...] = jnp.zeros((NG, GRPH), jnp.float32)

    def mm(a, b):
        return jnp.dot(a, b, preferred_element_type=jnp.float32)

    e0 = jax.nn.relu(mm(x0a[0], we0t[...]) + mm(x0b[0], we0b[...]) + be0[...])
    e1 = jax.nn.relu(mm(x1a[0], we1t[...]) + mm(x1b[0], we1b[...]) + be1[...])
    e2 = jax.nn.relu(mm(x2a[0], we2t[...]) + mm(x2b[0], we2b[...]) + be2[...])
    xc = jax.nn.relu(mm(e0, wm0[...]) + mm(e1, wm1[...]) + mm(e2, wm2[...])
                     + bm[...])
    v = mm(xc, wv[...]) + bv[...]
    rid = i * PB + lax.broadcasted_iota(jnp.int32, (PB, 1), 0)
    v = jnp.where(rid < PN, v, 0.0)

    gids = lax.broadcasted_iota(jnp.int32, (NG, PB), 0)
    m_old = m_ref[...]
    gates, onehots, bmaxs = [], [], []
    for k in range(4):
        xck = xc[:, k * GRPH:(k + 1) * GRPH]
        gate_k = lax.dot_general(wg[...], xck, (((0,), (1,)), ((), ())),
                                 preferred_element_type=jnp.float32) + bg[...]
        b_k = bat_ref[0, pl.ds(k, 1)]
        eq_k = gids == b_k
        gates.append(gate_k)
        onehots.append(eq_k.astype(jnp.float32))
        bmaxs.append(jnp.max(jnp.where(eq_k, gate_k, -1e30), axis=1,
                             keepdims=True))
    m_new = jnp.maximum(jnp.maximum(jnp.maximum(m_old, bmaxs[0]),
                                    jnp.maximum(bmaxs[1], bmaxs[2])),
                        bmaxs[3])
    scale = jnp.exp(m_old - m_new)
    gsum_inc = jnp.zeros((NG, 1), jnp.float32)
    pooled_inc = jnp.zeros((NG, GRPH), jnp.float32)
    for k in range(4):
        m_node = lax.dot_general(m_new, onehots[k], (((0,), (0,)), ((), ())),
                                 preferred_element_type=jnp.float32)
        wmat = jnp.where(onehots[k] > 0.0,
                         jnp.exp(gates[k] - m_node), 0.0)
        gsum_inc = gsum_inc + jnp.sum(wmat, axis=1, keepdims=True)
        pooled_inc = pooled_inc + mm(wmat, v[:, k * GRPH:(k + 1) * GRPH])
    m_ref[...] = m_new
    gsum_ref[...] = gsum_ref[...] * scale + gsum_inc
    pooled_ref[...] = pooled_ref[...] * scale + pooled_inc

    @pl.when(i == GB - 1)
    def _fin():
        pooled = pooled_ref[...] / (gsum_ref[...] + 1e-16)
        logits = mm(pooled, wo[...]) + bo[...]
        lane = lax.broadcasted_iota(jnp.int32, (NG, 128), 1)
        logits = jnp.where(lane < 2, logits, -1e30)
        mx = jnp.max(logits, axis=1, keepdims=True)
        p = jnp.exp(logits - mx)
        out_ref[...] = p / jnp.sum(p, axis=1, keepdims=True)


def _final(x0s, x1s, x2s, batch, We0, be0, We1, be1, We2, be2, Wm, bm,
           Wg, bg, Wv, bv, Wo, bo):
    half = pl.BlockSpec((1, PB, 128), lambda i: (0, i, 0))
    half2 = pl.BlockSpec((1, PB, 128), lambda i: (1, i, 0))
    wspec = pl.BlockSpec((128, 4 * GRPH), lambda i: (0, 0))
    bspec = pl.BlockSpec((1, 4 * GRPH), lambda i: (0, 0))
    mspec = pl.BlockSpec((4 * DH, 4 * GRPH), lambda i: (0, 0))
    Wo128 = jnp.pad(Wo, ((0, 0), (0, 128 - Wo.shape[1])))
    bo128 = jnp.pad(bo.reshape(1, -1), ((0, 0), (0, 128 - bo.shape[0])))
    batp = jnp.concatenate(
        [batch, jnp.full((4 * PK - N,), -1, jnp.int32)]
    ).reshape(GB, PB, 4).transpose(0, 2, 1)
    out = pl.pallas_call(
        _final_body,
        grid=(GB,),
        in_specs=[
            half, half2, half, half2, half, half2,
            pl.BlockSpec((1, 4, PB), lambda i: (i, 0, 0)),
            wspec, wspec, bspec, wspec, wspec, bspec, wspec, wspec, bspec,
            mspec, mspec, mspec, bspec,
            pl.BlockSpec((DH, 1), lambda i: (0, 0)),
            pl.BlockSpec((1, 1), lambda i: (0, 0)),
            mspec,
            bspec,
            pl.BlockSpec((DH, 128), lambda i: (0, 0)),
            pl.BlockSpec((1, 128), lambda i: (0, 0)),
        ],
        out_specs=pl.BlockSpec((NG, 128), lambda i: (0, 0)),
        out_shape=jax.ShapeDtypeStruct((NG, 128), jnp.float32),
        compiler_params=pltpu.CompilerParams(
            dimension_semantics=("arbitrary",)),
        scratch_shapes=[
            pltpu.VMEM((NG, 1), jnp.float32),
            pltpu.VMEM((NG, 1), jnp.float32),
            pltpu.VMEM((NG, GRPH), jnp.float32),
        ],
    )(x0s, x0s, x1s, x1s, x2s, x2s, batp,
      _bd4(We0[:HF]), _bd4(We0[HF:]), _t4(be0),
      _bd4(We1[:HF]), _bd4(We1[HF:]), _t4(be1),
      _bd4(We2[:HF]), _bd4(We2[HF:]), _t4(be2),
      _bd4(Wm[:DH]), _bd4(Wm[DH:2 * DH]), _bd4(Wm[2 * DH:]), _t4(bm),
      Wg, bg.reshape(1, 1), _bd4(Wv), _t4(bv), Wo128, bo128)
    return out[:, :2]


def _sage_agg(xs, ei, with_deg):
    if with_deg:
        return tuple(_make_sc_agg(True)(xs, ei))
    return tuple(_make_sc_agg(False)(xs, ei))


def kernel(x, edge_index, batch, W0, b0, W1l, b1l, W1r, W2l, b2l, W2r,
           We0, be0, We1, be1, We2, be2, Wm, bm, Wg, bg, Wv, bv, Wo, bo):
    pad_i = jnp.arange(EP - E, dtype=jnp.int32)
    pads = jnp.stack([pad_i % N, N + pad_i % (SACC - N)])
    ei = jnp.concatenate([edge_index, pads], axis=1).reshape(2, EROWS // 2, 256)

    x0s = _dense0(x, W0, b0)
    agg1, degp = _sage_agg(x0s.reshape(2, ACC_ROWS, HF), ei, True)
    degq = jnp.pad(degp, (0, 4 * PK - SACC)).reshape(PK, 4)
    sel = jnp.kron(jnp.eye(4, dtype=jnp.float32), jnp.ones((1, HF), jnp.float32))
    x1s = _dense_sage(agg1, degq, sel, x0s, W1l, b1l, W1r)
    (agg2,) = _sage_agg(x1s.reshape(2, ACC_ROWS, HF), ei, False)
    x2s = _dense_sage(agg2, degq, sel, x1s, W2l, b2l, W2r)
    return _final(x0s, x1s, x2s, batch, We0, be0, We1, be1, We2, be2,
                  Wm, bm, Wg, bg, Wv, bv, Wo, bo)

# --- scband reference (transcript-rebuilt; emitter-appended) ---
"""Pipeline reference for scband-net-desc-53755810677330 (READ-ONLY COPY).

The authoritative reference and input builder live on the scoring server;
editing this copy changes nothing except your own understanding.
"""

import jax, jax.numpy as jnp
import numpy as np

N_NODES = 50000
N_EDGES = 800000
N_GRAPHS = 256
D_IN = 128
D_H = 64
GRPH = 64
LABEL = 2

def _lin_params(key, d_in, d_out, bias=True):
    k1, k2 = jax.random.split(key)
    s = 1.0 / np.sqrt(d_in)
    W = jax.random.uniform(k1, (d_in, d_out), jnp.float32, -s, s)
    if bias:
        b = jax.random.uniform(k2, (d_out,), jnp.float32, -s, s)
        return W, b
    return W

def setup_inputs(seed: int = 0):
    key = jax.random.key(seed)
    ks = jax.random.split(key, 16)
    inp = {}
    inp["x"] = jax.random.normal(ks[0], (N_NODES, D_IN), dtype=jnp.float32)
    inp["edge_index"] = jax.random.randint(ks[1], (2, N_EDGES), 0, N_NODES, dtype=jnp.int32)
    inp["batch"] = jnp.sort(jax.random.randint(ks[2], (N_NODES,), 0, N_GRAPHS, dtype=jnp.int32))
    inp["W0"], inp["b0"] = _lin_params(ks[3], D_IN, D_H)
    inp["W1l"], inp["b1l"] = _lin_params(ks[4], D_H, D_H)
    inp["W1r"] = _lin_params(ks[5], D_H, D_H, bias=False)
    inp["W2l"], inp["b2l"] = _lin_params(ks[6], D_H, D_H)
    inp["W2r"] = _lin_params(ks[7], D_H, D_H, bias=False)
    inp["We0"], inp["be0"] = _lin_params(ks[8], D_H, GRPH)
    inp["We1"], inp["be1"] = _lin_params(ks[9], D_H, GRPH)
    inp["We2"], inp["be2"] = _lin_params(ks[10], D_H, GRPH)
    inp["Wm"], inp["bm"] = _lin_params(ks[11], GRPH * 3, GRPH)
    inp["Wg"], inp["bg"] = _lin_params(ks[12], GRPH, 1)
    inp["Wv"], inp["bv"] = _lin_params(ks[13], GRPH, GRPH)
    inp["Wo"], inp["bo"] = _lin_params(ks[14], GRPH, LABEL)
    return inp

def _sage(x, src, dst, Wl, bl, Wr):
    # PyG SAGEConv with mean aggregation: lin_l(mean_agg(x_src -> dst)) + lin_r(x)
    msg = jnp.take(x, src, axis=0)
    agg = jax.ops.segment_sum(msg, dst, num_segments=x.shape[0])
    deg = jax.ops.segment_sum(jnp.ones((src.shape[0],), x.dtype), dst, num_segments=x.shape[0])
    agg = agg / jnp.maximum(deg, 1.0)[:, None]
    return agg @ Wl + bl + x @ Wr

def reference(x, edge_index, batch, W0, b0, W1l, b1l, W1r, W2l, b2l, W2r, We0, be0, We1, be1, We2, be2, Wm, bm, Wg, bg, Wv, bv, Wo, bo):
    src = edge_index[0]
    dst = edge_index[1]
    x0 = x @ W0 + b0
    x1 = _sage(x0, src, dst, W1l, b1l, W1r)
    x2 = _sage(x1, src, dst, W2l, b2l, W2r)
    # eval-mode dropout (rate 0.0) == identity
    e0 = jax.nn.relu(x0 @ We0 + be0)
    e1 = jax.nn.relu(x1 @ We1 + be1)
    e2 = jax.nn.relu(x2 @ We2 + be2)
    xc = jax.nn.relu(jnp.concatenate([e0, e1, e2], axis=1) @ Wm + bm)
    # GlobalAtt pooling: softmax(gate_nn(xc)) per graph, weighted sum of v_nn(xc)
    gate = (xc @ Wg + bg)[:, 0]
    v = xc @ Wv + bv
    gmax = jax.ops.segment_max(gate, batch, num_segments=N_GRAPHS)
    gmax = jnp.where(jnp.isfinite(gmax), gmax, 0.0)
    g = jnp.exp(gate - gmax[batch])
    gsum = jax.ops.segment_sum(g, batch, num_segments=N_GRAPHS)
    g = g / (gsum[batch] + 1e-16)
    pooled = jax.ops.segment_sum(g[:, None] * v, batch, num_segments=N_GRAPHS)
    logits = pooled @ Wo + bo
    # return_prob=True -> softmax probabilities
    return jax.nn.softmax(logits, axis=-1)

if __name__ == "__main__":
    import jax
    _d = setup_inputs()
    print(jax.jit(kernel)(*tuple(_d.values())))

</pallas_src>

<mosaic_0001>
#map = affine_map<(d0, d1) -> (0, 0, 0)>
#map1 = affine_map<(d0, d1) -> (0)>
module attributes {stable_mosaic.version = 14 : i64} {
  func.func @body(%arg0: i32, %arg1: i32, %arg2: memref<2x51200x32xf32, #tpu.memory_space<hbm>>, %arg3: memref<2x3200x256xi32, #tpu.memory_space<hbm>>, %arg4: memref<2x51200x32xf32, #tpu.memory_space<hbm>>, %arg5: memref<50176xf32, #tpu.memory_space<hbm>>, %arg6: memref<2x256xi32, #tpu.memory_space<vmem>>, %arg7: memref<2x256xi32, #tpu.memory_space<vmem>>, %arg8: memref<2x256xi32, #tpu.memory_space<vmem>>, %arg9: memref<256x32xf32, #tpu.memory_space<vmem>>, %arg10: memref<256x32xf32, #tpu.memory_space<vmem>>, %arg11: memref<256x32xf32, #tpu.memory_space<vmem>>, %arg12: memref<50176x32xf32, #tpu.memory_space<vmem_shared>>, %arg13: memref<!tpu.dma_semaphore, #tpu.memory_space<semaphore_mem>>, %arg14: memref<!tpu.dma_semaphore, #tpu.memory_space<semaphore_mem>>, %arg15: memref<!tpu.dma_semaphore, #tpu.memory_space<semaphore_mem>>, %arg16: memref<!tpu.dma_semaphore, #tpu.memory_space<semaphore_mem>>, %arg17: memref<!tpu.dma_semaphore, #tpu.memory_space<semaphore_mem>>, %arg18: memref<!tpu.dma_semaphore, #tpu.memory_space<semaphore_mem>>, %arg19: memref<!tpu.dma_semaphore, #tpu.memory_space<semaphore_mem>>, %arg20: memref<!tpu.dma_semaphore, #tpu.memory_space<semaphore_mem>>, %arg21: memref<!tpu.dma_semaphore, #tpu.memory_space<semaphore_mem>>, %arg22: memref<448xf32, #tpu.memory_space<vmem>>, %arg23: memref<256xf32, #tpu.memory_space<vmem>>, %arg24: memref<50176xf32, #tpu.memory_space<vmem_shared>>) attributes {dimension_semantics = [#tpu.dimension_semantics<core_parallel>, #tpu.dimension_semantics<subcore_parallel>], iteration_bounds = array<i64: 2, 16>, scalar_prefetch = 0 : i64, scratch_operands = 19 : i64, tpu.core_type = #tpu.core_type<sc_vector_subcore>, window_params = [{transform_indices = #map}, {transform_indices = #map}, {transform_indices = #map}, {transform_indices = #map1}]} {
    %broadcast_in_dim3A = arith.constant 0.000000e+00 : f32
    %broadcast_in_dim3A_0 = vector.broadcast %broadcast_in_dim3A : f32 to vector<16xf32>
    %mul3A = arith.constant 200 : i32
    %mul3A_1 = arith.muli %arg1, %mul3A : i32
    %add3A = arith.constant 1 : i32
    %add3A_2 = arith.addi %mul3A_1, %add3A : i32
    %dma_start3A = arith.constant 0 : i32
    %dma_start3A_3 = arith.constant 0 : i32
    %dma_start3A_4 = arith.constant 0 : i32
    %dma_start3A_5 = tpu.memref_slice %arg7[%dma_start3A_3, %dma_start3A_4] : memref<2x256xi32, #tpu.memory_space<vmem>> -> memref<1x256xi32, #tpu.memory_space<vmem>>
    %dma_start3A_6 = tpu.memref_squeeze %dma_start3A_5 : memref<1x256xi32, #tpu.memory_space<vmem>> -> memref<256xi32, #tpu.memory_space<vmem>>
    %dma_start3A_7 = arith.constant 0 : i32
    %dma_start3A_8 = tpu.memref_slice %arg3[%dma_start3A, %add3A_2, %dma_start3A_7] : memref<2x3200x256xi32, #tpu.memory_space<hbm>> -> memref<1x1x256xi32, #tpu.memory_space<hbm>>
    %dma_start3A_9 = tpu.memref_squeeze %dma_start3A_8 : memref<1x1x256xi32, #tpu.memory_space<hbm>> -> memref<256xi32, #tpu.memory_space<hbm>>
    %dma_start3A_10 = arith.constant 0 : i32
    %dma_start3A_11 = tpu.memref_slice %arg7[%dma_start3A_3, %dma_start3A_10] : memref<2x256xi32, #tpu.memory_space<vmem>> -> memref<1x256xi32, #tpu.memory_space<vmem>>
    %dma_start3A_12 = tpu.memref_squeeze %dma_start3A_11 : memref<1x256xi32, #tpu.memory_space<vmem>> -> memref<256xi32, #tpu.memory_space<vmem>>
    %dma_start3A_13 = arith.constant 0 : i32
    %dma_start3A_14 = tpu.memref_slice %arg3[%dma_start3A, %add3A_2, %dma_start3A_13] : memref<2x3200x256xi32, #tpu.memory_space<hbm>> -> memref<1x1x256xi32, #tpu.memory_space<hbm>>
    %dma_start3A_15 = tpu.memref_squeeze %dma_start3A_14 : memref<1x1x256xi32, #tpu.memory_space<hbm>> -> memref<256xi32, #tpu.memory_space<hbm>>
    tpu.enqueue_dma source(%dma_start3A_15 : memref<256xi32, #tpu.memory_space<hbm>>) target(%dma_start3A_12 : memref<256xi32, #tpu.memory_space<vmem>>) target_semaphore(%arg14 : memref<!tpu.dma_semaphore, #tpu.memory_space<semaphore_mem>>)
    %dma_start3A_16 = arith.constant 1 : i32
    %dma_start3A_17 = arith.constant 1 : i32
    %dma_start3A_18 = arith.constant 0 : i32
    %dma_start3A_19 = tpu.memref_slice %arg7[%dma_start3A_17, %dma_start3A_18] : memref<2x256xi32, #tpu.memory_space<vmem>> -> memref<1x256xi32, #tpu.memory_space<vmem>>
    %dma_start3A_20 = tpu.memref_squeeze %dma_start3A_19 : memref<1x256xi32, #tpu.memory_space<vmem>> -> memref<256xi32, #tpu.memory_space<vmem>>
    %dma_start3A_21 = arith.constant 0 : i32
    %dma_start3A_22 = tpu.memref_slice %arg3[%dma_start3A_16, %add3A_2, %dma_start3A_21] : memref<2x3200x256xi32, #tpu.memory_space<hbm>> -> memref<1x1x256xi32, #tpu.memory_space<hbm>>
    %dma_start3A_23 = tpu.memref_squeeze %dma_start3A_22 : memref<1x1x256xi32, #tpu.memory_space<hbm>> -> memref<256xi32, #tpu.memory_space<hbm>>
    %dma_start3A_24 = arith.constant 0 : i32
    %dma_start3A_25 = tpu.memref_slice %arg7[%dma_start3A_17, %dma_start3A_24] : memref<2x256xi32, #tpu.memory_space<vmem>> -> memref<1x256xi32, #tpu.memory_space<vmem>>
    %dma_start3A_26 = tpu.memref_squeeze %dma_start3A_25 : memref<1x256xi32, #tpu.memory_space<vmem>> -> memref<256xi32, #tpu.memory_space<vmem>>
    %dma_start3A_27 = arith.constant 0 : i32
    %dma_start3A_28 = tpu.memref_slice %arg3[%dma_start3A_16, %add3A_2, %dma_start3A_27] : memref<2x3200x256xi32, #tpu.memory_space<hbm>> -> memref<1x1x256xi32, #tpu.memory_space<hbm>>
    %dma_start3A_29 = tpu.memref_squeeze %dma_start3A_28 : memref<1x1x256xi32, #tpu.memory_space<hbm>> -> memref<256xi32, #tpu.memory_space<hbm>>
    tpu.enqueue_dma source(%dma_start3A_29 : memref<256xi32, #tpu.memory_space<hbm>>) target(%dma_start3A_26 : memref<256xi32, #tpu.memory_space<vmem>>) target_semaphore(%arg14 : memref<!tpu.dma_semaphore, #tpu.memory_space<semaphore_mem>>)
    %dma_wait3A = arith.constant 0 : i32
    %dma_wait3A_30 = arith.constant 0 : i32
    %dma_wait3A_31 = arith.constant 0 : i32
    %dma_wait3A_32 = tpu.memref_slice %arg7[%dma_wait3A_30, %dma_wait3A_31] : memref<2x256xi32, #tpu.memory_space<vmem>> -> memref<1x256xi32, #tpu.memory_space<vmem>>
    %dma_wait3A_33 = tpu.memref_squeeze %dma_wait3A_32 : memref<1x256xi32, #tpu.memory_space<vmem>> -> memref<256xi32, #tpu.memory_space<vmem>>
    %dma_wait3A_34 = arith.constant 0 : i32
    %dma_wait3A_35 = tpu.memref_slice %arg3[%dma_wait3A, %add3A_2, %dma_wait3A_34] : memref<2x3200x256xi32, #tpu.memory_space<hbm>> -> memref<1x1x256xi32, #tpu.memory_space<hbm>>
    %dma_wait3A_36 = tpu.memref_squeeze %dma_wait3A_35 : memref<1x1x256xi32, #tpu.memory_space<hbm>> -> memref<256xi32, #tpu.memory_space<hbm>>
    %dma_wait3A_37 = arith.constant 0 : i32
    %dma_wait3A_38 = tpu.memref_slice %arg7[%dma_wait3A_30, %dma_wait3A_37] : memref<2x256xi32, #tpu.memory_space<vmem>> -> memref<1x256xi32, #tpu.memory_space<vmem>>
    %dma_wait3A_39 = tpu.memref_squeeze %dma_wait3A_38 : memref<1x256xi32, #tpu.memory_space<vmem>> -> memref<256xi32, #tpu.memory_space<vmem>>
    %dma_wait3A_40 = arith.constant 0 : i32
    %dma_wait3A_41 = tpu.memref_slice %arg3[%dma_wait3A, %add3A_2, %dma_wait3A_40] : memref<2x3200x256xi32, #tpu.memory_space<hbm>> -> memref<1x1x256xi32, #tpu.memory_space<hbm>>
    %dma_wait3A_42 = tpu.memref_squeeze %dma_wait3A_41 : memref<1x1x256xi32, #tpu.memory_space<hbm>> -> memref<256xi32, #tpu.memory_space<hbm>>
    tpu.wait_dma2 semaphore(%arg14 : memref<!tpu.dma_semaphore, #tpu.memory_space<semaphore_mem>>) src(%dma_wait3A_42 : memref<256xi32, #tpu.memory_space<hbm>>) dst(%dma_wait3A_39 : memref<256xi32, #tpu.memory_space<vmem>>)
    %dma_wait3A_43 = arith.constant 1 : i32
    %dma_wait3A_44 = arith.constant 1 : i32
    %dma_wait3A_45 = arith.constant 0 : i32
    %dma_wait3A_46 = tpu.memref_slice %arg7[%dma_wait3A_44, %dma_wait3A_45] : memref<2x256xi32, #tpu.memory_space<vmem>> -> memref<1x256xi32, #tpu.memory_space<vmem>>
    %dma_wait3A_47 = tpu.memref_squeeze %dma_wait3A_46 : memref<1x256xi32, #tpu.memory_space<vmem>> -> memref<256xi32, #tpu.memory_space<vmem>>
    %dma_wait3A_48 = arith.constant 0 : i32
    %dma_wait3A_49 = tpu.memref_slice %arg3[%dma_wait3A_43, %add3A_2, %dma_wait3A_48] : memref<2x3200x256xi32, #tpu.memory_space<hbm>> -> memref<1x1x256xi32, #tpu.memory_space<hbm>>
    %dma_wait3A_50 = tpu.memref_squeeze %dma_wait3A_49 : memref<1x1x256xi32, #tpu.memory_space<hbm>> -> memref<256xi32, #tpu.memory_space<hbm>>
    %dma_wait3A_51 = arith.constant 0 : i32
    %dma_wait3A_52 = tpu.memref_slice %arg7[%dma_wait3A_44, %dma_wait3A_51] : memref<2x256xi32, #tpu.memory_space<vmem>> -> memref<1x256xi32, #tpu.memory_space<vmem>>
    %dma_wait3A_53 = tpu.memref_squeeze %dma_wait3A_52 : memref<1x256xi32, #tpu.memory_space<vmem>> -> memref<256xi32, #tpu.memory_space<vmem>>
    %dma_wait3A_54 = arith.constant 0 : i32
    %dma_wait3A_55 = tpu.memref_slice %arg3[%dma_wait3A_43, %add3A_2, %dma_wait3A_54] : memref<2x3200x256xi32, #tpu.memory_space<hbm>> -> memref<1x1x256xi32, #tpu.memory_space<hbm>>
    %dma_wait3A_56 = tpu.memref_squeeze %dma_wait3A_55 : memref<1x1x256xi32, #tpu.memory_space<hbm>> -> memref<256xi32, #tpu.memory_space<hbm>>
    tpu.wait_dma2 semaphore(%arg14 : memref<!tpu.dma_semaphore, #tpu.memory_space<semaphore_mem>>) src(%dma_wait3A_56 : memref<256xi32, #tpu.memory_space<hbm>>) dst(%dma_wait3A_53 : memref<256xi32, #tpu.memory_space<vmem>>)
    %dma_start3A_57 = arith.constant 0 : i32
    %dma_start3A_58 = arith.constant 0 : i32
    %dma_start3A_59 = tpu.memref_slice %arg7[%dma_start3A_57, %dma_start3A_58] : memref<2x256xi32, #tpu.memory_space<vmem>> -> memref<1x256xi32, #tpu.memory_space<vmem>>
    %dma_start3A_60 = tpu.memref_squeeze %dma_start3A_59 : memref<1x256xi32, #tpu.memory_space<vmem>> -> memref<256xi32, #tpu.memory_space<vmem>>
    %dma_start3A_61 = arith.constant 0 : i32
    %dma_start3A_62 = arith.constant 0 : i32
    %dma_start3A_63 = tpu.memref_slice %arg2[%arg0, %dma_start3A_61, %dma_start3A_62] : memref<2x51200x32xf32, #tpu.memory_space<hbm>> -> memref<1x51200x32xf32, #tpu.memory_space<hbm>>
    %dma_start3A_64 = tpu.memref_squeeze %dma_start3A_63 : memref<1x51200x32xf32, #tpu.memory_space<hbm>> -> memref<51200x32xf32, #tpu.memory_space<hbm>>
    %dma_start3A_65 = arith.constant 0 : i32
    %dma_start3A_66 = arith.constant 0 : i32
    %dma_start3A_67 = tpu.memref_slice %dma_start3A_64[%dma_start3A_65, %dma_start3A_66] : memref<51200x32xf32, #tpu.memory_space<hbm>> -> memref<51200x32xf32, #tpu.memory_space<hbm>>
    tpu.enqueue_indirect_dma source(%dma_start3A_67 : memref<51200x32xf32, #tpu.memory_space<hbm>>) target(%arg10 : memref<256x32xf32, #tpu.memory_space<vmem>>) offsets(%dma_start3A_60 : memref<256xi32, #tpu.memory_space<vmem>>) semaphore(%arg17 : memref<!tpu.dma_semaphore, #tpu.memory_space<semaphore_mem>>)
    %add3A_68 = arith.constant 2 : i32
    %add3A_69 = arith.addi %mul3A_1, %add3A_68 : i32
    %dma_start3A_70 = arith.constant 0 : i32
    %dma_start3A_71 = arith.constant 0 : i32
    %dma_start3A_72 = arith.constant 0 : i32
    %dma_start3A_73 = tpu.memref_slice %arg8[%dma_start3A_71, %dma_start3A_72] : memref<2x256xi32, #tpu.memory_space<vmem>> -> memref<1x256xi32, #tpu.memory_space<vmem>>
    %dma_start3A_74 = tpu.memref_squeeze %dma_start3A_73 : memref<1x256xi32, #tpu.memory_space<vmem>> -> memref<256xi32, #tpu.memory_space<vmem>>
    %dma_start3A_75 = arith.constant 0 : i32
    %dma_start3A_76 = tpu.memref_slice %arg3[%dma_start3A_70, %add3A_69, %dma_start3A_75] : memref<2x3200x256xi32, #tpu.memory_space<hbm>> -> memref<1x1x256xi32, #tpu.memory_space<hbm>>
    %dma_start3A_77 = tpu.memref_squeeze %dma_start3A_76 : memref<1x1x256xi32, #tpu.memory_space<hbm>> -> memref<256xi32, #tpu.memory_space<hbm>>
    %dma_start3A_78 = arith.constant 0 : i32
    %dma_start3A_79 = tpu.memref_slice %arg8[%dma_start3A_71, %dma_start3A_78] : memref<2x256xi32, #tpu.memory_space<vmem>> -> memref<1x256xi32, #tpu.memory_space<vmem>>
    %dma_start3A_80 = tpu.memref_squeeze %dma_start3A_79 : memref<1x256xi32, #tpu.memory_space<vmem>> -> memref<256xi32, #tpu.memory_space<vmem>>
    %dma_start3A_81 = arith.constant 0 : i32
    %dma_start3A_82 = tpu.memref_slice %arg3[%dma_start3A_70, %add3A_69, %dma_start3A_81] : memref<2x3200x256xi32, #tpu.memory_space<hbm>> -> memref<1x1x256xi32, #tpu.memory_space<hbm>>
    %dma_start3A_83 = tpu.memref_squeeze %dma_start3A_82 : memref<1x1x256xi32, #tpu.memory_space<hbm>> -> memref<256xi32, #tpu.memory_space<hbm>>
    tpu.enqueue_dma source(%dma_start3A_83 : memref<256xi32, #tpu.memory_space<hbm>>) target(%dma_start3A_80 : memref<256xi32, #tpu.memory_space<vmem>>) target_semaphore(%arg15 : memref<!tpu.dma_semaphore, #tpu.memory_space<semaphore_mem>>)
    %dma_start3A_84 = arith.constant 1 : i32
    %dma_start3A_85 = arith.constant 1 : i32
    %dma_start3A_86 = arith.constant 0 : i32
    %dma_start3A_87 = tpu.memref_slice %arg8[%dma_start3A_85, %dma_start3A_86] : memref<2x256xi32, #tpu.memory_space<vmem>> -> memref<1x256xi32, #tpu.memory_space<vmem>>
    %dma_start3A_88 = tpu.memref_squeeze %dma_start3A_87 : memref<1x256xi32, #tpu.memory_space<vmem>> -> memref<256xi32, #tpu.memory_space<vmem>>
    %dma_start3A_89 = arith.constant 0 : i32
    %dma_start3A_90 = tpu.memref_slice %arg3[%dma_start3A_84, %add3A_69, %dma_start3A_89] : memref<2x3200x256xi32, #tpu.memory_space<hbm>> -> memref<1x1x256xi32, #tpu.memory_space<hbm>>
    %dma_start3A_91 = tpu.memref_squeeze %dma_start3A_90 : memref<1x1x256xi32, #tpu.memory_space<hbm>> -> memref<256xi32, #tpu.memory_space<hbm>>
    %dma_start3A_92 = arith.constant 0 : i32
    %dma_start3A_93 = tpu.memref_slice %arg8[%dma_start3A_85, %dma_start3A_92] : memref<2x256xi32, #tpu.memory_space<vmem>> -> memref<1x256xi32, #tpu.memory_space<vmem>>
    %dma_start3A_94 = tpu.memref_squeeze %dma_start3A_93 : memref<1x256xi32, #tpu.memory_space<vmem>> -> memref<256xi32, #tpu.memory_space<vmem>>
    %dma_start3A_95 = arith.constant 0 : i32
    %dma_start3A_96 = tpu.memref_slice %arg3[%dma_start3A_84, %add3A_69, %dma_start3A_95] : memref<2x3200x256xi32, #tpu.memory_space<hbm>> -> memref<1x1x256xi32, #tpu.memory_space<hbm>>
    %dma_start3A_97 = tpu.memref_squeeze %dma_start3A_96 : memref<1x1x256xi32, #tpu.memory_space<hbm>> -> memref<256xi32, #tpu.memory_space<hbm>>
    tpu.enqueue_dma source(%dma_start3A_97 : memref<256xi32, #tpu.memory_space<hbm>>) target(%dma_start3A_94 : memref<256xi32, #tpu.memory_space<vmem>>) target_semaphore(%arg15 : memref<!tpu.dma_semaphore, #tpu.memory_space<semaphore_mem>>)
    %dma_wait3A_98 = arith.constant 0 : i32
    %dma_wait3A_99 = arith.constant 0 : i32
    %dma_wait3A_100 = arith.constant 0 : i32
    %dma_wait3A_101 = tpu.memref_slice %arg8[%dma_wait3A_99, %dma_wait3A_100] : memref<2x256xi32, #tpu.memory_space<vmem>> -> memref<1x256xi32, #tpu.memory_space<vmem>>
    %dma_wait3A_102 = tpu.memref_squeeze %dma_wait3A_101 : memref<1x256xi32, #tpu.memory_space<vmem>> -> memref<256xi32, #tpu.memory_space<vmem>>
    %dma_wait3A_103 = arith.constant 0 : i32
    %dma_wait3A_104 = tpu.memref_slice %arg3[%dma_wait3A_98, %add3A_69, %dma_wait3A_103] : memref<2x3200x256xi32, #tpu.memory_space<hbm>> -> memref<1x1x256xi32, #tpu.memory_space<hbm>>
    %dma_wait3A_105 = tpu.memref_squeeze %dma_wait3A_104 : memref<1x1x256xi32, #tpu.memory_space<hbm>> -> memref<256xi32, #tpu.memory_space<hbm>>
    %dma_wait3A_106 = arith.constant 0 : i32
    %dma_wait3A_107 = tpu.memref_slice %arg8[%dma_wait3A_99, %dma_wait3A_106] : memref<2x256xi32, #tpu.memory_space<vmem>> -> memref<1x256xi32, #tpu.memory_space<vmem>>
    %dma_wait3A_108 = tpu.memref_squeeze %dma_wait3A_107 : memref<1x256xi32, #tpu.memory_space<vmem>> -> memref<256xi32, #tpu.memory_space<vmem>>
    %dma_wait3A_109 = arith.constant 0 : i32
    %dma_wait3A_110 = tpu.memref_slice %arg3[%dma_wait3A_98, %add3A_69, %dma_wait3A_109] : memref<2x3200x256xi32, #tpu.memory_space<hbm>> -> memref<1x1x256xi32, #tpu.memory_space<hbm>>
    %dma_wait3A_111 = tpu.memref_squeeze %dma_wait3A_110 : memref<1x1x256xi32, #tpu.memory_space<hbm>> -> memref<256xi32, #tpu.memory_space<hbm>>
    tpu.wait_dma2 semaphore(%arg15 : memref<!tpu.dma_semaphore, #tpu.memory_space<semaphore_mem>>) src(%dma_wait3A_111 : memref<256xi32, #tpu.memory_space<hbm>>) dst(%dma_wait3A_108 : memref<256xi32, #tpu.memory_space<vmem>>)
    %dma_wait3A_112 = arith.constant 1 : i32
    %dma_wait3A_113 = arith.constant 1 : i32
    %dma_wait3A_114 = arith.constant 0 : i32
    %dma_wait3A_115 = tpu.memref_slice %arg8[%dma_wait3A_113, %dma_wait3A_114] : memref<2x256xi32, #tpu.memory_space<vmem>> -> memref<1x256xi32, #tpu.memory_space<vmem>>
    %dma_wait3A_116 = tpu.memref_squeeze %dma_wait3A_115 : memref<1x256xi32, #tpu.memory_space<vmem>> -> memref<256xi32, #tpu.memory_space<vmem>>
    %dma_wait3A_117 = arith.constant 0 : i32
    %dma_wait3A_118 = tpu.memref_slice %arg3[%dma_wait3A_112, %add3A_69, %dma_wait3A_117] : memref<2x3200x256xi32, #tpu.memory_space<hbm>> -> memref<1x1x256xi32, #tpu.memory_space<hbm>>
    %dma_wait3A_119 = tpu.memref_squeeze %dma_wait3A_118 : memref<1x1x256xi32, #tpu.memory_space<hbm>> -> memref<256xi32, #tpu.memory_space<hbm>>
    %dma_wait3A_120 = arith.constant 0 : i32
    %dma_wait3A_121 = tpu.memref_slice %arg8[%dma_wait3A_113, %dma_wait3A_120] : memref<2x256xi32, #tpu.memory_space<vmem>> -> memref<1x256xi32, #tpu.memory_space<vmem>>
    %dma_wait3A_122 = tpu.memref_squeeze %dma_wait3A_121 : memref<1x256xi32, #tpu.memory_space<vmem>> -> memref<256xi32, #tpu.memory_space<vmem>>
    %dma_wait3A_123 = arith.constant 0 : i32
    %dma_wait3A_124 = tpu.memref_slice %arg3[%dma_wait3A_112, %add3A_69, %dma_wait3A_123] : memref<2x3200x256xi32, #tpu.memory_space<hbm>> -> memref<1x1x256xi32, #tpu.memory_space<hbm>>
    %dma_wait3A_125 = tpu.memref_squeeze %dma_wait3A_124 : memref<1x1x256xi32, #tpu.memory_space<hbm>> -> memref<256xi32, #tpu.memory_space<hbm>>
    tpu.wait_dma2 semaphore(%arg15 : memref<!tpu.dma_semaphore, #tpu.memory_space<semaphore_mem>>) src(%dma_wait3A_125 : memref<256xi32, #tpu.memory_space<hbm>>) dst(%dma_wait3A_122 : memref<256xi32, #tpu.memory_space<vmem>>)
    %dma_start3A_126 = arith.constant 0 : i32
    %dma_start3A_127 = arith.constant 0 : i32
    %dma_start3A_128 = tpu.memref_slice %arg8[%dma_start3A_126, %dma_start3A_127] : memref<2x256xi32, #tpu.memory_space<vmem>> -> memref<1x256xi32, #tpu.memory_space<vmem>>
    %dma_start3A_129 = tpu.memref_squeeze %dma_start3A_128 : memref<1x256xi32, #tpu.memory_space<vmem>> -> memref<256xi32, #tpu.memory_space<vmem>>
    %dma_start3A_130 = arith.constant 0 : i32
    %dma_start3A_131 = arith.constant 0 : i32
    %dma_start3A_132 = tpu.memref_slice %arg2[%arg0, %dma_start3A_130, %dma_start3A_131] : memref<2x51200x32xf32, #tpu.memory_space<hbm>> -> memref<1x51200x32xf32, #tpu.memory_space<hbm>>
    %dma_start3A_133 = tpu.memref_squeeze %dma_start3A_132 : memref<1x51200x32xf32, #tpu.memory_space<hbm>> -> memref<51200x32xf32, #tpu.memory_space<hbm>>
    %dma_start3A_134 = arith.constant 0 : i32
    %dma_start3A_135 = arith.constant 0 : i32
    %dma_start3A_136 = tpu.memref_slice %dma_start3A_133[%dma_start3A_134, %dma_start3A_135] : memref<51200x32xf32, #tpu.memory_space<hbm>> -> memref<51200x32xf32, #tpu.memory_space<hbm>>
    tpu.enqueue_indirect_dma source(%dma_start3A_136 : memref<51200x32xf32, #tpu.memory_space<hbm>>) target(%arg11 : memref<256x32xf32, #tpu.memory_space<vmem>>) offsets(%dma_start3A_129 : memref<256xi32, #tpu.memory_space<vmem>>) semaphore(%arg18 : memref<!tpu.dma_semaphore, #tpu.memory_space<semaphore_mem>>)
    %scan3A = arith.constant 0 : i32
    %scan3A_137 = arith.constant 256 : i32
    %scan3A_138 = arith.addi %scan3A, %scan3A_137 : i32
    %scan3A_139 = arith.constant 1 : i32
    scf.for %scan3A_304 = %scan3A to %scan3A_138 step %scan3A_139  : i32 {
      %mul3A_305 = arith.constant 1 : i32
      %mul3A_306 = arith.muli %scan3A_304, %mul3A_305 : i32
      %add3A_307 = arith.constant 0 : i32
      %add3A_308 = arith.addi %add3A_307, %mul3A_306 : i32
      %swap3A = arith.index_cast %add3A_308 : i32 to index
      %swap3A_309 = arith.constant 0 : index
      %swap3A_310 = tpu.vector_load %arg9[%swap3A, %swap3A_309] {strides = array<i32>} : memref<256x32xf32, #tpu.memory_space<vmem>>, vector<1x16xf32>,
      %swap3A_311 = vector.shape_cast %swap3A_310 : vector<1x16xf32> to vector<16xf32>
      %swap3A_312 = vector.shape_cast %broadcast_in_dim3A_0 : vector<16xf32> to vector<1x16xf32>
      tpu.vector_store %arg9[%swap3A, %swap3A_309], %swap3A_312 {strides = array<i32>} : memref<256x32xf32, #tpu.memory_space<vmem>>, vector<1x16xf32>,
      %swap3A_313 = arith.index_cast %add3A_308 : i32 to index
      %swap3A_314 = arith.constant 16 : index
      %swap3A_315 = tpu.vector_load %arg9[%swap3A_313, %swap3A_314] {strides = array<i32>} : memref<256x32xf32, #tpu.memory_space<vmem>>, vector<1x16xf32>,
      %swap3A_316 = vector.shape_cast %swap3A_315 : vector<1x16xf32> to vector<16xf32>
      %swap3A_317 = vector.shape_cast %broadcast_in_dim3A_0 : vector<16xf32> to vector<1x16xf32>
      tpu.vector_store %arg9[%swap3A_313, %swap3A_314], %swap3A_317 {strides = array<i32>} : memref<256x32xf32, #tpu.memory_space<vmem>>, vector<1x16xf32>,
    }
    %scan3A_140 = arith.constant 256 : i32
    %scan3A_141 = arith.constant 0 : i32
    %scan3A_142 = arith.constant 12 : i32
    %scan3A_143 = arith.addi %scan3A_141, %scan3A_142 : i32
    %scan3A_144 = arith.constant 1 : i32
    scf.for %scan3A_304 = %scan3A_141 to %scan3A_143 step %scan3A_144  : i32 {
      %mul3A_305 = arith.constant 1 : i32
      %mul3A_306 = arith.muli %scan3A_304, %mul3A_305 : i32
      %add3A_307 = arith.constant 0 : i32
      %add3A_308 = arith.addi %add3A_307, %mul3A_306 : i32
      %mul3A_309 = arith.constant 3136 : i32
      %mul3A_310 = arith.muli %arg1, %mul3A_309 : i32
      %mul3A_311 = arith.constant 256 : i32
      %mul3A_312 = arith.muli %add3A_308, %mul3A_311 : i32
      %add3A_313 = arith.addi %mul3A_310, %mul3A_312 : i32
      "tpu.region"() ({
        %run_scoped3A = tpu.sem_alloc : memref<!tpu.dma_semaphore, #tpu.memory_space<semaphore_mem>>
        %dma_start3A_314 = arith.constant 0 : i32
        %dma_start3A_315 = tpu.memref_slice %arg12[%add3A_313, %dma_start3A_314] : memref<50176x32xf32, #tpu.memory_space<vmem_shared>> -> memref<256x32xf32, #tpu.memory_space<vmem_shared>>
        %dma_start3A_316 = arith.constant 0 : i32
        %dma_start3A_317 = tpu.memref_slice %arg12[%add3A_313, %dma_start3A_316] : memref<50176x32xf32, #tpu.memory_space<vmem_shared>> -> memref<256x32xf32, #tpu.memory_space<vmem_shared>>
        tpu.enqueue_dma source(%arg9 : memref<256x32xf32, #tpu.memory_space<vmem>>) target(%dma_start3A_317 : memref<256x32xf32, #tpu.memory_space<vmem_shared>>) target_semaphore(%run_scoped3A : memref<!tpu.dma_semaphore, #tpu.memory_space<semaphore_mem>>)
        %dma_wait3A_318 = arith.constant 0 : i32
        %dma_wait3A_319 = tpu.memref_slice %arg12[%add3A_313, %dma_wait3A_318] : memref<50176x32xf32, #tpu.memory_space<vmem_shared>> -> memref<256x32xf32, #tpu.memory_space<vmem_shared>>
        %dma_wait3A_320 = arith.constant 0 : i32
        %dma_wait3A_321 = tpu.memref_slice %arg12[%add3A_313, %dma_wait3A_320] : memref<50176x32xf32, #tpu.memory_space<vmem_shared>> -> memref<256x32xf32, #tpu.memory_space<vmem_shared>>
        tpu.wait_dma2 semaphore(%run_scoped3A : memref<!tpu.dma_semaphore, #tpu.memory_space<semaphore_mem>>) src(%arg9 : memref<256x32xf32, #tpu.memory_space<vmem>>) dst(%dma_wait3A_321 : memref<256x32xf32, #tpu.memory_space<vmem_shared>>)
        tpu.yield
      }) : () -> ()
    }
    %scan3A_145 = arith.constant 12 : i32
    %mul3A_146 = arith.constant 3136 : i32
    %mul3A_147 = arith.muli %arg1, %mul3A_146 : i32
    %add3A_148 = arith.constant 3072 : i32
    %add3A_149 = arith.addi %mul3A_147, %add3A_148 : i32
    "tpu.region"() ({
      %run_scoped3A = tpu.sem_alloc : memref<!tpu.dma_semaphore, #tpu.memory_space<semaphore_mem>>
      %dma_start3A_304 = arith.constant 0 : i32
      %dma_start3A_305 = arith.constant 0 : i32
      %dma_start3A_306 = tpu.memref_slice %arg9[%dma_start3A_304, %dma_start3A_305] : memref<256x32xf32, #tpu.memory_space<vmem>> -> memref<64x32xf32, #tpu.memory_space<vmem>>
      %dma_start3A_307 = arith.constant 0 : i32
      %dma_start3A_308 = tpu.memref_slice %arg12[%add3A_149, %dma_start3A_307] : memref<50176x32xf32, #tpu.memory_space<vmem_shared>> -> memref<64x32xf32, #tpu.memory_space<vmem_shared>>
      %dma_start3A_309 = arith.constant 0 : i32
      %dma_start3A_310 = tpu.memref_slice %arg12[%add3A_149, %dma_start3A_309] : memref<50176x32xf32, #tpu.memory_space<vmem_shared>> -> memref<64x32xf32, #tpu.memory_space<vmem_shared>>
      %dma_start3A_311 = arith.constant 0 : i32
      %dma_start3A_312 = arith.constant 0 : i32
      %dma_start3A_313 = tpu.memref_slice %arg9[%dma_start3A_311, %dma_start3A_312] : memref<256x32xf32, #tpu.memory_space<vmem>> -> memref<64x32xf32, #tpu.memory_space<vmem>>
      tpu.enqueue_dma source(%dma_start3A_313 : memref<64x32xf32, #tpu.memory_space<vmem>>) target(%dma_start3A_310 : memref<64x32xf32, #tpu.memory_space<vmem_shared>>) target_semaphore(%run_scoped3A : memref<!tpu.dma_semaphore, #tpu.memory_space<semaphore_mem>>)
      %dma_wait3A_314 = arith.constant 0 : i32
      %dma_wait3A_315 = arith.constant 0 : i32
      %dma_wait3A_316 = tpu.memref_slice %arg9[%dma_wait3A_314, %dma_wait3A_315] : memref<256x32xf32, #tpu.memory_space<vmem>> -> memref<64x32xf32, #tpu.memory_space<vmem>>
      %dma_wait3A_317 = arith.constant 0 : i32
      %dma_wait3A_318 = tpu.memref_slice %arg12[%add3A_149, %dma_wait3A_317] : memref<50176x32xf32, #tpu.memory_space<vmem_shared>> -> memref<64x32xf32, #tpu.memory_space<vmem_shared>>
      %dma_wait3A_319 = arith.constant 0 : i32
      %dma_wait3A_320 = tpu.memref_slice %arg12[%add3A_149, %dma_wait3A_319] : memref<50176x32xf32, #tpu.memory_space<vmem_shared>> -> memref<64x32xf32, #tpu.memory_space<vmem_shared>>
      %dma_wait3A_321 = arith.constant 0 : i32
      %dma_wait3A_322 = arith.constant 0 : i32
      %dma_wait3A_323 = tpu.memref_slice %arg9[%dma_wait3A_321, %dma_wait3A_322] : memref<256x32xf32, #tpu.memory_space<vmem>> -> memref<64x32xf32, #tpu.memory_space<vmem>>
      tpu.wait_dma2 semaphore(%run_scoped3A : memref<!tpu.dma_semaphore, #tpu.memory_space<semaphore_mem>>) src(%dma_wait3A_323 : memref<64x32xf32, #tpu.memory_space<vmem>>) dst(%dma_wait3A_320 : memref<64x32xf32, #tpu.memory_space<vmem_shared>>)
      tpu.yield
    }) : () -> ()
    %eq3A = arith.constant 0 : i32
    %eq3A_150 = arith.cmpi eq, %arg0, %eq3A : i32
    %convert_element_type3A = arith.extui %eq3A_150 : i1 to i32
    %cond3A = arith.constant 0 : i32
    %cond3A_151 = arith.cmpi ne, %convert_element_type3A, %cond3A : i32
    scf.if %cond3A_151 {
      %scan3A_304 = arith.constant 0 : i32
      %scan3A_305 = arith.constant 28 : i32
      %scan3A_306 = arith.addi %scan3A_304, %scan3A_305 : i32
      %scan3A_307 = arith.constant 1 : i32
      scf.for %scan3A_321 = %scan3A_304 to %scan3A_306 step %scan3A_307  : i32 {
        %mul3A_322 = arith.constant 1 : i32
        %mul3A_323 = arith.muli %scan3A_321, %mul3A_322 : i32
        %add3A_324 = arith.constant 0 : i32
        %add3A_325 = arith.addi %add3A_324, %mul3A_323 : i32
        %mul3A_326 = arith.constant 16 : i32
        %mul3A_327 = arith.muli %add3A_325, %mul3A_326 : i32
        %swap3A = arith.index_cast %mul3A_327 : i32 to index
        %swap3A_328 = tpu.vector_load %arg22[%swap3A] {strides = array<i32>} : memref<448xf32, #tpu.memory_space<vmem>>, vector<16xf32>,
        %swap3A_329 = vector.shape_cast %swap3A_328 : vector<16xf32> to vector<16xf32>
        %swap3A_330 = vector.shape_cast %broadcast_in_dim3A_0 : vector<16xf32> to vector<16xf32>
        tpu.vector_store %arg22[%swap3A], %swap3A_330 {strides = array<i32>} : memref<448xf32, #tpu.memory_space<vmem>>, vector<16xf32>,
      }
      %scan3A_308 = arith.constant 28 : i32
      %broadcast_in_dim3A_309 = arith.constant 1.000000e+00 : f32
      %broadcast_in_dim3A_310 = vector.broadcast %broadcast_in_dim3A_309 : f32 to vector<16xf32>
      %scan3A_311 = arith.constant 0 : i32
      %scan3A_312 = arith.constant 16 : i32
      %scan3A_313 = arith.addi %scan3A_311, %scan3A_312 : i32
      %scan3A_314 = arith.constant 1 : i32
      scf.for %scan3A_321 = %scan3A_311 to %scan3A_313 step %scan3A_314  : i32 {
        %mul3A_322 = arith.constant 1 : i32
        %mul3A_323 = arith.muli %scan3A_321, %mul3A_322 : i32
        %add3A_324 = arith.constant 0 : i32
        %add3A_325 = arith.addi %add3A_324, %mul3A_323 : i32
        %mul3A_326 = arith.constant 16 : i32
        %mul3A_327 = arith.muli %add3A_325, %mul3A_326 : i32
        %swap3A = arith.index_cast %mul3A_327 : i32 to index
        %swap3A_328 = tpu.vector_load %arg23[%swap3A] {strides = array<i32>} : memref<256xf32, #tpu.memory_space<vmem>>, vector<16xf32>,
        %swap3A_329 = vector.shape_cast %swap3A_328 : vector<16xf32> to vector<16xf32>
        %swap3A_330 = vector.shape_cast %broadcast_in_dim3A_310 : vector<16xf32> to vector<16xf32>
        tpu.vector_store %arg23[%swap3A], %swap3A_330 {strides = array<i32>} : memref<256xf32, #tpu.memory_space<vmem>>, vector<16xf32>,
      }
      %scan3A_315 = arith.constant 16 : i32
      %scan3A_316 = arith.constant 0 : i32
      %scan3A_317 = arith.constant 7 : i32
      %scan3A_318 = arith.addi %scan3A_316, %scan3A_317 : i32
      %scan3A_319 = arith.constant 1 : i32
      scf.for %scan3A_321 = %scan3A_316 to %scan3A_318 step %scan3A_319  : i32 {
        %mul3A_322 = arith.constant 1 : i32
        %mul3A_323 = arith.muli %scan3A_321, %mul3A_322 : i32
        %add3A_324 = arith.constant 0 : i32
        %add3A_325 = arith.addi %add3A_324, %mul3A_323 : i32
        %mul3A_326 = arith.constant 3136 : i32
        %mul3A_327 = arith.muli %arg1, %mul3A_326 : i32
        %mul3A_328 = arith.constant 448 : i32
        %mul3A_329 = arith.muli %add3A_325, %mul3A_328 : i32
        %add3A_330 = arith.addi %mul3A_327, %mul3A_329 : i32
        "tpu.region"() ({
          %run_scoped3A = tpu.sem_alloc : memref<!tpu.dma_semaphore, #tpu.memory_space<semaphore_mem>>
          %dma_start3A_331 = tpu.memref_slice %arg24[%add3A_330] : memref<50176xf32, #tpu.memory_space<vmem_shared>> -> memref<448xf32, #tpu.memory_space<vmem_shared>>
          %dma_start3A_332 = tpu.memref_slice %arg24[%add3A_330] : memref<50176xf32, #tpu.memory_space<vmem_shared>> -> memref<448xf32, #tpu.memory_space<vmem_shared>>
          tpu.enqueue_dma source(%arg22 : memref<448xf32, #tpu.memory_space<vmem>>) target(%dma_start3A_332 : memref<448xf32, #tpu.memory_space<vmem_shared>>) target_semaphore(%run_scoped3A : memref<!tpu.dma_semaphore, #tpu.memory_space<semaphore_mem>>)
          %dma_wait3A_333 = tpu.memref_slice %arg24[%add3A_330] : memref<50176xf32, #tpu.memory_space<vmem_shared>> -> memref<448xf32, #tpu.memory_space<vmem_shared>>
          %dma_wait3A_334 = tpu.memref_slice %arg24[%add3A_330] : memref<50176xf32, #tpu.memory_space<vmem_shared>> -> memref<448xf32, #tpu.memory_space<vmem_shared>>
          tpu.wait_dma2 semaphore(%run_scoped3A : memref<!tpu.dma_semaphore, #tpu.memory_space<semaphore_mem>>) src(%arg22 : memref<448xf32, #tpu.memory_space<vmem>>) dst(%dma_wait3A_334 : memref<448xf32, #tpu.memory_space<vmem_shared>>)
          tpu.yield
        }) : () -> ()
      }
      %scan3A_320 = arith.constant 7 : i32
    } else {
    }
    %dma_start3A_152 = arith.constant 0 : i32
    %dma_start3A_153 = arith.constant 0 : i32
    %dma_start3A_154 = arith.constant 0 : i32
    %dma_start3A_155 = tpu.memref_slice %arg6[%dma_start3A_153, %dma_start3A_154] : memref<2x256xi32, #tpu.memory_space<vmem>> -> memref<1x256xi32, #tpu.memory_space<vmem>>
    %dma_start3A_156 = tpu.memref_squeeze %dma_start3A_155 : memref<1x256xi32, #tpu.memory_space<vmem>> -> memref<256xi32, #tpu.memory_space<vmem>>
    %dma_start3A_157 = arith.constant 0 : i32
    %dma_start3A_158 = tpu.memref_slice %arg3[%dma_start3A_152, %mul3A_1, %dma_start3A_157] : memref<2x3200x256xi32, #tpu.memory_space<hbm>> -> memref<1x1x256xi32, #tpu.memory_space<hbm>>
    %dma_start3A_159 = tpu.memref_squeeze %dma_start3A_158 : memref<1x1x256xi32, #tpu.memory_space<hbm>> -> memref<256xi32, #tpu.memory_space<hbm>>
    %dma_start3A_160 = arith.constant 0 : i32
    %dma_start3A_161 = tpu.memref_slice %arg6[%dma_start3A_153, %dma_start3A_160] : memref<2x256xi32, #tpu.memory_space<vmem>> -> memref<1x256xi32, #tpu.memory_space<vmem>>
    %dma_start3A_162 = tpu.memref_squeeze %dma_start3A_161 : memref<1x256xi32, #tpu.memory_space<vmem>> -> memref<256xi32, #tpu.memory_space<vmem>>
    %dma_start3A_163 = arith.constant 0 : i32
    %dma_start3A_164 = tpu.memref_slice %arg3[%dma_start3A_152, %mul3A_1, %dma_start3A_163] : memref<2x3200x256xi32, #tpu.memory_space<hbm>> -> memref<1x1x256xi32, #tpu.memory_space<hbm>>
    %dma_start3A_165 = tpu.memref_squeeze %dma_start3A_164 : memref<1x1x256xi32, #tpu.memory_space<hbm>> -> memref<256xi32, #tpu.memory_space<hbm>>
    tpu.enqueue_dma source(%dma_start3A_165 : memref<256xi32, #tpu.memory_space<hbm>>) target(%dma_start3A_162 : memref<256xi32, #tpu.memory_space<vmem>>) target_semaphore(%arg13 : memref<!tpu.dma_semaphore, #tpu.memory_space<semaphore_mem>>)
    %dma_start3A_166 = arith.constant 1 : i32
    %dma_start3A_167 = arith.constant 1 : i32
    %dma_start3A_168 = arith.constant 0 : i32
    %dma_start3A_169 = tpu.memref_slice %arg6[%dma_start3A_167, %dma_start3A_168] : memref<2x256xi32, #tpu.memory_space<vmem>> -> memref<1x256xi32, #tpu.memory_space<vmem>>
    %dma_start3A_170 = tpu.memref_squeeze %dma_start3A_169 : memref<1x256xi32, #tpu.memory_space<vmem>> -> memref<256xi32, #tpu.memory_space<vmem>>
    %dma_start3A_171 = arith.constant 0 : i32
    %dma_start3A_172 = tpu.memref_slice %arg3[%dma_start3A_166, %mul3A_1, %dma_start3A_171] : memref<2x3200x256xi32, #tpu.memory_space<hbm>> -> memref<1x1x256xi32, #tpu.memory_space<hbm>>
    %dma_start3A_173 = tpu.memref_squeeze %dma_start3A_172 : memref<1x1x256xi32, #tpu.memory_space<hbm>> -> memref<256xi32, #tpu.memory_space<hbm>>
    %dma_start3A_174 = arith.constant 0 : i32
    %dma_start3A_175 = tpu.memref_slice %arg6[%dma_start3A_167, %dma_start3A_174] : memref<2x256xi32, #tpu.memory_space<vmem>> -> memref<1x256xi32, #tpu.memory_space<vmem>>
    %dma_start3A_176 = tpu.memref_squeeze %dma_start3A_175 : memref<1x256xi32, #tpu.memory_space<vmem>> -> memref<256xi32, #tpu.memory_space<vmem>>
    %dma_start3A_177 = arith.constant 0 : i32
    %dma_start3A_178 = tpu.memref_slice %arg3[%dma_start3A_166, %mul3A_1, %dma_start3A_177] : memref<2x3200x256xi32, #tpu.memory_space<hbm>> -> memref<1x1x256xi32, #tpu.memory_space<hbm>>
    %dma_start3A_179 = tpu.memref_squeeze %dma_start3A_178 : memref<1x1x256xi32, #tpu.memory_space<hbm>> -> memref<256xi32, #tpu.memory_space<hbm>>
    tpu.enqueue_dma source(%dma_start3A_179 : memref<256xi32, #tpu.memory_space<hbm>>) target(%dma_start3A_176 : memref<256xi32, #tpu.memory_space<vmem>>) target_semaphore(%arg13 : memref<!tpu.dma_semaphore, #tpu.memory_space<semaphore_mem>>)
    %dma_wait3A_180 = arith.constant 0 : i32
    %dma_wait3A_181 = arith.constant 0 : i32
    %dma_wait3A_182 = arith.constant 0 : i32
    %dma_wait3A_183 = tpu.memref_slice %arg6[%dma_wait3A_181, %dma_wait3A_182] : memref<2x256xi32, #tpu.memory_space<vmem>> -> memref<1x256xi32, #tpu.memory_space<vmem>>
    %dma_wait3A_184 = tpu.memref_squeeze %dma_wait3A_183 : memref<1x256xi32, #tpu.memory_space<vmem>> -> memref<256xi32, #tpu.memory_space<vmem>>
    %dma_wait3A_185 = arith.constant 0 : i32
    %dma_wait3A_186 = tpu.memref_slice %arg3[%dma_wait3A_180, %mul3A_1, %dma_wait3A_185] : memref<2x3200x256xi32, #tpu.memory_space<hbm>> -> memref<1x1x256xi32, #tpu.memory_space<hbm>>
    %dma_wait3A_187 = tpu.memref_squeeze %dma_wait3A_186 : memref<1x1x256xi32, #tpu.memory_space<hbm>> -> memref<256xi32, #tpu.memory_space<hbm>>
    %dma_wait3A_188 = arith.constant 0 : i32
    %dma_wait3A_189 = tpu.memref_slice %arg6[%dma_wait3A_181, %dma_wait3A_188] : memref<2x256xi32, #tpu.memory_space<vmem>> -> memref<1x256xi32, #tpu.memory_space<vmem>>
    %dma_wait3A_190 = tpu.memref_squeeze %dma_wait3A_189 : memref<1x256xi32, #tpu.memory_space<vmem>> -> memref<256xi32, #tpu.memory_space<vmem>>
    %dma_wait3A_191 = arith.constant 0 : i32
    %dma_wait3A_192 = tpu.memref_slice %arg3[%dma_wait3A_180, %mul3A_1, %dma_wait3A_191] : memref<2x3200x256xi32, #tpu.memory_space<hbm>> -> memref<1x1x256xi32, #tpu.memory_space<hbm>>
    %dma_wait3A_193 = tpu.memref_squeeze %dma_wait3A_192 : memref<1x1x256xi32, #tpu.memory_space<hbm>> -> memref<256xi32, #tpu.memory_space<hbm>>
    tpu.wait_dma2 semaphore(%arg13 : memref<!tpu.dma_semaphore, #tpu.memory_space<semaphore_mem>>) src(%dma_wait3A_193 : memref<256xi32, #tpu.memory_space<hbm>>) dst(%dma_wait3A_190 : memref<256xi32, #tpu.memory_space<vmem>>)
    %dma_wait3A_194 = arith.constant 1 : i32
    %dma_wait3A_195 = arith.constant 1 : i32
    %dma_wait3A_196 = arith.constant 0 : i32
    %dma_wait3A_197 = tpu.memref_slice %arg6[%dma_wait3A_195, %dma_wait3A_196] : memref<2x256xi32, #tpu.memory_space<vmem>> -> memref<1x256xi32, #tpu.memory_space<vmem>>
    %dma_wait3A_198 = tpu.memref_squeeze %dma_wait3A_197 : memref<1x256xi32, #tpu.memory_space<vmem>> -> memref<256xi32, #tpu.memory_space<vmem>>
    %dma_wait3A_199 = arith.constant 0 : i32
    %dma_wait3A_200 = tpu.memref_slice %arg3[%dma_wait3A_194, %mul3A_1, %dma_wait3A_199] : memref<2x3200x256xi32, #tpu.memory_space<hbm>> -> memref<1x1x256xi32, #tpu.memory_space<hbm>>
    %dma_wait3A_201 = tpu.memref_squeeze %dma_wait3A_200 : memref<1x1x256xi32, #tpu.memory_space<hbm>> -> memref<256xi32, #tpu.memory_space<hbm>>
    %dma_wait3A_202 = arith.constant 0 : i32
    %dma_wait3A_203 = tpu.memref_slice %arg6[%dma_wait3A_195, %dma_wait3A_202] : memref<2x256xi32, #tpu.memory_space<vmem>> -> memref<1x256xi32, #tpu.memory_space<vmem>>
    %dma_wait3A_204 = tpu.memref_squeeze %dma_wait3A_203 : memref<1x256xi32, #tpu.memory_space<vmem>> -> memref<256xi32, #tpu.memory_space<vmem>>
    %dma_wait3A_205 = arith.constant 0 : i32
    %dma_wait3A_206 = tpu.memref_slice %arg3[%dma_wait3A_194, %mul3A_1, %dma_wait3A_205] : memref<2x3200x256xi32, #tpu.memory_space<hbm>> -> memref<1x1x256xi32, #tpu.memory_space<hbm>>
    %dma_wait3A_207 = tpu.memref_squeeze %dma_wait3A_206 : memref<1x1x256xi32, #tpu.memory_space<hbm>> -> memref<256xi32, #tpu.memory_space<hbm>>
    tpu.wait_dma2 semaphore(%arg13 : memref<!tpu.dma_semaphore, #tpu.memory_space<semaphore_mem>>) src(%dma_wait3A_207 : memref<256xi32, #tpu.memory_space<hbm>>) dst(%dma_wait3A_204 : memref<256xi32, #tpu.memory_space<vmem>>)
    %dma_start3A_208 = arith.constant 0 : i32
    %dma_start3A_209 = arith.constant 0 : i32
    %dma_start3A_210 = tpu.memref_slice %arg6[%dma_start3A_208, %dma_start3A_209] : memref<2x256xi32, #tpu.memory_space<vmem>> -> memref<1x256xi32, #tpu.memory_space<vmem>>
    %dma_start3A_211 = tpu.memref_squeeze %dma_start3A_210 : memref<1x256xi32, #tpu.memory_space<vmem>> -> memref<256xi32, #tpu.memory_space<vmem>>
    %dma_start3A_212 = arith.constant 0 : i32
    %dma_start3A_213 = arith.constant 0 : i32
    %dma_start3A_214 = tpu.memref_slice %arg2[%arg0, %dma_start3A_212, %dma_start3A_213] : memref<2x51200x32xf32, #tpu.memory_space<hbm>> -> memref<1x51200x32xf32, #tpu.memory_space<hbm>>
    %dma_start3A_215 = tpu.memref_squeeze %dma_start3A_214 : memref<1x51200x32xf32, #tpu.memory_space<hbm>> -> memref<51200x32xf32, #tpu.memory_space<hbm>>
    %dma_start3A_216 = arith.constant 0 : i32
    %dma_start3A_217 = arith.constant 0 : i32
    %dma_start3A_218 = tpu.memref_slice %dma_start3A_215[%dma_start3A_216, %dma_start3A_217] : memref<51200x32xf32, #tpu.memory_space<hbm>> -> memref<51200x32xf32, #tpu.memory_space<hbm>>
    tpu.enqueue_indirect_dma source(%dma_start3A_218 : memref<51200x32xf32, #tpu.memory_space<hbm>>) target(%arg9 : memref<256x32xf32, #tpu.memory_space<vmem>>) offsets(%dma_start3A_211 : memref<256xi32, #tpu.memory_space<vmem>>) semaphore(%arg16 : memref<!tpu.dma_semaphore, #tpu.memory_space<semaphore_mem>>)
    %barrier3A = arith.constant 0 : index
    tpu.barrier barrier_id(%barrier3A)
    %scan3A_219 = arith.constant 0 : i32
    %scan3A_220 = arith.constant 66 : i32
    %scan3A_221 = arith.addi %scan3A_219, %scan3A_220 : i32
    %scan3A_222 = arith.constant 1 : i32
    scf.for %scan3A_304 = %scan3A_219 to %scan3A_221 step %scan3A_222  : i32 {
      %mul3A_305 = arith.constant 1 : i32
      %mul3A_306 = arith.muli %scan3A_304, %mul3A_305 : i32
      %add3A_307 = arith.constant 0 : i32
      %add3A_308 = arith.addi %add3A_307, %mul3A_306 : i32
      %mul3A_309 = arith.constant 3 : i32
      %mul3A_310 = arith.muli %mul3A_309, %add3A_308 : i32
      %add3A_311 = arith.addi %mul3A_1, %mul3A_310 : i32
      %dma_wait3A_312 = arith.constant 0 : i32
      %dma_wait3A_313 = arith.constant 0 : i32
      %dma_wait3A_314 = tpu.memref_slice %arg6[%dma_wait3A_312, %dma_wait3A_313] : memref<2x256xi32, #tpu.memory_space<vmem>> -> memref<1x256xi32, #tpu.memory_space<vmem>>
      %dma_wait3A_315 = tpu.memref_squeeze %dma_wait3A_314 : memref<1x256xi32, #tpu.memory_space<vmem>> -> memref<256xi32, #tpu.memory_space<vmem>>
      %dma_wait3A_316 = arith.constant 0 : i32
      %dma_wait3A_317 = arith.constant 0 : i32
      %dma_wait3A_318 = tpu.memref_slice %arg2[%arg0, %dma_wait3A_316, %dma_wait3A_317] : memref<2x51200x32xf32, #tpu.memory_space<hbm>> -> memref<1x51200x32xf32, #tpu.memory_space<hbm>>
      %dma_wait3A_319 = tpu.memref_squeeze %dma_wait3A_318 : memref<1x51200x32xf32, #tpu.memory_space<hbm>> -> memref<51200x32xf32, #tpu.memory_space<hbm>>
      %dma_wait3A_320 = arith.constant 0 : i32
      %dma_wait3A_321 = arith.constant 0 : i32
      %dma_wait3A_322 = tpu.memref_slice %dma_wait3A_319[%dma_wait3A_320, %dma_wait3A_321] : memref<51200x32xf32, #tpu.memory_space<hbm>> -> memref<51200x32xf32, #tpu.memory_space<hbm>>
      tpu.wait_indirect_dma semaphore(%arg16 : memref<!tpu.dma_semaphore, #tpu.memory_space<semaphore_mem>>) src(%dma_wait3A_322 : memref<51200x32xf32, #tpu.memory_space<hbm>>) dst(%arg9 : memref<256x32xf32, #tpu.memory_space<vmem>>)
      %dma_start3A_323 = arith.constant 1 : i32
      %dma_start3A_324 = arith.constant 0 : i32
      %dma_start3A_325 = tpu.memref_slice %arg6[%dma_start3A_323, %dma_start3A_324] : memref<2x256xi32, #tpu.memory_space<vmem>> -> memref<1x256xi32, #tpu.memory_space<vmem>>
      %dma_start3A_326 = tpu.memref_squeeze %dma_start3A_325 : memref<1x256xi32, #tpu.memory_space<vmem>> -> memref<256xi32, #tpu.memory_space<vmem>>
      %dma_start3A_327 = arith.constant 0 : i32
      %dma_start3A_328 = arith.constant 0 : i32
      %dma_start3A_329 = tpu.memref_slice %arg12[%dma_start3A_327, %dma_start3A_328] : memref<50176x32xf32, #tpu.memory_space<vmem_shared>> -> memref<50176x32xf32, #tpu.memory_space<vmem_shared>>
      tpu.enqueue_indirect_dma source(%arg9 : memref<256x32xf32, #tpu.memory_space<vmem>>) target(%dma_start3A_329 : memref<50176x32xf32, #tpu.memory_space<vmem_shared>>) offsets(%dma_start3A_326 : memref<256xi32, #tpu.memory_space<vmem>>) semaphore(%arg19 : memref<!tpu.dma_semaphore, #tpu.memory_space<semaphore_mem>>) {add = true}
      %eq3A_330 = arith.constant 0 : i32
      %eq3A_331 = arith.cmpi eq, %arg0, %eq3A_330 : i32
      %convert_element_type3A_332 = arith.extui %eq3A_331 : i1 to i32
      %cond3A_333 = arith.constant 0 : i32
      %cond3A_334 = arith.cmpi ne, %convert_element_type3A_332, %cond3A_333 : i32
      scf.if %cond3A_334 {
        %dma_start3A_563 = arith.constant 1 : i32
        %dma_start3A_564 = arith.constant 0 : i32
        %dma_start3A_565 = tpu.memref_slice %arg6[%dma_start3A_563, %dma_start3A_564] : memref<2x256xi32, #tpu.memory_space<vmem>> -> memref<1x256xi32, #tpu.memory_space<vmem>>
        %dma_start3A_566 = tpu.memref_squeeze %dma_start3A_565 : memref<1x256xi32, #tpu.memory_space<vmem>> -> memref<256xi32, #tpu.memory_space<vmem>>
        %dma_start3A_567 = arith.constant 0 : i32
        %dma_start3A_568 = tpu.memref_slice %arg24[%dma_start3A_567] : memref<50176xf32, #tpu.memory_space<vmem_shared>> -> memref<50176xf32, #tpu.memory_space<vmem_shared>>
        tpu.enqueue_indirect_dma source(%arg23 : memref<256xf32, #tpu.memory_space<vmem>>) target(%dma_start3A_568 : memref<50176xf32, #tpu.memory_space<vmem_shared>>) offsets(%dma_start3A_566 : memref<256xi32, #tpu.memory_space<vmem>>) semaphore(%arg19 : memref<!tpu.dma_semaphore, #tpu.memory_space<semaphore_mem>>) {add = true}
      } else {
      }
      %dma_wait3A_335 = arith.constant 0 : i32
      %dma_wait3A_336 = arith.constant 0 : i32
      %dma_wait3A_337 = tpu.memref_slice %arg7[%dma_wait3A_335, %dma_wait3A_336] : memref<2x256xi32, #tpu.memory_space<vmem>> -> memref<1x256xi32, #tpu.memory_space<vmem>>
      %dma_wait3A_338 = tpu.memref_squeeze %dma_wait3A_337 : memref<1x256xi32, #tpu.memory_space<vmem>> -> memref<256xi32, #tpu.memory_space<vmem>>
      %dma_wait3A_339 = arith.constant 0 : i32
      %dma_wait3A_340 = arith.constant 0 : i32
      %dma_wait3A_341 = tpu.memref_slice %arg2[%arg0, %dma_wait3A_339, %dma_wait3A_340] : memref<2x51200x32xf32, #tpu.memory_space<hbm>> -> memref<1x51200x32xf32, #tpu.memory_space<hbm>>
      %dma_wait3A_342 = tpu.memref_squeeze %dma_wait3A_341 : memref<1x51200x32xf32, #tpu.memory_space<hbm>> -> memref<51200x32xf32, #tpu.memory_space<hbm>>
      %dma_wait3A_343 = arith.constant 0 : i32
      %dma_wait3A_344 = arith.constant 0 : i32
      %dma_wait3A_345 = tpu.memref_slice %dma_wait3A_342[%dma_wait3A_343, %dma_wait3A_344] : memref<51200x32xf32, #tpu.memory_space<hbm>> -> memref<51200x32xf32, #tpu.memory_space<hbm>>
      tpu.wait_indirect_dma semaphore(%arg17 : memref<!tpu.dma_semaphore, #tpu.memory_space<semaphore_mem>>) src(%dma_wait3A_345 : memref<51200x32xf32, #tpu.memory_space<hbm>>) dst(%arg10 : memref<256x32xf32, #tpu.memory_space<vmem>>)
      %dma_start3A_346 = arith.constant 1 : i32
      %dma_start3A_347 = arith.constant 0 : i32
      %dma_start3A_348 = tpu.memref_slice %arg7[%dma_start3A_346, %dma_start3A_347] : memref<2x256xi32, #tpu.memory_space<vmem>> -> memref<1x256xi32, #tpu.memory_space<vmem>>
      %dma_start3A_349 = tpu.memref_squeeze %dma_start3A_348 : memref<1x256xi32, #tpu.memory_space<vmem>> -> memref<256xi32, #tpu.memory_space<vmem>>
      %dma_start3A_350 = arith.constant 0 : i32
      %dma_start3A_351 = arith.constant 0 : i32
      %dma_start3A_352 = tpu.memref_slice %arg12[%dma_start3A_350, %dma_start3A_351] : memref<50176x32xf32, #tpu.memory_space<vmem_shared>> -> memref<50176x32xf32, #tpu.memory_space<vmem_shared>>
      tpu.enqueue_indirect_dma source(%arg10 : memref<256x32xf32, #tpu.memory_space<vmem>>) target(%dma_start3A_352 : memref<50176x32xf32, #tpu.memory_space<vmem_shared>>) offsets(%dma_start3A_349 : memref<256xi32, #tpu.memory_space<vmem>>) semaphore(%arg20 : memref<!tpu.dma_semaphore, #tpu.memory_space<semaphore_mem>>) {add = true}
      %eq3A_353 = arith.constant 0 : i32
      %eq3A_354 = arith.cmpi eq, %arg0, %eq3A_353 : i32
      %convert_element_type3A_355 = arith.extui %eq3A_354 : i1 to i32
      %cond3A_356 = arith.constant 0 : i32
      %cond3A_357 = arith.cmpi ne, %convert_element_type3A_355, %cond3A_356 : i32
      scf.if %cond3A_357 {
        %dma_start3A_563 = arith.constant 1 : i32
        %dma_start3A_564 = arith.constant 0 : i32
        %dma_start3A_565 = tpu.memref_slice %arg7[%dma_start3A_563, %dma_start3A_564] : memref<2x256xi32, #tpu.memory_space<vmem>> -> memref<1x256xi32, #tpu.memory_space<vmem>>
        %dma_start3A_566 = tpu.memref_squeeze %dma_start3A_565 : memref<1x256xi32, #tpu.memory_space<vmem>> -> memref<256xi32, #tpu.memory_space<vmem>>
        %dma_start3A_567 = arith.constant 0 : i32
        %dma_start3A_568 = tpu.memref_slice %arg24[%dma_start3A_567] : memref<50176xf32, #tpu.memory_space<vmem_shared>> -> memref<50176xf32, #tpu.memory_space<vmem_shared>>
        tpu.enqueue_indirect_dma source(%arg23 : memref<256xf32, #tpu.memory_space<vmem>>) target(%dma_start3A_568 : memref<50176xf32, #tpu.memory_space<vmem_shared>>) offsets(%dma_start3A_566 : memref<256xi32, #tpu.memory_space<vmem>>) semaphore(%arg20 : memref<!tpu.dma_semaphore, #tpu.memory_space<semaphore_mem>>) {add = true}
      } else {
      }
      %dma_wait3A_358 = arith.constant 0 : i32
      %dma_wait3A_359 = arith.constant 0 : i32
      %dma_wait3A_360 = tpu.memref_slice %arg8[%dma_wait3A_358, %dma_wait3A_359] : memref<2x256xi32, #tpu.memory_space<vmem>> -> memref<1x256xi32, #tpu.memory_space<vmem>>
      %dma_wait3A_361 = tpu.memref_squeeze %dma_wait3A_360 : memref<1x256xi32, #tpu.memory_space<vmem>> -> memref<256xi32, #tpu.memory_space<vmem>>
      %dma_wait3A_362 = arith.constant 0 : i32
      %dma_wait3A_363 = arith.constant 0 : i32
      %dma_wait3A_364 = tpu.memref_slice %arg2[%arg0, %dma_wait3A_362, %dma_wait3A_363] : memref<2x51200x32xf32, #tpu.memory_space<hbm>> -> memref<1x51200x32xf32, #tpu.memory_space<hbm>>
      %dma_wait3A_365 = tpu.memref_squeeze %dma_wait3A_364 : memref<1x51200x32xf32, #tpu.memory_space<hbm>> -> memref<51200x32xf32, #tpu.memory_space<hbm>>
      %dma_wait3A_366 = arith.constant 0 : i32
      %dma_wait3A_367 = arith.constant 0 : i32
      %dma_wait3A_368 = tpu.memref_slice %dma_wait3A_365[%dma_wait3A_366, %dma_wait3A_367] : memref<51200x32xf32, #tpu.memory_space<hbm>> -> memref<51200x32xf32, #tpu.memory_space<hbm>>
      tpu.wait_indirect_dma semaphore(%arg18 : memref<!tpu.dma_semaphore, #tpu.memory_space<semaphore_mem>>) src(%dma_wait3A_368 : memref<51200x32xf32, #tpu.memory_space<hbm>>) dst(%arg11 : memref<256x32xf32, #tpu.memory_space<vmem>>)
      %dma_start3A_369 = arith.constant 1 : i32
      %dma_start3A_370 = arith.constant 0 : i32
      %dma_start3A_371 = tpu.memref_slice %arg8[%dma_start3A_369, %dma_start3A_370] : memref<2x256xi32, #tpu.memory_space<vmem>> -> memref<1x256xi32, #tpu.memory_space<vmem>>
      %dma_start3A_372 = tpu.memref_squeeze %dma_start3A_371 : memref<1x256xi32, #tpu.memory_space<vmem>> -> memref<256xi32, #tpu.memory_space<vmem>>
      %dma_start3A_373 = arith.constant 0 : i32
      %dma_start3A_374 = arith.constant 0 : i32
      %dma_start3A_375 = tpu.memref_slice %arg12[%dma_start3A_373, %dma_start3A_374] : memref<50176x32xf32, #tpu.memory_space<vmem_shared>> -> memref<50176x32xf32, #tpu.memory_space<vmem_shared>>
      tpu.enqueue_indirect_dma source(%arg11 : memref<256x32xf32, #tpu.memory_space<vmem>>) target(%dma_start3A_375 : memref<50176x32xf32, #tpu.memory_space<vmem_shared>>) offsets(%dma_start3A_372 : memref<256xi32, #tpu.memory_space<vmem>>) semaphore(%arg21 : memref<!tpu.dma_semaphore, #tpu.memory_space<semaphore_mem>>) {add = true}
      %eq3A_376 = arith.constant 0 : i32
      %eq3A_377 = arith.cmpi eq, %arg0, %eq3A_376 : i32
      %convert_element_type3A_378 = arith.extui %eq3A_377 : i1 to i32
      %cond3A_379 = arith.constant 0 : i32
      %cond3A_380 = arith.cmpi ne, %convert_element_type3A_378, %cond3A_379 : i32
      scf.if %cond3A_380 {
        %dma_start3A_563 = arith.constant 1 : i32
        %dma_start3A_564 = arith.constant 0 : i32
        %dma_start3A_565 = tpu.memref_slice %arg8[%dma_start3A_563, %dma_start3A_564] : memref<2x256xi32, #tpu.memory_space<vmem>> -> memref<1x256xi32, #tpu.memory_space<vmem>>
        %dma_start3A_566 = tpu.memref_squeeze %dma_start3A_565 : memref<1x256xi32, #tpu.memory_space<vmem>> -> memref<256xi32, #tpu.memory_space<vmem>>
        %dma_start3A_567 = arith.constant 0 : i32
        %dma_start3A_568 = tpu.memref_slice %arg24[%dma_start3A_567] : memref<50176xf32, #tpu.memory_space<vmem_shared>> -> memref<50176xf32, #tpu.memory_space<vmem_shared>>
        tpu.enqueue_indirect_dma source(%arg23 : memref<256xf32, #tpu.memory_space<vmem>>) target(%dma_start3A_568 : memref<50176xf32, #tpu.memory_space<vmem_shared>>) offsets(%dma_start3A_566 : memref<256xi32, #tpu.memory_space<vmem>>) semaphore(%arg21 : memref<!tpu.dma_semaphore, #tpu.memory_space<semaphore_mem>>) {add = true}
      } else {
      }
      %dma_wait3A_381 = arith.constant 1 : i32
      %dma_wait3A_382 = arith.constant 0 : i32
      %dma_wait3A_383 = tpu.memref_slice %arg6[%dma_wait3A_381, %dma_wait3A_382] : memref<2x256xi32, #tpu.memory_space<vmem>> -> memref<1x256xi32, #tpu.memory_space<vmem>>
      %dma_wait3A_384 = tpu.memref_squeeze %dma_wait3A_383 : memref<1x256xi32, #tpu.memory_space<vmem>> -> memref<256xi32, #tpu.memory_space<vmem>>
      %dma_wait3A_385 = arith.constant 0 : i32
      %dma_wait3A_386 = arith.constant 0 : i32
      %dma_wait3A_387 = tpu.memref_slice %arg12[%dma_wait3A_385, %dma_wait3A_386] : memref<50176x32xf32, #tpu.memory_space<vmem_shared>> -> memref<50176x32xf32, #tpu.memory_space<vmem_shared>>
      tpu.wait_indirect_dma semaphore(%arg19 : memref<!tpu.dma_semaphore, #tpu.memory_space<semaphore_mem>>) src(%arg9 : memref<256x32xf32, #tpu.memory_space<vmem>>) dst(%dma_wait3A_387 : memref<50176x32xf32, #tpu.memory_space<vmem_shared>>)
      %eq3A_388 = arith.constant 0 : i32
      %eq3A_389 = arith.cmpi eq, %arg0, %eq3A_388 : i32
      %convert_element_type3A_390 = arith.extui %eq3A_389 : i1 to i32
      %cond3A_391 = arith.constant 0 : i32
      %cond3A_392 = arith.cmpi ne, %convert_element_type3A_390, %cond3A_391 : i32
      scf.if %cond3A_392 {
        %dma_wait3A_563 = arith.constant 1 : i32
        %dma_wait3A_564 = arith.constant 0 : i32
        %dma_wait3A_565 = tpu.memref_slice %arg6[%dma_wait3A_563, %dma_wait3A_564] : memref<2x256xi32, #tpu.memory_space<vmem>> -> memref<1x256xi32, #tpu.memory_space<vmem>>
        %dma_wait3A_566 = tpu.memref_squeeze %dma_wait3A_565 : memref<1x256xi32, #tpu.memory_space<vmem>> -> memref<256xi32, #tpu.memory_space<vmem>>
        %dma_wait3A_567 = arith.constant 0 : i32
        %dma_wait3A_568 = tpu.memref_slice %arg24[%dma_wait3A_567] : memref<50176xf32, #tpu.memory_space<vmem_shared>> -> memref<50176xf32, #tpu.memory_space<vmem_shared>>
        tpu.wait_indirect_dma semaphore(%arg19 : memref<!tpu.dma_semaphore, #tpu.memory_space<semaphore_mem>>) src(%arg23 : memref<256xf32, #tpu.memory_space<vmem>>) dst(%dma_wait3A_568 : memref<50176xf32, #tpu.memory_space<vmem_shared>>)
      } else {
      }
      %add3A_393 = arith.constant 0 : i32
      %add3A_394 = arith.addi %add3A_311, %add3A_393 : i32
      %add3A_395 = arith.constant 3 : i32
      %add3A_396 = arith.addi %add3A_394, %add3A_395 : i32
      %dma_start3A_397 = arith.constant 0 : i32
      %dma_start3A_398 = arith.constant 0 : i32
      %dma_start3A_399 = arith.constant 0 : i32
      %dma_start3A_400 = tpu.memref_slice %arg6[%dma_start3A_398, %dma_start3A_399] : memref<2x256xi32, #tpu.memory_space<vmem>> -> memref<1x256xi32, #tpu.memory_space<vmem>>
      %dma_start3A_401 = tpu.memref_squeeze %dma_start3A_400 : memref<1x256xi32, #tpu.memory_space<vmem>> -> memref<256xi32, #tpu.memory_space<vmem>>
      %dma_start3A_402 = arith.constant 0 : i32
      %dma_start3A_403 = tpu.memref_slice %arg3[%dma_start3A_397, %add3A_396, %dma_start3A_402] : memref<2x3200x256xi32, #tpu.memory_space<hbm>> -> memref<1x1x256xi32, #tpu.memory_space<hbm>>
      %dma_start3A_404 = tpu.memref_squeeze %dma_start3A_403 : memref<1x1x256xi32, #tpu.memory_space<hbm>> -> memref<256xi32, #tpu.memory_space<hbm>>
      %dma_start3A_405 = arith.constant 0 : i32
      %dma_start3A_406 = tpu.memref_slice %arg6[%dma_start3A_398, %dma_start3A_405] : memref<2x256xi32, #tpu.memory_space<vmem>> -> memref<1x256xi32, #tpu.memory_space<vmem>>
      %dma_start3A_407 = tpu.memref_squeeze %dma_start3A_406 : memref<1x256xi32, #tpu.memory_space<vmem>> -> memref<256xi32, #tpu.memory_space<vmem>>
      %dma_start3A_408 = arith.constant 0 : i32
      %dma_start3A_409 = tpu.memref_slice %arg3[%dma_start3A_397, %add3A_396, %dma_start3A_408] : memref<2x3200x256xi32, #tpu.memory_space<hbm>> -> memref<1x1x256xi32, #tpu.memory_space<hbm>>
      %dma_start3A_410 = tpu.memref_squeeze %dma_start3A_409 : memref<1x1x256xi32, #tpu.memory_space<hbm>> -> memref<256xi32, #tpu.memory_space<hbm>>
      tpu.enqueue_dma source(%dma_start3A_410 : memref<256xi32, #tpu.memory_space<hbm>>) target(%dma_start3A_407 : memref<256xi32, #tpu.memory_space<vmem>>) target_semaphore(%arg13 : memref<!tpu.dma_semaphore, #tpu.memory_space<semaphore_mem>>)
      %dma_start3A_411 = arith.constant 1 : i32
      %dma_start3A_412 = arith.constant 1 : i32
      %dma_start3A_413 = arith.constant 0 : i32
      %dma_start3A_414 = tpu.memref_slice %arg6[%dma_start3A_412, %dma_start3A_413] : memref<2x256xi32, #tpu.memory_space<vmem>> -> memref<1x256xi32, #tpu.memory_space<vmem>>
      %dma_start3A_415 = tpu.memref_squeeze %dma_start3A_414 : memref<1x256xi32, #tpu.memory_space<vmem>> -> memref<256xi32, #tpu.memory_space<vmem>>
      %dma_start3A_416 = arith.constant 0 : i32
      %dma_start3A_417 = tpu.memref_slice %arg3[%dma_start3A_411, %add3A_396, %dma_start3A_416] : memref<2x3200x256xi32, #tpu.memory_space<hbm>> -> memref<1x1x256xi32, #tpu.memory_space<hbm>>
      %dma_start3A_418 = tpu.memref_squeeze %dma_start3A_417 : memref<1x1x256xi32, #tpu.memory_space<hbm>> -> memref<256xi32, #tpu.memory_space<hbm>>
      %dma_start3A_419 = arith.constant 0 : i32
      %dma_start3A_420 = tpu.memref_slice %arg6[%dma_start3A_412, %dma_start3A_419] : memref<2x256xi32, #tpu.memory_space<vmem>> -> memref<1x256xi32, #tpu.memory_space<vmem>>
      %dma_start3A_421 = tpu.memref_squeeze %dma_start3A_420 : memref<1x256xi32, #tpu.memory_space<vmem>> -> memref<256xi32, #tpu.memory_space<vmem>>
      %dma_start3A_422 = arith.constant 0 : i32
      %dma_start3A_423 = tpu.memref_slice %arg3[%dma_start3A_411, %add3A_396, %dma_start3A_422] : memref<2x3200x256xi32, #tpu.memory_space<hbm>> -> memref<1x1x256xi32, #tpu.memory_space<hbm>>
      %dma_start3A_424 = tpu.memref_squeeze %dma_start3A_423 : memref<1x1x256xi32, #tpu.memory_space<hbm>> -> memref<256xi32, #tpu.memory_space<hbm>>
      tpu.enqueue_dma source(%dma_start3A_424 : memref<256xi32, #tpu.memory_space<hbm>>) target(%dma_start3A_421 : memref<256xi32, #tpu.memory_space<vmem>>) target_semaphore(%arg13 : memref<!tpu.dma_semaphore, #tpu.memory_space<semaphore_mem>>)
      %dma_wait3A_425 = arith.constant 0 : i32
      %dma_wait3A_426 = arith.constant 0 : i32
      %dma_wait3A_427 = arith.constant 0 : i32
      %dma_wait3A_428 = tpu.memref_slice %arg6[%dma_wait3A_426, %dma_wait3A_427] : memref<2x256xi32, #tpu.memory_space<vmem>> -> memref<1x256xi32, #tpu.memory_space<vmem>>
      %dma_wait3A_429 = tpu.memref_squeeze %dma_wait3A_428 : memref<1x256xi32, #tpu.memory_space<vmem>> -> memref<256xi32, #tpu.memory_space<vmem>>
      %dma_wait3A_430 = arith.constant 0 : i32
      %dma_wait3A_431 = tpu.memref_slice %arg3[%dma_wait3A_425, %add3A_396, %dma_wait3A_430] : memref<2x3200x256xi32, #tpu.memory_space<hbm>> -> memref<1x1x256xi32, #tpu.memory_space<hbm>>
      %dma_wait3A_432 = tpu.memref_squeeze %dma_wait3A_431 : memref<1x1x256xi32, #tpu.memory_space<hbm>> -> memref<256xi32, #tpu.memory_space<hbm>>
      %dma_wait3A_433 = arith.constant 0 : i32
      %dma_wait3A_434 = tpu.memref_slice %arg6[%dma_wait3A_426, %dma_wait3A_433] : memref<2x256xi32, #tpu.memory_space<vmem>> -> memref<1x256xi32, #tpu.memory_space<vmem>>
      %dma_wait3A_435 = tpu.memref_squeeze %dma_wait3A_434 : memref<1x256xi32, #tpu.memory_space<vmem>> -> memref<256xi32, #tpu.memory_space<vmem>>
      %dma_wait3A_436 = arith.constant 0 : i32
      %dma_wait3A_437 = tpu.memref_slice %arg3[%dma_wait3A_425, %add3A_396, %dma_wait3A_436] : memref<2x3200x256xi32, #tpu.memory_space<hbm>> -> memref<1x1x256xi32, #tpu.memory_space<hbm>>
      %dma_wait3A_438 = tpu.memref_squeeze %dma_wait3A_437 : memref<1x1x256xi32, #tpu.memory_space<hbm>> -> memref<256xi32, #tpu.memory_space<hbm>>
      tpu.wait_dma2 semaphore(%arg13 : memref<!tpu.dma_semaphore, #tpu.memory_space<semaphore_mem>>) src(%dma_wait3A_438 : memref<256xi32, #tpu.memory_space<hbm>>) dst(%dma_wait3A_435 : memref<256xi32, #tpu.memory_space<vmem>>)
      %dma_wait3A_439 = arith.constant 1 : i32
      %dma_wait3A_440 = arith.constant 1 : i32
      %dma_wait3A_441 = arith.constant 0 : i32
      %dma_wait3A_442 = tpu.memref_slice %arg6[%dma_wait3A_440, %dma_wait3A_441] : memref<2x256xi32, #tpu.memory_space<vmem>> -> memref<1x256xi32, #tpu.memory_space<vmem>>
      %dma_wait3A_443 = tpu.memref_squeeze %dma_wait3A_442 : memref<1x256xi32, #tpu.memory_space<vmem>> -> memref<256xi32, #tpu.memory_space<vmem>>
      %dma_wait3A_444 = arith.constant 0 : i32
      %dma_wait3A_445 = tpu.memref_slice %arg3[%dma_wait3A_439, %add3A_396, %dma_wait3A_444] : memref<2x3200x256xi32, #tpu.memory_space<hbm>> -> memref<1x1x256xi32, #tpu.memory_space<hbm>>
      %dma_wait3A_446 = tpu.memref_squeeze %dma_wait3A_445 : memref<1x1x256xi32, #tpu.memory_space<hbm>> -> memref<256xi32, #tpu.memory_space<hbm>>
      %dma_wait3A_447 = arith.constant 0 : i32
      %dma_wait3A_448 = tpu.memref_slice %arg6[%dma_wait3A_440, %dma_wait3A_447] : memref<2x256xi32, #tpu.memory_space<vmem>> -> memref<1x256xi32, #tpu.memory_space<vmem>>
      %dma_wait3A_449 = tpu.memref_squeeze %dma_wait3A_448 : memref<1x256xi32, #tpu.memory_space<vmem>> -> memref<256xi32, #tpu.memory_space<vmem>>
      %dma_wait3A_450 = arith.constant 0 : i32
      %dma_wait3A_451 = tpu.memref_slice %arg3[%dma_wait3A_439, %add3A_396, %dma_wait3A_450] : memref<2x3200x256xi32, #tpu.memory_space<hbm>> -> memref<1x1x256xi32, #tpu.memory_space<hbm>>
      %dma_wait3A_452 = tpu.memref_squeeze %dma_wait3A_451 : memref<1x1x256xi32, #tpu.memory_space<hbm>> -> memref<256xi32, #tpu.memory_space<hbm>>
      tpu.wait_dma2 semaphore(%arg13 : memref<!tpu.dma_semaphore, #tpu.memory_space<semaphore_mem>>) src(%dma_wait3A_452 : memref<256xi32, #tpu.memory_space<hbm>>) dst(%dma_wait3A_449 : memref<256xi32, #tpu.memory_space<vmem>>)
      %dma_start3A_453 = arith.constant 0 : i32
      %dma_start3A_454 = arith.constant 0 : i32
      %dma_start3A_455 = tpu.memref_slice %arg6[%dma_start3A_453, %dma_start3A_454] : memref<2x256xi32, #tpu.memory_space<vmem>> -> memref<1x256xi32, #tpu.memory_space<vmem>>
      %dma_start3A_456 = tpu.memref_squeeze %dma_start3A_455 : memref<1x256xi32, #tpu.memory_space<vmem>> -> memref<256xi32, #tpu.memory_space<vmem>>
      %dma_start3A_457 = arith.constant 0 : i32
      %dma_start3A_458 = arith.constant 0 : i32
      %dma_start3A_459 = tpu.memref_slice %arg2[%arg0, %dma_start3A_457, %dma_start3A_458] : memref<2x51200x32xf32, #tpu.memory_space<hbm>> -> memref<1x51200x32xf32, #tpu.memory_space<hbm>>
      %dma_start3A_460 = tpu.memref_squeeze %dma_start3A_459 : memref<1x51200x32xf32, #tpu.memory_space<hbm>> -> memref<51200x32xf32, #tpu.memory_space<hbm>>
      %dma_start3A_461 = arith.constant 0 : i32
      %dma_start3A_462 = arith.constant 0 : i32
      %dma_start3A_463 = tpu.memref_slice %dma_start3A_460[%dma_start3A_461, %dma_start3A_462] : memref<51200x32xf32, #tpu.memory_space<hbm>> -> memref<51200x32xf32, #tpu.memory_space<hbm>>
      tpu.enqueue_indirect_dma source(%dma_start3A_463 : memref<51200x32xf32, #tpu.memory_space<hbm>>) target(%arg9 : memref<256x32xf32, #tpu.memory_space<vmem>>) offsets(%dma_start3A_456 : memref<256xi32, #tpu.memory_space<vmem>>) semaphore(%arg16 : memref<!tpu.dma_semaphore, #tpu.memory_space<semaphore_mem>>)
      %dma_wait3A_464 = arith.constant 1 : i32
      %dma_wait3A_465 = arith.constant 0 : i32
      %dma_wait3A_466 = tpu.memref_slice %arg7[%dma_wait3A_464, %dma_wait3A_465] : memref<2x256xi32, #tpu.memory_space<vmem>> -> memref<1x256xi32, #tpu.memory_space<vmem>>
      %dma_wait3A_467 = tpu.memref_squeeze %dma_wait3A_466 : memref<1x256xi32, #tpu.memory_space<vmem>> -> memref<256xi32, #tpu.memory_space<vmem>>
      %dma_wait3A_468 = arith.constant 0 : i32
      %dma_wait3A_469 = arith.constant 0 : i32
      %dma_wait3A_470 = tpu.memref_slice %arg12[%dma_wait3A_468, %dma_wait3A_469] : memref<50176x32xf32, #tpu.memory_space<vmem_shared>> -> memref<50176x32xf32, #tpu.memory_space<vmem_shared>>
      tpu.wait_indirect_dma semaphore(%arg20 : memref<!tpu.dma_semaphore, #tpu.memory_space<semaphore_mem>>) src(%arg10 : memref<256x32xf32, #tpu.memory_space<vmem>>) dst(%dma_wait3A_470 : memref<50176x32xf32, #tpu.memory_space<vmem_shared>>)
      %eq3A_471 = arith.constant 0 : i32
      %eq3A_472 = arith.cmpi eq, %arg0, %eq3A_471 : i32
      %convert_element_type3A_473 = arith.extui %eq3A_472 : i1 to i32
      %cond3A_474 = arith.constant 0 : i32
      %cond3A_475 = arith.cmpi ne, %convert_element_type3A_473, %cond3A_474 : i32
      scf.if %cond3A_475 {
        %dma_wait3A_563 = arith.constant 1 : i32
        %dma_wait3A_564 = arith.constant 0 : i32
        %dma_wait3A_565 = tpu.memref_slice %arg7[%dma_wait3A_563, %dma_wait3A_564] : memref<2x256xi32, #tpu.memory_space<vmem>> -> memref<1x256xi32, #tpu.memory_space<vmem>>
        %dma_wait3A_566 = tpu.memref_squeeze %dma_wait3A_565 : memref<1x256xi32, #tpu.memory_space<vmem>> -> memref<256xi32, #tpu.memory_space<vmem>>
        %dma_wait3A_567 = arith.constant 0 : i32
        %dma_wait3A_568 = tpu.memref_slice %arg24[%dma_wait3A_567] : memref<50176xf32, #tpu.memory_space<vmem_shared>> -> memref<50176xf32, #tpu.memory_space<vmem_shared>>
        tpu.wait_indirect_dma semaphore(%arg20 : memref<!tpu.dma_semaphore, #tpu.memory_space<semaphore_mem>>) src(%arg23 : memref<256xf32, #tpu.memory_space<vmem>>) dst(%dma_wait3A_568 : memref<50176xf32, #tpu.memory_space<vmem_shared>>)
      } else {
      }
      %add3A_476 = arith.constant 1 : i32
      %add3A_477 = arith.addi %add3A_311, %add3A_476 : i32
      %add3A_478 = arith.constant 3 : i32
      %add3A_479 = arith.addi %add3A_477, %add3A_478 : i32
      %dma_start3A_480 = arith.constant 0 : i32
      %dma_start3A_481 = arith.constant 0 : i32
      %dma_start3A_482 = arith.constant 0 : i32
      %dma_start3A_483 = tpu.memref_slice %arg7[%dma_start3A_481, %dma_start3A_482] : memref<2x256xi32, #tpu.memory_space<vmem>> -> memref<1x256xi32, #tpu.memory_space<vmem>>
      %dma_start3A_484 = tpu.memref_squeeze %dma_start3A_483 : memref<1x256xi32, #tpu.memory_space<vmem>> -> memref<256xi32, #tpu.memory_space<vmem>>
      %dma_start3A_485 = arith.constant 0 : i32
      %dma_start3A_486 = tpu.memref_slice %arg3[%dma_start3A_480, %add3A_479, %dma_start3A_485] : memref<2x3200x256xi32, #tpu.memory_space<hbm>> -> memref<1x1x256xi32, #tpu.memory_space<hbm>>
      %dma_start3A_487 = tpu.memref_squeeze %dma_start3A_486 : memref<1x1x256xi32, #tpu.memory_space<hbm>> -> memref<256xi32, #tpu.memory_space<hbm>>
      %dma_start3A_488 = arith.constant 0 : i32
      %dma_start3A_489 = tpu.memref_slice %arg7[%dma_start3A_481, %dma_start3A_488] : memref<2x256xi32, #tpu.memory_space<vmem>> -> memref<1x256xi32, #tpu.memory_space<vmem>>
      %dma_start3A_490 = tpu.memref_squeeze %dma_start3A_489 : memref<1x256xi32, #tpu.memory_space<vmem>> -> memref<256xi32, #tpu.memory_space<vmem>>
      %dma_start3A_491 = arith.constant 0 : i32
      %dma_start3A_492 = tpu.memref_slice %arg3[%dma_start3A_480, %add3A_479, %dma_start3A_491] : memref<2x3200x256xi32, #tpu.memory_space<hbm>> -> memref<1x1x256xi32, #tpu.memory_space<hbm>>
      %dma_start3A_493 = tpu.memref_squeeze %dma_start3A_492 : memref<1x1x256xi32, #tpu.memory_space<hbm>> -> memref<256xi32, #tpu.memory_space<hbm>>
      tpu.enqueue_dma source(%dma_start3A_493 : memref<256xi32, #tpu.memory_space<hbm>>) target(%dma_start3A_490 : memref<256xi32, #tpu.memory_space<vmem>>) target_semaphore(%arg14 : memref<!tpu.dma_semaphore, #tpu.memory_space<semaphore_mem>>)
      %dma_start3A_494 = arith.constant 1 : i32
      %dma_start3A_495 = arith.constant 1 : i32
      %dma_start3A_496 = arith.constant 0 : i32
      %dma_start3A_497 = tpu.memref_slice %arg7[%dma_start3A_495, %dma_start3A_496] : memref<2x256xi32, #tpu.memory_space<vmem>> -> memref<1x256xi32, #tpu.memory_space<vmem>>
      %dma_start3A_498 = tpu.memref_squeeze %dma_start3A_497 : memref<1x256xi32, #tpu.memory_space<vmem>> -> memref<256xi32, #tpu.memory_space<vmem>>
      %dma_start3A_499 = arith.constant 0 : i32
      %dma_start3A_500 = tpu.memref_slice %arg3[%dma_start3A_494, %add3A_479, %dma_start3A_499] : memref<2x3200x256xi32, #tpu.memory_space<hbm>> -> memref<1x1x256xi32, #tpu.memory_space<hbm>>
      %dma_start3A_501 = tpu.memref_squeeze %dma_start3A_500 : memref<1x1x256xi32, #tpu.memory_space<hbm>> -> memref<256xi32, #tpu.memory_space<hbm>>
      %dma_start3A_502 = arith.constant 0 : i32
      %dma_start3A_503 = tpu.memref_slice %arg7[%dma_start3A_495, %dma_start3A_502] : memref<2x256xi32, #tpu.memory_space<vmem>> -> memref<1x256xi32, #tpu.memory_space<vmem>>
      %dma_start3A_504 = tpu.memref_squeeze %dma_start3A_503 : memref<1x256xi32, #tpu.memory_space<vmem>> -> memref<256xi32, #tpu.memory_space<vmem>>
      %dma_start3A_505 = arith.constant 0 : i32
      %dma_start3A_506 = tpu.memref_slice %arg3[%dma_start3A_494, %add3A_479, %dma_start3A_505] : memref<2x3200x256xi32, #tpu.memory_space<hbm>> -> memref<1x1x256xi32, #tpu.memory_space<hbm>>
      %dma_start3A_507 = tpu.memref_squeeze %dma_start3A_506 : memref<1x1x256xi32, #tpu.memory_space<hbm>> -> memref<256xi32, #tpu.memory_space<hbm>>
      tpu.enqueue_dma source(%dma_start3A_507 : memref<256xi32, #tpu.memory_space<hbm>>) target(%dma_start3A_504 : memref<256xi32, #tpu.memory_space<vmem>>) target_semaphore(%arg14 : memref<!tpu.dma_semaphore, #tpu.memory_space<semaphore_mem>>)
      %dma_wait3A_508 = arith.constant 0 : i32
      %dma_wait3A_509 = arith.constant 0 : i32
      %dma_wait3A_510 = arith.constant 0 : i32
      %dma_wait3A_511 = tpu.memref_slice %arg7[%dma_wait3A_509, %dma_wait3A_510] : memref<2x256xi32, #tpu.memory_space<vmem>> -> memref<1x256xi32, #tpu.memory_space<vmem>>
      %dma_wait3A_512 = tpu.memref_squeeze %dma_wait3A_511 : memref<1x256xi32, #tpu.memory_space<vmem>> -> memref<256xi32, #tpu.memory_space<vmem>>
      %dma_wait3A_513 = arith.constant 0 : i32
      %dma_wait3A_514 = tpu.memref_slice %arg3[%dma_wait3A_508, %add3A_479, %dma_wait3A_513] : memref<2x3200x256xi32, #tpu.memory_space<hbm>> -> memref<1x1x256xi32, #tpu.memory_space<hbm>>
      %dma_wait3A_515 = tpu.memref_squeeze %dma_wait3A_514 : memref<1x1x256xi32, #tpu.memory_space<hbm>> -> memref<256xi32, #tpu.memory_space<hbm>>
      %dma_wait3A_516 = arith.constant 0 : i32
      %dma_wait3A_517 = tpu.memref_slice %arg7[%dma_wait3A_509, %dma_wait3A_516] : memref<2x256xi32, #tpu.memory_space<vmem>> -> memref<1x256xi32, #tpu.memory_space<vmem>>
      %dma_wait3A_518 = tpu.memref_squeeze %dma_wait3A_517 : memref<1x256xi32, #tpu.memory_space<vmem>> -> memref<256xi32, #tpu.memory_space<vmem>>
      %dma_wait3A_519 = arith.constant 0 : i32
      %dma_wait3A_520 = tpu.memref_slice %arg3[%dma_wait3A_508, %add3A_479, %dma_wait3A_519] : memref<2x3200x256xi32, #tpu.memory_space<hbm>> -> memref<1x1x256xi32, #tpu.memory_space<hbm>>
      %dma_wait3A_521 = tpu.memref_squeeze %dma_wait3A_520 : memref<1x1x256xi32, #tpu.memory_space<hbm>> -> memref<256xi32, #tpu.memory_space<hbm>>
      tpu.wait_dma2 semaphore(%arg14 : memref<!tpu.dma_semaphore, #tpu.memory_space<semaphore_mem>>) src(%dma_wait3A_521 : memref<256xi32, #tpu.memory_space<hbm>>) dst(%dma_wait3A_518 : memref<256xi32, #tpu.memory_space<vmem>>)
      %dma_wait3A_522 = arith.constant 1 : i32
      %dma_wait3A_523 = arith.constant 1 : i32
      %dma_wait3A_524 = arith.constant 0 : i32
      %dma_wait3A_525 = tpu.memref_slice %arg7[%dma_wait3A_523, %dma_wait3A_524] : memref<2x256xi32, #tpu.memory_space<vmem>> -> memref<1x256xi32, #tpu.memory_space<vmem>>
      %dma_wait3A_526 = tpu.memref_squeeze %dma_wait3A_525 : memref<1x256xi32, #tpu.memory_space<vmem>> -> memref<256xi32, #tpu.memory_space<vmem>>
      %dma_wait3A_527 = arith.constant 0 : i32
      %dma_wait3A_528 = tpu.memref_slice %arg3[%dma_wait3A_522, %add3A_479, %dma_wait3A_527] : memref<2x3200x256xi32, #tpu.memory_space<hbm>> -> memref<1x1x256xi32, #tpu.memory_space<hbm>>
      %dma_wait3A_529 = tpu.memref_squeeze %dma_wait3A_528 : memref<1x1x256xi32, #tpu.memory_space<hbm>> -> memref<256xi32, #tpu.memory_space<hbm>>
      %dma_wait3A_530 = arith.constant 0 : i32
      %dma_wait3A_531 = tpu.memref_slice %arg7[%dma_wait3A_523, %dma_wait3A_530] : memref<2x256xi32, #tpu.memory_space<vmem>> -> memref<1x256xi32, #tpu.memory_space<vmem>>
      %dma_wait3A_532 = tpu.memref_squeeze %dma_wait3A_531 : memref<1x256xi32, #tpu.memory_space<vmem>> -> memref<256xi32, #tpu.memory_space<vmem>>
      %dma_wait3A_533 = arith.constant 0 : i32
      %dma_wait3A_534 = tpu.memref_slice %arg3[%dma_wait3A_522, %add3A_479, %dma_wait3A_533] : memref<2x3200x256xi32, #tpu.memory_space<hbm>> -> memref<1x1x256xi32, #tpu.memory_space<hbm>>
      %dma_wait3A_535 = tpu.memref_squeeze %dma_wait3A_534 : memref<1x1x256xi32, #tpu.memory_space<hbm>> -> memref<256xi32, #tpu.memory_space<hbm>>
      tpu.wait_dma2 semaphore(%arg14 : memref<!tpu.dma_semaphore, #tpu.memory_space<semaphore_mem>>) src(%dma_wait3A_535 : memref<256xi32, #tpu.memory_space<hbm>>) dst(%dma_wait3A_532 : memref<256xi32, #tpu.memory_space<vmem>>)
      %dma_start3A_536 = arith.constant 0 : i32
      %dma_start3A_537 = arith.constant 0 : i32
      %dma_start3A_538 = tpu.memref_slice %arg7[%dma_start3A_536, %dma_start3A_537] : memref<2x256xi32, #tpu.memory_space<vmem>> -> memref<1x256xi32, #tpu.memory_space<vmem>>
      %dma_start3A_539 = tpu.memref_squeeze %dma_start3A_538 : memref<1x256xi32, #tpu.memory_space<vmem>> -> memref<256xi32, #tpu.memory_space<vmem>>
      %dma_start3A_540 = arith.constant 0 : i32
      %dma_start3A_541 = arith.constant 0 : i32
      %dma_start3A_542 = tpu.memref_slice %arg2[%arg0, %dma_start3A_540, %dma_start3A_541] : memref<2x51200x32xf32, #tpu.memory_space<hbm>> -> memref<1x51200x32xf32, #tpu.memory_space<hbm>>
      %dma_start3A_543 = tpu.memref_squeeze %dma_start3A_542 : memref<1x51200x32xf32, #tpu.memory_space<hbm>> -> memref<51200x32xf32, #tpu.memory_space<hbm>>
      %dma_start3A_544 = arith.constant 0 : i32
      %dma_start3A_545 = arith.constant 0 : i32
      %dma_start3A_546 = tpu.memref_slice %dma_start3A_543[%dma_start3A_544, %dma_start3A_545] : memref<51200x32xf32, #tpu.memory_space<hbm>> -> memref<51200x32xf32, #tpu.memory_space<hbm>>
      tpu.enqueue_indirect_dma source(%dma_start3A_546 : memref<51200x32xf32, #tpu.memory_space<hbm>>) target(%arg10 : memref<256x32xf32, #tpu.memory_space<vmem>>) offsets(%dma_start3A_539 : memref<256xi32, #tpu.memory_space<vmem>>) semaphore(%arg17 : memref<!tpu.dma_semaphore, #tpu.memory_space<semaphore_mem>>)
      %dma_wait3A_547 = arith.constant 1 : i32
      %dma_wait3A_548 = arith.constant 0 : i32
      %dma_wait3A_549 = tpu.memref_slice %arg8[%dma_wait3A_547, %dma_wait3A_548] : memref<2x256xi32, #tpu.memory_space<vmem>> -> memref<1x256xi32, #tpu.memory_space<vmem>>
      %dma_wait3A_550 = tpu.memref_squeeze %dma_wait3A_549 : memref<1x256xi32, #tpu.memory_space<vmem>> -> memref<256xi32, #tpu.memory_space<vmem>>
      %dma_wait3A_551 = arith.constant 0 : i32
      %dma_wait3A_552 = arith.constant 0 : i32
      %dma_wait3A_553 = tpu.memref_slice %arg12[%dma_wait3A_551, %dma_wait3A_552] : memref<50176x32xf32, #tpu.memory_space<vmem_shared>> -> memref<50176x32xf32, #tpu.memory_space<vmem_shared>>
      tpu.wait_indirect_dma semaphore(%arg21 : memref<!tpu.dma_semaphore, #tpu.memory_space<semaphore_mem>>) src(%arg11 : memref<256x32xf32, #tpu.memory_space<vmem>>) dst(%dma_wait3A_553 : memref<50176x32xf32, #tpu.memory_space<vmem_shared>>)
      %eq3A_554 = arith.constant 0 : i32
      %eq3A_555 = arith.cmpi eq, %arg0, %eq3A_554 : i32
      %convert_element_type3A_556 = arith.extui %eq3A_555 : i1 to i32
      %cond3A_557 = arith.constant 0 : i32
      %cond3A_558 = arith.cmpi ne, %convert_element_type3A_556, %cond3A_557 : i32
      scf.if %cond3A_558 {
        %dma_wait3A_563 = arith.constant 1 : i32
        %dma_wait3A_564 = arith.constant 0 : i32
        %dma_wait3A_565 = tpu.memref_slice %arg8[%dma_wait3A_563, %dma_wait3A_564] : memref<2x256xi32, #tpu.memory_space<vmem>> -> memref<1x256xi32, #tpu.memory_space<vmem>>
        %dma_wait3A_566 = tpu.memref_squeeze %dma_wait3A_565 : memref<1x256xi32, #tpu.memory_space<vmem>> -> memref<256xi32, #tpu.memory_space<vmem>>
        %dma_wait3A_567 = arith.constant 0 : i32
        %dma_wait3A_568 = tpu.memref_slice %arg24[%dma_wait3A_567] : memref<50176xf32, #tpu.memory_space<vmem_shared>> -> memref<50176xf32, #tpu.memory_space<vmem_shared>>
        tpu.wait_indirect_dma semaphore(%arg21 : memref<!tpu.dma_semaphore, #tpu.memory_space<semaphore_mem>>) src(%arg23 : memref<256xf32, #tpu.memory_space<vmem>>) dst(%dma_wait3A_568 : memref<50176xf32, #tpu.memory_space<vmem_shared>>)
      } else {
      }
      %lt3A = arith.constant 65 : i32
      %lt3A_559 = arith.cmpi slt, %add3A_308, %lt3A : i32
      %convert_element_type3A_560 = arith.extui %lt3A_559 : i1 to i32
      %cond3A_561 = arith.constant 0 : i32
      %cond3A_562 = arith.cmpi ne, %convert_element_type3A_560, %cond3A_561 : i32
      scf.if %cond3A_562 {
        %add3A_563 = arith.constant 5 : i32
        %add3A_564 = arith.addi %add3A_311, %add3A_563 : i32
        %dma_start3A_565 = arith.constant 0 : i32
        %dma_start3A_566 = arith.constant 0 : i32
        %dma_start3A_567 = arith.constant 0 : i32
        %dma_start3A_568 = tpu.memref_slice %arg8[%dma_start3A_566, %dma_start3A_567] : memref<2x256xi32, #tpu.memory_space<vmem>> -> memref<1x256xi32, #tpu.memory_space<vmem>>
        %dma_start3A_569 = tpu.memref_squeeze %dma_start3A_568 : memref<1x256xi32, #tpu.memory_space<vmem>> -> memref<256xi32, #tpu.memory_space<vmem>>
        %dma_start3A_570 = arith.constant 0 : i32
        %dma_start3A_571 = tpu.memref_slice %arg3[%dma_start3A_565, %add3A_564, %dma_start3A_570] : memref<2x3200x256xi32, #tpu.memory_space<hbm>> -> memref<1x1x256xi32, #tpu.memory_space<hbm>>
        %dma_start3A_572 = tpu.memref_squeeze %dma_start3A_571 : memref<1x1x256xi32, #tpu.memory_space<hbm>> -> memref<256xi32, #tpu.memory_space<hbm>>
        %dma_start3A_573 = arith.constant 0 : i32
        %dma_start3A_574 = tpu.memref_slice %arg8[%dma_start3A_566, %dma_start3A_573] : memref<2x256xi32, #tpu.memory_space<vmem>> -> memref<1x256xi32, #tpu.memory_space<vmem>>
        %dma_start3A_575 = tpu.memref_squeeze %dma_start3A_574 : memref<1x256xi32, #tpu.memory_space<vmem>> -> memref<256xi32, #tpu.memory_space<vmem>>
        %dma_start3A_576 = arith.constant 0 : i32
        %dma_start3A_577 = tpu.memref_slice %arg3[%dma_start3A_565, %add3A_564, %dma_start3A_576] : memref<2x3200x256xi32, #tpu.memory_space<hbm>> -> memref<1x1x256xi32, #tpu.memory_space<hbm>>
        %dma_start3A_578 = tpu.memref_squeeze %dma_start3A_577 : memref<1x1x256xi32, #tpu.memory_space<hbm>> -> memref<256xi32, #tpu.memory_space<hbm>>
        tpu.enqueue_dma source(%dma_start3A_578 : memref<256xi32, #tpu.memory_space<hbm>>) target(%dma_start3A_575 : memref<256xi32, #tpu.memory_space<vmem>>) target_semaphore(%arg15 : memref<!tpu.dma_semaphore, #tpu.memory_space<semaphore_mem>>)
        %dma_start3A_579 = arith.constant 1 : i32
        %dma_start3A_580 = arith.constant 1 : i32
        %dma_start3A_581 = arith.constant 0 : i32
        %dma_start3A_582 = tpu.memref_slice %arg8[%dma_start3A_580, %dma_start3A_581] : memref<2x256xi32, #tpu.memory_space<vmem>> -> memref<1x256xi32, #tpu.memory_space<vmem>>
        %dma_start3A_583 = tpu.memref_squeeze %dma_start3A_582 : memref<1x256xi32, #tpu.memory_space<vmem>> -> memref<256xi32, #tpu.memory_space<vmem>>
        %dma_start3A_584 = arith.constant 0 : i32
        %dma_start3A_585 = tpu.memref_slice %arg3[%dma_start3A_579, %add3A_564, %dma_start3A_584] : memref<2x3200x256xi32, #tpu.memory_space<hbm>> -> memref<1x1x256xi32, #tpu.memory_space<hbm>>
        %dma_start3A_586 = tpu.memref_squeeze %dma_start3A_585 : memref<1x1x256xi32, #tpu.memory_space<hbm>> -> memref<256xi32, #tpu.memory_space<hbm>>
        %dma_start3A_587 = arith.constant 0 : i32
        %dma_start3A_588 = tpu.memref_slice %arg8[%dma_start3A_580, %dma_start3A_587] : memref<2x256xi32, #tpu.memory_space<vmem>> -> memref<1x256xi32, #tpu.memory_space<vmem>>
        %dma_start3A_589 = tpu.memref_squeeze %dma_start3A_588 : memref<1x256xi32, #tpu.memory_space<vmem>> -> memref<256xi32, #tpu.memory_space<vmem>>
        %dma_start3A_590 = arith.constant 0 : i32
        %dma_start3A_591 = tpu.memref_slice %arg3[%dma_start3A_579, %add3A_564, %dma_start3A_590] : memref<2x3200x256xi32, #tpu.memory_space<hbm>> -> memref<1x1x256xi32, #tpu.memory_space<hbm>>
        %dma_start3A_592 = tpu.memref_squeeze %dma_start3A_591 : memref<1x1x256xi32, #tpu.memory_space<hbm>> -> memref<256xi32, #tpu.memory_space<hbm>>
        tpu.enqueue_dma source(%dma_start3A_592 : memref<256xi32, #tpu.memory_space<hbm>>) target(%dma_start3A_589 : memref<256xi32, #tpu.memory_space<vmem>>) target_semaphore(%arg15 : memref<!tpu.dma_semaphore, #tpu.memory_space<semaphore_mem>>)
        %dma_wait3A_593 = arith.constant 0 : i32
        %dma_wait3A_594 = arith.constant 0 : i32
        %dma_wait3A_595 = arith.constant 0 : i32
        %dma_wait3A_596 = tpu.memref_slice %arg8[%dma_wait3A_594, %dma_wait3A_595] : memref<2x256xi32, #tpu.memory_space<vmem>> -> memref<1x256xi32, #tpu.memory_space<vmem>>
        %dma_wait3A_597 = tpu.memref_squeeze %dma_wait3A_596 : memref<1x256xi32, #tpu.memory_space<vmem>> -> memref<256xi32, #tpu.memory_space<vmem>>
        %dma_wait3A_598 = arith.constant 0 : i32
        %dma_wait3A_599 = tpu.memref_slice %arg3[%dma_wait3A_593, %add3A_564, %dma_wait3A_598] : memref<2x3200x256xi32, #tpu.memory_space<hbm>> -> memref<1x1x256xi32, #tpu.memory_space<hbm>>
        %dma_wait3A_600 = tpu.memref_squeeze %dma_wait3A_599 : memref<1x1x256xi32, #tpu.memory_space<hbm>> -> memref<256xi32, #tpu.memory_space<hbm>>
        %dma_wait3A_601 = arith.constant 0 : i32
        %dma_wait3A_602 = tpu.memref_slice %arg8[%dma_wait3A_594, %dma_wait3A_601] : memref<2x256xi32, #tpu.memory_space<vmem>> -> memref<1x256xi32, #tpu.memory_space<vmem>>
        %dma_wait3A_603 = tpu.memref_squeeze %dma_wait3A_602 : memref<1x256xi32, #tpu.memory_space<vmem>> -> memref<256xi32, #tpu.memory_space<vmem>>
        %dma_wait3A_604 = arith.constant 0 : i32
        %dma_wait3A_605 = tpu.memref_slice %arg3[%dma_wait3A_593, %add3A_564, %dma_wait3A_604] : memref<2x3200x256xi32, #tpu.memory_space<hbm>> -> memref<1x1x256xi32, #tpu.memory_space<hbm>>
        %dma_wait3A_606 = tpu.memref_squeeze %dma_wait3A_605 : memref<1x1x256xi32, #tpu.memory_space<hbm>> -> memref<256xi32, #tpu.memory_space<hbm>>
        tpu.wait_dma2 semaphore(%arg15 : memref<!tpu.dma_semaphore, #tpu.memory_space<semaphore_mem>>) src(%dma_wait3A_606 : memref<256xi32, #tpu.memory_space<hbm>>) dst(%dma_wait3A_603 : memref<256xi32, #tpu.memory_space<vmem>>)
        %dma_wait3A_607 = arith.constant 1 : i32
        %dma_wait3A_608 = arith.constant 1 : i32
        %dma_wait3A_609 = arith.constant 0 : i32
        %dma_wait3A_610 = tpu.memref_slice %arg8[%dma_wait3A_608, %dma_wait3A_609] : memref<2x256xi32, #tpu.memory_space<vmem>> -> memref<1x256xi32, #tpu.memory_space<vmem>>
        %dma_wait3A_611 = tpu.memref_squeeze %dma_wait3A_610 : memref<1x256xi32, #tpu.memory_space<vmem>> -> memref<256xi32, #tpu.memory_space<vmem>>
        %dma_wait3A_612 = arith.constant 0 : i32
        %dma_wait3A_613 = tpu.memref_slice %arg3[%dma_wait3A_607, %add3A_564, %dma_wait3A_612] : memref<2x3200x256xi32, #tpu.memory_space<hbm>> -> memref<1x1x256xi32, #tpu.memory_space<hbm>>
        %dma_wait3A_614 = tpu.memref_squeeze %dma_wait3A_613 : memref<1x1x256xi32, #tpu.memory_space<hbm>> -> memref<256xi32, #tpu.memory_space<hbm>>
        %dma_wait3A_615 = arith.constant 0 : i32
        %dma_wait3A_616 = tpu.memref_slice %arg8[%dma_wait3A_608, %dma_wait3A_615] : memref<2x256xi32, #tpu.memory_space<vmem>> -> memref<1x256xi32, #tpu.memory_space<vmem>>
        %dma_wait3A_617 = tpu.memref_squeeze %dma_wait3A_616 : memref<1x256xi32, #tpu.memory_space<vmem>> -> memref<256xi32, #tpu.memory_space<vmem>>
        %dma_wait3A_618 = arith.constant 0 : i32
        %dma_wait3A_619 = tpu.memref_slice %arg3[%dma_wait3A_607, %add3A_564, %dma_wait3A_618] : memref<2x3200x256xi32, #tpu.memory_space<hbm>> -> memref<1x1x256xi32, #tpu.memory_space<hbm>>
        %dma_wait3A_620 = tpu.memref_squeeze %dma_wait3A_619 : memref<1x1x256xi32, #tpu.memory_space<hbm>> -> memref<256xi32, #tpu.memory_space<hbm>>
        tpu.wait_dma2 semaphore(%arg15 : memref<!tpu.dma_semaphore, #tpu.memory_space<semaphore_mem>>) src(%dma_wait3A_620 : memref<256xi32, #tpu.memory_space<hbm>>) dst(%dma_wait3A_617 : memref<256xi32, #tpu.memory_space<vmem>>)
        %dma_start3A_621 = arith.constant 0 : i32
        %dma_start3A_622 = arith.constant 0 : i32
        %dma_start3A_623 = tpu.memref_slice %arg8[%dma_start3A_621, %dma_start3A_622] : memref<2x256xi32, #tpu.memory_space<vmem>> -> memref<1x256xi32, #tpu.memory_space<vmem>>
        %dma_start3A_624 = tpu.memref_squeeze %dma_start3A_623 : memref<1x256xi32, #tpu.memory_space<vmem>> -> memref<256xi32, #tpu.memory_space<vmem>>
        %dma_start3A_625 = arith.constant 0 : i32
        %dma_start3A_626 = arith.constant 0 : i32
        %dma_start3A_627 = tpu.memref_slice %arg2[%arg0, %dma_start3A_625, %dma_start3A_626] : memref<2x51200x32xf32, #tpu.memory_space<hbm>> -> memref<1x51200x32xf32, #tpu.memory_space<hbm>>
        %dma_start3A_628 = tpu.memref_squeeze %dma_start3A_627 : memref<1x51200x32xf32, #tpu.memory_space<hbm>> -> memref<51200x32xf32, #tpu.memory_space<hbm>>
        %dma_start3A_629 = arith.constant 0 : i32
        %dma_start3A_630 = arith.constant 0 : i32
        %dma_start3A_631 = tpu.memref_slice %dma_start3A_628[%dma_start3A_629, %dma_start3A_630] : memref<51200x32xf32, #tpu.memory_space<hbm>> -> memref<51200x32xf32, #tpu.memory_space<hbm>>
        tpu.enqueue_indirect_dma source(%dma_start3A_631 : memref<51200x32xf32, #tpu.memory_space<hbm>>) target(%arg11 : memref<256x32xf32, #tpu.memory_space<vmem>>) offsets(%dma_start3A_624 : memref<256xi32, #tpu.memory_space<vmem>>) semaphore(%arg18 : memref<!tpu.dma_semaphore, #tpu.memory_space<semaphore_mem>>)
      } else {
      }
    }
    %scan3A_223 = arith.constant 66 : i32
    %dma_wait3A_224 = arith.constant 0 : i32
    %dma_wait3A_225 = arith.constant 0 : i32
    %dma_wait3A_226 = tpu.memref_slice %arg6[%dma_wait3A_224, %dma_wait3A_225] : memref<2x256xi32, #tpu.memory_space<vmem>> -> memref<1x256xi32, #tpu.memory_space<vmem>>
    %dma_wait3A_227 = tpu.memref_squeeze %dma_wait3A_226 : memref<1x256xi32, #tpu.memory_space<vmem>> -> memref<256xi32, #tpu.memory_space<vmem>>
    %dma_wait3A_228 = arith.constant 0 : i32
    %dma_wait3A_229 = arith.constant 0 : i32
    %dma_wait3A_230 = tpu.memref_slice %arg2[%arg0, %dma_wait3A_228, %dma_wait3A_229] : memref<2x51200x32xf32, #tpu.memory_space<hbm>> -> memref<1x51200x32xf32, #tpu.memory_space<hbm>>
    %dma_wait3A_231 = tpu.memref_squeeze %dma_wait3A_230 : memref<1x51200x32xf32, #tpu.memory_space<hbm>> -> memref<51200x32xf32, #tpu.memory_space<hbm>>
    %dma_wait3A_232 = arith.constant 0 : i32
    %dma_wait3A_233 = arith.constant 0 : i32
    %dma_wait3A_234 = tpu.memref_slice %dma_wait3A_231[%dma_wait3A_232, %dma_wait3A_233] : memref<51200x32xf32, #tpu.memory_space<hbm>> -> memref<51200x32xf32, #tpu.memory_space<hbm>>
    tpu.wait_indirect_dma semaphore(%arg16 : memref<!tpu.dma_semaphore, #tpu.memory_space<semaphore_mem>>) src(%dma_wait3A_234 : memref<51200x32xf32, #tpu.memory_space<hbm>>) dst(%arg9 : memref<256x32xf32, #tpu.memory_space<vmem>>)
    %dma_start3A_235 = arith.constant 1 : i32
    %dma_start3A_236 = arith.constant 0 : i32
    %dma_start3A_237 = tpu.memref_slice %arg6[%dma_start3A_235, %dma_start3A_236] : memref<2x256xi32, #tpu.memory_space<vmem>> -> memref<1x256xi32, #tpu.memory_space<vmem>>
    %dma_start3A_238 = tpu.memref_squeeze %dma_start3A_237 : memref<1x256xi32, #tpu.memory_space<vmem>> -> memref<256xi32, #tpu.memory_space<vmem>>
    %dma_start3A_239 = arith.constant 0 : i32
    %dma_start3A_240 = arith.constant 0 : i32
    %dma_start3A_241 = tpu.memref_slice %arg12[%dma_start3A_239, %dma_start3A_240] : memref<50176x32xf32, #tpu.memory_space<vmem_shared>> -> memref<50176x32xf32, #tpu.memory_space<vmem_shared>>
    tpu.enqueue_indirect_dma source(%arg9 : memref<256x32xf32, #tpu.memory_space<vmem>>) target(%dma_start3A_241 : memref<50176x32xf32, #tpu.memory_space<vmem_shared>>) offsets(%dma_start3A_238 : memref<256xi32, #tpu.memory_space<vmem>>) semaphore(%arg19 : memref<!tpu.dma_semaphore, #tpu.memory_space<semaphore_mem>>) {add = true}
    %eq3A_242 = arith.constant 0 : i32
    %eq3A_243 = arith.cmpi eq, %arg0, %eq3A_242 : i32
    %convert_element_type3A_244 = arith.extui %eq3A_243 : i1 to i32
    %cond3A_245 = arith.constant 0 : i32
    %cond3A_246 = arith.cmpi ne, %convert_element_type3A_244, %cond3A_245 : i32
    scf.if %cond3A_246 {
      %dma_start3A_304 = arith.constant 1 : i32
      %dma_start3A_305 = arith.constant 0 : i32
      %dma_start3A_306 = tpu.memref_slice %arg6[%dma_start3A_304, %dma_start3A_305] : memref<2x256xi32, #tpu.memory_space<vmem>> -> memref<1x256xi32, #tpu.memory_space<vmem>>
      %dma_start3A_307 = tpu.memref_squeeze %dma_start3A_306 : memref<1x256xi32, #tpu.memory_space<vmem>> -> memref<256xi32, #tpu.memory_space<vmem>>
      %dma_start3A_308 = arith.constant 0 : i32
      %dma_start3A_309 = tpu.memref_slice %arg24[%dma_start3A_308] : memref<50176xf32, #tpu.memory_space<vmem_shared>> -> memref<50176xf32, #tpu.memory_space<vmem_shared>>
      tpu.enqueue_indirect_dma source(%arg23 : memref<256xf32, #tpu.memory_space<vmem>>) target(%dma_start3A_309 : memref<50176xf32, #tpu.memory_space<vmem_shared>>) offsets(%dma_start3A_307 : memref<256xi32, #tpu.memory_space<vmem>>) semaphore(%arg19 : memref<!tpu.dma_semaphore, #tpu.memory_space<semaphore_mem>>) {add = true}
    } else {
    }
    %dma_wait3A_247 = arith.constant 0 : i32
    %dma_wait3A_248 = arith.constant 0 : i32
    %dma_wait3A_249 = tpu.memref_slice %arg7[%dma_wait3A_247, %dma_wait3A_248] : memref<2x256xi32, #tpu.memory_space<vmem>> -> memref<1x256xi32, #tpu.memory_space<vmem>>
    %dma_wait3A_250 = tpu.memref_squeeze %dma_wait3A_249 : memref<1x256xi32, #tpu.memory_space<vmem>> -> memref<256xi32, #tpu.memory_space<vmem>>
    %dma_wait3A_251 = arith.constant 0 : i32
    %dma_wait3A_252 = arith.constant 0 : i32
    %dma_wait3A_253 = tpu.memref_slice %arg2[%arg0, %dma_wait3A_251, %dma_wait3A_252] : memref<2x51200x32xf32, #tpu.memory_space<hbm>> -> memref<1x51200x32xf32, #tpu.memory_space<hbm>>
    %dma_wait3A_254 = tpu.memref_squeeze %dma_wait3A_253 : memref<1x51200x32xf32, #tpu.memory_space<hbm>> -> memref<51200x32xf32, #tpu.memory_space<hbm>>
    %dma_wait3A_255 = arith.constant 0 : i32
    %dma_wait3A_256 = arith.constant 0 : i32
    %dma_wait3A_257 = tpu.memref_slice %dma_wait3A_254[%dma_wait3A_255, %dma_wait3A_256] : memref<51200x32xf32, #tpu.memory_space<hbm>> -> memref<51200x32xf32, #tpu.memory_space<hbm>>
    tpu.wait_indirect_dma semaphore(%arg17 : memref<!tpu.dma_semaphore, #tpu.memory_space<semaphore_mem>>) src(%dma_wait3A_257 : memref<51200x32xf32, #tpu.memory_space<hbm>>) dst(%arg10 : memref<256x32xf32, #tpu.memory_space<vmem>>)
    %dma_start3A_258 = arith.constant 1 : i32
    %dma_start3A_259 = arith.constant 0 : i32
    %dma_start3A_260 = tpu.memref_slice %arg7[%dma_start3A_258, %dma_start3A_259] : memref<2x256xi32, #tpu.memory_space<vmem>> -> memref<1x256xi32, #tpu.memory_space<vmem>>
    %dma_start3A_261 = tpu.memref_squeeze %dma_start3A_260 : memref<1x256xi32, #tpu.memory_space<vmem>> -> memref<256xi32, #tpu.memory_space<vmem>>
    %dma_start3A_262 = arith.constant 0 : i32
    %dma_start3A_263 = arith.constant 0 : i32
    %dma_start3A_264 = tpu.memref_slice %arg12[%dma_start3A_262, %dma_start3A_263] : memref<50176x32xf32, #tpu.memory_space<vmem_shared>> -> memref<50176x32xf32, #tpu.memory_space<vmem_shared>>
    tpu.enqueue_indirect_dma source(%arg10 : memref<256x32xf32, #tpu.memory_space<vmem>>) target(%dma_start3A_264 : memref<50176x32xf32, #tpu.memory_space<vmem_shared>>) offsets(%dma_start3A_261 : memref<256xi32, #tpu.memory_space<vmem>>) semaphore(%arg20 : memref<!tpu.dma_semaphore, #tpu.memory_space<semaphore_mem>>) {add = true}
    %eq3A_265 = arith.constant 0 : i32
    %eq3A_266 = arith.cmpi eq, %arg0, %eq3A_265 : i32
    %convert_element_type3A_267 = arith.extui %eq3A_266 : i1 to i32
    %cond3A_268 = arith.constant 0 : i32
    %cond3A_269 = arith.cmpi ne, %convert_element_type3A_267, %cond3A_268 : i32
    scf.if %cond3A_269 {
      %dma_start3A_304 = arith.constant 1 : i32
      %dma_start3A_305 = arith.constant 0 : i32
      %dma_start3A_306 = tpu.memref_slice %arg7[%dma_start3A_304, %dma_start3A_305] : memref<2x256xi32, #tpu.memory_space<vmem>> -> memref<1x256xi32, #tpu.memory_space<vmem>>
      %dma_start3A_307 = tpu.memref_squeeze %dma_start3A_306 : memref<1x256xi32, #tpu.memory_space<vmem>> -> memref<256xi32, #tpu.memory_space<vmem>>
      %dma_start3A_308 = arith.constant 0 : i32
      %dma_start3A_309 = tpu.memref_slice %arg24[%dma_start3A_308] : memref<50176xf32, #tpu.memory_space<vmem_shared>> -> memref<50176xf32, #tpu.memory_space<vmem_shared>>
      tpu.enqueue_indirect_dma source(%arg23 : memref<256xf32, #tpu.memory_space<vmem>>) target(%dma_start3A_309 : memref<50176xf32, #tpu.memory_space<vmem_shared>>) offsets(%dma_start3A_307 : memref<256xi32, #tpu.memory_space<vmem>>) semaphore(%arg20 : memref<!tpu.dma_semaphore, #tpu.memory_space<semaphore_mem>>) {add = true}
    } else {
    }
    %dma_wait3A_270 = arith.constant 1 : i32
    %dma_wait3A_271 = arith.constant 0 : i32
    %dma_wait3A_272 = tpu.memref_slice %arg6[%dma_wait3A_270, %dma_wait3A_271] : memref<2x256xi32, #tpu.memory_space<vmem>> -> memref<1x256xi32, #tpu.memory_space<vmem>>
    %dma_wait3A_273 = tpu.memref_squeeze %dma_wait3A_272 : memref<1x256xi32, #tpu.memory_space<vmem>> -> memref<256xi32, #tpu.memory_space<vmem>>
    %dma_wait3A_274 = arith.constant 0 : i32
    %dma_wait3A_275 = arith.constant 0 : i32
    %dma_wait3A_276 = tpu.memref_slice %arg12[%dma_wait3A_274, %dma_wait3A_275] : memref<50176x32xf32, #tpu.memory_space<vmem_shared>> -> memref<50176x32xf32, #tpu.memory_space<vmem_shared>>
    tpu.wait_indirect_dma semaphore(%arg19 : memref<!tpu.dma_semaphore, #tpu.memory_space<semaphore_mem>>) src(%arg9 : memref<256x32xf32, #tpu.memory_space<vmem>>) dst(%dma_wait3A_276 : memref<50176x32xf32, #tpu.memory_space<vmem_shared>>)
    %eq3A_277 = arith.constant 0 : i32
    %eq3A_278 = arith.cmpi eq, %arg0, %eq3A_277 : i32
    %convert_element_type3A_279 = arith.extui %eq3A_278 : i1 to i32
    %cond3A_280 = arith.constant 0 : i32
    %cond3A_281 = arith.cmpi ne, %convert_element_type3A_279, %cond3A_280 : i32
    scf.if %cond3A_281 {
      %dma_wait3A_304 = arith.constant 1 : i32
      %dma_wait3A_305 = arith.constant 0 : i32
      %dma_wait3A_306 = tpu.memref_slice %arg6[%dma_wait3A_304, %dma_wait3A_305] : memref<2x256xi32, #tpu.memory_space<vmem>> -> memref<1x256xi32, #tpu.memory_space<vmem>>
      %dma_wait3A_307 = tpu.memref_squeeze %dma_wait3A_306 : memref<1x256xi32, #tpu.memory_space<vmem>> -> memref<256xi32, #tpu.memory_space<vmem>>
      %dma_wait3A_308 = arith.constant 0 : i32
      %dma_wait3A_309 = tpu.memref_slice %arg24[%dma_wait3A_308] : memref<50176xf32, #tpu.memory_space<vmem_shared>> -> memref<50176xf32, #tpu.memory_space<vmem_shared>>
      tpu.wait_indirect_dma semaphore(%arg19 : memref<!tpu.dma_semaphore, #tpu.memory_space<semaphore_mem>>) src(%arg23 : memref<256xf32, #tpu.memory_space<vmem>>) dst(%dma_wait3A_309 : memref<50176xf32, #tpu.memory_space<vmem_shared>>)
    } else {
    }
    %dma_wait3A_282 = arith.constant 1 : i32
    %dma_wait3A_283 = arith.constant 0 : i32
    %dma_wait3A_284 = tpu.memref_slice %arg7[%dma_wait3A_282, %dma_wait3A_283] : memref<2x256xi32, #tpu.memory_space<vmem>> -> memref<1x256xi32, #tpu.memory_space<vmem>>
    %dma_wait3A_285 = tpu.memref_squeeze %dma_wait3A_284 : memref<1x256xi32, #tpu.memory_space<vmem>> -> memref<256xi32, #tpu.memory_space<vmem>>
    %dma_wait3A_286 = arith.constant 0 : i32
    %dma_wait3A_287 = arith.constant 0 : i32
    %dma_wait3A_288 = tpu.memref_slice %arg12[%dma_wait3A_286, %dma_wait3A_287] : memref<50176x32xf32, #tpu.memory_space<vmem_shared>> -> memref<50176x32xf32, #tpu.memory_space<vmem_shared>>
    tpu.wait_indirect_dma semaphore(%arg20 : memref<!tpu.dma_semaphore, #tpu.memory_space<semaphore_mem>>) src(%arg10 : memref<256x32xf32, #tpu.memory_space<vmem>>) dst(%dma_wait3A_288 : memref<50176x32xf32, #tpu.memory_space<vmem_shared>>)
    %eq3A_289 = arith.constant 0 : i32
    %eq3A_290 = arith.cmpi eq, %arg0, %eq3A_289 : i32
    %convert_element_type3A_291 = arith.extui %eq3A_290 : i1 to i32
    %cond3A_292 = arith.constant 0 : i32
    %cond3A_293 = arith.cmpi ne, %convert_element_type3A_291, %cond3A_292 : i32
    scf.if %cond3A_293 {
      %dma_wait3A_304 = arith.constant 1 : i32
      %dma_wait3A_305 = arith.constant 0 : i32
      %dma_wait3A_306 = tpu.memref_slice %arg7[%dma_wait3A_304, %dma_wait3A_305] : memref<2x256xi32, #tpu.memory_space<vmem>> -> memref<1x256xi32, #tpu.memory_space<vmem>>
      %dma_wait3A_307 = tpu.memref_squeeze %dma_wait3A_306 : memref<1x256xi32, #tpu.memory_space<vmem>> -> memref<256xi32, #tpu.memory_space<vmem>>
      %dma_wait3A_308 = arith.constant 0 : i32
      %dma_wait3A_309 = tpu.memref_slice %arg24[%dma_wait3A_308] : memref<50176xf32, #tpu.memory_space<vmem_shared>> -> memref<50176xf32, #tpu.memory_space<vmem_shared>>
      tpu.wait_indirect_dma semaphore(%arg20 : memref<!tpu.dma_semaphore, #tpu.memory_space<semaphore_mem>>) src(%arg23 : memref<256xf32, #tpu.memory_space<vmem>>) dst(%dma_wait3A_309 : memref<50176xf32, #tpu.memory_space<vmem_shared>>)
    } else {
    }
    %barrier3A_294 = arith.constant 0 : index
    tpu.barrier barrier_id(%barrier3A_294)
    %mul3A_295 = arith.constant 3136 : i32
    %mul3A_296 = arith.muli %arg1, %mul3A_295 : i32
    %mul3A_297 = arith.constant 3136 : i32
    %mul3A_298 = arith.muli %arg1, %mul3A_297 : i32
    "tpu.region"() ({
      %run_scoped3A = tpu.sem_alloc : memref<!tpu.dma_semaphore, #tpu.memory_space<semaphore_mem>>
      %dma_start3A_304 = arith.constant 0 : i32
      %dma_start3A_305 = arith.constant 0 : i32
      %dma_start3A_306 = tpu.memref_slice %arg4[%arg0, %dma_start3A_304, %dma_start3A_305] : memref<2x51200x32xf32, #tpu.memory_space<hbm>> -> memref<1x51200x32xf32, #tpu.memory_space<hbm>>
      %dma_start3A_307 = tpu.memref_squeeze %dma_start3A_306 : memref<1x51200x32xf32, #tpu.memory_space<hbm>> -> memref<51200x32xf32, #tpu.memory_space<hbm>>
      %dma_start3A_308 = arith.constant 0 : i32
      %dma_start3A_309 = tpu.memref_slice %dma_start3A_307[%mul3A_298, %dma_start3A_308] : memref<51200x32xf32, #tpu.memory_space<hbm>> -> memref<3136x32xf32, #tpu.memory_space<hbm>>
      %dma_start3A_310 = arith.constant 0 : i32
      %dma_start3A_311 = tpu.memref_slice %arg12[%mul3A_296, %dma_start3A_310] : memref<50176x32xf32, #tpu.memory_space<vmem_shared>> -> memref<3136x32xf32, #tpu.memory_space<vmem_shared>>
      tpu.enqueue_dma source(%dma_start3A_311 : memref<3136x32xf32, #tpu.memory_space<vmem_shared>>) target(%dma_start3A_309 : memref<3136x32xf32, #tpu.memory_space<hbm>>) target_semaphore(%run_scoped3A : memref<!tpu.dma_semaphore, #tpu.memory_space<semaphore_mem>>)
      %dma_wait3A_312 = arith.constant 0 : i32
      %dma_wait3A_313 = arith.constant 0 : i32
      %dma_wait3A_314 = tpu.memref_slice %arg4[%arg0, %dma_wait3A_312, %dma_wait3A_313] : memref<2x51200x32xf32, #tpu.memory_space<hbm>> -> memref<1x51200x32xf32, #tpu.memory_space<hbm>>
      %dma_wait3A_315 = tpu.memref_squeeze %dma_wait3A_314 : memref<1x51200x32xf32, #tpu.memory_space<hbm>> -> memref<51200x32xf32, #tpu.memory_space<hbm>>
      %dma_wait3A_316 = arith.constant 0 : i32
      %dma_wait3A_317 = tpu.memref_slice %dma_wait3A_315[%mul3A_298, %dma_wait3A_316] : memref<51200x32xf32, #tpu.memory_space<hbm>> -> memref<3136x32xf32, #tpu.memory_space<hbm>>
      %dma_wait3A_318 = arith.constant 0 : i32
      %dma_wait3A_319 = tpu.memref_slice %arg12[%mul3A_296, %dma_wait3A_318] : memref<50176x32xf32, #tpu.memory_space<vmem_shared>> -> memref<3136x32xf32, #tpu.memory_space<vmem_shared>>
      tpu.wait_dma2 semaphore(%run_scoped3A : memref<!tpu.dma_semaphore, #tpu.memory_space<semaphore_mem>>) src(%dma_wait3A_319 : memref<3136x32xf32, #tpu.memory_space<vmem_shared>>) dst(%dma_wait3A_317 : memref<3136x32xf32, #tpu.memory_space<hbm>>)
      tpu.yield
    }) : () -> ()
    %eq3A_299 = arith.constant 0 : i32
    %eq3A_300 = arith.cmpi eq, %arg0, %eq3A_299 : i32
    %convert_element_type3A_301 = arith.extui %eq3A_300 : i1 to i32
    %cond3A_302 = arith.constant 0 : i32
    %cond3A_303 = arith.cmpi ne, %convert_element_type3A_301, %cond3A_302 : i32
    scf.if %cond3A_303 {
      %mul3A_304 = arith.constant 3136 : i32
      %mul3A_305 = arith.muli %arg1, %mul3A_304 : i32
      %mul3A_306 = arith.constant 3136 : i32
      %mul3A_307 = arith.muli %arg1, %mul3A_306 : i32
      "tpu.region"() ({
        %run_scoped3A = tpu.sem_alloc : memref<!tpu.dma_semaphore, #tpu.memory_space<semaphore_mem>>
        %dma_start3A_308 = tpu.memref_slice %arg5[%mul3A_307] : memref<50176xf32, #tpu.memory_space<hbm>> -> memref<3136xf32, #tpu.memory_space<hbm>>
        %dma_start3A_309 = tpu.memref_slice %arg24[%mul3A_305] : memref<50176xf32, #tpu.memory_space<vmem_shared>> -> memref<3136xf32, #tpu.memory_space<vmem_shared>>
        tpu.enqueue_dma source(%dma_start3A_309 : memref<3136xf32, #tpu.memory_space<vmem_shared>>) target(%dma_start3A_308 : memref<3136xf32, #tpu.memory_space<hbm>>) target_semaphore(%run_scoped3A : memref<!tpu.dma_semaphore, #tpu.memory_space<semaphore_mem>>)
        %dma_wait3A_310 = tpu.memref_slice %arg5[%mul3A_307] : memref<50176xf32, #tpu.memory_space<hbm>> -> memref<3136xf32, #tpu.memory_space<hbm>>
        %dma_wait3A_311 = tpu.memref_slice %arg24[%mul3A_305] : memref<50176xf32, #tpu.memory_space<vmem_shared>> -> memref<3136xf32, #tpu.memory_space<vmem_shared>>
        tpu.wait_dma2 semaphore(%run_scoped3A : memref<!tpu.dma_semaphore, #tpu.memory_space<semaphore_mem>>) src(%dma_wait3A_311 : memref<3136xf32, #tpu.memory_space<vmem_shared>>) dst(%dma_wait3A_310 : memref<3136xf32, #tpu.memory_space<hbm>>)
        tpu.yield
      }) : () -> ()
    } else {
    }
    return
  }
}

#map = affine_map<(d0, d1) -> (0, 0, 0)>
module attributes {stable_mosaic.version = 14 : i64} {
  func.func @body(%arg0: i32, %arg1: i32, %arg2: memref<2x51200x32xf32, #tpu.memory_space<hbm>>, %arg3: memref<2x3200x256xi32, #tpu.memory_space<hbm>>, %arg4: memref<2x51200x32xf32, #tpu.memory_space<hbm>>, %arg5: memref<2x256xi32, #tpu.memory_space<vmem>>, %arg6: memref<2x256xi32, #tpu.memory_space<vmem>>, %arg7: memref<2x256xi32, #tpu.memory_space<vmem>>, %arg8: memref<256x32xf32, #tpu.memory_space<vmem>>, %arg9: memref<256x32xf32, #tpu.memory_space<vmem>>, %arg10: memref<256x32xf32, #tpu.memory_space<vmem>>, %arg11: memref<50176x32xf32, #tpu.memory_space<vmem_shared>>, %arg12: memref<!tpu.dma_semaphore, #tpu.memory_space<semaphore_mem>>, %arg13: memref<!tpu.dma_semaphore, #tpu.memory_space<semaphore_mem>>, %arg14: memref<!tpu.dma_semaphore, #tpu.memory_space<semaphore_mem>>, %arg15: memref<!tpu.dma_semaphore, #tpu.memory_space<semaphore_mem>>, %arg16: memref<!tpu.dma_semaphore, #tpu.memory_space<semaphore_mem>>, %arg17: memref<!tpu.dma_semaphore, #tpu.memory_space<semaphore_mem>>, %arg18: memref<!tpu.dma_semaphore, #tpu.memory_space<semaphore_mem>>, %arg19: memref<!tpu.dma_semaphore, #tpu.memory_space<semaphore_mem>>, %arg20: memref<!tpu.dma_semaphore, #tpu.memory_space<semaphore_mem>>) attributes {dimension_semantics = [#tpu.dimension_semantics<core_parallel>, #tpu.dimension_semantics<subcore_parallel>], iteration_bounds = array<i64: 2, 16>, scalar_prefetch = 0 : i64, scratch_operands = 16 : i64, tpu.core_type = #tpu.core_type<sc_vector_subcore>, window_params = [{transform_indices = #map}, {transform_indices = #map}, {transform_indices = #map}]} {
    %broadcast_in_dim3A = arith.constant 0.000000e+00 : f32
    %broadcast_in_dim3A_0 = vector.broadcast %broadcast_in_dim3A : f32 to vector<16xf32>
    %mul3A = arith.constant 200 : i32
    %mul3A_1 = arith.muli %arg1, %mul3A : i32
    %add3A = arith.constant 1 : i32
    %add3A_2 = arith.addi %mul3A_1, %add3A : i32
    %dma_start3A = arith.constant 0 : i32
    %dma_start3A_3 = arith.constant 0 : i32
    %dma_start3A_4 = arith.constant 0 : i32
    %dma_start3A_5 = tpu.memref_slice %arg6[%dma_start3A_3, %dma_start3A_4] : memref<2x256xi32, #tpu.memory_space<vmem>> -> memref<1x256xi32, #tpu.memory_space<vmem>>
    %dma_start3A_6 = tpu.memref_squeeze %dma_start3A_5 : memref<1x256xi32, #tpu.memory_space<vmem>> -> memref<256xi32, #tpu.memory_space<vmem>>
    %dma_start3A_7 = arith.constant 0 : i32
    %dma_start3A_8 = tpu.memref_slice %arg3[%dma_start3A, %add3A_2, %dma_start3A_7] : memref<2x3200x256xi32, #tpu.memory_space<hbm>> -> memref<1x1x256xi32, #tpu.memory_space<hbm>>
    %dma_start3A_9 = tpu.memref_squeeze %dma_start3A_8 : memref<1x1x256xi32, #tpu.memory_space<hbm>> -> memref<256xi32, #tpu.memory_space<hbm>>
    %dma_start3A_10 = arith.constant 0 : i32
    %dma_start3A_11 = tpu.memref_slice %arg6[%dma_start3A_3, %dma_start3A_10] : memref<2x256xi32, #tpu.memory_space<vmem>> -> memref<1x256xi32, #tpu.memory_space<vmem>>
    %dma_start3A_12 = tpu.memref_squeeze %dma_start3A_11 : memref<1x256xi32, #tpu.memory_space<vmem>> -> memref<256xi32, #tpu.memory_space<vmem>>
    %dma_start3A_13 = arith.constant 0 : i32
    %dma_start3A_14 = tpu.memref_slice %arg3[%dma_start3A, %add3A_2, %dma_start3A_13] : memref<2x3200x256xi32, #tpu.memory_space<hbm>> -> memref<1x1x256xi32, #tpu.memory_space<hbm>>
    %dma_start3A_15 = tpu.memref_squeeze %dma_start3A_14 : memref<1x1x256xi32, #tpu.memory_space<hbm>> -> memref<256xi32, #tpu.memory_space<hbm>>
    tpu.enqueue_dma source(%dma_start3A_15 : memref<256xi32, #tpu.memory_space<hbm>>) target(%dma_start3A_12 : memref<256xi32, #tpu.memory_space<vmem>>) target_semaphore(%arg13 : memref<!tpu.dma_semaphore, #tpu.memory_space<semaphore_mem>>)
    %dma_start3A_16 = arith.constant 1 : i32
    %dma_start3A_17 = arith.constant 1 : i32
    %dma_start3A_18 = arith.constant 0 : i32
    %dma_start3A_19 = tpu.memref_slice %arg6[%dma_start3A_17, %dma_start3A_18] : memref<2x256xi32, #tpu.memory_space<vmem>> -> memref<1x256xi32, #tpu.memory_space<vmem>>
    %dma_start3A_20 = tpu.memref_squeeze %dma_start3A_19 : memref<1x256xi32, #tpu.memory_space<vmem>> -> memref<256xi32, #tpu.memory_space<vmem>>
    %dma_start3A_21 = arith.constant 0 : i32
    %dma_start3A_22 = tpu.memref_slice %arg3[%dma_start3A_16, %add3A_2, %dma_start3A_21] : memref<2x3200x256xi32, #tpu.memory_space<hbm>> -> memref<1x1x256xi32, #tpu.memory_space<hbm>>
    %dma_start3A_23 = tpu.memref_squeeze %dma_start3A_22 : memref<1x1x256xi32, #tpu.memory_space<hbm>> -> memref<256xi32, #tpu.memory_space<hbm>>
    %dma_start3A_24 = arith.constant 0 : i32
    %dma_start3A_25 = tpu.memref_slice %arg6[%dma_start3A_17, %dma_start3A_24] : memref<2x256xi32, #tpu.memory_space<vmem>> -> memref<1x256xi32, #tpu.memory_space<vmem>>
    %dma_start3A_26 = tpu.memref_squeeze %dma_start3A_25 : memref<1x256xi32, #tpu.memory_space<vmem>> -> memref<256xi32, #tpu.memory_space<vmem>>
    %dma_start3A_27 = arith.constant 0 : i32
    %dma_start3A_28 = tpu.memref_slice %arg3[%dma_start3A_16, %add3A_2, %dma_start3A_27] : memref<2x3200x256xi32, #tpu.memory_space<hbm>> -> memref<1x1x256xi32, #tpu.memory_space<hbm>>
    %dma_start3A_29 = tpu.memref_squeeze %dma_start3A_28 : memref<1x1x256xi32, #tpu.memory_space<hbm>> -> memref<256xi32, #tpu.memory_space<hbm>>
    tpu.enqueue_dma source(%dma_start3A_29 : memref<256xi32, #tpu.memory_space<hbm>>) target(%dma_start3A_26 : memref<256xi32, #tpu.memory_space<vmem>>) target_semaphore(%arg13 : memref<!tpu.dma_semaphore, #tpu.memory_space<semaphore_mem>>)
    %dma_wait3A = arith.constant 0 : i32
    %dma_wait3A_30 = arith.constant 0 : i32
    %dma_wait3A_31 = arith.constant 0 : i32
    %dma_wait3A_32 = tpu.memref_slice %arg6[%dma_wait3A_30, %dma_wait3A_31] : memref<2x256xi32, #tpu.memory_space<vmem>> -> memref<1x256xi32, #tpu.memory_space<vmem>>
    %dma_wait3A_33 = tpu.memref_squeeze %dma_wait3A_32 : memref<1x256xi32, #tpu.memory_space<vmem>> -> memref<256xi32, #tpu.memory_space<vmem>>
    %dma_wait3A_34 = arith.constant 0 : i32
    %dma_wait3A_35 = tpu.memref_slice %arg3[%dma_wait3A, %add3A_2, %dma_wait3A_34] : memref<2x3200x256xi32, #tpu.memory_space<hbm>> -> memref<1x1x256xi32, #tpu.memory_space<hbm>>
    %dma_wait3A_36 = tpu.memref_squeeze %dma_wait3A_35 : memref<1x1x256xi32, #tpu.memory_space<hbm>> -> memref<256xi32, #tpu.memory_space<hbm>>
    %dma_wait3A_37 = arith.constant 0 : i32
    %dma_wait3A_38 = tpu.memref_slice %arg6[%dma_wait3A_30, %dma_wait3A_37] : memref<2x256xi32, #tpu.memory_space<vmem>> -> memref<1x256xi32, #tpu.memory_space<vmem>>
    %dma_wait3A_39 = tpu.memref_squeeze %dma_wait3A_38 : memref<1x256xi32, #tpu.memory_space<vmem>> -> memref<256xi32, #tpu.memory_space<vmem>>
    %dma_wait3A_40 = arith.constant 0 : i32
    %dma_wait3A_41 = tpu.memref_slice %arg3[%dma_wait3A, %add3A_2, %dma_wait3A_40] : memref<2x3200x256xi32, #tpu.memory_space<hbm>> -> memref<1x1x256xi32, #tpu.memory_space<hbm>>
    %dma_wait3A_42 = tpu.memref_squeeze %dma_wait3A_41 : memref<1x1x256xi32, #tpu.memory_space<hbm>> -> memref<256xi32, #tpu.memory_space<hbm>>
    tpu.wait_dma2 semaphore(%arg13 : memref<!tpu.dma_semaphore, #tpu.memory_space<semaphore_mem>>) src(%dma_wait3A_42 : memref<256xi32, #tpu.memory_space<hbm>>) dst(%dma_wait3A_39 : memref<256xi32, #tpu.memory_space<vmem>>)
    %dma_wait3A_43 = arith.constant 1 : i32
    %dma_wait3A_44 = arith.constant 1 : i32
    %dma_wait3A_45 = arith.constant 0 : i32
    %dma_wait3A_46 = tpu.memref_slice %arg6[%dma_wait3A_44, %dma_wait3A_45] : memref<2x256xi32, #tpu.memory_space<vmem>> -> memref<1x256xi32, #tpu.memory_space<vmem>>
    %dma_wait3A_47 = tpu.memref_squeeze %dma_wait3A_46 : memref<1x256xi32, #tpu.memory_space<vmem>> -> memref<256xi32, #tpu.memory_space<vmem>>
    %dma_wait3A_48 = arith.constant 0 : i32
    %dma_wait3A_49 = tpu.memref_slice %arg3[%dma_wait3A_43, %add3A_2, %dma_wait3A_48] : memref<2x3200x256xi32, #tpu.memory_space<hbm>> -> memref<1x1x256xi32, #tpu.memory_space<hbm>>
    %dma_wait3A_50 = tpu.memref_squeeze %dma_wait3A_49 : memref<1x1x256xi32, #tpu.memory_space<hbm>> -> memref<256xi32, #tpu.memory_space<hbm>>
    %dma_wait3A_51 = arith.constant 0 : i32
    %dma_wait3A_52 = tpu.memref_slice %arg6[%dma_wait3A_44, %dma_wait3A_51] : memref<2x256xi32, #tpu.memory_space<vmem>> -> memref<1x256xi32, #tpu.memory_space<vmem>>
    %dma_wait3A_53 = tpu.memref_squeeze %dma_wait3A_52 : memref<1x256xi32, #tpu.memory_space<vmem>> -> memref<256xi32, #tpu.memory_space<vmem>>
    %dma_wait3A_54 = arith.constant 0 : i32
    %dma_wait3A_55 = tpu.memref_slice %arg3[%dma_wait3A_43, %add3A_2, %dma_wait3A_54] : memref<2x3200x256xi32, #tpu.memory_space<hbm>> -> memref<1x1x256xi32, #tpu.memory_space<hbm>>
    %dma_wait3A_56 = tpu.memref_squeeze %dma_wait3A_55 : memref<1x1x256xi32, #tpu.memory_space<hbm>> -> memref<256xi32, #tpu.memory_space<hbm>>
    tpu.wait_dma2 semaphore(%arg13 : memref<!tpu.dma_semaphore, #tpu.memory_space<semaphore_mem>>) src(%dma_wait3A_56 : memref<256xi32, #tpu.memory_space<hbm>>) dst(%dma_wait3A_53 : memref<256xi32, #tpu.memory_space<vmem>>)
    %dma_start3A_57 = arith.constant 0 : i32
    %dma_start3A_58 = arith.constant 0 : i32
    %dma_start3A_59 = tpu.memref_slice %arg6[%dma_start3A_57, %dma_start3A_58] : memref<2x256xi32, #tpu.memory_space<vmem>> -> memref<1x256xi32, #tpu.memory_space<vmem>>
    %dma_start3A_60 = tpu.memref_squeeze %dma_start3A_59 : memref<1x256xi32, #tpu.memory_space<vmem>> -> memref<256xi32, #tpu.memory_space<vmem>>
    %dma_start3A_61 = arith.constant 0 : i32
    %dma_start3A_62 = arith.constant 0 : i32
    %dma_start3A_63 = tpu.memref_slice %arg2[%arg0, %dma_start3A_61, %dma_start3A_62] : memref<2x51200x32xf32, #tpu.memory_space<hbm>> -> memref<1x51200x32xf32, #tpu.memory_space<hbm>>
    %dma_start3A_64 = tpu.memref_squeeze %dma_start3A_63 : memref<1x51200x32xf32, #tpu.memory_space<hbm>> -> memref<51200x32xf32, #tpu.memory_space<hbm>>
    %dma_start3A_65 = arith.constant 0 : i32
    %dma_start3A_66 = arith.constant 0 : i32
    %dma_start3A_67 = tpu.memref_slice %dma_start3A_64[%dma_start3A_65, %dma_start3A_66] : memref<51200x32xf32, #tpu.memory_space<hbm>> -> memref<51200x32xf32, #tpu.memory_space<hbm>>
    tpu.enqueue_indirect_dma source(%dma_start3A_67 : memref<51200x32xf32, #tpu.memory_space<hbm>>) target(%arg9 : memref<256x32xf32, #tpu.memory_space<vmem>>) offsets(%dma_start3A_60 : memref<256xi32, #tpu.memory_space<vmem>>) semaphore(%arg16 : memref<!tpu.dma_semaphore, #tpu.memory_space<semaphore_mem>>)
    %add3A_68 = arith.constant 2 : i32
    %add3A_69 = arith.addi %mul3A_1, %add3A_68 : i32
    %dma_start3A_70 = arith.constant 0 : i32
    %dma_start3A_71 = arith.constant 0 : i32
    %dma_start3A_72 = arith.constant 0 : i32
    %dma_start3A_73 = tpu.memref_slice %arg7[%dma_start3A_71, %dma_start3A_72] : memref<2x256xi32, #tpu.memory_space<vmem>> -> memref<1x256xi32, #tpu.memory_space<vmem>>
    %dma_start3A_74 = tpu.memref_squeeze %dma_start3A_73 : memref<1x256xi32, #tpu.memory_space<vmem>> -> memref<256xi32, #tpu.memory_space<vmem>>
    %dma_start3A_75 = arith.constant 0 : i32
    %dma_start3A_76 = tpu.memref_slice %arg3[%dma_start3A_70, %add3A_69, %dma_start3A_75] : memref<2x3200x256xi32, #tpu.memory_space<hbm>> -> memref<1x1x256xi32, #tpu.memory_space<hbm>>
    %dma_start3A_77 = tpu.memref_squeeze %dma_start3A_76 : memref<1x1x256xi32, #tpu.memory_space<hbm>> -> memref<256xi32, #tpu.memory_space<hbm>>
    %dma_start3A_78 = arith.constant 0 : i32
    %dma_start3A_79 = tpu.memref_slice %arg7[%dma_start3A_71, %dma_start3A_78] : memref<2x256xi32, #tpu.memory_space<vmem>> -> memref<1x256xi32, #tpu.memory_space<vmem>>
    %dma_start3A_80 = tpu.memref_squeeze %dma_start3A_79 : memref<1x256xi32, #tpu.memory_space<vmem>> -> memref<256xi32, #tpu.memory_space<vmem>>
    %dma_start3A_81 = arith.constant 0 : i32
    %dma_start3A_82 = tpu.memref_slice %arg3[%dma_start3A_70, %add3A_69, %dma_start3A_81] : memref<2x3200x256xi32, #tpu.memory_space<hbm>> -> memref<1x1x256xi32, #tpu.memory_space<hbm>>
    %dma_start3A_83 = tpu.memref_squeeze %dma_start3A_82 : memref<1x1x256xi32, #tpu.memory_space<hbm>> -> memref<256xi32, #tpu.memory_space<hbm>>
    tpu.enqueue_dma source(%dma_start3A_83 : memref<256xi32, #tpu.memory_space<hbm>>) target(%dma_start3A_80 : memref<256xi32, #tpu.memory_space<vmem>>) target_semaphore(%arg14 : memref<!tpu.dma_semaphore, #tpu.memory_space<semaphore_mem>>)
    %dma_start3A_84 = arith.constant 1 : i32
    %dma_start3A_85 = arith.constant 1 : i32
    %dma_start3A_86 = arith.constant 0 : i32
    %dma_start3A_87 = tpu.memref_slice %arg7[%dma_start3A_85, %dma_start3A_86] : memref<2x256xi32, #tpu.memory_space<vmem>> -> memref<1x256xi32, #tpu.memory_space<vmem>>
    %dma_start3A_88 = tpu.memref_squeeze %dma_start3A_87 : memref<1x256xi32, #tpu.memory_space<vmem>> -> memref<256xi32, #tpu.memory_space<vmem>>
    %dma_start3A_89 = arith.constant 0 : i32
    %dma_start3A_90 = tpu.memref_slice %arg3[%dma_start3A_84, %add3A_69, %dma_start3A_89] : memref<2x3200x256xi32, #tpu.memory_space<hbm>> -> memref<1x1x256xi32, #tpu.memory_space<hbm>>
    %dma_start3A_91 = tpu.memref_squeeze %dma_start3A_90 : memref<1x1x256xi32, #tpu.memory_space<hbm>> -> memref<256xi32, #tpu.memory_space<hbm>>
    %dma_start3A_92 = arith.constant 0 : i32
    %dma_start3A_93 = tpu.memref_slice %arg7[%dma_start3A_85, %dma_start3A_92] : memref<2x256xi32, #tpu.memory_space<vmem>> -> memref<1x256xi32, #tpu.memory_space<vmem>>
    %dma_start3A_94 = tpu.memref_squeeze %dma_start3A_93 : memref<1x256xi32, #tpu.memory_space<vmem>> -> memref<256xi32, #tpu.memory_space<vmem>>
    %dma_start3A_95 = arith.constant 0 : i32
    %dma_start3A_96 = tpu.memref_slice %arg3[%dma_start3A_84, %add3A_69, %dma_start3A_95] : memref<2x3200x256xi32, #tpu.memory_space<hbm>> -> memref<1x1x256xi32, #tpu.memory_space<hbm>>
    %dma_start3A_97 = tpu.memref_squeeze %dma_start3A_96 : memref<1x1x256xi32, #tpu.memory_space<hbm>> -> memref<256xi32, #tpu.memory_space<hbm>>
    tpu.enqueue_dma source(%dma_start3A_97 : memref<256xi32, #tpu.memory_space<hbm>>) target(%dma_start3A_94 : memref<256xi32, #tpu.memory_space<vmem>>) target_semaphore(%arg14 : memref<!tpu.dma_semaphore, #tpu.memory_space<semaphore_mem>>)
    %dma_wait3A_98 = arith.constant 0 : i32
    %dma_wait3A_99 = arith.constant 0 : i32
    %dma_wait3A_100 = arith.constant 0 : i32
    %dma_wait3A_101 = tpu.memref_slice %arg7[%dma_wait3A_99, %dma_wait3A_100] : memref<2x256xi32, #tpu.memory_space<vmem>> -> memref<1x256xi32, #tpu.memory_space<vmem>>
    %dma_wait3A_102 = tpu.memref_squeeze %dma_wait3A_101 : memref<1x256xi32, #tpu.memory_space<vmem>> -> memref<256xi32, #tpu.memory_space<vmem>>
    %dma_wait3A_103 = arith.constant 0 : i32
    %dma_wait3A_104 = tpu.memref_slice %arg3[%dma_wait3A_98, %add3A_69, %dma_wait3A_103] : memref<2x3200x256xi32, #tpu.memory_space<hbm>> -> memref<1x1x256xi32, #tpu.memory_space<hbm>>
    %dma_wait3A_105 = tpu.memref_squeeze %dma_wait3A_104 : memref<1x1x256xi32, #tpu.memory_space<hbm>> -> memref<256xi32, #tpu.memory_space<hbm>>
    %dma_wait3A_106 = arith.constant 0 : i32
    %dma_wait3A_107 = tpu.memref_slice %arg7[%dma_wait3A_99, %dma_wait3A_106] : memref<2x256xi32, #tpu.memory_space<vmem>> -> memref<1x256xi32, #tpu.memory_space<vmem>>
    %dma_wait3A_108 = tpu.memref_squeeze %dma_wait3A_107 : memref<1x256xi32, #tpu.memory_space<vmem>> -> memref<256xi32, #tpu.memory_space<vmem>>
    %dma_wait3A_109 = arith.constant 0 : i32
    %dma_wait3A_110 = tpu.memref_slice %arg3[%dma_wait3A_98, %add3A_69, %dma_wait3A_109] : memref<2x3200x256xi32, #tpu.memory_space<hbm>> -> memref<1x1x256xi32, #tpu.memory_space<hbm>>
    %dma_wait3A_111 = tpu.memref_squeeze %dma_wait3A_110 : memref<1x1x256xi32, #tpu.memory_space<hbm>> -> memref<256xi32, #tpu.memory_space<hbm>>
    tpu.wait_dma2 semaphore(%arg14 : memref<!tpu.dma_semaphore, #tpu.memory_space<semaphore_mem>>) src(%dma_wait3A_111 : memref<256xi32, #tpu.memory_space<hbm>>) dst(%dma_wait3A_108 : memref<256xi32, #tpu.memory_space<vmem>>)
    %dma_wait3A_112 = arith.constant 1 : i32
    %dma_wait3A_113 = arith.constant 1 : i32
    %dma_wait3A_114 = arith.constant 0 : i32
    %dma_wait3A_115 = tpu.memref_slice %arg7[%dma_wait3A_113, %dma_wait3A_114] : memref<2x256xi32, #tpu.memory_space<vmem>> -> memref<1x256xi32, #tpu.memory_space<vmem>>
    %dma_wait3A_116 = tpu.memref_squeeze %dma_wait3A_115 : memref<1x256xi32, #tpu.memory_space<vmem>> -> memref<256xi32, #tpu.memory_space<vmem>>
    %dma_wait3A_117 = arith.constant 0 : i32
    %dma_wait3A_118 = tpu.memref_slice %arg3[%dma_wait3A_112, %add3A_69, %dma_wait3A_117] : memref<2x3200x256xi32, #tpu.memory_space<hbm>> -> memref<1x1x256xi32, #tpu.memory_space<hbm>>
    %dma_wait3A_119 = tpu.memref_squeeze %dma_wait3A_118 : memref<1x1x256xi32, #tpu.memory_space<hbm>> -> memref<256xi32, #tpu.memory_space<hbm>>
    %dma_wait3A_120 = arith.constant 0 : i32
    %dma_wait3A_121 = tpu.memref_slice %arg7[%dma_wait3A_113, %dma_wait3A_120] : memref<2x256xi32, #tpu.memory_space<vmem>> -> memref<1x256xi32, #tpu.memory_space<vmem>>
    %dma_wait3A_122 = tpu.memref_squeeze %dma_wait3A_121 : memref<1x256xi32, #tpu.memory_space<vmem>> -> memref<256xi32, #tpu.memory_space<vmem>>
    %dma_wait3A_123 = arith.constant 0 : i32
    %dma_wait3A_124 = tpu.memref_slice %arg3[%dma_wait3A_112, %add3A_69, %dma_wait3A_123] : memref<2x3200x256xi32, #tpu.memory_space<hbm>> -> memref<1x1x256xi32, #tpu.memory_space<hbm>>
    %dma_wait3A_125 = tpu.memref_squeeze %dma_wait3A_124 : memref<1x1x256xi32, #tpu.memory_space<hbm>> -> memref<256xi32, #tpu.memory_space<hbm>>
    tpu.wait_dma2 semaphore(%arg14 : memref<!tpu.dma_semaphore, #tpu.memory_space<semaphore_mem>>) src(%dma_wait3A_125 : memref<256xi32, #tpu.memory_space<hbm>>) dst(%dma_wait3A_122 : memref<256xi32, #tpu.memory_space<vmem>>)
    %dma_start3A_126 = arith.constant 0 : i32
    %dma_start3A_127 = arith.constant 0 : i32
    %dma_start3A_128 = tpu.memref_slice %arg7[%dma_start3A_126, %dma_start3A_127] : memref<2x256xi32, #tpu.memory_space<vmem>> -> memref<1x256xi32, #tpu.memory_space<vmem>>
    %dma_start3A_129 = tpu.memref_squeeze %dma_start3A_128 : memref<1x256xi32, #tpu.memory_space<vmem>> -> memref<256xi32, #tpu.memory_space<vmem>>
    %dma_start3A_130 = arith.constant 0 : i32
    %dma_start3A_131 = arith.constant 0 : i32
    %dma_start3A_132 = tpu.memref_slice %arg2[%arg0, %dma_start3A_130, %dma_start3A_131] : memref<2x51200x32xf32, #tpu.memory_space<hbm>> -> memref<1x51200x32xf32, #tpu.memory_space<hbm>>
    %dma_start3A_133 = tpu.memref_squeeze %dma_start3A_132 : memref<1x51200x32xf32, #tpu.memory_space<hbm>> -> memref<51200x32xf32, #tpu.memory_space<hbm>>
    %dma_start3A_134 = arith.constant 0 : i32
    %dma_start3A_135 = arith.constant 0 : i32
    %dma_start3A_136 = tpu.memref_slice %dma_start3A_133[%dma_start3A_134, %dma_start3A_135] : memref<51200x32xf32, #tpu.memory_space<hbm>> -> memref<51200x32xf32, #tpu.memory_space<hbm>>
    tpu.enqueue_indirect_dma source(%dma_start3A_136 : memref<51200x32xf32, #tpu.memory_space<hbm>>) target(%arg10 : memref<256x32xf32, #tpu.memory_space<vmem>>) offsets(%dma_start3A_129 : memref<256xi32, #tpu.memory_space<vmem>>) semaphore(%arg17 : memref<!tpu.dma_semaphore, #tpu.memory_space<semaphore_mem>>)
    %scan3A = arith.constant 0 : i32
    %scan3A_137 = arith.constant 256 : i32
    %scan3A_138 = arith.addi %scan3A, %scan3A_137 : i32
    %scan3A_139 = arith.constant 1 : i32
    scf.for %scan3A_277 = %scan3A to %scan3A_138 step %scan3A_139  : i32 {
      %mul3A_278 = arith.constant 1 : i32
      %mul3A_279 = arith.muli %scan3A_277, %mul3A_278 : i32
      %add3A_280 = arith.constant 0 : i32
      %add3A_281 = arith.addi %add3A_280, %mul3A_279 : i32
      %swap3A = arith.index_cast %add3A_281 : i32 to index
      %swap3A_282 = arith.constant 0 : index
      %swap3A_283 = tpu.vector_load %arg8[%swap3A, %swap3A_282] {strides = array<i32>} : memref<256x32xf32, #tpu.memory_space<vmem>>, vector<1x16xf32>,
      %swap3A_284 = vector.shape_cast %swap3A_283 : vector<1x16xf32> to vector<16xf32>
      %swap3A_285 = vector.shape_cast %broadcast_in_dim3A_0 : vector<16xf32> to vector<1x16xf32>
      tpu.vector_store %arg8[%swap3A, %swap3A_282], %swap3A_285 {strides = array<i32>} : memref<256x32xf32, #tpu.memory_space<vmem>>, vector<1x16xf32>,
      %swap3A_286 = arith.index_cast %add3A_281 : i32 to index
      %swap3A_287 = arith.constant 16 : index
      %swap3A_288 = tpu.vector_load %arg8[%swap3A_286, %swap3A_287] {strides = array<i32>} : memref<256x32xf32, #tpu.memory_space<vmem>>, vector<1x16xf32>,
      %swap3A_289 = vector.shape_cast %swap3A_288 : vector<1x16xf32> to vector<16xf32>
      %swap3A_290 = vector.shape_cast %broadcast_in_dim3A_0 : vector<16xf32> to vector<1x16xf32>
      tpu.vector_store %arg8[%swap3A_286, %swap3A_287], %swap3A_290 {strides = array<i32>} : memref<256x32xf32, #tpu.memory_space<vmem>>, vector<1x16xf32>,
    }
    %scan3A_140 = arith.constant 256 : i32
    %scan3A_141 = arith.constant 0 : i32
    %scan3A_142 = arith.constant 12 : i32
    %scan3A_143 = arith.addi %scan3A_141, %scan3A_142 : i32
    %scan3A_144 = arith.constant 1 : i32
    scf.for %scan3A_277 = %scan3A_141 to %scan3A_143 step %scan3A_144  : i32 {
      %mul3A_278 = arith.constant 1 : i32
      %mul3A_279 = arith.muli %scan3A_277, %mul3A_278 : i32
      %add3A_280 = arith.constant 0 : i32
      %add3A_281 = arith.addi %add3A_280, %mul3A_279 : i32
      %mul3A_282 = arith.constant 3136 : i32
      %mul3A_283 = arith.muli %arg1, %mul3A_282 : i32
      %mul3A_284 = arith.constant 256 : i32
      %mul3A_285 = arith.muli %add3A_281, %mul3A_284 : i32
      %add3A_286 = arith.addi %mul3A_283, %mul3A_285 : i32
      "tpu.region"() ({
        %run_scoped3A = tpu.sem_alloc : memref<!tpu.dma_semaphore, #tpu.memory_space<semaphore_mem>>
        %dma_start3A_287 = arith.constant 0 : i32
        %dma_start3A_288 = tpu.memref_slice %arg11[%add3A_286, %dma_start3A_287] : memref<50176x32xf32, #tpu.memory_space<vmem_shared>> -> memref<256x32xf32, #tpu.memory_space<vmem_shared>>
        %dma_start3A_289 = arith.constant 0 : i32
        %dma_start3A_290 = tpu.memref_slice %arg11[%add3A_286, %dma_start3A_289] : memref<50176x32xf32, #tpu.memory_space<vmem_shared>> -> memref<256x32xf32, #tpu.memory_space<vmem_shared>>
        tpu.enqueue_dma source(%arg8 : memref<256x32xf32, #tpu.memory_space<vmem>>) target(%dma_start3A_290 : memref<256x32xf32, #tpu.memory_space<vmem_shared>>) target_semaphore(%run_scoped3A : memref<!tpu.dma_semaphore, #tpu.memory_space<semaphore_mem>>)
        %dma_wait3A_291 = arith.constant 0 : i32
        %dma_wait3A_292 = tpu.memref_slice %arg11[%add3A_286, %dma_wait3A_291] : memref<50176x32xf32, #tpu.memory_space<vmem_shared>> -> memref<256x32xf32, #tpu.memory_space<vmem_shared>>
        %dma_wait3A_293 = arith.constant 0 : i32
        %dma_wait3A_294 = tpu.memref_slice %arg11[%add3A_286, %dma_wait3A_293] : memref<50176x32xf32, #tpu.memory_space<vmem_shared>> -> memref<256x32xf32, #tpu.memory_space<vmem_shared>>
        tpu.wait_dma2 semaphore(%run_scoped3A : memref<!tpu.dma_semaphore, #tpu.memory_space<semaphore_mem>>) src(%arg8 : memref<256x32xf32, #tpu.memory_space<vmem>>) dst(%dma_wait3A_294 : memref<256x32xf32, #tpu.memory_space<vmem_shared>>)
        tpu.yield
      }) : () -> ()
    }
    %scan3A_145 = arith.constant 12 : i32
    %mul3A_146 = arith.constant 3136 : i32
    %mul3A_147 = arith.muli %arg1, %mul3A_146 : i32
    %add3A_148 = arith.constant 3072 : i32
    %add3A_149 = arith.addi %mul3A_147, %add3A_148 : i32
    "tpu.region"() ({
      %run_scoped3A = tpu.sem_alloc : memref<!tpu.dma_semaphore, #tpu.memory_space<semaphore_mem>>
      %dma_start3A_277 = arith.constant 0 : i32
      %dma_start3A_278 = arith.constant 0 : i32
      %dma_start3A_279 = tpu.memref_slice %arg8[%dma_start3A_277, %dma_start3A_278] : memref<256x32xf32, #tpu.memory_space<vmem>> -> memref<64x32xf32, #tpu.memory_space<vmem>>
      %dma_start3A_280 = arith.constant 0 : i32
      %dma_start3A_281 = tpu.memref_slice %arg11[%add3A_149, %dma_start3A_280] : memref<50176x32xf32, #tpu.memory_space<vmem_shared>> -> memref<64x32xf32, #tpu.memory_space<vmem_shared>>
      %dma_start3A_282 = arith.constant 0 : i32
      %dma_start3A_283 = tpu.memref_slice %arg11[%add3A_149, %dma_start3A_282] : memref<50176x32xf32, #tpu.memory_space<vmem_shared>> -> memref<64x32xf32, #tpu.memory_space<vmem_shared>>
      %dma_start3A_284 = arith.constant 0 : i32
      %dma_start3A_285 = arith.constant 0 : i32
      %dma_start3A_286 = tpu.memref_slice %arg8[%dma_start3A_284, %dma_start3A_285] : memref<256x32xf32, #tpu.memory_space<vmem>> -> memref<64x32xf32, #tpu.memory_space<vmem>>
      tpu.enqueue_dma source(%dma_start3A_286 : memref<64x32xf32, #tpu.memory_space<vmem>>) target(%dma_start3A_283 : memref<64x32xf32, #tpu.memory_space<vmem_shared>>) target_semaphore(%run_scoped3A : memref<!tpu.dma_semaphore, #tpu.memory_space<semaphore_mem>>)
      %dma_wait3A_287 = arith.constant 0 : i32
      %dma_wait3A_288 = arith.constant 0 : i32
      %dma_wait3A_289 = tpu.memref_slice %arg8[%dma_wait3A_287, %dma_wait3A_288] : memref<256x32xf32, #tpu.memory_space<vmem>> -> memref<64x32xf32, #tpu.memory_space<vmem>>
      %dma_wait3A_290 = arith.constant 0 : i32
      %dma_wait3A_291 = tpu.memref_slice %arg11[%add3A_149, %dma_wait3A_290] : memref<50176x32xf32, #tpu.memory_space<vmem_shared>> -> memref<64x32xf32, #tpu.memory_space<vmem_shared>>
      %dma_wait3A_292 = arith.constant 0 : i32
      %dma_wait3A_293 = tpu.memref_slice %arg11[%add3A_149, %dma_wait3A_292] : memref<50176x32xf32, #tpu.memory_space<vmem_shared>> -> memref<64x32xf32, #tpu.memory_space<vmem_shared>>
      %dma_wait3A_294 = arith.constant 0 : i32
      %dma_wait3A_295 = arith.constant 0 : i32
      %dma_wait3A_296 = tpu.memref_slice %arg8[%dma_wait3A_294, %dma_wait3A_295] : memref<256x32xf32, #tpu.memory_space<vmem>> -> memref<64x32xf32, #tpu.memory_space<vmem>>
      tpu.wait_dma2 semaphore(%run_scoped3A : memref<!tpu.dma_semaphore, #tpu.memory_space<semaphore_mem>>) src(%dma_wait3A_296 : memref<64x32xf32, #tpu.memory_space<vmem>>) dst(%dma_wait3A_293 : memref<64x32xf32, #tpu.memory_space<vmem_shared>>)
      tpu.yield
    }) : () -> ()
    %dma_start3A_150 = arith.constant 0 : i32
    %dma_start3A_151 = arith.constant 0 : i32
    %dma_start3A_152 = arith.constant 0 : i32
    %dma_start3A_153 = tpu.memref_slice %arg5[%dma_start3A_151, %dma_start3A_152] : memref<2x256xi32, #tpu.memory_space<vmem>> -> memref<1x256xi32, #tpu.memory_space<vmem>>
    %dma_start3A_154 = tpu.memref_squeeze %dma_start3A_153 : memref<1x256xi32, #tpu.memory_space<vmem>> -> memref<256xi32, #tpu.memory_space<vmem>>
    %dma_start3A_155 = arith.constant 0 : i32
    %dma_start3A_156 = tpu.memref_slice %arg3[%dma_start3A_150, %mul3A_1, %dma_start3A_155] : memref<2x3200x256xi32, #tpu.memory_space<hbm>> -> memref<1x1x256xi32, #tpu.memory_space<hbm>>
    %dma_start3A_157 = tpu.memref_squeeze %dma_start3A_156 : memref<1x1x256xi32, #tpu.memory_space<hbm>> -> memref<256xi32, #tpu.memory_space<hbm>>
    %dma_start3A_158 = arith.constant 0 : i32
    %dma_start3A_159 = tpu.memref_slice %arg5[%dma_start3A_151, %dma_start3A_158] : memref<2x256xi32, #tpu.memory_space<vmem>> -> memref<1x256xi32, #tpu.memory_space<vmem>>
    %dma_start3A_160 = tpu.memref_squeeze %dma_start3A_159 : memref<1x256xi32, #tpu.memory_space<vmem>> -> memref<256xi32, #tpu.memory_space<vmem>>
    %dma_start3A_161 = arith.constant 0 : i32
    %dma_start3A_162 = tpu.memref_slice %arg3[%dma_start3A_150, %mul3A_1, %dma_start3A_161] : memref<2x3200x256xi32, #tpu.memory_space<hbm>> -> memref<1x1x256xi32, #tpu.memory_space<hbm>>
    %dma_start3A_163 = tpu.memref_squeeze %dma_start3A_162 : memref<1x1x256xi32, #tpu.memory_space<hbm>> -> memref<256xi32, #tpu.memory_space<hbm>>
    tpu.enqueue_dma source(%dma_start3A_163 : memref<256xi32, #tpu.memory_space<hbm>>) target(%dma_start3A_160 : memref<256xi32, #tpu.memory_space<vmem>>) target_semaphore(%arg12 : memref<!tpu.dma_semaphore, #tpu.memory_space<semaphore_mem>>)
    %dma_start3A_164 = arith.constant 1 : i32
    %dma_start3A_165 = arith.constant 1 : i32
    %dma_start3A_166 = arith.constant 0 : i32
    %dma_start3A_167 = tpu.memref_slice %arg5[%dma_start3A_165, %dma_start3A_166] : memref<2x256xi32, #tpu.memory_space<vmem>> -> memref<1x256xi32, #tpu.memory_space<vmem>>
    %dma_start3A_168 = tpu.memref_squeeze %dma_start3A_167 : memref<1x256xi32, #tpu.memory_space<vmem>> -> memref<256xi32, #tpu.memory_space<vmem>>
    %dma_start3A_169 = arith.constant 0 : i32
    %dma_start3A_170 = tpu.memref_slice %arg3[%dma_start3A_164, %mul3A_1, %dma_start3A_169] : memref<2x3200x256xi32, #tpu.memory_space<hbm>> -> memref<1x1x256xi32, #tpu.memory_space<hbm>>
    %dma_start3A_171 = tpu.memref_squeeze %dma_start3A_170 : memref<1x1x256xi32, #tpu.memory_space<hbm>> -> memref<256xi32, #tpu.memory_space<hbm>>
    %dma_start3A_172 = arith.constant 0 : i32
    %dma_start3A_173 = tpu.memref_slice %arg5[%dma_start3A_165, %dma_start3A_172] : memref<2x256xi32, #tpu.memory_space<vmem>> -> memref<1x256xi32, #tpu.memory_space<vmem>>
    %dma_start3A_174 = tpu.memref_squeeze %dma_start3A_173 : memref<1x256xi32, #tpu.memory_space<vmem>> -> memref<256xi32, #tpu.memory_space<vmem>>
    %dma_start3A_175 = arith.constant 0 : i32
    %dma_start3A_176 = tpu.memref_slice %arg3[%dma_start3A_164, %mul3A_1, %dma_start3A_175] : memref<2x3200x256xi32, #tpu.memory_space<hbm>> -> memref<1x1x256xi32, #tpu.memory_space<hbm>>
    %dma_start3A_177 = tpu.memref_squeeze %dma_start3A_176 : memref<1x1x256xi32, #tpu.memory_space<hbm>> -> memref<256xi32, #tpu.memory_space<hbm>>
    tpu.enqueue_dma source(%dma_start3A_177 : memref<256xi32, #tpu.memory_space<hbm>>) target(%dma_start3A_174 : memref<256xi32, #tpu.memory_space<vmem>>) target_semaphore(%arg12 : memref<!tpu.dma_semaphore, #tpu.memory_space<semaphore_mem>>)
    %dma_wait3A_178 = arith.constant 0 : i32
    %dma_wait3A_179 = arith.constant 0 : i32
    %dma_wait3A_180 = arith.constant 0 : i32
    %dma_wait3A_181 = tpu.memref_slice %arg5[%dma_wait3A_179, %dma_wait3A_180] : memref<2x256xi32, #tpu.memory_space<vmem>> -> memref<1x256xi32, #tpu.memory_space<vmem>>
    %dma_wait3A_182 = tpu.memref_squeeze %dma_wait3A_181 : memref<1x256xi32, #tpu.memory_space<vmem>> -> memref<256xi32, #tpu.memory_space<vmem>>
    %dma_wait3A_183 = arith.constant 0 : i32
    %dma_wait3A_184 = tpu.memref_slice %arg3[%dma_wait3A_178, %mul3A_1, %dma_wait3A_183] : memref<2x3200x256xi32, #tpu.memory_space<hbm>> -> memref<1x1x256xi32, #tpu.memory_space<hbm>>
    %dma_wait3A_185 = tpu.memref_squeeze %dma_wait3A_184 : memref<1x1x256xi32, #tpu.memory_space<hbm>> -> memref<256xi32, #tpu.memory_space<hbm>>
    %dma_wait3A_186 = arith.constant 0 : i32
    %dma_wait3A_187 = tpu.memref_slice %arg5[%dma_wait3A_179, %dma_wait3A_186] : memref<2x256xi32, #tpu.memory_space<vmem>> -> memref<1x256xi32, #tpu.memory_space<vmem>>
    %dma_wait3A_188 = tpu.memref_squeeze %dma_wait3A_187 : memref<1x256xi32, #tpu.memory_space<vmem>> -> memref<256xi32, #tpu.memory_space<vmem>>
    %dma_wait3A_189 = arith.constant 0 : i32
    %dma_wait3A_190 = tpu.memref_slice %arg3[%dma_wait3A_178, %mul3A_1, %dma_wait3A_189] : memref<2x3200x256xi32, #tpu.memory_space<hbm>> -> memref<1x1x256xi32, #tpu.memory_space<hbm>>
    %dma_wait3A_191 = tpu.memref_squeeze %dma_wait3A_190 : memref<1x1x256xi32, #tpu.memory_space<hbm>> -> memref<256xi32, #tpu.memory_space<hbm>>
    tpu.wait_dma2 semaphore(%arg12 : memref<!tpu.dma_semaphore, #tpu.memory_space<semaphore_mem>>) src(%dma_wait3A_191 : memref<256xi32, #tpu.memory_space<hbm>>) dst(%dma_wait3A_188 : memref<256xi32, #tpu.memory_space<vmem>>)
    %dma_wait3A_192 = arith.constant 1 : i32
    %dma_wait3A_193 = arith.constant 1 : i32
    %dma_wait3A_194 = arith.constant 0 : i32
    %dma_wait3A_195 = tpu.memref_slice %arg5[%dma_wait3A_193, %dma_wait3A_194] : memref<2x256xi32, #tpu.memory_space<vmem>> -> memref<1x256xi32, #tpu.memory_space<vmem>>
    %dma_wait3A_196 = tpu.memref_squeeze %dma_wait3A_195 : memref<1x256xi32, #tpu.memory_space<vmem>> -> memref<256xi32, #tpu.memory_space<vmem>>
    %dma_wait3A_197 = arith.constant 0 : i32
    %dma_wait3A_198 = tpu.memref_slice %arg3[%dma_wait3A_192, %mul3A_1, %dma_wait3A_197] : memref<2x3200x256xi32, #tpu.memory_space<hbm>> -> memref<1x1x256xi32, #tpu.memory_space<hbm>>
    %dma_wait3A_199 = tpu.memref_squeeze %dma_wait3A_198 : memref<1x1x256xi32, #tpu.memory_space<hbm>> -> memref<256xi32, #tpu.memory_space<hbm>>
    %dma_wait3A_200 = arith.constant 0 : i32
    %dma_wait3A_201 = tpu.memref_slice %arg5[%dma_wait3A_193, %dma_wait3A_200] : memref<2x256xi32, #tpu.memory_space<vmem>> -> memref<1x256xi32, #tpu.memory_space<vmem>>
    %dma_wait3A_202 = tpu.memref_squeeze %dma_wait3A_201 : memref<1x256xi32, #tpu.memory_space<vmem>> -> memref<256xi32, #tpu.memory_space<vmem>>
    %dma_wait3A_203 = arith.constant 0 : i32
    %dma_wait3A_204 = tpu.memref_slice %arg3[%dma_wait3A_192, %mul3A_1, %dma_wait3A_203] : memref<2x3200x256xi32, #tpu.memory_space<hbm>> -> memref<1x1x256xi32, #tpu.memory_space<hbm>>
    %dma_wait3A_205 = tpu.memref_squeeze %dma_wait3A_204 : memref<1x1x256xi32, #tpu.memory_space<hbm>> -> memref<256xi32, #tpu.memory_space<hbm>>
    tpu.wait_dma2 semaphore(%arg12 : memref<!tpu.dma_semaphore, #tpu.memory_space<semaphore_mem>>) src(%dma_wait3A_205 : memref<256xi32, #tpu.memory_space<hbm>>) dst(%dma_wait3A_202 : memref<256xi32, #tpu.memory_space<vmem>>)
    %dma_start3A_206 = arith.constant 0 : i32
    %dma_start3A_207 = arith.constant 0 : i32
    %dma_start3A_208 = tpu.memref_slice %arg5[%dma_start3A_206, %dma_start3A_207] : memref<2x256xi32, #tpu.memory_space<vmem>> -> memref<1x256xi32, #tpu.memory_space<vmem>>
    %dma_start3A_209 = tpu.memref_squeeze %dma_start3A_208 : memref<1x256xi32, #tpu.memory_space<vmem>> -> memref<256xi32, #tpu.memory_space<vmem>>
    %dma_start3A_210 = arith.constant 0 : i32
    %dma_start3A_211 = arith.constant 0 : i32
    %dma_start3A_212 = tpu.memref_slice %arg2[%arg0, %dma_start3A_210, %dma_start3A_211] : memref<2x51200x32xf32, #tpu.memory_space<hbm>> -> memref<1x51200x32xf32, #tpu.memory_space<hbm>>
    %dma_start3A_213 = tpu.memref_squeeze %dma_start3A_212 : memref<1x51200x32xf32, #tpu.memory_space<hbm>> -> memref<51200x32xf32, #tpu.memory_space<hbm>>
    %dma_start3A_214 = arith.constant 0 : i32
    %dma_start3A_215 = arith.constant 0 : i32
    %dma_start3A_216 = tpu.memref_slice %dma_start3A_213[%dma_start3A_214, %dma_start3A_215] : memref<51200x32xf32, #tpu.memory_space<hbm>> -> memref<51200x32xf32, #tpu.memory_space<hbm>>
    tpu.enqueue_indirect_dma source(%dma_start3A_216 : memref<51200x32xf32, #tpu.memory_space<hbm>>) target(%arg8 : memref<256x32xf32, #tpu.memory_space<vmem>>) offsets(%dma_start3A_209 : memref<256xi32, #tpu.memory_space<vmem>>) semaphore(%arg15 : memref<!tpu.dma_semaphore, #tpu.memory_space<semaphore_mem>>)
    %barrier3A = arith.constant 0 : index
    tpu.barrier barrier_id(%barrier3A)
    %scan3A_217 = arith.constant 0 : i32
    %scan3A_218 = arith.constant 66 : i32
    %scan3A_219 = arith.addi %scan3A_217, %scan3A_218 : i32
    %scan3A_220 = arith.constant 1 : i32
    scf.for %scan3A_277 = %scan3A_217 to %scan3A_219 step %scan3A_220  : i32 {
      %mul3A_278 = arith.constant 1 : i32
      %mul3A_279 = arith.muli %scan3A_277, %mul3A_278 : i32
      %add3A_280 = arith.constant 0 : i32
      %add3A_281 = arith.addi %add3A_280, %mul3A_279 : i32
      %mul3A_282 = arith.constant 3 : i32
      %mul3A_283 = arith.muli %mul3A_282, %add3A_281 : i32
      %add3A_284 = arith.addi %mul3A_1, %mul3A_283 : i32
      %dma_wait3A_285 = arith.constant 0 : i32
      %dma_wait3A_286 = arith.constant 0 : i32
      %dma_wait3A_287 = tpu.memref_slice %arg5[%dma_wait3A_285, %dma_wait3A_286] : memref<2x256xi32, #tpu.memory_space<vmem>> -> memref<1x256xi32, #tpu.memory_space<vmem>>
      %dma_wait3A_288 = tpu.memref_squeeze %dma_wait3A_287 : memref<1x256xi32, #tpu.memory_space<vmem>> -> memref<256xi32, #tpu.memory_space<vmem>>
      %dma_wait3A_289 = arith.constant 0 : i32
      %dma_wait3A_290 = arith.constant 0 : i32
      %dma_wait3A_291 = tpu.memref_slice %arg2[%arg0, %dma_wait3A_289, %dma_wait3A_290] : memref<2x51200x32xf32, #tpu.memory_space<hbm>> -> memref<1x51200x32xf32, #tpu.memory_space<hbm>>
      %dma_wait3A_292 = tpu.memref_squeeze %dma_wait3A_291 : memref<1x51200x32xf32, #tpu.memory_space<hbm>> -> memref<51200x32xf32, #tpu.memory_space<hbm>>
      %dma_wait3A_293 = arith.constant 0 : i32
      %dma_wait3A_294 = arith.constant 0 : i32
      %dma_wait3A_295 = tpu.memref_slice %dma_wait3A_292[%dma_wait3A_293, %dma_wait3A_294] : memref<51200x32xf32, #tpu.memory_space<hbm>> -> memref<51200x32xf32, #tpu.memory_space<hbm>>
      tpu.wait_indirect_dma semaphore(%arg15 : memref<!tpu.dma_semaphore, #tpu.memory_space<semaphore_mem>>) src(%dma_wait3A_295 : memref<51200x32xf32, #tpu.memory_space<hbm>>) dst(%arg8 : memref<256x32xf32, #tpu.memory_space<vmem>>)
      %dma_start3A_296 = arith.constant 1 : i32
      %dma_start3A_297 = arith.constant 0 : i32
      %dma_start3A_298 = tpu.memref_slice %arg5[%dma_start3A_296, %dma_start3A_297] : memref<2x256xi32, #tpu.memory_space<vmem>> -> memref<1x256xi32, #tpu.memory_space<vmem>>
      %dma_start3A_299 = tpu.memref_squeeze %dma_start3A_298 : memref<1x256xi32, #tpu.memory_space<vmem>> -> memref<256xi32, #tpu.memory_space<vmem>>
      %dma_start3A_300 = arith.constant 0 : i32
      %dma_start3A_301 = arith.constant 0 : i32
      %dma_start3A_302 = tpu.memref_slice %arg11[%dma_start3A_300, %dma_start3A_301] : memref<50176x32xf32, #tpu.memory_space<vmem_shared>> -> memref<50176x32xf32, #tpu.memory_space<vmem_shared>>
      tpu.enqueue_indirect_dma source(%arg8 : memref<256x32xf32, #tpu.memory_space<vmem>>) target(%dma_start3A_302 : memref<50176x32xf32, #tpu.memory_space<vmem_shared>>) offsets(%dma_start3A_299 : memref<256xi32, #tpu.memory_space<vmem>>) semaphore(%arg18 : memref<!tpu.dma_semaphore, #tpu.memory_space<semaphore_mem>>) {add = true}
      %dma_wait3A_303 = arith.constant 0 : i32
      %dma_wait3A_304 = arith.constant 0 : i32
      %dma_wait3A_305 = tpu.memref_slice %arg6[%dma_wait3A_303, %dma_wait3A_304] : memref<2x256xi32, #tpu.memory_space<vmem>> -> memref<1x256xi32, #tpu.memory_space<vmem>>
      %dma_wait3A_306 = tpu.memref_squeeze %dma_wait3A_305 : memref<1x256xi32, #tpu.memory_space<vmem>> -> memref<256xi32, #tpu.memory_space<vmem>>
      %dma_wait3A_307 = arith.constant 0 : i32
      %dma_wait3A_308 = arith.constant 0 : i32
      %dma_wait3A_309 = tpu.memref_slice %arg2[%arg0, %dma_wait3A_307, %dma_wait3A_308] : memref<2x51200x32xf32, #tpu.memory_space<hbm>> -> memref<1x51200x32xf32, #tpu.memory_space<hbm>>
      %dma_wait3A_310 = tpu.memref_squeeze %dma_wait3A_309 : memref<1x51200x32xf32, #tpu.memory_space<hbm>> -> memref<51200x32xf32, #tpu.memory_space<hbm>>
      %dma_wait3A_311 = arith.constant 0 : i32
      %dma_wait3A_312 = arith.constant 0 : i32
      %dma_wait3A_313 = tpu.memref_slice %dma_wait3A_310[%dma_wait3A_311, %dma_wait3A_312] : memref<51200x32xf32, #tpu.memory_space<hbm>> -> memref<51200x32xf32, #tpu.memory_space<hbm>>
      tpu.wait_indirect_dma semaphore(%arg16 : memref<!tpu.dma_semaphore, #tpu.memory_space<semaphore_mem>>) src(%dma_wait3A_313 : memref<51200x32xf32, #tpu.memory_space<hbm>>) dst(%arg9 : memref<256x32xf32, #tpu.memory_space<vmem>>)
      %dma_start3A_314 = arith.constant 1 : i32
      %dma_start3A_315 = arith.constant 0 : i32
      %dma_start3A_316 = tpu.memref_slice %arg6[%dma_start3A_314, %dma_start3A_315] : memref<2x256xi32, #tpu.memory_space<vmem>> -> memref<1x256xi32, #tpu.memory_space<vmem>>
      %dma_start3A_317 = tpu.memref_squeeze %dma_start3A_316 : memref<1x256xi32, #tpu.memory_space<vmem>> -> memref<256xi32, #tpu.memory_space<vmem>>
      %dma_start3A_318 = arith.constant 0 : i32
      %dma_start3A_319 = arith.constant 0 : i32
      %dma_start3A_320 = tpu.memref_slice %arg11[%dma_start3A_318, %dma_start3A_319] : memref<50176x32xf32, #tpu.memory_space<vmem_shared>> -> memref<50176x32xf32, #tpu.memory_space<vmem_shared>>
      tpu.enqueue_indirect_dma source(%arg9 : memref<256x32xf32, #tpu.memory_space<vmem>>) target(%dma_start3A_320 : memref<50176x32xf32, #tpu.memory_space<vmem_shared>>) offsets(%dma_start3A_317 : memref<256xi32, #tpu.memory_space<vmem>>) semaphore(%arg19 : memref<!tpu.dma_semaphore, #tpu.memory_space<semaphore_mem>>) {add = true}
      %dma_wait3A_321 = arith.constant 0 : i32
      %dma_wait3A_322 = arith.constant 0 : i32
      %dma_wait3A_323 = tpu.memref_slice %arg7[%dma_wait3A_321, %dma_wait3A_322] : memref<2x256xi32, #tpu.memory_space<vmem>> -> memref<1x256xi32, #tpu.memory_space<vmem>>
      %dma_wait3A_324 = tpu.memref_squeeze %dma_wait3A_323 : memref<1x256xi32, #tpu.memory_space<vmem>> -> memref<256xi32, #tpu.memory_space<vmem>>
      %dma_wait3A_325 = arith.constant 0 : i32
      %dma_wait3A_326 = arith.constant 0 : i32
      %dma_wait3A_327 = tpu.memref_slice %arg2[%arg0, %dma_wait3A_325, %dma_wait3A_326] : memref<2x51200x32xf32, #tpu.memory_space<hbm>> -> memref<1x51200x32xf32, #tpu.memory_space<hbm>>
      %dma_wait3A_328 = tpu.memref_squeeze %dma_wait3A_327 : memref<1x51200x32xf32, #tpu.memory_space<hbm>> -> memref<51200x32xf32, #tpu.memory_space<hbm>>
      %dma_wait3A_329 = arith.constant 0 : i32
      %dma_wait3A_330 = arith.constant 0 : i32
      %dma_wait3A_331 = tpu.memref_slice %dma_wait3A_328[%dma_wait3A_329, %dma_wait3A_330] : memref<51200x32xf32, #tpu.memory_space<hbm>> -> memref<51200x32xf32, #tpu.memory_space<hbm>>
      tpu.wait_indirect_dma semaphore(%arg17 : memref<!tpu.dma_semaphore, #tpu.memory_space<semaphore_mem>>) src(%dma_wait3A_331 : memref<51200x32xf32, #tpu.memory_space<hbm>>) dst(%arg10 : memref<256x32xf32, #tpu.memory_space<vmem>>)
      %dma_start3A_332 = arith.constant 1 : i32
      %dma_start3A_333 = arith.constant 0 : i32
      %dma_start3A_334 = tpu.memref_slice %arg7[%dma_start3A_332, %dma_start3A_333] : memref<2x256xi32, #tpu.memory_space<vmem>> -> memref<1x256xi32, #tpu.memory_space<vmem>>
      %dma_start3A_335 = tpu.memref_squeeze %dma_start3A_334 : memref<1x256xi32, #tpu.memory_space<vmem>> -> memref<256xi32, #tpu.memory_space<vmem>>
      %dma_start3A_336 = arith.constant 0 : i32
      %dma_start3A_337 = arith.constant 0 : i32
      %dma_start3A_338 = tpu.memref_slice %arg11[%dma_start3A_336, %dma_start3A_337] : memref<50176x32xf32, #tpu.memory_space<vmem_shared>> -> memref<50176x32xf32, #tpu.memory_space<vmem_shared>>
      tpu.enqueue_indirect_dma source(%arg10 : memref<256x32xf32, #tpu.memory_space<vmem>>) target(%dma_start3A_338 : memref<50176x32xf32, #tpu.memory_space<vmem_shared>>) offsets(%dma_start3A_335 : memref<256xi32, #tpu.memory_space<vmem>>) semaphore(%arg20 : memref<!tpu.dma_semaphore, #tpu.memory_space<semaphore_mem>>) {add = true}
      %dma_wait3A_339 = arith.constant 1 : i32
      %dma_wait3A_340 = arith.constant 0 : i32
      %dma_wait3A_341 = tpu.memref_slice %arg5[%dma_wait3A_339, %dma_wait3A_340] : memref<2x256xi32, #tpu.memory_space<vmem>> -> memref<1x256xi32, #tpu.memory_space<vmem>>
      %dma_wait3A_342 = tpu.memref_squeeze %dma_wait3A_341 : memref<1x256xi32, #tpu.memory_space<vmem>> -> memref<256xi32, #tpu.memory_space<vmem>>
      %dma_wait3A_343 = arith.constant 0 : i32
      %dma_wait3A_344 = arith.constant 0 : i32
      %dma_wait3A_345 = tpu.memref_slice %arg11[%dma_wait3A_343, %dma_wait3A_344] : memref<50176x32xf32, #tpu.memory_space<vmem_shared>> -> memref<50176x32xf32, #tpu.memory_space<vmem_shared>>
      tpu.wait_indirect_dma semaphore(%arg18 : memref<!tpu.dma_semaphore, #tpu.memory_space<semaphore_mem>>) src(%arg8 : memref<256x32xf32, #tpu.memory_space<vmem>>) dst(%dma_wait3A_345 : memref<50176x32xf32, #tpu.memory_space<vmem_shared>>)
      %add3A_346 = arith.constant 0 : i32
      %add3A_347 = arith.addi %add3A_284, %add3A_346 : i32
      %add3A_348 = arith.constant 3 : i32
      %add3A_349 = arith.addi %add3A_347, %add3A_348 : i32
      %dma_start3A_350 = arith.constant 0 : i32
      %dma_start3A_351 = arith.constant 0 : i32
      %dma_start3A_352 = arith.constant 0 : i32
      %dma_start3A_353 = tpu.memref_slice %arg5[%dma_start3A_351, %dma_start3A_352] : memref<2x256xi32, #tpu.memory_space<vmem>> -> memref<1x256xi32, #tpu.memory_space<vmem>>
      %dma_start3A_354 = tpu.memref_squeeze %dma_start3A_353 : memref<1x256xi32, #tpu.memory_space<vmem>> -> memref<256xi32, #tpu.memory_space<vmem>>
      %dma_start3A_355 = arith.constant 0 : i32
      %dma_start3A_356 = tpu.memref_slice %arg3[%dma_start3A_350, %add3A_349, %dma_start3A_355] : memref<2x3200x256xi32, #tpu.memory_space<hbm>> -> memref<1x1x256xi32, #tpu.memory_space<hbm>>
      %dma_start3A_357 = tpu.memref_squeeze %dma_start3A_356 : memref<1x1x256xi32, #tpu.memory_space<hbm>> -> memref<256xi32, #tpu.memory_space<hbm>>
      %dma_start3A_358 = arith.constant 0 : i32
      %dma_start3A_359 = tpu.memref_slice %arg5[%dma_start3A_351, %dma_start3A_358] : memref<2x256xi32, #tpu.memory_space<vmem>> -> memref<1x256xi32, #tpu.memory_space<vmem>>
      %dma_start3A_360 = tpu.memref_squeeze %dma_start3A_359 : memref<1x256xi32, #tpu.memory_space<vmem>> -> memref<256xi32, #tpu.memory_space<vmem>>
      %dma_start3A_361 = arith.constant 0 : i32
      %dma_start3A_362 = tpu.memref_slice %arg3[%dma_start3A_350, %add3A_349, %dma_start3A_361] : memref<2x3200x256xi32, #tpu.memory_space<hbm>> -> memref<1x1x256xi32, #tpu.memory_space<hbm>>
      %dma_start3A_363 = tpu.memref_squeeze %dma_start3A_362 : memref<1x1x256xi32, #tpu.memory_space<hbm>> -> memref<256xi32, #tpu.memory_space<hbm>>
      tpu.enqueue_dma source(%dma_start3A_363 : memref<256xi32, #tpu.memory_space<hbm>>) target(%dma_start3A_360 : memref<256xi32, #tpu.memory_space<vmem>>) target_semaphore(%arg12 : memref<!tpu.dma_semaphore, #tpu.memory_space<semaphore_mem>>)
      %dma_start3A_364 = arith.constant 1 : i32
      %dma_start3A_365 = arith.constant 1 : i32
      %dma_start3A_366 = arith.constant 0 : i32
      %dma_start3A_367 = tpu.memref_slice %arg5[%dma_start3A_365, %dma_start3A_366] : memref<2x256xi32, #tpu.memory_space<vmem>> -> memref<1x256xi32, #tpu.memory_space<vmem>>
      %dma_start3A_368 = tpu.memref_squeeze %dma_start3A_367 : memref<1x256xi32, #tpu.memory_space<vmem>> -> memref<256xi32, #tpu.memory_space<vmem>>
      %dma_start3A_369 = arith.constant 0 : i32
      %dma_start3A_370 = tpu.memref_slice %arg3[%dma_start3A_364, %add3A_349, %dma_start3A_369] : memref<2x3200x256xi32, #tpu.memory_space<hbm>> -> memref<1x1x256xi32, #tpu.memory_space<hbm>>
      %dma_start3A_371 = tpu.memref_squeeze %dma_start3A_370 : memref<1x1x256xi32, #tpu.memory_space<hbm>> -> memref<256xi32, #tpu.memory_space<hbm>>
      %dma_start3A_372 = arith.constant 0 : i32
      %dma_start3A_373 = tpu.memref_slice %arg5[%dma_start3A_365, %dma_start3A_372] : memref<2x256xi32, #tpu.memory_space<vmem>> -> memref<1x256xi32, #tpu.memory_space<vmem>>
      %dma_start3A_374 = tpu.memref_squeeze %dma_start3A_373 : memref<1x256xi32, #tpu.memory_space<vmem>> -> memref<256xi32, #tpu.memory_space<vmem>>
      %dma_start3A_375 = arith.constant 0 : i32
      %dma_start3A_376 = tpu.memref_slice %arg3[%dma_start3A_364, %add3A_349, %dma_start3A_375] : memref<2x3200x256xi32, #tpu.memory_space<hbm>> -> memref<1x1x256xi32, #tpu.memory_space<hbm>>
      %dma_start3A_377 = tpu.memref_squeeze %dma_start3A_376 : memref<1x1x256xi32, #tpu.memory_space<hbm>> -> memref<256xi32, #tpu.memory_space<hbm>>
      tpu.enqueue_dma source(%dma_start3A_377 : memref<256xi32, #tpu.memory_space<hbm>>) target(%dma_start3A_374 : memref<256xi32, #tpu.memory_space<vmem>>) target_semaphore(%arg12 : memref<!tpu.dma_semaphore, #tpu.memory_space<semaphore_mem>>)
      %dma_wait3A_378 = arith.constant 0 : i32
      %dma_wait3A_379 = arith.constant 0 : i32
      %dma_wait3A_380 = arith.constant 0 : i32
      %dma_wait3A_381 = tpu.memref_slice %arg5[%dma_wait3A_379, %dma_wait3A_380] : memref<2x256xi32, #tpu.memory_space<vmem>> -> memref<1x256xi32, #tpu.memory_space<vmem>>
      %dma_wait3A_382 = tpu.memref_squeeze %dma_wait3A_381 : memref<1x256xi32, #tpu.memory_space<vmem>> -> memref<256xi32, #tpu.memory_space<vmem>>
      %dma_wait3A_383 = arith.constant 0 : i32
      %dma_wait3A_384 = tpu.memref_slice %arg3[%dma_wait3A_378, %add3A_349, %dma_wait3A_383] : memref<2x3200x256xi32, #tpu.memory_space<hbm>> -> memref<1x1x256xi32, #tpu.memory_space<hbm>>
      %dma_wait3A_385 = tpu.memref_squeeze %dma_wait3A_384 : memref<1x1x256xi32, #tpu.memory_space<hbm>> -> memref<256xi32, #tpu.memory_space<hbm>>
      %dma_wait3A_386 = arith.constant 0 : i32
      %dma_wait3A_387 = tpu.memref_slice %arg5[%dma_wait3A_379, %dma_wait3A_386] : memref<2x256xi32, #tpu.memory_space<vmem>> -> memref<1x256xi32, #tpu.memory_space<vmem>>
      %dma_wait3A_388 = tpu.memref_squeeze %dma_wait3A_387 : memref<1x256xi32, #tpu.memory_space<vmem>> -> memref<256xi32, #tpu.memory_space<vmem>>
      %dma_wait3A_389 = arith.constant 0 : i32
      %dma_wait3A_390 = tpu.memref_slice %arg3[%dma_wait3A_378, %add3A_349, %dma_wait3A_389] : memref<2x3200x256xi32, #tpu.memory_space<hbm>> -> memref<1x1x256xi32, #tpu.memory_space<hbm>>
      %dma_wait3A_391 = tpu.memref_squeeze %dma_wait3A_390 : memref<1x1x256xi32, #tpu.memory_space<hbm>> -> memref<256xi32, #tpu.memory_space<hbm>>
      tpu.wait_dma2 semaphore(%arg12 : memref<!tpu.dma_semaphore, #tpu.memory_space<semaphore_mem>>) src(%dma_wait3A_391 : memref<256xi32, #tpu.memory_space<hbm>>) dst(%dma_wait3A_388 : memref<256xi32, #tpu.memory_space<vmem>>)
      %dma_wait3A_392 = arith.constant 1 : i32
      %dma_wait3A_393 = arith.constant 1 : i32
      %dma_wait3A_394 = arith.constant 0 : i32
      %dma_wait3A_395 = tpu.memref_slice %arg5[%dma_wait3A_393, %dma_wait3A_394] : memref<2x256xi32, #tpu.memory_space<vmem>> -> memref<1x256xi32, #tpu.memory_space<vmem>>
      %dma_wait3A_396 = tpu.memref_squeeze %dma_wait3A_395 : memref<1x256xi32, #tpu.memory_space<vmem>> -> memref<256xi32, #tpu.memory_space<vmem>>
      %dma_wait3A_397 = arith.constant 0 : i32
      %dma_wait3A_398 = tpu.memref_slice %arg3[%dma_wait3A_392, %add3A_349, %dma_wait3A_397] : memref<2x3200x256xi32, #tpu.memory_space<hbm>> -> memref<1x1x256xi32, #tpu.memory_space<hbm>>
      %dma_wait3A_399 = tpu.memref_squeeze %dma_wait3A_398 : memref<1x1x256xi32, #tpu.memory_space<hbm>> -> memref<256xi32, #tpu.memory_space<hbm>>
      %dma_wait3A_400 = arith.constant 0 : i32
      %dma_wait3A_401 = tpu.memref_slice %arg5[%dma_wait3A_393, %dma_wait3A_400] : memref<2x256xi32, #tpu.memory_space<vmem>> -> memref<1x256xi32, #tpu.memory_space<vmem>>
      %dma_wait3A_402 = tpu.memref_squeeze %dma_wait3A_401 : memref<1x256xi32, #tpu.memory_space<vmem>> -> memref<256xi32, #tpu.memory_space<vmem>>
      %dma_wait3A_403 = arith.constant 0 : i32
      %dma_wait3A_404 = tpu.memref_slice %arg3[%dma_wait3A_392, %add3A_349, %dma_wait3A_403] : memref<2x3200x256xi32, #tpu.memory_space<hbm>> -> memref<1x1x256xi32, #tpu.memory_space<hbm>>
      %dma_wait3A_405 = tpu.memref_squeeze %dma_wait3A_404 : memref<1x1x256xi32, #tpu.memory_space<hbm>> -> memref<256xi32, #tpu.memory_space<hbm>>
      tpu.wait_dma2 semaphore(%arg12 : memref<!tpu.dma_semaphore, #tpu.memory_space<semaphore_mem>>) src(%dma_wait3A_405 : memref<256xi32, #tpu.memory_space<hbm>>) dst(%dma_wait3A_402 : memref<256xi32, #tpu.memory_space<vmem>>)
      %dma_start3A_406 = arith.constant 0 : i32
      %dma_start3A_407 = arith.constant 0 : i32
      %dma_start3A_408 = tpu.memref_slice %arg5[%dma_start3A_406, %dma_start3A_407] : memref<2x256xi32, #tpu.memory_space<vmem>> -> memref<1x256xi32, #tpu.memory_space<vmem>>
      %dma_start3A_409 = tpu.memref_squeeze %dma_start3A_408 : memref<1x256xi32, #tpu.memory_space<vmem>> -> memref<256xi32, #tpu.memory_space<vmem>>
      %dma_start3A_410 = arith.constant 0 : i32
      %dma_start3A_411 = arith.constant 0 : i32
      %dma_start3A_412 = tpu.memref_slice %arg2[%arg0, %dma_start3A_410, %dma_start3A_411] : memref<2x51200x32xf32, #tpu.memory_space<hbm>> -> memref<1x51200x32xf32, #tpu.memory_space<hbm>>
      %dma_start3A_413 = tpu.memref_squeeze %dma_start3A_412 : memref<1x51200x32xf32, #tpu.memory_space<hbm>> -> memref<51200x32xf32, #tpu.memory_space<hbm>>
      %dma_start3A_414 = arith.constant 0 : i32
      %dma_start3A_415 = arith.constant 0 : i32
      %dma_start3A_416 = tpu.memref_slice %dma_start3A_413[%dma_start3A_414, %dma_start3A_415] : memref<51200x32xf32, #tpu.memory_space<hbm>> -> memref<51200x32xf32, #tpu.memory_space<hbm>>
      tpu.enqueue_indirect_dma source(%dma_start3A_416 : memref<51200x32xf32, #tpu.memory_space<hbm>>) target(%arg8 : memref<256x32xf32, #tpu.memory_space<vmem>>) offsets(%dma_start3A_409 : memref<256xi32, #tpu.memory_space<vmem>>) semaphore(%arg15 : memref<!tpu.dma_semaphore, #tpu.memory_space<semaphore_mem>>)
      %dma_wait3A_417 = arith.constant 1 : i32
      %dma_wait3A_418 = arith.constant 0 : i32
      %dma_wait3A_419 = tpu.memref_slice %arg6[%dma_wait3A_417, %dma_wait3A_418] : memref<2x256xi32, #tpu.memory_space<vmem>> -> memref<1x256xi32, #tpu.memory_space<vmem>>
      %dma_wait3A_420 = tpu.memref_squeeze %dma_wait3A_419 : memref<1x256xi32, #tpu.memory_space<vmem>> -> memref<256xi32, #tpu.memory_space<vmem>>
      %dma_wait3A_421 = arith.constant 0 : i32
      %dma_wait3A_422 = arith.constant 0 : i32
      %dma_wait3A_423 = tpu.memref_slice %arg11[%dma_wait3A_421, %dma_wait3A_422] : memref<50176x32xf32, #tpu.memory_space<vmem_shared>> -> memref<50176x32xf32, #tpu.memory_space<vmem_shared>>
      tpu.wait_indirect_dma semaphore(%arg19 : memref<!tpu.dma_semaphore, #tpu.memory_space<semaphore_mem>>) src(%arg9 : memref<256x32xf32, #tpu.memory_space<vmem>>) dst(%dma_wait3A_423 : memref<50176x32xf32, #tpu.memory_space<vmem_shared>>)
      %add3A_424 = arith.constant 1 : i32
      %add3A_425 = arith.addi %add3A_284, %add3A_424 : i32
      %add3A_426 = arith.constant 3 : i32
      %add3A_427 = arith.addi %add3A_425, %add3A_426 : i32
      %dma_start3A_428 = arith.constant 0 : i32
      %dma_start3A_429 = arith.constant 0 : i32
      %dma_start3A_430 = arith.constant 0 : i32
      %dma_start3A_431 = tpu.memref_slice %arg6[%dma_start3A_429, %dma_start3A_430] : memref<2x256xi32, #tpu.memory_space<vmem>> -> memref<1x256xi32, #tpu.memory_space<vmem>>
      %dma_start3A_432 = tpu.memref_squeeze %dma_start3A_431 : memref<1x256xi32, #tpu.memory_space<vmem>> -> memref<256xi32, #tpu.memory_space<vmem>>
      %dma_start3A_433 = arith.constant 0 : i32
      %dma_start3A_434 = tpu.memref_slice %arg3[%dma_start3A_428, %add3A_427, %dma_start3A_433] : memref<2x3200x256xi32, #tpu.memory_space<hbm>> -> memref<1x1x256xi32, #tpu.memory_space<hbm>>
      %dma_start3A_435 = tpu.memref_squeeze %dma_start3A_434 : memref<1x1x256xi32, #tpu.memory_space<hbm>> -> memref<256xi32, #tpu.memory_space<hbm>>
      %dma_start3A_436 = arith.constant 0 : i32
      %dma_start3A_437 = tpu.memref_slice %arg6[%dma_start3A_429, %dma_start3A_436] : memref<2x256xi32, #tpu.memory_space<vmem>> -> memref<1x256xi32, #tpu.memory_space<vmem>>
      %dma_start3A_438 = tpu.memref_squeeze %dma_start3A_437 : memref<1x256xi32, #tpu.memory_space<vmem>> -> memref<256xi32, #tpu.memory_space<vmem>>
      %dma_start3A_439 = arith.constant 0 : i32
      %dma_start3A_440 = tpu.memref_slice %arg3[%dma_start3A_428, %add3A_427, %dma_start3A_439] : memref<2x3200x256xi32, #tpu.memory_space<hbm>> -> memref<1x1x256xi32, #tpu.memory_space<hbm>>
      %dma_start3A_441 = tpu.memref_squeeze %dma_start3A_440 : memref<1x1x256xi32, #tpu.memory_space<hbm>> -> memref<256xi32, #tpu.memory_space<hbm>>
      tpu.enqueue_dma source(%dma_start3A_441 : memref<256xi32, #tpu.memory_space<hbm>>) target(%dma_start3A_438 : memref<256xi32, #tpu.memory_space<vmem>>) target_semaphore(%arg13 : memref<!tpu.dma_semaphore, #tpu.memory_space<semaphore_mem>>)
      %dma_start3A_442 = arith.constant 1 : i32
      %dma_start3A_443 = arith.constant 1 : i32
      %dma_start3A_444 = arith.constant 0 : i32
      %dma_start3A_445 = tpu.memref_slice %arg6[%dma_start3A_443, %dma_start3A_444] : memref<2x256xi32, #tpu.memory_space<vmem>> -> memref<1x256xi32, #tpu.memory_space<vmem>>
      %dma_start3A_446 = tpu.memref_squeeze %dma_start3A_445 : memref<1x256xi32, #tpu.memory_space<vmem>> -> memref<256xi32, #tpu.memory_space<vmem>>
      %dma_start3A_447 = arith.constant 0 : i32
      %dma_start3A_448 = tpu.memref_slice %arg3[%dma_start3A_442, %add3A_427, %dma_start3A_447] : memref<2x3200x256xi32, #tpu.memory_space<hbm>> -> memref<1x1x256xi32, #tpu.memory_space<hbm>>
      %dma_start3A_449 = tpu.memref_squeeze %dma_start3A_448 : memref<1x1x256xi32, #tpu.memory_space<hbm>> -> memref<256xi32, #tpu.memory_space<hbm>>
      %dma_start3A_450 = arith.constant 0 : i32
      %dma_start3A_451 = tpu.memref_slice %arg6[%dma_start3A_443, %dma_start3A_450] : memref<2x256xi32, #tpu.memory_space<vmem>> -> memref<1x256xi32, #tpu.memory_space<vmem>>
      %dma_start3A_452 = tpu.memref_squeeze %dma_start3A_451 : memref<1x256xi32, #tpu.memory_space<vmem>> -> memref<256xi32, #tpu.memory_space<vmem>>
      %dma_start3A_453 = arith.constant 0 : i32
      %dma_start3A_454 = tpu.memref_slice %arg3[%dma_start3A_442, %add3A_427, %dma_start3A_453] : memref<2x3200x256xi32, #tpu.memory_space<hbm>> -> memref<1x1x256xi32, #tpu.memory_space<hbm>>
      %dma_start3A_455 = tpu.memref_squeeze %dma_start3A_454 : memref<1x1x256xi32, #tpu.memory_space<hbm>> -> memref<256xi32, #tpu.memory_space<hbm>>
      tpu.enqueue_dma source(%dma_start3A_455 : memref<256xi32, #tpu.memory_space<hbm>>) target(%dma_start3A_452 : memref<256xi32, #tpu.memory_space<vmem>>) target_semaphore(%arg13 : memref<!tpu.dma_semaphore, #tpu.memory_space<semaphore_mem>>)
      %dma_wait3A_456 = arith.constant 0 : i32
      %dma_wait3A_457 = arith.constant 0 : i32
      %dma_wait3A_458 = arith.constant 0 : i32
      %dma_wait3A_459 = tpu.memref_slice %arg6[%dma_wait3A_457, %dma_wait3A_458] : memref<2x256xi32, #tpu.memory_space<vmem>> -> memref<1x256xi32, #tpu.memory_space<vmem>>
      %dma_wait3A_460 = tpu.memref_squeeze %dma_wait3A_459 : memref<1x256xi32, #tpu.memory_space<vmem>> -> memref<256xi32, #tpu.memory_space<vmem>>
      %dma_wait3A_461 = arith.constant 0 : i32
      %dma_wait3A_462 = tpu.memref_slice %arg3[%dma_wait3A_456, %add3A_427, %dma_wait3A_461] : memref<2x3200x256xi32, #tpu.memory_space<hbm>> -> memref<1x1x256xi32, #tpu.memory_space<hbm>>
      %dma_wait3A_463 = tpu.memref_squeeze %dma_wait3A_462 : memref<1x1x256xi32, #tpu.memory_space<hbm>> -> memref<256xi32, #tpu.memory_space<hbm>>
      %dma_wait3A_464 = arith.constant 0 : i32
      %dma_wait3A_465 = tpu.memref_slice %arg6[%dma_wait3A_457, %dma_wait3A_464] : memref<2x256xi32, #tpu.memory_space<vmem>> -> memref<1x256xi32, #tpu.memory_space<vmem>>
      %dma_wait3A_466 = tpu.memref_squeeze %dma_wait3A_465 : memref<1x256xi32, #tpu.memory_space<vmem>> -> memref<256xi32, #tpu.memory_space<vmem>>
      %dma_wait3A_467 = arith.constant 0 : i32
      %dma_wait3A_468 = tpu.memref_slice %arg3[%dma_wait3A_456, %add3A_427, %dma_wait3A_467] : memref<2x3200x256xi32, #tpu.memory_space<hbm>> -> memref<1x1x256xi32, #tpu.memory_space<hbm>>
      %dma_wait3A_469 = tpu.memref_squeeze %dma_wait3A_468 : memref<1x1x256xi32, #tpu.memory_space<hbm>> -> memref<256xi32, #tpu.memory_space<hbm>>
      tpu.wait_dma2 semaphore(%arg13 : memref<!tpu.dma_semaphore, #tpu.memory_space<semaphore_mem>>) src(%dma_wait3A_469 : memref<256xi32, #tpu.memory_space<hbm>>) dst(%dma_wait3A_466 : memref<256xi32, #tpu.memory_space<vmem>>)
      %dma_wait3A_470 = arith.constant 1 : i32
      %dma_wait3A_471 = arith.constant 1 : i32
      %dma_wait3A_472 = arith.constant 0 : i32
      %dma_wait3A_473 = tpu.memref_slice %arg6[%dma_wait3A_471, %dma_wait3A_472] : memref<2x256xi32, #tpu.memory_space<vmem>> -> memref<1x256xi32, #tpu.memory_space<vmem>>
      %dma_wait3A_474 = tpu.memref_squeeze %dma_wait3A_473 : memref<1x256xi32, #tpu.memory_space<vmem>> -> memref<256xi32, #tpu.memory_space<vmem>>
      %dma_wait3A_475 = arith.constant 0 : i32
      %dma_wait3A_476 = tpu.memref_slice %arg3[%dma_wait3A_470, %add3A_427, %dma_wait3A_475] : memref<2x3200x256xi32, #tpu.memory_space<hbm>> -> memref<1x1x256xi32, #tpu.memory_space<hbm>>
      %dma_wait3A_477 = tpu.memref_squeeze %dma_wait3A_476 : memref<1x1x256xi32, #tpu.memory_space<hbm>> -> memref<256xi32, #tpu.memory_space<hbm>>
      %dma_wait3A_478 = arith.constant 0 : i32
      %dma_wait3A_479 = tpu.memref_slice %arg6[%dma_wait3A_471, %dma_wait3A_478] : memref<2x256xi32, #tpu.memory_space<vmem>> -> memref<1x256xi32, #tpu.memory_space<vmem>>
      %dma_wait3A_480 = tpu.memref_squeeze %dma_wait3A_479 : memref<1x256xi32, #tpu.memory_space<vmem>> -> memref<256xi32, #tpu.memory_space<vmem>>
      %dma_wait3A_481 = arith.constant 0 : i32
      %dma_wait3A_482 = tpu.memref_slice %arg3[%dma_wait3A_470, %add3A_427, %dma_wait3A_481] : memref<2x3200x256xi32, #tpu.memory_space<hbm>> -> memref<1x1x256xi32, #tpu.memory_space<hbm>>
      %dma_wait3A_483 = tpu.memref_squeeze %dma_wait3A_482 : memref<1x1x256xi32, #tpu.memory_space<hbm>> -> memref<256xi32, #tpu.memory_space<hbm>>
      tpu.wait_dma2 semaphore(%arg13 : memref<!tpu.dma_semaphore, #tpu.memory_space<semaphore_mem>>) src(%dma_wait3A_483 : memref<256xi32, #tpu.memory_space<hbm>>) dst(%dma_wait3A_480 : memref<256xi32, #tpu.memory_space<vmem>>)
      %dma_start3A_484 = arith.constant 0 : i32
      %dma_start3A_485 = arith.constant 0 : i32
      %dma_start3A_486 = tpu.memref_slice %arg6[%dma_start3A_484, %dma_start3A_485] : memref<2x256xi32, #tpu.memory_space<vmem>> -> memref<1x256xi32, #tpu.memory_space<vmem>>
      %dma_start3A_487 = tpu.memref_squeeze %dma_start3A_486 : memref<1x256xi32, #tpu.memory_space<vmem>> -> memref<256xi32, #tpu.memory_space<vmem>>
      %dma_start3A_488 = arith.constant 0 : i32
      %dma_start3A_489 = arith.constant 0 : i32
      %dma_start3A_490 = tpu.memref_slice %arg2[%arg0, %dma_start3A_488, %dma_start3A_489] : memref<2x51200x32xf32, #tpu.memory_space<hbm>> -> memref<1x51200x32xf32, #tpu.memory_space<hbm>>
      %dma_start3A_491 = tpu.memref_squeeze %dma_start3A_490 : memref<1x51200x32xf32, #tpu.memory_space<hbm>> -> memref<51200x32xf32, #tpu.memory_space<hbm>>
      %dma_start3A_492 = arith.constant 0 : i32
      %dma_start3A_493 = arith.constant 0 : i32
      %dma_start3A_494 = tpu.memref_slice %dma_start3A_491[%dma_start3A_492, %dma_start3A_493] : memref<51200x32xf32, #tpu.memory_space<hbm>> -> memref<51200x32xf32, #tpu.memory_space<hbm>>
      tpu.enqueue_indirect_dma source(%dma_start3A_494 : memref<51200x32xf32, #tpu.memory_space<hbm>>) target(%arg9 : memref<256x32xf32, #tpu.memory_space<vmem>>) offsets(%dma_start3A_487 : memref<256xi32, #tpu.memory_space<vmem>>) semaphore(%arg16 : memref<!tpu.dma_semaphore, #tpu.memory_space<semaphore_mem>>)
      %dma_wait3A_495 = arith.constant 1 : i32
      %dma_wait3A_496 = arith.constant 0 : i32
      %dma_wait3A_497 = tpu.memref_slice %arg7[%dma_wait3A_495, %dma_wait3A_496] : memref<2x256xi32, #tpu.memory_space<vmem>> -> memref<1x256xi32, #tpu.memory_space<vmem>>
      %dma_wait3A_498 = tpu.memref_squeeze %dma_wait3A_497 : memref<1x256xi32, #tpu.memory_space<vmem>> -> memref<256xi32, #tpu.memory_space<vmem>>
      %dma_wait3A_499 = arith.constant 0 : i32
      %dma_wait3A_500 = arith.constant 0 : i32
      %dma_wait3A_501 = tpu.memref_slice %arg11[%dma_wait3A_499, %dma_wait3A_500] : memref<50176x32xf32, #tpu.memory_space<vmem_shared>> -> memref<50176x32xf32, #tpu.memory_space<vmem_shared>>
      tpu.wait_indirect_dma semaphore(%arg20 : memref<!tpu.dma_semaphore, #tpu.memory_space<semaphore_mem>>) src(%arg10 : memref<256x32xf32, #tpu.memory_space<vmem>>) dst(%dma_wait3A_501 : memref<50176x32xf32, #tpu.memory_space<vmem_shared>>)
      %lt3A = arith.constant 65 : i32
      %lt3A_502 = arith.cmpi slt, %add3A_281, %lt3A : i32
      %convert_element_type3A = arith.extui %lt3A_502 : i1 to i32
      %cond3A = arith.constant 0 : i32
      %cond3A_503 = arith.cmpi ne, %convert_element_type3A, %cond3A : i32
      scf.if %cond3A_503 {
        %add3A_504 = arith.constant 5 : i32
        %add3A_505 = arith.addi %add3A_284, %add3A_504 : i32
        %dma_start3A_506 = arith.constant 0 : i32
        %dma_start3A_507 = arith.constant 0 : i32
        %dma_start3A_508 = arith.constant 0 : i32
        %dma_start3A_509 = tpu.memref_slice %arg7[%dma_start3A_507, %dma_start3A_508] : memref<2x256xi32, #tpu.memory_space<vmem>> -> memref<1x256xi32, #tpu.memory_space<vmem>>
        %dma_start3A_510 = tpu.memref_squeeze %dma_start3A_509 : memref<1x256xi32, #tpu.memory_space<vmem>> -> memref<256xi32, #tpu.memory_space<vmem>>
        %dma_start3A_511 = arith.constant 0 : i32
        %dma_start3A_512 = tpu.memref_slice %arg3[%dma_start3A_506, %add3A_505, %dma_start3A_511] : memref<2x3200x256xi32, #tpu.memory_space<hbm>> -> memref<1x1x256xi32, #tpu.memory_space<hbm>>
        %dma_start3A_513 = tpu.memref_squeeze %dma_start3A_512 : memref<1x1x256xi32, #tpu.memory_space<hbm>> -> memref<256xi32, #tpu.memory_space<hbm>>
        %dma_start3A_514 = arith.constant 0 : i32
        %dma_start3A_515 = tpu.memref_slice %arg7[%dma_start3A_507, %dma_start3A_514] : memref<2x256xi32, #tpu.memory_space<vmem>> -> memref<1x256xi32, #tpu.memory_space<vmem>>
        %dma_start3A_516 = tpu.memref_squeeze %dma_start3A_515 : memref<1x256xi32, #tpu.memory_space<vmem>> -> memref<256xi32, #tpu.memory_space<vmem>>
        %dma_start3A_517 = arith.constant 0 : i32
        %dma_start3A_518 = tpu.memref_slice %arg3[%dma_start3A_506, %add3A_505, %dma_start3A_517] : memref<2x3200x256xi32, #tpu.memory_space<hbm>> -> memref<1x1x256xi32, #tpu.memory_space<hbm>>
        %dma_start3A_519 = tpu.memref_squeeze %dma_start3A_518 : memref<1x1x256xi32, #tpu.memory_space<hbm>> -> memref<256xi32, #tpu.memory_space<hbm>>
        tpu.enqueue_dma source(%dma_start3A_519 : memref<256xi32, #tpu.memory_space<hbm>>) target(%dma_start3A_516 : memref<256xi32, #tpu.memory_space<vmem>>) target_semaphore(%arg14 : memref<!tpu.dma_semaphore, #tpu.memory_space<semaphore_mem>>)
        %dma_start3A_520 = arith.constant 1 : i32
        %dma_start3A_521 = arith.constant 1 : i32
        %dma_start3A_522 = arith.constant 0 : i32
        %dma_start3A_523 = tpu.memref_slice %arg7[%dma_start3A_521, %dma_start3A_522] : memref<2x256xi32, #tpu.memory_space<vmem>> -> memref<1x256xi32, #tpu.memory_space<vmem>>
        %dma_start3A_524 = tpu.memref_squeeze %dma_start3A_523 : memref<1x256xi32, #tpu.memory_space<vmem>> -> memref<256xi32, #tpu.memory_space<vmem>>
        %dma_start3A_525 = arith.constant 0 : i32
        %dma_start3A_526 = tpu.memref_slice %arg3[%dma_start3A_520, %add3A_505, %dma_start3A_525] : memref<2x3200x256xi32, #tpu.memory_space<hbm>> -> memref<1x1x256xi32, #tpu.memory_space<hbm>>
        %dma_start3A_527 = tpu.memref_squeeze %dma_start3A_526 : memref<1x1x256xi32, #tpu.memory_space<hbm>> -> memref<256xi32, #tpu.memory_space<hbm>>
        %dma_start3A_528 = arith.constant 0 : i32
        %dma_start3A_529 = tpu.memref_slice %arg7[%dma_start3A_521, %dma_start3A_528] : memref<2x256xi32, #tpu.memory_space<vmem>> -> memref<1x256xi32, #tpu.memory_space<vmem>>
        %dma_start3A_530 = tpu.memref_squeeze %dma_start3A_529 : memref<1x256xi32, #tpu.memory_space<vmem>> -> memref<256xi32, #tpu.memory_space<vmem>>
        %dma_start3A_531 = arith.constant 0 : i32
        %dma_start3A_532 = tpu.memref_slice %arg3[%dma_start3A_520, %add3A_505, %dma_start3A_531] : memref<2x3200x256xi32, #tpu.memory_space<hbm>> -> memref<1x1x256xi32, #tpu.memory_space<hbm>>
        %dma_start3A_533 = tpu.memref_squeeze %dma_start3A_532 : memref<1x1x256xi32, #tpu.memory_space<hbm>> -> memref<256xi32, #tpu.memory_space<hbm>>
        tpu.enqueue_dma source(%dma_start3A_533 : memref<256xi32, #tpu.memory_space<hbm>>) target(%dma_start3A_530 : memref<256xi32, #tpu.memory_space<vmem>>) target_semaphore(%arg14 : memref<!tpu.dma_semaphore, #tpu.memory_space<semaphore_mem>>)
        %dma_wait3A_534 = arith.constant 0 : i32
        %dma_wait3A_535 = arith.constant 0 : i32
        %dma_wait3A_536 = arith.constant 0 : i32
        %dma_wait3A_537 = tpu.memref_slice %arg7[%dma_wait3A_535, %dma_wait3A_536] : memref<2x256xi32, #tpu.memory_space<vmem>> -> memref<1x256xi32, #tpu.memory_space<vmem>>
        %dma_wait3A_538 = tpu.memref_squeeze %dma_wait3A_537 : memref<1x256xi32, #tpu.memory_space<vmem>> -> memref<256xi32, #tpu.memory_space<vmem>>
        %dma_wait3A_539 = arith.constant 0 : i32
        %dma_wait3A_540 = tpu.memref_slice %arg3[%dma_wait3A_534, %add3A_505, %dma_wait3A_539] : memref<2x3200x256xi32, #tpu.memory_space<hbm>> -> memref<1x1x256xi32, #tpu.memory_space<hbm>>
        %dma_wait3A_541 = tpu.memref_squeeze %dma_wait3A_540 : memref<1x1x256xi32, #tpu.memory_space<hbm>> -> memref<256xi32, #tpu.memory_space<hbm>>
        %dma_wait3A_542 = arith.constant 0 : i32
        %dma_wait3A_543 = tpu.memref_slice %arg7[%dma_wait3A_535, %dma_wait3A_542] : memref<2x256xi32, #tpu.memory_space<vmem>> -> memref<1x256xi32, #tpu.memory_space<vmem>>
        %dma_wait3A_544 = tpu.memref_squeeze %dma_wait3A_543 : memref<1x256xi32, #tpu.memory_space<vmem>> -> memref<256xi32, #tpu.memory_space<vmem>>
        %dma_wait3A_545 = arith.constant 0 : i32
        %dma_wait3A_546 = tpu.memref_slice %arg3[%dma_wait3A_534, %add3A_505, %dma_wait3A_545] : memref<2x3200x256xi32, #tpu.memory_space<hbm>> -> memref<1x1x256xi32, #tpu.memory_space<hbm>>
        %dma_wait3A_547 = tpu.memref_squeeze %dma_wait3A_546 : memref<1x1x256xi32, #tpu.memory_space<hbm>> -> memref<256xi32, #tpu.memory_space<hbm>>
        tpu.wait_dma2 semaphore(%arg14 : memref<!tpu.dma_semaphore, #tpu.memory_space<semaphore_mem>>) src(%dma_wait3A_547 : memref<256xi32, #tpu.memory_space<hbm>>) dst(%dma_wait3A_544 : memref<256xi32, #tpu.memory_space<vmem>>)
        %dma_wait3A_548 = arith.constant 1 : i32
        %dma_wait3A_549 = arith.constant 1 : i32
        %dma_wait3A_550 = arith.constant 0 : i32
        %dma_wait3A_551 = tpu.memref_slice %arg7[%dma_wait3A_549, %dma_wait3A_550] : memref<2x256xi32, #tpu.memory_space<vmem>> -> memref<1x256xi32, #tpu.memory_space<vmem>>
        %dma_wait3A_552 = tpu.memref_squeeze %dma_wait3A_551 : memref<1x256xi32, #tpu.memory_space<vmem>> -> memref<256xi32, #tpu.memory_space<vmem>>
        %dma_wait3A_553 = arith.constant 0 : i32
        %dma_wait3A_554 = tpu.memref_slice %arg3[%dma_wait3A_548, %add3A_505, %dma_wait3A_553] : memref<2x3200x256xi32, #tpu.memory_space<hbm>> -> memref<1x1x256xi32, #tpu.memory_space<hbm>>
        %dma_wait3A_555 = tpu.memref_squeeze %dma_wait3A_554 : memref<1x1x256xi32, #tpu.memory_space<hbm>> -> memref<256xi32, #tpu.memory_space<hbm>>
        %dma_wait3A_556 = arith.constant 0 : i32
        %dma_wait3A_557 = tpu.memref_slice %arg7[%dma_wait3A_549, %dma_wait3A_556] : memref<2x256xi32, #tpu.memory_space<vmem>> -> memref<1x256xi32, #tpu.memory_space<vmem>>
        %dma_wait3A_558 = tpu.memref_squeeze %dma_wait3A_557 : memref<1x256xi32, #tpu.memory_space<vmem>> -> memref<256xi32, #tpu.memory_space<vmem>>
        %dma_wait3A_559 = arith.constant 0 : i32
        %dma_wait3A_560 = tpu.memref_slice %arg3[%dma_wait3A_548, %add3A_505, %dma_wait3A_559] : memref<2x3200x256xi32, #tpu.memory_space<hbm>> -> memref<1x1x256xi32, #tpu.memory_space<hbm>>
        %dma_wait3A_561 = tpu.memref_squeeze %dma_wait3A_560 : memref<1x1x256xi32, #tpu.memory_space<hbm>> -> memref<256xi32, #tpu.memory_space<hbm>>
        tpu.wait_dma2 semaphore(%arg14 : memref<!tpu.dma_semaphore, #tpu.memory_space<semaphore_mem>>) src(%dma_wait3A_561 : memref<256xi32, #tpu.memory_space<hbm>>) dst(%dma_wait3A_558 : memref<256xi32, #tpu.memory_space<vmem>>)
        %dma_start3A_562 = arith.constant 0 : i32
        %dma_start3A_563 = arith.constant 0 : i32
        %dma_start3A_564 = tpu.memref_slice %arg7[%dma_start3A_562, %dma_start3A_563] : memref<2x256xi32, #tpu.memory_space<vmem>> -> memref<1x256xi32, #tpu.memory_space<vmem>>
        %dma_start3A_565 = tpu.memref_squeeze %dma_start3A_564 : memref<1x256xi32, #tpu.memory_space<vmem>> -> memref<256xi32, #tpu.memory_space<vmem>>
        %dma_start3A_566 = arith.constant 0 : i32
        %dma_start3A_567 = arith.constant 0 : i32
        %dma_start3A_568 = tpu.memref_slice %arg2[%arg0, %dma_start3A_566, %dma_start3A_567] : memref<2x51200x32xf32, #tpu.memory_space<hbm>> -> memref<1x51200x32xf32, #tpu.memory_space<hbm>>
        %dma_start3A_569 = tpu.memref_squeeze %dma_start3A_568 : memref<1x51200x32xf32, #tpu.memory_space<hbm>> -> memref<51200x32xf32, #tpu.memory_space<hbm>>
        %dma_start3A_570 = arith.constant 0 : i32
        %dma_start3A_571 = arith.constant 0 : i32
        %dma_start3A_572 = tpu.memref_slice %dma_start3A_569[%dma_start3A_570, %dma_start3A_571] : memref<51200x32xf32, #tpu.memory_space<hbm>> -> memref<51200x32xf32, #tpu.memory_space<hbm>>
        tpu.enqueue_indirect_dma source(%dma_start3A_572 : memref<51200x32xf32, #tpu.memory_space<hbm>>) target(%arg10 : memref<256x32xf32, #tpu.memory_space<vmem>>) offsets(%dma_start3A_565 : memref<256xi32, #tpu.memory_space<vmem>>) semaphore(%arg17 : memref<!tpu.dma_semaphore, #tpu.memory_space<semaphore_mem>>)
      } else {
      }
    }
    %scan3A_221 = arith.constant 66 : i32
    %dma_wait3A_222 = arith.constant 0 : i32
    %dma_wait3A_223 = arith.constant 0 : i32
    %dma_wait3A_224 = tpu.memref_slice %arg5[%dma_wait3A_222, %dma_wait3A_223] : memref<2x256xi32, #tpu.memory_space<vmem>> -> memref<1x256xi32, #tpu.memory_space<vmem>>
    %dma_wait3A_225 = tpu.memref_squeeze %dma_wait3A_224 : memref<1x256xi32, #tpu.memory_space<vmem>> -> memref<256xi32, #tpu.memory_space<vmem>>
    %dma_wait3A_226 = arith.constant 0 : i32
    %dma_wait3A_227 = arith.constant 0 : i32
    %dma_wait3A_228 = tpu.memref_slice %arg2[%arg0, %dma_wait3A_226, %dma_wait3A_227] : memref<2x51200x32xf32, #tpu.memory_space<hbm>> -> memref<1x51200x32xf32, #tpu.memory_space<hbm>>
    %dma_wait3A_229 = tpu.memref_squeeze %dma_wait3A_228 : memref<1x51200x32xf32, #tpu.memory_space<hbm>> -> memref<51200x32xf32, #tpu.memory_space<hbm>>
    %dma_wait3A_230 = arith.constant 0 : i32
    %dma_wait3A_231 = arith.constant 0 : i32
    %dma_wait3A_232 = tpu.memref_slice %dma_wait3A_229[%dma_wait3A_230, %dma_wait3A_231] : memref<51200x32xf32, #tpu.memory_space<hbm>> -> memref<51200x32xf32, #tpu.memory_space<hbm>>
    tpu.wait_indirect_dma semaphore(%arg15 : memref<!tpu.dma_semaphore, #tpu.memory_space<semaphore_mem>>) src(%dma_wait3A_232 : memref<51200x32xf32, #tpu.memory_space<hbm>>) dst(%arg8 : memref<256x32xf32, #tpu.memory_space<vmem>>)
    %dma_start3A_233 = arith.constant 1 : i32
    %dma_start3A_234 = arith.constant 0 : i32
    %dma_start3A_235 = tpu.memref_slice %arg5[%dma_start3A_233, %dma_start3A_234] : memref<2x256xi32, #tpu.memory_space<vmem>> -> memref<1x256xi32, #tpu.memory_space<vmem>>
    %dma_start3A_236 = tpu.memref_squeeze %dma_start3A_235 : memref<1x256xi32, #tpu.memory_space<vmem>> -> memref<256xi32, #tpu.memory_space<vmem>>
    %dma_start3A_237 = arith.constant 0 : i32
    %dma_start3A_238 = arith.constant 0 : i32
    %dma_start3A_239 = tpu.memref_slice %arg11[%dma_start3A_237, %dma_start3A_238] : memref<50176x32xf32, #tpu.memory_space<vmem_shared>> -> memref<50176x32xf32, #tpu.memory_space<vmem_shared>>
    tpu.enqueue_indirect_dma source(%arg8 : memref<256x32xf32, #tpu.memory_space<vmem>>) target(%dma_start3A_239 : memref<50176x32xf32, #tpu.memory_space<vmem_shared>>) offsets(%dma_start3A_236 : memref<256xi32, #tpu.memory_space<vmem>>) semaphore(%arg18 : memref<!tpu.dma_semaphore, #tpu.memory_space<semaphore_mem>>) {add = true}
    %dma_wait3A_240 = arith.constant 0 : i32
    %dma_wait3A_241 = arith.constant 0 : i32
    %dma_wait3A_242 = tpu.memref_slice %arg6[%dma_wait3A_240, %dma_wait3A_241] : memref<2x256xi32, #tpu.memory_space<vmem>> -> memref<1x256xi32, #tpu.memory_space<vmem>>
    %dma_wait3A_243 = tpu.memref_squeeze %dma_wait3A_242 : memref<1x256xi32, #tpu.memory_space<vmem>> -> memref<256xi32, #tpu.memory_space<vmem>>
    %dma_wait3A_244 = arith.constant 0 : i32
    %dma_wait3A_245 = arith.constant 0 : i32
    %dma_wait3A_246 = tpu.memref_slice %arg2[%arg0, %dma_wait3A_244, %dma_wait3A_245] : memref<2x51200x32xf32, #tpu.memory_space<hbm>> -> memref<1x51200x32xf32, #tpu.memory_space<hbm>>
    %dma_wait3A_247 = tpu.memref_squeeze %dma_wait3A_246 : memref<1x51200x32xf32, #tpu.memory_space<hbm>> -> memref<51200x32xf32, #tpu.memory_space<hbm>>
    %dma_wait3A_248 = arith.constant 0 : i32
    %dma_wait3A_249 = arith.constant 0 : i32
    %dma_wait3A_250 = tpu.memref_slice %dma_wait3A_247[%dma_wait3A_248, %dma_wait3A_249] : memref<51200x32xf32, #tpu.memory_space<hbm>> -> memref<51200x32xf32, #tpu.memory_space<hbm>>
    tpu.wait_indirect_dma semaphore(%arg16 : memref<!tpu.dma_semaphore, #tpu.memory_space<semaphore_mem>>) src(%dma_wait3A_250 : memref<51200x32xf32, #tpu.memory_space<hbm>>) dst(%arg9 : memref<256x32xf32, #tpu.memory_space<vmem>>)
    %dma_start3A_251 = arith.constant 1 : i32
    %dma_start3A_252 = arith.constant 0 : i32
    %dma_start3A_253 = tpu.memref_slice %arg6[%dma_start3A_251, %dma_start3A_252] : memref<2x256xi32, #tpu.memory_space<vmem>> -> memref<1x256xi32, #tpu.memory_space<vmem>>
    %dma_start3A_254 = tpu.memref_squeeze %dma_start3A_253 : memref<1x256xi32, #tpu.memory_space<vmem>> -> memref<256xi32, #tpu.memory_space<vmem>>
    %dma_start3A_255 = arith.constant 0 : i32
    %dma_start3A_256 = arith.constant 0 : i32
    %dma_start3A_257 = tpu.memref_slice %arg11[%dma_start3A_255, %dma_start3A_256] : memref<50176x32xf32, #tpu.memory_space<vmem_shared>> -> memref<50176x32xf32, #tpu.memory_space<vmem_shared>>
    tpu.enqueue_indirect_dma source(%arg9 : memref<256x32xf32, #tpu.memory_space<vmem>>) target(%dma_start3A_257 : memref<50176x32xf32, #tpu.memory_space<vmem_shared>>) offsets(%dma_start3A_254 : memref<256xi32, #tpu.memory_space<vmem>>) semaphore(%arg19 : memref<!tpu.dma_semaphore, #tpu.memory_space<semaphore_mem>>) {add = true}
    %dma_wait3A_258 = arith.constant 1 : i32
    %dma_wait3A_259 = arith.constant 0 : i32
    %dma_wait3A_260 = tpu.memref_slice %arg5[%dma_wait3A_258, %dma_wait3A_259] : memref<2x256xi32, #tpu.memory_space<vmem>> -> memref<1x256xi32, #tpu.memory_space<vmem>>
    %dma_wait3A_261 = tpu.memref_squeeze %dma_wait3A_260 : memref<1x256xi32, #tpu.memory_space<vmem>> -> memref<256xi32, #tpu.memory_space<vmem>>
    %dma_wait3A_262 = arith.constant 0 : i32
    %dma_wait3A_263 = arith.constant 0 : i32
    %dma_wait3A_264 = tpu.memref_slice %arg11[%dma_wait3A_262, %dma_wait3A_263] : memref<50176x32xf32, #tpu.memory_space<vmem_shared>> -> memref<50176x32xf32, #tpu.memory_space<vmem_shared>>
    tpu.wait_indirect_dma semaphore(%arg18 : memref<!tpu.dma_semaphore, #tpu.memory_space<semaphore_mem>>) src(%arg8 : memref<256x32xf32, #tpu.memory_space<vmem>>) dst(%dma_wait3A_264 : memref<50176x32xf32, #tpu.memory_space<vmem_shared>>)
    %dma_wait3A_265 = arith.constant 1 : i32
    %dma_wait3A_266 = arith.constant 0 : i32
    %dma_wait3A_267 = tpu.memref_slice %arg6[%dma_wait3A_265, %dma_wait3A_266] : memref<2x256xi32, #tpu.memory_space<vmem>> -> memref<1x256xi32, #tpu.memory_space<vmem>>
    %dma_wait3A_268 = tpu.memref_squeeze %dma_wait3A_267 : memref<1x256xi32, #tpu.memory_space<vmem>> -> memref<256xi32, #tpu.memory_space<vmem>>
    %dma_wait3A_269 = arith.constant 0 : i32
    %dma_wait3A_270 = arith.constant 0 : i32
    %dma_wait3A_271 = tpu.memref_slice %arg11[%dma_wait3A_269, %dma_wait3A_270] : memref<50176x32xf32, #tpu.memory_space<vmem_shared>> -> memref<50176x32xf32, #tpu.memory_space<vmem_shared>>
    tpu.wait_indirect_dma semaphore(%arg19 : memref<!tpu.dma_semaphore, #tpu.memory_space<semaphore_mem>>) src(%arg9 : memref<256x32xf32, #tpu.memory_space<vmem>>) dst(%dma_wait3A_271 : memref<50176x32xf32, #tpu.memory_space<vmem_shared>>)
    %barrier3A_272 = arith.constant 0 : index
    tpu.barrier barrier_id(%barrier3A_272)
    %mul3A_273 = arith.constant 3136 : i32
    %mul3A_274 = arith.muli %arg1, %mul3A_273 : i32
    %mul3A_275 = arith.constant 3136 : i32
    %mul3A_276 = arith.muli %arg1, %mul3A_275 : i32
    "tpu.region"() ({
      %run_scoped3A = tpu.sem_alloc : memref<!tpu.dma_semaphore, #tpu.memory_space<semaphore_mem>>
      %dma_start3A_277 = arith.constant 0 : i32
      %dma_start3A_278 = arith.constant 0 : i32
      %dma_start3A_279 = tpu.memref_slice %arg4[%arg0, %dma_start3A_277, %dma_start3A_278] : memref<2x51200x32xf32, #tpu.memory_space<hbm>> -> memref<1x51200x32xf32, #tpu.memory_space<hbm>>
      %dma_start3A_280 = tpu.memref_squeeze %dma_start3A_279 : memref<1x51200x32xf32, #tpu.memory_space<hbm>> -> memref<51200x32xf32, #tpu.memory_space<hbm>>
      %dma_start3A_281 = arith.constant 0 : i32
      %dma_start3A_282 = tpu.memref_slice %dma_start3A_280[%mul3A_276, %dma_start3A_281] : memref<51200x32xf32, #tpu.memory_space<hbm>> -> memref<3136x32xf32, #tpu.memory_space<hbm>>
      %dma_start3A_283 = arith.constant 0 : i32
      %dma_start3A_284 = tpu.memref_slice %arg11[%mul3A_274, %dma_start3A_283] : memref<50176x32xf32, #tpu.memory_space<vmem_shared>> -> memref<3136x32xf32, #tpu.memory_space<vmem_shared>>
      tpu.enqueue_dma source(%dma_start3A_284 : memref<3136x32xf32, #tpu.memory_space<vmem_shared>>) target(%dma_start3A_282 : memref<3136x32xf32, #tpu.memory_space<hbm>>) target_semaphore(%run_scoped3A : memref<!tpu.dma_semaphore, #tpu.memory_space<semaphore_mem>>)
      %dma_wait3A_285 = arith.constant 0 : i32
      %dma_wait3A_286 = arith.constant 0 : i32
      %dma_wait3A_287 = tpu.memref_slice %arg4[%arg0, %dma_wait3A_285, %dma_wait3A_286] : memref<2x51200x32xf32, #tpu.memory_space<hbm>> -> memref<1x51200x32xf32, #tpu.memory_space<hbm>>
      %dma_wait3A_288 = tpu.memref_squeeze %dma_wait3A_287 : memref<1x51200x32xf32, #tpu.memory_space<hbm>> -> memref<51200x32xf32, #tpu.memory_space<hbm>>
      %dma_wait3A_289 = arith.constant 0 : i32
      %dma_wait3A_290 = tpu.memref_slice %dma_wait3A_288[%mul3A_276, %dma_wait3A_289] : memref<51200x32xf32, #tpu.memory_space<hbm>> -> memref<3136x32xf32, #tpu.memory_space<hbm>>
      %dma_wait3A_291 = arith.constant 0 : i32
      %dma_wait3A_292 = tpu.memref_slice %arg11[%mul3A_274, %dma_wait3A_291] : memref<50176x32xf32, #tpu.memory_space<vmem_shared>> -> memref<3136x32xf32, #tpu.memory_space<vmem_shared>>
      tpu.wait_dma2 semaphore(%run_scoped3A : memref<!tpu.dma_semaphore, #tpu.memory_space<semaphore_mem>>) src(%dma_wait3A_292 : memref<3136x32xf32, #tpu.memory_space<vmem_shared>>) dst(%dma_wait3A_290 : memref<3136x32xf32, #tpu.memory_space<hbm>>)
      tpu.yield
    }) : () -> ()
    return
  }
}

module attributes {stable_mosaic.version = 14 : i64} {
  func.func @_mm0_body(%arg0: i32, %arg1: memref<512x512xf32, #tpu.memory_space<vmem>>, %arg2: memref<512x128xf32, #tpu.memory_space<vmem>>, %arg3: memref<512x128xf32, #tpu.memory_space<vmem>>, %arg4: memref<1x128xf32, #tpu.memory_space<vmem>>, %arg5: memref<1x128xf32, #tpu.memory_space<vmem>>, %arg6: memref<2x512x128xf32, #tpu.memory_space<vmem>>) attributes {dimension_semantics = [#tpu.dimension_semantics<arbitrary>], iteration_bounds = array<i64: 25>, scalar_prefetch = 0 : i64, scratch_operands = 0 : i64, tpu.core_type = #tpu.core_type<tc>, window_params = [{transform_indices = @transform_0, window_bounds = array<i64: 512, 512>}, {pipeline_mode = #tpu.pipeline_mode<synchronous>, transform_indices = @transform_1, window_bounds = array<i64: 512, 128>}, {pipeline_mode = #tpu.pipeline_mode<synchronous>, transform_indices = @transform_2, window_bounds = array<i64: 512, 128>}, {pipeline_mode = #tpu.pipeline_mode<synchronous>, transform_indices = @transform_3, window_bounds = array<i64: 1, 128>}, {pipeline_mode = #tpu.pipeline_mode<synchronous>, transform_indices = @transform_4, window_bounds = array<i64: 1, 128>}, {transform_indices = @transform_5, window_bounds = array<i64: 2, 512, 128>}]} {
    %get3A = arith.constant 0 : index
    %get3A_0 = arith.constant 0 : index
    %get3A_1 = vector.load %arg1[%get3A, %get3A_0] : memref<512x512xf32, #tpu.memory_space<vmem>>, vector<512x512xf32>
    %get3A_2 = arith.constant 0 : index
    %get3A_3 = arith.constant 0 : index
    %get3A_4 = vector.load %arg2[%get3A_2, %get3A_3] : memref<512x128xf32, #tpu.memory_space<vmem>>, vector<512x128xf32>
    %dot_general3A = arith.constant dense<0.000000e+00> : vector<512x128xf32>
    %dot_general3A_5 = tpu.matmul %get3A_1, %get3A_4, %dot_general3A {dimension_numbers = #tpu.dot_dimension_numbers<[1], [0], [0], [1], [0, 0, 1, 1], [], []>, transpose_lhs_hint = false} : vector<512x512xf32>, vector<512x128xf32>, vector<512x128xf32> -> vector<512x128xf32>
    %get3A_6 = arith.constant 0 : index
    %get3A_7 = arith.constant 0 : index
    %get3A_8 = vector.load %arg4[%get3A_6, %get3A_7] : memref<1x128xf32, #tpu.memory_space<vmem>>, vector<1x128xf32>
    %add3A = vector.broadcast %get3A_8 : vector<1x128xf32> to vector<512x128xf32>
    %add3A_9 = arith.addf %dot_general3A_5, %add3A : vector<512x128xf32>
    %swap3A = arith.constant 0 : index
    %swap3A_10 = arith.constant 0 : index
    %swap3A_11 = arith.constant 0 : index
    %swap3A_12 = vector.load %arg6[%swap3A, %swap3A_10, %swap3A_11] : memref<2x512x128xf32, #tpu.memory_space<vmem>>, vector<1x512x128xf32>
    %swap3A_13 = vector.shape_cast %swap3A_12 : vector<1x512x128xf32> to vector<512x128xf32>
    %swap3A_14 = vector.shape_cast %add3A_9 : vector<512x128xf32> to vector<1x512x128xf32>
    tpu.vector_store %arg6[%swap3A, %swap3A_10, %swap3A_11], %swap3A_14 {strides = array<i32>} : memref<2x512x128xf32, #tpu.memory_space<vmem>>, vector<1x512x128xf32>,
    %get3A_15 = arith.constant 0 : index
    %get3A_16 = arith.constant 0 : index
    %get3A_17 = vector.load %arg3[%get3A_15, %get3A_16] : memref<512x128xf32, #tpu.memory_space<vmem>>, vector<512x128xf32>
    %dot_general3A_18 = arith.constant dense<0.000000e+00> : vector<512x128xf32>
    %dot_general3A_19 = tpu.matmul %get3A_1, %get3A_17, %dot_general3A_18 {dimension_numbers = #tpu.dot_dimension_numbers<[1], [0], [0], [1], [0, 0, 1, 1], [], []>, transpose_lhs_hint = false} : vector<512x512xf32>, vector<512x128xf32>, vector<512x128xf32> -> vector<512x128xf32>
    %get3A_20 = arith.constant 0 : index
    %get3A_21 = arith.constant 0 : index
    %get3A_22 = vector.load %arg5[%get3A_20, %get3A_21] : memref<1x128xf32, #tpu.memory_space<vmem>>, vector<1x128xf32>
    %add3A_23 = vector.broadcast %get3A_22 : vector<1x128xf32> to vector<512x128xf32>
    %add3A_24 = arith.addf %dot_general3A_19, %add3A_23 : vector<512x128xf32>
    %swap3A_25 = arith.constant 1 : index
    %swap3A_26 = arith.constant 0 : index
    %swap3A_27 = arith.constant 0 : index
    %swap3A_28 = vector.load %arg6[%swap3A_25, %swap3A_26, %swap3A_27] : memref<2x512x128xf32, #tpu.memory_space<vmem>>, vector<1x512x128xf32>
    %swap3A_29 = vector.shape_cast %swap3A_28 : vector<1x512x128xf32> to vector<512x128xf32>
    %swap3A_30 = vector.shape_cast %add3A_24 : vector<512x128xf32> to vector<1x512x128xf32>
    tpu.vector_store %arg6[%swap3A_25, %swap3A_26, %swap3A_27], %swap3A_30 {strides = array<i32>} : memref<2x512x128xf32, #tpu.memory_space<vmem>>, vector<1x512x128xf32>,
    return
  }
  func.func @transform_0(%arg0: i32) -> (i32, i32) {
    %c0_i32 = arith.constant 0 : i32
    %c0_i32_0 = arith.constant 0 : i32
    return %arg0, %c0_i32 : i32, i32
  }
  func.func @transform_1(%arg0: i32) -> (i32, i32) {
    %c0_i32 = arith.constant 0 : i32
    %c0_i32_0 = arith.constant 0 : i32
    %c0_i32_1 = arith.constant 0 : i32
    return %c0_i32, %c0_i32_0 : i32, i32
  }
  func.func @transform_2(%arg0: i32) -> (i32, i32) {
    %c0_i32 = arith.constant 0 : i32
    %c0_i32_0 = arith.constant 0 : i32
    %c0_i32_1 = arith.constant 0 : i32
    return %c0_i32, %c0_i32_0 : i32, i32
  }
  func.func @transform_3(%arg0: i32) -> (i32, i32) {
    %c0_i32 = arith.constant 0 : i32
    %c0_i32_0 = arith.constant 0 : i32
    %c0_i32_1 = arith.constant 0 : i32
    return %c0_i32, %c0_i32_0 : i32, i32
  }
  func.func @transform_4(%arg0: i32) -> (i32, i32) {
    %c0_i32 = arith.constant 0 : i32
    %c0_i32_0 = arith.constant 0 : i32
    %c0_i32_1 = arith.constant 0 : i32
    return %c0_i32, %c0_i32_0 : i32, i32
  }
  func.func @transform_5(%arg0: i32) -> (i32, i32, i32) {
    %c0_i32 = arith.constant 0 : i32
    %c0_i32_0 = arith.constant 0 : i32
    %c0_i32_1 = arith.constant 0 : i32
    return %c0_i32, %arg0, %c0_i32_0 : i32, i32, i32
  }
}

module attributes {stable_mosaic.version = 14 : i64} {
  func.func @_sage_body(%arg0: i32, %arg1: memref<1x512x128xf32, #tpu.memory_space<vmem>>, %arg2: memref<1x512x128xf32, #tpu.memory_space<vmem>>, %arg3: memref<512x4xf32, #tpu.memory_space<vmem>>, %arg4: memref<4x128xf32, #tpu.memory_space<vmem>>, %arg5: memref<1x512x128xf32, #tpu.memory_space<vmem>>, %arg6: memref<1x512x128xf32, #tpu.memory_space<vmem>>, %arg7: memref<128x128xf32, #tpu.memory_space<vmem>>, %arg8: memref<128x128xf32, #tpu.memory_space<vmem>>, %arg9: memref<128x128xf32, #tpu.memory_space<vmem>>, %arg10: memref<128x128xf32, #tpu.memory_space<vmem>>, %arg11: memref<128x128xf32, #tpu.memory_space<vmem>>, %arg12: memref<128x128xf32, #tpu.memory_space<vmem>>, %arg13: memref<128x128xf32, #tpu.memory_space<vmem>>, %arg14: memref<128x128xf32, #tpu.memory_space<vmem>>, %arg15: memref<1x128xf32, #tpu.memory_space<vmem>>, %arg16: memref<1x128xf32, #tpu.memory_space<vmem>>, %arg17: memref<2x512x128xf32, #tpu.memory_space<vmem>>) attributes {dimension_semantics = [#tpu.dimension_semantics<arbitrary>], iteration_bounds = array<i64: 25>, scalar_prefetch = 0 : i64, scratch_operands = 0 : i64, tpu.core_type = #tpu.core_type<tc>, window_params = [{transform_indices = @transform_0, window_bounds = array<i64: 1, 512, 128>}, {transform_indices = @transform_1, window_bounds = array<i64: 1, 512, 128>}, {transform_indices = @transform_2, window_bounds = array<i64: 512, 4>}, {pipeline_mode = #tpu.pipeline_mode<synchronous>, transform_indices = @transform_3, window_bounds = array<i64: 4, 128>}, {transform_indices = @transform_4, window_bounds = array<i64: 1, 512, 128>}, {transform_indices = @transform_5, window_bounds = array<i64: 1, 512, 128>}, {pipeline_mode = #tpu.pipeline_mode<synchronous>, transform_indices = @transform_6, window_bounds = array<i64: 128, 128>}, {pipeline_mode = #tpu.pipeline_mode<synchronous>, transform_indices = @transform_7, window_bounds = array<i64: 128, 128>}, {pipeline_mode = #tpu.pipeline_mode<synchronous>, transform_indices = @transform_8, window_bounds = array<i64: 128, 128>}, {pipeline_mode = #tpu.pipeline_mode<synchronous>, transform_indices = @transform_9, window_bounds = array<i64: 128, 128>}, {pipeline_mode = #tpu.pipeline_mode<synchronous>, transform_indices = @transform_10, window_bounds = array<i64: 128, 128>}, {pipeline_mode = #tpu.pipeline_mode<synchronous>, transform_indices = @transform_11, window_bounds = array<i64: 128, 128>}, {pipeline_mode = #tpu.pipeline_mode<synchronous>, transform_indices = @transform_12, window_bounds = array<i64: 128, 128>}, {pipeline_mode = #tpu.pipeline_mode<synchronous>, transform_indices = @transform_13, window_bounds = array<i64: 128, 128>}, {pipeline_mode = #tpu.pipeline_mode<synchronous>, transform_indices = @transform_14, window_bounds = array<i64: 1, 128>}, {pipeline_mode = #tpu.pipeline_mode<synchronous>, transform_indices = @transform_15, window_bounds = array<i64: 1, 128>}, {transform_indices = @transform_16, window_bounds = array<i64: 2, 512, 128>}]} {
    %get3A = arith.constant 0 : index
    %get3A_0 = arith.constant 0 : index
    %get3A_1 = vector.load %arg3[%get3A, %get3A_0] : memref<512x4xf32, #tpu.memory_space<vmem>>, vector<512x4xf32>
    %get3A_2 = arith.constant 0 : index
    %get3A_3 = arith.constant 0 : index
    %get3A_4 = vector.load %arg4[%get3A_2, %get3A_3] : memref<4x128xf32, #tpu.memory_space<vmem>>, vector<4x128xf32>
    %dot_general3A = arith.constant dense<0.000000e+00> : vector<512x128xf32>
    %dot_general3A_5 = tpu.matmul %get3A_1, %get3A_4, %dot_general3A {dimension_numbers = #tpu.dot_dimension_numbers<[1], [0], [0], [1], [0, 0, 1, 1], [], []>, transpose_lhs_hint = false} : vector<512x4xf32>, vector<4x128xf32>, vector<512x128xf32> -> vector<512x128xf32>
    %max3A = arith.constant 1.000000e+00 : f32
    %max3A_6 = vector.broadcast %max3A : f32 to vector<512x128xf32>
    %max3A_7 = arith.maximumf %dot_general3A_5, %max3A_6 : vector<512x128xf32>
    %div3A = arith.constant 1.000000e+00 : f32
    %div3A_8 = vector.broadcast %div3A : f32 to vector<512x128xf32>
    %div3A_9 = arith.divf %div3A_8, %max3A_7 : vector<512x128xf32>
    %get3A_10 = arith.constant 0 : index
    %get3A_11 = arith.constant 0 : index
    %get3A_12 = arith.constant 0 : index
    %get3A_13 = vector.load %arg1[%get3A_10, %get3A_11, %get3A_12] : memref<1x512x128xf32, #tpu.memory_space<vmem>>, vector<1x512x128xf32>
    %get3A_14 = vector.shape_cast %get3A_13 : vector<1x512x128xf32> to vector<512x128xf32>
    %mul3A = arith.mulf %get3A_14, %div3A_9 : vector<512x128xf32>
    %get3A_15 = arith.constant 0 : index
    %get3A_16 = arith.constant 0 : index
    %get3A_17 = arith.constant 0 : index
    %get3A_18 = vector.load %arg2[%get3A_15, %get3A_16, %get3A_17] : memref<1x512x128xf32, #tpu.memory_space<vmem>>, vector<1x512x128xf32>
    %get3A_19 = vector.shape_cast %get3A_18 : vector<1x512x128xf32> to vector<512x128xf32>
    %mul3A_20 = arith.mulf %get3A_19, %div3A_9 : vector<512x128xf32>
    %get3A_21 = arith.constant 0 : index
    %get3A_22 = arith.constant 0 : index
    %get3A_23 = arith.constant 0 : index
    %get3A_24 = vector.load %arg5[%get3A_21, %get3A_22, %get3A_23] : memref<1x512x128xf32, #tpu.memory_space<vmem>>, vector<1x512x128xf32>
    %get3A_25 = vector.shape_cast %get3A_24 : vector<1x512x128xf32> to vector<512x128xf32>
    %get3A_26 = arith.constant 0 : index
    %get3A_27 = arith.constant 0 : index
    %get3A_28 = arith.constant 0 : index
    %get3A_29 = vector.load %arg6[%get3A_26, %get3A_27, %get3A_28] : memref<1x512x128xf32, #tpu.memory_space<vmem>>, vector<1x512x128xf32>
    %get3A_30 = vector.shape_cast %get3A_29 : vector<1x512x128xf32> to vector<512x128xf32>
    %get3A_31 = arith.constant 0 : index
    %get3A_32 = arith.constant 0 : index
    %get3A_33 = vector.load %arg7[%get3A_31, %get3A_32] : memref<128x128xf32, #tpu.memory_space<vmem>>, vector<128x128xf32>
    %dot_general3A_34 = arith.constant dense<0.000000e+00> : vector<512x128xf32>
    %dot_general3A_35 = tpu.matmul %mul3A, %get3A_33, %dot_general3A_34 {dimension_numbers = #tpu.dot_dimension_numbers<[1], [0], [0], [1], [0, 0, 1, 1], [], []>, transpose_lhs_hint = false} : vector<512x128xf32>, vector<128x128xf32>, vector<512x128xf32> -> vector<512x128xf32>
    %get3A_36 = arith.constant 0 : index
    %get3A_37 = arith.constant 0 : index
    %get3A_38 = vector.load %arg8[%get3A_36, %get3A_37] : memref<128x128xf32, #tpu.memory_space<vmem>>, vector<128x128xf32>
    %dot_general3A_39 = arith.constant dense<0.000000e+00> : vector<512x128xf32>
    %dot_general3A_40 = tpu.matmul %mul3A_20, %get3A_38, %dot_general3A_39 {dimension_numbers = #tpu.dot_dimension_numbers<[1], [0], [0], [1], [0, 0, 1, 1], [], []>, transpose_lhs_hint = false} : vector<512x128xf32>, vector<128x128xf32>, vector<512x128xf32> -> vector<512x128xf32>
    %add3A = arith.addf %dot_general3A_35, %dot_general3A_40 : vector<512x128xf32>
    %get3A_41 = arith.constant 0 : index
    %get3A_42 = arith.constant 0 : index
    %get3A_43 = vector.load %arg9[%get3A_41, %get3A_42] : memref<128x128xf32, #tpu.memory_space<vmem>>, vector<128x128xf32>
    %dot_general3A_44 = arith.constant dense<0.000000e+00> : vector<512x128xf32>
    %dot_general3A_45 = tpu.matmul %get3A_25, %get3A_43, %dot_general3A_44 {dimension_numbers = #tpu.dot_dimension_numbers<[1], [0], [0], [1], [0, 0, 1, 1], [], []>, transpose_lhs_hint = false} : vector<512x128xf32>, vector<128x128xf32>, vector<512x128xf32> -> vector<512x128xf32>
    %add3A_46 = arith.addf %add3A, %dot_general3A_45 : vector<512x128xf32>
    %get3A_47 = arith.constant 0 : index
    %get3A_48 = arith.constant 0 : index
    %get3A_49 = vector.load %arg10[%get3A_47, %get3A_48] : memref<128x128xf32, #tpu.memory_space<vmem>>, vector<128x128xf32>
    %dot_general3A_50 = arith.constant dense<0.000000e+00> : vector<512x128xf32>
    %dot_general3A_51 = tpu.matmul %get3A_30, %get3A_49, %dot_general3A_50 {dimension_numbers = #tpu.dot_dimension_numbers<[1], [0], [0], [1], [0, 0, 1, 1], [], []>, transpose_lhs_hint = false} : vector<512x128xf32>, vector<128x128xf32>, vector<512x128xf32> -> vector<512x128xf32>
    %add3A_52 = arith.addf %add3A_46, %dot_general3A_51 : vector<512x128xf32>
    %get3A_53 = arith.constant 0 : index
    %get3A_54 = arith.constant 0 : index
    %get3A_55 = vector.load %arg15[%get3A_53, %get3A_54] : memref<1x128xf32, #tpu.memory_space<vmem>>, vector<1x128xf32>
    %add3A_56 = vector.broadcast %get3A_55 : vector<1x128xf32> to vector<512x128xf32>
    %add3A_57 = arith.addf %add3A_52, %add3A_56 : vector<512x128xf32>
    %swap3A = arith.constant 0 : index
    %swap3A_58 = arith.constant 0 : index
    %swap3A_59 = arith.constant 0 : index
    %swap3A_60 = vector.load %arg17[%swap3A, %swap3A_58, %swap3A_59] : memref<2x512x128xf32, #tpu.memory_space<vmem>>, vector<1x512x128xf32>
    %swap3A_61 = vector.shape_cast %swap3A_60 : vector<1x512x128xf32> to vector<512x128xf32>
    %swap3A_62 = vector.shape_cast %add3A_57 : vector<512x128xf32> to vector<1x512x128xf32>
    tpu.vector_store %arg17[%swap3A, %swap3A_58, %swap3A_59], %swap3A_62 {strides = array<i32>} : memref<2x512x128xf32, #tpu.memory_space<vmem>>, vector<1x512x128xf32>,
    %get3A_63 = arith.constant 0 : index
    %get3A_64 = arith.constant 0 : index
    %get3A_65 = vector.load %arg11[%get3A_63, %get3A_64] : memref<128x128xf32, #tpu.memory_space<vmem>>, vector<128x128xf32>
    %dot_general3A_66 = arith.constant dense<0.000000e+00> : vector<512x128xf32>
    %dot_general3A_67 = tpu.matmul %mul3A, %get3A_65, %dot_general3A_66 {dimension_numbers = #tpu.dot_dimension_numbers<[1], [0], [0], [1], [0, 0, 1, 1], [], []>, transpose_lhs_hint = false} : vector<512x128xf32>, vector<128x128xf32>, vector<512x128xf32> -> vector<512x128xf32>
    %get3A_68 = arith.constant 0 : index
    %get3A_69 = arith.constant 0 : index
    %get3A_70 = vector.load %arg12[%get3A_68, %get3A_69] : memref<128x128xf32, #tpu.memory_space<vmem>>, vector<128x128xf32>
    %dot_general3A_71 = arith.constant dense<0.000000e+00> : vector<512x128xf32>
    %dot_general3A_72 = tpu.matmul %mul3A_20, %get3A_70, %dot_general3A_71 {dimension_numbers = #tpu.dot_dimension_numbers<[1], [0], [0], [1], [0, 0, 1, 1], [], []>, transpose_lhs_hint = false} : vector<512x128xf32>, vector<128x128xf32>, vector<512x128xf32> -> vector<512x128xf32>
    %add3A_73 = arith.addf %dot_general3A_67, %dot_general3A_72 : vector<512x128xf32>
    %get3A_74 = arith.constant 0 : index
    %get3A_75 = arith.constant 0 : index
    %get3A_76 = vector.load %arg13[%get3A_74, %get3A_75] : memref<128x128xf32, #tpu.memory_space<vmem>>, vector<128x128xf32>
    %dot_general3A_77 = arith.constant dense<0.000000e+00> : vector<512x128xf32>
    %dot_general3A_78 = tpu.matmul %get3A_25, %get3A_76, %dot_general3A_77 {dimension_numbers = #tpu.dot_dimension_numbers<[1], [0], [0], [1], [0, 0, 1, 1], [], []>, transpose_lhs_hint = false} : vector<512x128xf32>, vector<128x128xf32>, vector<512x128xf32> -> vector<512x128xf32>
    %add3A_79 = arith.addf %add3A_73, %dot_general3A_78 : vector<512x128xf32>
    %get3A_80 = arith.constant 0 : index
    %get3A_81 = arith.constant 0 : index
    %get3A_82 = vector.load %arg14[%get3A_80, %get3A_81] : memref<128x128xf32, #tpu.memory_space<vmem>>, vector<128x128xf32>
    %dot_general3A_83 = arith.constant dense<0.000000e+00> : vector<512x128xf32>
    %dot_general3A_84 = tpu.matmul %get3A_30, %get3A_82, %dot_general3A_83 {dimension_numbers = #tpu.dot_dimension_numbers<[1], [0], [0], [1], [0, 0, 1, 1], [], []>, transpose_lhs_hint = false} : vector<512x128xf32>, vector<128x128xf32>, vector<512x128xf32> -> vector<512x128xf32>
    %add3A_85 = arith.addf %add3A_79, %dot_general3A_84 : vector<512x128xf32>
    %get3A_86 = arith.constant 0 : index
    %get3A_87 = arith.constant 0 : index
    %get3A_88 = vector.load %arg16[%get3A_86, %get3A_87] : memref<1x128xf32, #tpu.memory_space<vmem>>, vector<1x128xf32>
    %add3A_89 = vector.broadcast %get3A_88 : vector<1x128xf32> to vector<512x128xf32>
    %add3A_90 = arith.addf %add3A_85, %add3A_89 : vector<512x128xf32>
    %swap3A_91 = arith.constant 1 : index
    %swap3A_92 = arith.constant 0 : index
    %swap3A_93 = arith.constant 0 : index
    %swap3A_94 = vector.load %arg17[%swap3A_91, %swap3A_92, %swap3A_93] : memref<2x512x128xf32, #tpu.memory_space<vmem>>, vector<1x512x128xf32>
    %swap3A_95 = vector.shape_cast %swap3A_94 : vector<1x512x128xf32> to vector<512x128xf32>
    %swap3A_96 = vector.shape_cast %add3A_90 : vector<512x128xf32> to vector<1x512x128xf32>
    tpu.vector_store %arg17[%swap3A_91, %swap3A_92, %swap3A_93], %swap3A_96 {strides = array<i32>} : memref<2x512x128xf32, #tpu.memory_space<vmem>>, vector<1x512x128xf32>,
    return
  }
  func.func @transform_0(%arg0: i32) -> (i32, i32, i32) {
    %c0_i32 = arith.constant 0 : i32
    %c0_i32_0 = arith.constant 0 : i32
    %c0_i32_1 = arith.constant 0 : i32
    return %c0_i32, %arg0, %c0_i32_0 : i32, i32, i32
  }
  func.func @transform_1(%arg0: i32) -> (i32, i32, i32) {
    %c1_i32 = arith.constant 1 : i32
    %c0_i32 = arith.constant 0 : i32
    %c0_i32_0 = arith.constant 0 : i32
    return %c1_i32, %arg0, %c0_i32 : i32, i32, i32
  }
  func.func @transform_2(%arg0: i32) -> (i32, i32) {
    %c0_i32 = arith.constant 0 : i32
    %c0_i32_0 = arith.constant 0 : i32
    return %arg0, %c0_i32 : i32, i32
  }
  func.func @transform_3(%arg0: i32) -> (i32, i32) {
    %c0_i32 = arith.constant 0 : i32
    %c0_i32_0 = arith.constant 0 : i32
    %c0_i32_1 = arith.constant 0 : i32
    return %c0_i32, %c0_i32_0 : i32, i32
  }
  func.func @transform_4(%arg0: i32) -> (i32, i32, i32) {
    %c0_i32 = arith.constant 0 : i32
    %c0_i32_0 = arith.constant 0 : i32
    %c0_i32_1 = arith.constant 0 : i32
    return %c0_i32, %arg0, %c0_i32_0 : i32, i32, i32
  }
  func.func @transform_5(%arg0: i32) -> (i32, i32, i32) {
    %c1_i32 = arith.constant 1 : i32
    %c0_i32 = arith.constant 0 : i32
    %c0_i32_0 = arith.constant 0 : i32
    return %c1_i32, %arg0, %c0_i32 : i32, i32, i32
  }
  func.func @transform_6(%arg0: i32) -> (i32, i32) {
    %c0_i32 = arith.constant 0 : i32
    %c0_i32_0 = arith.constant 0 : i32
    %c0_i32_1 = arith.constant 0 : i32
    return %c0_i32, %c0_i32_0 : i32, i32
  }
  func.func @transform_7(%arg0: i32) -> (i32, i32) {
    %c0_i32 = arith.constant 0 : i32
    %c0_i32_0 = arith.constant 0 : i32
    %c0_i32_1 = arith.constant 0 : i32
    return %c0_i32, %c0_i32_0 : i32, i32
  }
  func.func @transform_8(%arg0: i32) -> (i32, i32) {
    %c0_i32 = arith.constant 0 : i32
    %c0_i32_0 = arith.constant 0 : i32
    %c0_i32_1 = arith.constant 0 : i32
    return %c0_i32, %c0_i32_0 : i32, i32
  }
  func.func @transform_9(%arg0: i32) -> (i32, i32) {
    %c0_i32 = arith.constant 0 : i32
    %c0_i32_0 = arith.constant 0 : i32
    %c0_i32_1 = arith.constant 0 : i32
    return %c0_i32, %c0_i32_0 : i32, i32
  }
  func.func @transform_10(%arg0: i32) -> (i32, i32) {
    %c0_i32 = arith.constant 0 : i32
    %c0_i32_0 = arith.constant 0 : i32
    %c0_i32_1 = arith.constant 0 : i32
    return %c0_i32, %c0_i32_0 : i32, i32
  }
  func.func @transform_11(%arg0: i32) -> (i32, i32) {
    %c0_i32 = arith.constant 0 : i32
    %c0_i32_0 = arith.constant 0 : i32
    %c0_i32_1 = arith.constant 0 : i32
    return %c0_i32, %c0_i32_0 : i32, i32
  }
  func.func @transform_12(%arg0: i32) -> (i32, i32) {
    %c0_i32 = arith.constant 0 : i32
    %c0_i32_0 = arith.constant 0 : i32
    %c0_i32_1 = arith.constant 0 : i32
    return %c0_i32, %c0_i32_0 : i32, i32
  }
  func.func @transform_13(%arg0: i32) -> (i32, i32) {
    %c0_i32 = arith.constant 0 : i32
    %c0_i32_0 = arith.constant 0 : i32
    %c0_i32_1 = arith.constant 0 : i32
    return %c0_i32, %c0_i32_0 : i32, i32
  }
  func.func @transform_14(%arg0: i32) -> (i32, i32) {
    %c0_i32 = arith.constant 0 : i32
    %c0_i32_0 = arith.constant 0 : i32
    %c0_i32_1 = arith.constant 0 : i32
    return %c0_i32, %c0_i32_0 : i32, i32
  }
  func.func @transform_15(%arg0: i32) -> (i32, i32) {
    %c0_i32 = arith.constant 0 : i32
    %c0_i32_0 = arith.constant 0 : i32
    %c0_i32_1 = arith.constant 0 : i32
    return %c0_i32, %c0_i32_0 : i32, i32
  }
  func.func @transform_16(%arg0: i32) -> (i32, i32, i32) {
    %c0_i32 = arith.constant 0 : i32
    %c0_i32_0 = arith.constant 0 : i32
    %c0_i32_1 = arith.constant 0 : i32
    return %c0_i32, %arg0, %c0_i32_0 : i32, i32, i32
  }
}

module attributes {stable_mosaic.version = 14 : i64} {
  func.func @_final_body(%arg0: i32, %arg1: memref<1x512x128xf32, #tpu.memory_space<vmem>>, %arg2: memref<1x512x128xf32, #tpu.memory_space<vmem>>, %arg3: memref<1x512x128xf32, #tpu.memory_space<vmem>>, %arg4: memref<1x512x128xf32, #tpu.memory_space<vmem>>, %arg5: memref<1x512x128xf32, #tpu.memory_space<vmem>>, %arg6: memref<1x512x128xf32, #tpu.memory_space<vmem>>, %arg7: memref<1x4x512xi32, #tpu.memory_space<vmem>>, %arg8: memref<128x256xf32, #tpu.memory_space<vmem>>, %arg9: memref<128x256xf32, #tpu.memory_space<vmem>>, %arg10: memref<1x256xf32, #tpu.memory_space<vmem>>, %arg11: memref<128x256xf32, #tpu.memory_space<vmem>>, %arg12: memref<128x256xf32, #tpu.memory_space<vmem>>, %arg13: memref<1x256xf32, #tpu.memory_space<vmem>>, %arg14: memref<128x256xf32, #tpu.memory_space<vmem>>, %arg15: memref<128x256xf32, #tpu.memory_space<vmem>>, %arg16: memref<1x256xf32, #tpu.memory_space<vmem>>, %arg17: memref<256x256xf32, #tpu.memory_space<vmem>>, %arg18: memref<256x256xf32, #tpu.memory_space<vmem>>, %arg19: memref<256x256xf32, #tpu.memory_space<vmem>>, %arg20: memref<1x256xf32, #tpu.memory_space<vmem>>, %arg21: memref<64x1xf32, #tpu.memory_space<vmem>>, %arg22: memref<1x1xf32, #tpu.memory_space<vmem>>, %arg23: memref<256x256xf32, #tpu.memory_space<vmem>>, %arg24: memref<1x256xf32, #tpu.memory_space<vmem>>, %arg25: memref<64x128xf32, #tpu.memory_space<vmem>>, %arg26: memref<1x128xf32, #tpu.memory_space<vmem>>, %arg27: memref<256x128xf32, #tpu.memory_space<vmem>>, %arg28: memref<256x1xf32, #tpu.memory_space<vmem>>, %arg29: memref<256x1xf32, #tpu.memory_space<vmem>>, %arg30: memref<256x64xf32, #tpu.memory_space<vmem>>) attributes {dimension_semantics = [#tpu.dimension_semantics<arbitrary>], iteration_bounds = array<i64: 25>, scalar_prefetch = 0 : i64, scratch_operands = 3 : i64, tpu.core_type = #tpu.core_type<tc>, window_params = [{transform_indices = @transform_0, window_bounds = array<i64: 1, 512, 128>}, {transform_indices = @transform_1, window_bounds = array<i64: 1, 512, 128>}, {transform_indices = @transform_2, window_bounds = array<i64: 1, 512, 128>}, {transform_indices = @transform_3, window_bounds = array<i64: 1, 512, 128>}, {transform_indices = @transform_4, window_bounds = array<i64: 1, 512, 128>}, {transform_indices = @transform_5, window_bounds = array<i64: 1, 512, 128>}, {transform_indices = @transform_6, window_bounds = array<i64: 1, 4, 512>}, {pipeline_mode = #tpu.pipeline_mode<synchronous>, transform_indices = @transform_7, window_bounds = array<i64: 128, 256>}, {pipeline_mode = #tpu.pipeline_mode<synchronous>, transform_indices = @transform_8, window_bounds = array<i64: 128, 256>}, {pipeline_mode = #tpu.pipeline_mode<synchronous>, transform_indices = @transform_9, window_bounds = array<i64: 1, 256>}, {pipeline_mode = #tpu.pipeline_mode<synchronous>, transform_indices = @transform_10, window_bounds = array<i64: 128, 256>}, {pipeline_mode = #tpu.pipeline_mode<synchronous>, transform_indices = @transform_11, window_bounds = array<i64: 128, 256>}, {pipeline_mode = #tpu.pipeline_mode<synchronous>, transform_indices = @transform_12, window_bounds = array<i64: 1, 256>}, {pipeline_mode = #tpu.pipeline_mode<synchronous>, transform_indices = @transform_13, window_bounds = array<i64: 128, 256>}, {pipeline_mode = #tpu.pipeline_mode<synchronous>, transform_indices = @transform_14, window_bounds = array<i64: 128, 256>}, {pipeline_mode = #tpu.pipeline_mode<synchronous>, transform_indices = @transform_15, window_bounds = array<i64: 1, 256>}, {pipeline_mode = #tpu.pipeline_mode<synchronous>, transform_indices = @transform_16, window_bounds = array<i64: 256, 256>}, {pipeline_mode = #tpu.pipeline_mode<synchronous>, transform_indices = @transform_17, window_bounds = array<i64: 256, 256>}, {pipeline_mode = #tpu.pipeline_mode<synchronous>, transform_indices = @transform_18, window_bounds = array<i64: 256, 256>}, {pipeline_mode = #tpu.pipeline_mode<synchronous>, transform_indices = @transform_19, window_bounds = array<i64: 1, 256>}, {pipeline_mode = #tpu.pipeline_mode<synchronous>, transform_indices = @transform_20, window_bounds = array<i64: 64, 1>}, {pipeline_mode = #tpu.pipeline_mode<synchronous>, transform_indices = @transform_21, window_bounds = array<i64: 1, 1>}, {pipeline_mode = #tpu.pipeline_mode<synchronous>, transform_indices = @transform_22, window_bounds = array<i64: 256, 256>}, {pipeline_mode = #tpu.pipeline_mode<synchronous>, transform_indices = @transform_23, window_bounds = array<i64: 1, 256>}, {pipeline_mode = #tpu.pipeline_mode<synchronous>, transform_indices = @transform_24, window_bounds = array<i64: 64, 128>}, {pipeline_mode = #tpu.pipeline_mode<synchronous>, transform_indices = @transform_25, window_bounds = array<i64: 1, 128>}, {pipeline_mode = #tpu.pipeline_mode<synchronous>, transform_indices = @transform_26, window_bounds = array<i64: 256, 128>}]} {
    %eq3A = arith.constant 0 : i32
    %eq3A_0 = arith.cmpi eq, %arg0, %eq3A : i32
    %convert_element_type3A = arith.extui %eq3A_0 : i1 to i32
    %cond3A = arith.constant 0 : i32
    %cond3A_1 = arith.cmpi ne, %convert_element_type3A, %cond3A : i32
    scf.if %cond3A_1 {
      %broadcast_in_dim3A_351 = arith.constant -1.000000e+30 : f32
      %broadcast_in_dim3A_352 = vector.broadcast %broadcast_in_dim3A_351 : f32 to vector<256x1xf32>
      %swap3A_353 = arith.constant 0 : index
      %swap3A_354 = arith.constant 0 : index
      %swap3A_355 = vector.load %arg28[%swap3A_353, %swap3A_354] : memref<256x1xf32, #tpu.memory_space<vmem>>, vector<256x1xf32>
      tpu.vector_store %arg28[%swap3A_353, %swap3A_354], %broadcast_in_dim3A_352 {strides = array<i32>} : memref<256x1xf32, #tpu.memory_space<vmem>>, vector<256x1xf32>,
      %broadcast_in_dim3A_356 = arith.constant 0.000000e+00 : f32
      %broadcast_in_dim3A_357 = vector.broadcast %broadcast_in_dim3A_356 : f32 to vector<256x1xf32>
      %swap3A_358 = arith.constant 0 : index
      %swap3A_359 = arith.constant 0 : index
      %swap3A_360 = vector.load %arg29[%swap3A_358, %swap3A_359] : memref<256x1xf32, #tpu.memory_space<vmem>>, vector<256x1xf32>
      tpu.vector_store %arg29[%swap3A_358, %swap3A_359], %broadcast_in_dim3A_357 {strides = array<i32>} : memref<256x1xf32, #tpu.memory_space<vmem>>, vector<256x1xf32>,
      %broadcast_in_dim3A_361 = arith.constant 0.000000e+00 : f32
      %broadcast_in_dim3A_362 = vector.broadcast %broadcast_in_dim3A_361 : f32 to vector<256x64xf32>
      %swap3A_363 = arith.constant 0 : index
      %swap3A_364 = arith.constant 0 : index
      %swap3A_365 = vector.load %arg30[%swap3A_363, %swap3A_364] : memref<256x64xf32, #tpu.memory_space<vmem>>, vector<256x64xf32>
      tpu.vector_store %arg30[%swap3A_363, %swap3A_364], %broadcast_in_dim3A_362 {strides = array<i32>} : memref<256x64xf32, #tpu.memory_space<vmem>>, vector<256x64xf32>,
    } else {
    }
    %get3A = arith.constant 0 : index
    %get3A_2 = arith.constant 0 : index
    %get3A_3 = arith.constant 0 : index
    %get3A_4 = vector.load %arg1[%get3A, %get3A_2, %get3A_3] : memref<1x512x128xf32, #tpu.memory_space<vmem>>, vector<1x512x128xf32>
    %get3A_5 = vector.shape_cast %get3A_4 : vector<1x512x128xf32> to vector<512x128xf32>
    %get3A_6 = arith.constant 0 : index
    %get3A_7 = arith.constant 0 : index
    %get3A_8 = vector.load %arg8[%get3A_6, %get3A_7] : memref<128x256xf32, #tpu.memory_space<vmem>>, vector<128x256xf32>
    %dot_general3A = arith.constant dense<0.000000e+00> : vector<512x256xf32>
    %dot_general3A_9 = tpu.matmul %get3A_5, %get3A_8, %dot_general3A {dimension_numbers = #tpu.dot_dimension_numbers<[1], [0], [0], [1], [0, 0, 1, 1], [], []>, transpose_lhs_hint = false} : vector<512x128xf32>, vector<128x256xf32>, vector<512x256xf32> -> vector<512x256xf32>
    %get3A_10 = arith.constant 0 : index
    %get3A_11 = arith.constant 0 : index
    %get3A_12 = arith.constant 0 : index
    %get3A_13 = vector.load %arg2[%get3A_10, %get3A_11, %get3A_12] : memref<1x512x128xf32, #tpu.memory_space<vmem>>, vector<1x512x128xf32>
    %get3A_14 = vector.shape_cast %get3A_13 : vector<1x512x128xf32> to vector<512x128xf32>
    %get3A_15 = arith.constant 0 : index
    %get3A_16 = arith.constant 0 : index
    %get3A_17 = vector.load %arg9[%get3A_15, %get3A_16] : memref<128x256xf32, #tpu.memory_space<vmem>>, vector<128x256xf32>
    %dot_general3A_18 = arith.constant dense<0.000000e+00> : vector<512x256xf32>
    %dot_general3A_19 = tpu.matmul %get3A_14, %get3A_17, %dot_general3A_18 {dimension_numbers = #tpu.dot_dimension_numbers<[1], [0], [0], [1], [0, 0, 1, 1], [], []>, transpose_lhs_hint = false} : vector<512x128xf32>, vector<128x256xf32>, vector<512x256xf32> -> vector<512x256xf32>
    %add3A = arith.addf %dot_general3A_9, %dot_general3A_19 : vector<512x256xf32>
    %get3A_20 = arith.constant 0 : index
    %get3A_21 = arith.constant 0 : index
    %get3A_22 = vector.load %arg10[%get3A_20, %get3A_21] : memref<1x256xf32, #tpu.memory_space<vmem>>, vector<1x256xf32>
    %add3A_23 = vector.broadcast %get3A_22 : vector<1x256xf32> to vector<512x256xf32>
    %add3A_24 = arith.addf %add3A, %add3A_23 : vector<512x256xf32>
    %max3A = arith.constant 0.000000e+00 : f32
    %max3A_25 = vector.broadcast %max3A : f32 to vector<512x256xf32>
    %max3A_26 = arith.maximumf %add3A_24, %max3A_25 : vector<512x256xf32>
    %get3A_27 = arith.constant 0 : index
    %get3A_28 = arith.constant 0 : index
    %get3A_29 = arith.constant 0 : index
    %get3A_30 = vector.load %arg3[%get3A_27, %get3A_28, %get3A_29] : memref<1x512x128xf32, #tpu.memory_space<vmem>>, vector<1x512x128xf32>
    %get3A_31 = vector.shape_cast %get3A_30 : vector<1x512x128xf32> to vector<512x128xf32>
    %get3A_32 = arith.constant 0 : index
    %get3A_33 = arith.constant 0 : index
    %get3A_34 = vector.load %arg11[%get3A_32, %get3A_33] : memref<128x256xf32, #tpu.memory_space<vmem>>, vector<128x256xf32>
    %dot_general3A_35 = arith.constant dense<0.000000e+00> : vector<512x256xf32>
    %dot_general3A_36 = tpu.matmul %get3A_31, %get3A_34, %dot_general3A_35 {dimension_numbers = #tpu.dot_dimension_numbers<[1], [0], [0], [1], [0, 0, 1, 1], [], []>, transpose_lhs_hint = false} : vector<512x128xf32>, vector<128x256xf32>, vector<512x256xf32> -> vector<512x256xf32>
    %get3A_37 = arith.constant 0 : index
    %get3A_38 = arith.constant 0 : index
    %get3A_39 = arith.constant 0 : index
    %get3A_40 = vector.load %arg4[%get3A_37, %get3A_38, %get3A_39] : memref<1x512x128xf32, #tpu.memory_space<vmem>>, vector<1x512x128xf32>
    %get3A_41 = vector.shape_cast %get3A_40 : vector<1x512x128xf32> to vector<512x128xf32>
    %get3A_42 = arith.constant 0 : index
    %get3A_43 = arith.constant 0 : index
    %get3A_44 = vector.load %arg12[%get3A_42, %get3A_43] : memref<128x256xf32, #tpu.memory_space<vmem>>, vector<128x256xf32>
    %dot_general3A_45 = arith.constant dense<0.000000e+00> : vector<512x256xf32>
    %dot_general3A_46 = tpu.matmul %get3A_41, %get3A_44, %dot_general3A_45 {dimension_numbers = #tpu.dot_dimension_numbers<[1], [0], [0], [1], [0, 0, 1, 1], [], []>, transpose_lhs_hint = false} : vector<512x128xf32>, vector<128x256xf32>, vector<512x256xf32> -> vector<512x256xf32>
    %add3A_47 = arith.addf %dot_general3A_36, %dot_general3A_46 : vector<512x256xf32>
    %get3A_48 = arith.constant 0 : index
    %get3A_49 = arith.constant 0 : index
    %get3A_50 = vector.load %arg13[%get3A_48, %get3A_49] : memref<1x256xf32, #tpu.memory_space<vmem>>, vector<1x256xf32>
    %add3A_51 = vector.broadcast %get3A_50 : vector<1x256xf32> to vector<512x256xf32>
    %add3A_52 = arith.addf %add3A_47, %add3A_51 : vector<512x256xf32>
    %max3A_53 = arith.constant 0.000000e+00 : f32
    %max3A_54 = vector.broadcast %max3A_53 : f32 to vector<512x256xf32>
    %max3A_55 = arith.maximumf %add3A_52, %max3A_54 : vector<512x256xf32>
    %get3A_56 = arith.constant 0 : index
    %get3A_57 = arith.constant 0 : index
    %get3A_58 = arith.constant 0 : index
    %get3A_59 = vector.load %arg5[%get3A_56, %get3A_57, %get3A_58] : memref<1x512x128xf32, #tpu.memory_space<vmem>>, vector<1x512x128xf32>
    %get3A_60 = vector.shape_cast %get3A_59 : vector<1x512x128xf32> to vector<512x128xf32>
    %get3A_61 = arith.constant 0 : index
    %get3A_62 = arith.constant 0 : index
    %get3A_63 = vector.load %arg14[%get3A_61, %get3A_62] : memref<128x256xf32, #tpu.memory_space<vmem>>, vector<128x256xf32>
    %dot_general3A_64 = arith.constant dense<0.000000e+00> : vector<512x256xf32>
    %dot_general3A_65 = tpu.matmul %get3A_60, %get3A_63, %dot_general3A_64 {dimension_numbers = #tpu.dot_dimension_numbers<[1], [0], [0], [1], [0, 0, 1, 1], [], []>, transpose_lhs_hint = false} : vector<512x128xf32>, vector<128x256xf32>, vector<512x256xf32> -> vector<512x256xf32>
    %get3A_66 = arith.constant 0 : index
    %get3A_67 = arith.constant 0 : index
    %get3A_68 = arith.constant 0 : index
    %get3A_69 = vector.load %arg6[%get3A_66, %get3A_67, %get3A_68] : memref<1x512x128xf32, #tpu.memory_space<vmem>>, vector<1x512x128xf32>
    %get3A_70 = vector.shape_cast %get3A_69 : vector<1x512x128xf32> to vector<512x128xf32>
    %get3A_71 = arith.constant 0 : index
    %get3A_72 = arith.constant 0 : index
    %get3A_73 = vector.load %arg15[%get3A_71, %get3A_72] : memref<128x256xf32, #tpu.memory_space<vmem>>, vector<128x256xf32>
    %dot_general3A_74 = arith.constant dense<0.000000e+00> : vector<512x256xf32>
    %dot_general3A_75 = tpu.matmul %get3A_70, %get3A_73, %dot_general3A_74 {dimension_numbers = #tpu.dot_dimension_numbers<[1], [0], [0], [1], [0, 0, 1, 1], [], []>, transpose_lhs_hint = false} : vector<512x128xf32>, vector<128x256xf32>, vector<512x256xf32> -> vector<512x256xf32>
    %add3A_76 = arith.addf %dot_general3A_65, %dot_general3A_75 : vector<512x256xf32>
    %get3A_77 = arith.constant 0 : index
    %get3A_78 = arith.constant 0 : index
    %get3A_79 = vector.load %arg16[%get3A_77, %get3A_78] : memref<1x256xf32, #tpu.memory_space<vmem>>, vector<1x256xf32>
    %add3A_80 = vector.broadcast %get3A_79 : vector<1x256xf32> to vector<512x256xf32>
    %add3A_81 = arith.addf %add3A_76, %add3A_80 : vector<512x256xf32>
    %max3A_82 = arith.constant 0.000000e+00 : f32
    %max3A_83 = vector.broadcast %max3A_82 : f32 to vector<512x256xf32>
    %max3A_84 = arith.maximumf %add3A_81, %max3A_83 : vector<512x256xf32>
    %get3A_85 = arith.constant 0 : index
    %get3A_86 = arith.constant 0 : index
    %get3A_87 = vector.load %arg17[%get3A_85, %get3A_86] : memref<256x256xf32, #tpu.memory_space<vmem>>, vector<256x256xf32>
    %dot_general3A_88 = arith.constant dense<0.000000e+00> : vector<512x256xf32>
    %dot_general3A_89 = tpu.matmul %max3A_26, %get3A_87, %dot_general3A_88 {dimension_numbers = #tpu.dot_dimension_numbers<[1], [0], [0], [1], [0, 0, 1, 1], [], []>, transpose_lhs_hint = false} : vector<512x256xf32>, vector<256x256xf32>, vector<512x256xf32> -> vector<512x256xf32>
    %get3A_90 = arith.constant 0 : index
    %get3A_91 = arith.constant 0 : index
    %get3A_92 = vector.load %arg18[%get3A_90, %get3A_91] : memref<256x256xf32, #tpu.memory_space<vmem>>, vector<256x256xf32>
    %dot_general3A_93 = arith.constant dense<0.000000e+00> : vector<512x256xf32>
    %dot_general3A_94 = tpu.matmul %max3A_55, %get3A_92, %dot_general3A_93 {dimension_numbers = #tpu.dot_dimension_numbers<[1], [0], [0], [1], [0, 0, 1, 1], [], []>, transpose_lhs_hint = false} : vector<512x256xf32>, vector<256x256xf32>, vector<512x256xf32> -> vector<512x256xf32>
    %add3A_95 = arith.addf %dot_general3A_89, %dot_general3A_94 : vector<512x256xf32>
    %get3A_96 = arith.constant 0 : index
    %get3A_97 = arith.constant 0 : index
    %get3A_98 = vector.load %arg19[%get3A_96, %get3A_97] : memref<256x256xf32, #tpu.memory_space<vmem>>, vector<256x256xf32>
    %dot_general3A_99 = arith.constant dense<0.000000e+00> : vector<512x256xf32>
    %dot_general3A_100 = tpu.matmul %max3A_84, %get3A_98, %dot_general3A_99 {dimension_numbers = #tpu.dot_dimension_numbers<[1], [0], [0], [1], [0, 0, 1, 1], [], []>, transpose_lhs_hint = false} : vector<512x256xf32>, vector<256x256xf32>, vector<512x256xf32> -> vector<512x256xf32>
    %add3A_101 = arith.addf %add3A_95, %dot_general3A_100 : vector<512x256xf32>
    %get3A_102 = arith.constant 0 : index
    %get3A_103 = arith.constant 0 : index
    %get3A_104 = vector.load %arg20[%get3A_102, %get3A_103] : memref<1x256xf32, #tpu.memory_space<vmem>>, vector<1x256xf32>
    %add3A_105 = vector.broadcast %get3A_104 : vector<1x256xf32> to vector<512x256xf32>
    %add3A_106 = arith.addf %add3A_101, %add3A_105 : vector<512x256xf32>
    %max3A_107 = arith.constant 0.000000e+00 : f32
    %max3A_108 = vector.broadcast %max3A_107 : f32 to vector<512x256xf32>
    %max3A_109 = arith.maximumf %add3A_106, %max3A_108 : vector<512x256xf32>
    %get3A_110 = arith.constant 0 : index
    %get3A_111 = arith.constant 0 : index
    %get3A_112 = vector.load %arg23[%get3A_110, %get3A_111] : memref<256x256xf32, #tpu.memory_space<vmem>>, vector<256x256xf32>
    %dot_general3A_113 = arith.constant dense<0.000000e+00> : vector<512x256xf32>
    %dot_general3A_114 = tpu.matmul %max3A_109, %get3A_112, %dot_general3A_113 {dimension_numbers = #tpu.dot_dimension_numbers<[1], [0], [0], [1], [0, 0, 1, 1], [], []>, transpose_lhs_hint = false} : vector<512x256xf32>, vector<256x256xf32>, vector<512x256xf32> -> vector<512x256xf32>
    %get3A_115 = arith.constant 0 : index
    %get3A_116 = arith.constant 0 : index
    %get3A_117 = vector.load %arg24[%get3A_115, %get3A_116] : memref<1x256xf32, #tpu.memory_space<vmem>>, vector<1x256xf32>
    %add3A_118 = vector.broadcast %get3A_117 : vector<1x256xf32> to vector<512x256xf32>
    %add3A_119 = arith.addf %dot_general3A_114, %add3A_118 : vector<512x256xf32>
    %mul3A = arith.constant 512 : i32
    %mul3A_120 = arith.muli %arg0, %mul3A : i32
    %iota3A = tpu.iota {dimensions = array<i32: 0>} : vector<512x1xi32>
    %add3A_121 = vector.broadcast %mul3A_120 : i32 to vector<512x1xi32>
    %add3A_122 = arith.addi %add3A_121, %iota3A : vector<512x1xi32>
    %lt3A = arith.constant 12500 : i32
    %lt3A_123 = vector.broadcast %lt3A : i32 to vector<512x1xi32>
    %lt3A_124 = arith.cmpi slt, %add3A_122, %lt3A_123 : vector<512x1xi32>
    %jit3A = arith.constant 0.000000e+00 : f32
    %broadcast_in_dim3A = vector.shape_cast %lt3A_124 : vector<512x1xi1> to vector<512x1xi1>
    %broadcast_in_dim3A_125 = vector.broadcast %broadcast_in_dim3A : vector<512x1xi1> to vector<512x256xi1>
    %broadcast_in_dim3A_126 = vector.broadcast %jit3A : f32 to vector<512x256xf32>
    %select_n3A = arith.select %broadcast_in_dim3A_125, %add3A_119, %broadcast_in_dim3A_126 : vector<512x256xi1>, vector<512x256xf32>
    %iota3A_127 = tpu.iota {dimensions = array<i32: 0>} : vector<256x512xi32>
    %get3A_128 = arith.constant 0 : index
    %get3A_129 = arith.constant 0 : index
    %get3A_130 = vector.load %arg28[%get3A_128, %get3A_129] : memref<256x1xf32, #tpu.memory_space<vmem>>, vector<256x1xf32>
    %slice3A = vector.extract_strided_slice %max3A_109 {offsets = [0, 0], sizes = [512, 64], strides = [1, 1]} : vector<512x256xf32> to vector<512x64xf32>
    %get3A_131 = arith.constant 0 : index
    %get3A_132 = arith.constant 0 : index
    %get3A_133 = vector.load %arg21[%get3A_131, %get3A_132] : memref<64x1xf32, #tpu.memory_space<vmem>>, vector<64x1xf32>
    %dot_general3A_134 = arith.constant dense<0.000000e+00> : vector<1x512xf32>
    %dot_general3A_135 = tpu.matmul %get3A_133, %slice3A, %dot_general3A_134 {dimension_numbers = #tpu.dot_dimension_numbers<[0], [1], [1], [0], [0, 1, 1, 0], [], []>, transpose_lhs_hint = false} : vector<64x1xf32>, vector<512x64xf32>, vector<1x512xf32> -> vector<1x512xf32>
    %get3A_136 = arith.constant 0 : index
    %get3A_137 = arith.constant 0 : index
    %get3A_138 = vector.load %arg22[%get3A_136, %get3A_137] : memref<1x1xf32, #tpu.memory_space<vmem>>, vector<1x1xf32>
    %add3A_139 = vector.broadcast %get3A_138 : vector<1x1xf32> to vector<1x512xf32>
    %add3A_140 = arith.addf %dot_general3A_135, %add3A_139 : vector<1x512xf32>
    %get3A_141 = arith.constant 0 : index
    %get3A_142 = arith.constant 0 : index
    %get3A_143 = arith.constant 0 : index
    %get3A_144 = vector.load %arg7[%get3A_141, %get3A_142, %get3A_143] : memref<1x4x512xi32, #tpu.memory_space<vmem>>, vector<1x1x512xi32>
    %get3A_145 = vector.shape_cast %get3A_144 : vector<1x1x512xi32> to vector<1x512xi32>
    %eq3A_146 = vector.broadcast %get3A_145 : vector<1x512xi32> to vector<256x512xi32>
    %eq3A_147 = arith.cmpi eq, %iota3A_127, %eq3A_146 : vector<256x512xi32>
    %convert_element_type3A_148 = arith.extui %eq3A_147 : vector<256x512xi1> to vector<256x512xi32>
    %convert_element_type3A_149 = arith.sitofp %convert_element_type3A_148 : vector<256x512xi32> to vector<256x512xf32>
    %jit3A_150 = arith.constant -1.000000e+30 : f32
    %broadcast_in_dim3A_151 = vector.shape_cast %add3A_140 : vector<1x512xf32> to vector<1x512xf32>
    %broadcast_in_dim3A_152 = vector.broadcast %broadcast_in_dim3A_151 : vector<1x512xf32> to vector<256x512xf32>
    %broadcast_in_dim3A_153 = vector.broadcast %jit3A_150 : f32 to vector<256x512xf32>
    %select_n3A_154 = arith.select %eq3A_147, %broadcast_in_dim3A_152, %broadcast_in_dim3A_153 : vector<256x512xi1>, vector<256x512xf32>
    %reduce_max3A = arith.constant dense<0xFF800000> : vector<256xf32>
    %reduce_max3A_155 = vector.multi_reduction <maximumf>, %select_n3A_154, %reduce_max3A [1] : vector<256x512xf32> to vector<256xf32>
    %broadcast_in_dim3A_156 = vector.shape_cast %reduce_max3A_155 : vector<256xf32> to vector<256x1xf32>
    %slice3A_157 = vector.extract_strided_slice %max3A_109 {offsets = [0, 64], sizes = [512, 64], strides = [1, 1]} : vector<512x256xf32> to vector<512x64xf32>
    %get3A_158 = arith.constant 0 : index
    %get3A_159 = arith.constant 0 : index
    %get3A_160 = vector.load %arg21[%get3A_158, %get3A_159] : memref<64x1xf32, #tpu.memory_space<vmem>>, vector<64x1xf32>
    %dot_general3A_161 = arith.constant dense<0.000000e+00> : vector<1x512xf32>
    %dot_general3A_162 = tpu.matmul %get3A_160, %slice3A_157, %dot_general3A_161 {dimension_numbers = #tpu.dot_dimension_numbers<[0], [1], [1], [0], [0, 1, 1, 0], [], []>, transpose_lhs_hint = false} : vector<64x1xf32>, vector<512x64xf32>, vector<1x512xf32> -> vector<1x512xf32>
    %get3A_163 = arith.constant 0 : index
    %get3A_164 = arith.constant 0 : index
    %get3A_165 = vector.load %arg22[%get3A_163, %get3A_164] : memref<1x1xf32, #tpu.memory_space<vmem>>, vector<1x1xf32>
    %add3A_166 = vector.broadcast %get3A_165 : vector<1x1xf32> to vector<1x512xf32>
    %add3A_167 = arith.addf %dot_general3A_162, %add3A_166 : vector<1x512xf32>
    %get3A_168 = arith.constant 0 : index
    %get3A_169 = arith.constant 1 : index
    %get3A_170 = arith.constant 0 : index
    %get3A_171 = vector.load %arg7[%get3A_168, %get3A_169, %get3A_170] : memref<1x4x512xi32, #tpu.memory_space<vmem>>, vector<1x1x512xi32>
    %get3A_172 = vector.shape_cast %get3A_171 : vector<1x1x512xi32> to vector<1x512xi32>
    %eq3A_173 = vector.broadcast %get3A_172 : vector<1x512xi32> to vector<256x512xi32>
    %eq3A_174 = arith.cmpi eq, %iota3A_127, %eq3A_173 : vector<256x512xi32>
    %convert_element_type3A_175 = arith.extui %eq3A_174 : vector<256x512xi1> to vector<256x512xi32>
    %convert_element_type3A_176 = arith.sitofp %convert_element_type3A_175 : vector<256x512xi32> to vector<256x512xf32>
    %jit3A_177 = arith.constant -1.000000e+30 : f32
    %broadcast_in_dim3A_178 = vector.shape_cast %add3A_167 : vector<1x512xf32> to vector<1x512xf32>
    %broadcast_in_dim3A_179 = vector.broadcast %broadcast_in_dim3A_178 : vector<1x512xf32> to vector<256x512xf32>
    %broadcast_in_dim3A_180 = vector.broadcast %jit3A_177 : f32 to vector<256x512xf32>
    %select_n3A_181 = arith.select %eq3A_174, %broadcast_in_dim3A_179, %broadcast_in_dim3A_180 : vector<256x512xi1>, vector<256x512xf32>
    %reduce_max3A_182 = arith.constant dense<0xFF800000> : vector<256xf32>
    %reduce_max3A_183 = vector.multi_reduction <maximumf>, %select_n3A_181, %reduce_max3A_182 [1] : vector<256x512xf32> to vector<256xf32>
    %broadcast_in_dim3A_184 = vector.shape_cast %reduce_max3A_183 : vector<256xf32> to vector<256x1xf32>
    %slice3A_185 = vector.extract_strided_slice %max3A_109 {offsets = [0, 128], sizes = [512, 64], strides = [1, 1]} : vector<512x256xf32> to vector<512x64xf32>
    %get3A_186 = arith.constant 0 : index
    %get3A_187 = arith.constant 0 : index
    %get3A_188 = vector.load %arg21[%get3A_186, %get3A_187] : memref<64x1xf32, #tpu.memory_space<vmem>>, vector<64x1xf32>
    %dot_general3A_189 = arith.constant dense<0.000000e+00> : vector<1x512xf32>
    %dot_general3A_190 = tpu.matmul %get3A_188, %slice3A_185, %dot_general3A_189 {dimension_numbers = #tpu.dot_dimension_numbers<[0], [1], [1], [0], [0, 1, 1, 0], [], []>, transpose_lhs_hint = false} : vector<64x1xf32>, vector<512x64xf32>, vector<1x512xf32> -> vector<1x512xf32>
    %get3A_191 = arith.constant 0 : index
    %get3A_192 = arith.constant 0 : index
    %get3A_193 = vector.load %arg22[%get3A_191, %get3A_192] : memref<1x1xf32, #tpu.memory_space<vmem>>, vector<1x1xf32>
    %add3A_194 = vector.broadcast %get3A_193 : vector<1x1xf32> to vector<1x512xf32>
    %add3A_195 = arith.addf %dot_general3A_190, %add3A_194 : vector<1x512xf32>
    %get3A_196 = arith.constant 0 : index
    %get3A_197 = arith.constant 2 : index
    %get3A_198 = arith.constant 0 : index
    %get3A_199 = vector.load %arg7[%get3A_196, %get3A_197, %get3A_198] : memref<1x4x512xi32, #tpu.memory_space<vmem>>, vector<1x1x512xi32>
    %get3A_200 = vector.shape_cast %get3A_199 : vector<1x1x512xi32> to vector<1x512xi32>
    %eq3A_201 = vector.broadcast %get3A_200 : vector<1x512xi32> to vector<256x512xi32>
    %eq3A_202 = arith.cmpi eq, %iota3A_127, %eq3A_201 : vector<256x512xi32>
    %convert_element_type3A_203 = arith.extui %eq3A_202 : vector<256x512xi1> to vector<256x512xi32>
    %convert_element_type3A_204 = arith.sitofp %convert_element_type3A_203 : vector<256x512xi32> to vector<256x512xf32>
    %jit3A_205 = arith.constant -1.000000e+30 : f32
    %broadcast_in_dim3A_206 = vector.shape_cast %add3A_195 : vector<1x512xf32> to vector<1x512xf32>
    %broadcast_in_dim3A_207 = vector.broadcast %broadcast_in_dim3A_206 : vector<1x512xf32> to vector<256x512xf32>
    %broadcast_in_dim3A_208 = vector.broadcast %jit3A_205 : f32 to vector<256x512xf32>
    %select_n3A_209 = arith.select %eq3A_202, %broadcast_in_dim3A_207, %broadcast_in_dim3A_208 : vector<256x512xi1>, vector<256x512xf32>
    %reduce_max3A_210 = arith.constant dense<0xFF800000> : vector<256xf32>
    %reduce_max3A_211 = vector.multi_reduction <maximumf>, %select_n3A_209, %reduce_max3A_210 [1] : vector<256x512xf32> to vector<256xf32>
    %broadcast_in_dim3A_212 = vector.shape_cast %reduce_max3A_211 : vector<256xf32> to vector<256x1xf32>
    %slice3A_213 = vector.extract_strided_slice %max3A_109 {offsets = [0, 192], sizes = [512, 64], strides = [1, 1]} : vector<512x256xf32> to vector<512x64xf32>
    %get3A_214 = arith.constant 0 : index
    %get3A_215 = arith.constant 0 : index
    %get3A_216 = vector.load %arg21[%get3A_214, %get3A_215] : memref<64x1xf32, #tpu.memory_space<vmem>>, vector<64x1xf32>
    %dot_general3A_217 = arith.constant dense<0.000000e+00> : vector<1x512xf32>
    %dot_general3A_218 = tpu.matmul %get3A_216, %slice3A_213, %dot_general3A_217 {dimension_numbers = #tpu.dot_dimension_numbers<[0], [1], [1], [0], [0, 1, 1, 0], [], []>, transpose_lhs_hint = false} : vector<64x1xf32>, vector<512x64xf32>, vector<1x512xf32> -> vector<1x512xf32>
    %get3A_219 = arith.constant 0 : index
    %get3A_220 = arith.constant 0 : index
    %get3A_221 = vector.load %arg22[%get3A_219, %get3A_220] : memref<1x1xf32, #tpu.memory_space<vmem>>, vector<1x1xf32>
    %add3A_222 = vector.broadcast %get3A_221 : vector<1x1xf32> to vector<1x512xf32>
    %add3A_223 = arith.addf %dot_general3A_218, %add3A_222 : vector<1x512xf32>
    %get3A_224 = arith.constant 0 : index
    %get3A_225 = arith.constant 3 : index
    %get3A_226 = arith.constant 0 : index
    %get3A_227 = vector.load %arg7[%get3A_224, %get3A_225, %get3A_226] : memref<1x4x512xi32, #tpu.memory_space<vmem>>, vector<1x1x512xi32>
    %get3A_228 = vector.shape_cast %get3A_227 : vector<1x1x512xi32> to vector<1x512xi32>
    %eq3A_229 = vector.broadcast %get3A_228 : vector<1x512xi32> to vector<256x512xi32>
    %eq3A_230 = arith.cmpi eq, %iota3A_127, %eq3A_229 : vector<256x512xi32>
    %convert_element_type3A_231 = arith.extui %eq3A_230 : vector<256x512xi1> to vector<256x512xi32>
    %convert_element_type3A_232 = arith.sitofp %convert_element_type3A_231 : vector<256x512xi32> to vector<256x512xf32>
    %jit3A_233 = arith.constant -1.000000e+30 : f32
    %broadcast_in_dim3A_234 = vector.shape_cast %add3A_223 : vector<1x512xf32> to vector<1x512xf32>
    %broadcast_in_dim3A_235 = vector.broadcast %broadcast_in_dim3A_234 : vector<1x512xf32> to vector<256x512xf32>
    %broadcast_in_dim3A_236 = vector.broadcast %jit3A_233 : f32 to vector<256x512xf32>
    %select_n3A_237 = arith.select %eq3A_230, %broadcast_in_dim3A_235, %broadcast_in_dim3A_236 : vector<256x512xi1>, vector<256x512xf32>
    %reduce_max3A_238 = arith.constant dense<0xFF800000> : vector<256xf32>
    %reduce_max3A_239 = vector.multi_reduction <maximumf>, %select_n3A_237, %reduce_max3A_238 [1] : vector<256x512xf32> to vector<256xf32>
    %broadcast_in_dim3A_240 = vector.shape_cast %reduce_max3A_239 : vector<256xf32> to vector<256x1xf32>
    %max3A_241 = arith.maximumf %get3A_130, %broadcast_in_dim3A_156 : vector<256x1xf32>
    %max3A_242 = arith.maximumf %broadcast_in_dim3A_184, %broadcast_in_dim3A_212 : vector<256x1xf32>
    %max3A_243 = arith.maximumf %max3A_241, %max3A_242 : vector<256x1xf32>
    %max3A_244 = arith.maximumf %max3A_243, %broadcast_in_dim3A_240 : vector<256x1xf32>
    %sub3A = arith.subf %get3A_130, %max3A_244 : vector<256x1xf32>
    %exp3A = math.exp %sub3A : vector<256x1xf32>
    %broadcast_in_dim3A_245 = arith.constant 0.000000e+00 : f32
    %broadcast_in_dim3A_246 = vector.broadcast %broadcast_in_dim3A_245 : f32 to vector<256x1xf32>
    %broadcast_in_dim3A_247 = arith.constant 0.000000e+00 : f32
    %broadcast_in_dim3A_248 = vector.broadcast %broadcast_in_dim3A_247 : f32 to vector<256x64xf32>
    %dot_general3A_249 = arith.constant dense<0.000000e+00> : vector<1x512xf32>
    %dot_general3A_250 = tpu.matmul %max3A_244, %convert_element_type3A_149, %dot_general3A_249 {dimension_numbers = #tpu.dot_dimension_numbers<[0], [0], [1], [1], [0, 1, 1, 1], [], []>, transpose_lhs_hint = false} : vector<256x1xf32>, vector<256x512xf32>, vector<1x512xf32> -> vector<1x512xf32>
    %gt3A = arith.constant 0.000000e+00 : f32
    %gt3A_251 = vector.broadcast %gt3A : f32 to vector<256x512xf32>
    %gt3A_252 = arith.cmpf ogt, %convert_element_type3A_149, %gt3A_251 : vector<256x512xf32>
    %sub3A_253 = arith.subf %add3A_140, %dot_general3A_250 : vector<1x512xf32>
    %exp3A_254 = math.exp %sub3A_253 : vector<1x512xf32>
    %jit3A_255 = arith.constant 0.000000e+00 : f32
    %broadcast_in_dim3A_256 = vector.shape_cast %exp3A_254 : vector<1x512xf32> to vector<1x512xf32>
    %broadcast_in_dim3A_257 = vector.broadcast %broadcast_in_dim3A_256 : vector<1x512xf32> to vector<256x512xf32>
    %broadcast_in_dim3A_258 = vector.broadcast %jit3A_255 : f32 to vector<256x512xf32>
    %select_n3A_259 = arith.select %gt3A_252, %broadcast_in_dim3A_257, %broadcast_in_dim3A_258 : vector<256x512xi1>, vector<256x512xf32>
    %reduce_sum3A = arith.constant dense<0.000000e+00> : vector<256xf32>
    %reduce_sum3A_260 = vector.multi_reduction <add>, %select_n3A_259, %reduce_sum3A [1] : vector<256x512xf32> to vector<256xf32>
    %broadcast_in_dim3A_261 = vector.shape_cast %reduce_sum3A_260 : vector<256xf32> to vector<256x1xf32>
    %add3A_262 = arith.addf %broadcast_in_dim3A_246, %broadcast_in_dim3A_261 : vector<256x1xf32>
    %slice3A_263 = vector.extract_strided_slice %select_n3A {offsets = [0, 0], sizes = [512, 64], strides = [1, 1]} : vector<512x256xf32> to vector<512x64xf32>
    %dot_general3A_264 = arith.constant dense<0.000000e+00> : vector<256x64xf32>
    %dot_general3A_265 = tpu.matmul %select_n3A_259, %slice3A_263, %dot_general3A_264 {dimension_numbers = #tpu.dot_dimension_numbers<[1], [0], [0], [1], [0, 0, 1, 1], [], []>, transpose_lhs_hint = false} : vector<256x512xf32>, vector<512x64xf32>, vector<256x64xf32> -> vector<256x64xf32>
    %add3A_266 = arith.addf %broadcast_in_dim3A_248, %dot_general3A_265 : vector<256x64xf32>
    %dot_general3A_267 = arith.constant dense<0.000000e+00> : vector<1x512xf32>
    %dot_general3A_268 = tpu.matmul %max3A_244, %convert_element_type3A_176, %dot_general3A_267 {dimension_numbers = #tpu.dot_dimension_numbers<[0], [0], [1], [1], [0, 1, 1, 1], [], []>, transpose_lhs_hint = false} : vector<256x1xf32>, vector<256x512xf32>, vector<1x512xf32> -> vector<1x512xf32>
    %gt3A_269 = arith.constant 0.000000e+00 : f32
    %gt3A_270 = vector.broadcast %gt3A_269 : f32 to vector<256x512xf32>
    %gt3A_271 = arith.cmpf ogt, %convert_element_type3A_176, %gt3A_270 : vector<256x512xf32>
    %sub3A_272 = arith.subf %add3A_167, %dot_general3A_268 : vector<1x512xf32>
    %exp3A_273 = math.exp %sub3A_272 : vector<1x512xf32>
    %jit3A_274 = arith.constant 0.000000e+00 : f32
    %broadcast_in_dim3A_275 = vector.shape_cast %exp3A_273 : vector<1x512xf32> to vector<1x512xf32>
    %broadcast_in_dim3A_276 = vector.broadcast %broadcast_in_dim3A_275 : vector<1x512xf32> to vector<256x512xf32>
    %broadcast_in_dim3A_277 = vector.broadcast %jit3A_274 : f32 to vector<256x512xf32>
    %select_n3A_278 = arith.select %gt3A_271, %broadcast_in_dim3A_276, %broadcast_in_dim3A_277 : vector<256x512xi1>, vector<256x512xf32>
    %reduce_sum3A_279 = arith.constant dense<0.000000e+00> : vector<256xf32>
    %reduce_sum3A_280 = vector.multi_reduction <add>, %select_n3A_278, %reduce_sum3A_279 [1] : vector<256x512xf32> to vector<256xf32>
    %broadcast_in_dim3A_281 = vector.shape_cast %reduce_sum3A_280 : vector<256xf32> to vector<256x1xf32>
    %add3A_282 = arith.addf %add3A_262, %broadcast_in_dim3A_281 : vector<256x1xf32>
    %slice3A_283 = vector.extract_strided_slice %select_n3A {offsets = [0, 64], sizes = [512, 64], strides = [1, 1]} : vector<512x256xf32> to vector<512x64xf32>
    %dot_general3A_284 = arith.constant dense<0.000000e+00> : vector<256x64xf32>
    %dot_general3A_285 = tpu.matmul %select_n3A_278, %slice3A_283, %dot_general3A_284 {dimension_numbers = #tpu.dot_dimension_numbers<[1], [0], [0], [1], [0, 0, 1, 1], [], []>, transpose_lhs_hint = false} : vector<256x512xf32>, vector<512x64xf32>, vector<256x64xf32> -> vector<256x64xf32>
    %add3A_286 = arith.addf %add3A_266, %dot_general3A_285 : vector<256x64xf32>
    %dot_general3A_287 = arith.constant dense<0.000000e+00> : vector<1x512xf32>
    %dot_general3A_288 = tpu.matmul %max3A_244, %convert_element_type3A_204, %dot_general3A_287 {dimension_numbers = #tpu.dot_dimension_numbers<[0], [0], [1], [1], [0, 1, 1, 1], [], []>, transpose_lhs_hint = false} : vector<256x1xf32>, vector<256x512xf32>, vector<1x512xf32> -> vector<1x512xf32>
    %gt3A_289 = arith.constant 0.000000e+00 : f32
    %gt3A_290 = vector.broadcast %gt3A_289 : f32 to vector<256x512xf32>
    %gt3A_291 = arith.cmpf ogt, %convert_element_type3A_204, %gt3A_290 : vector<256x512xf32>
    %sub3A_292 = arith.subf %add3A_195, %dot_general3A_288 : vector<1x512xf32>
    %exp3A_293 = math.exp %sub3A_292 : vector<1x512xf32>
    %jit3A_294 = arith.constant 0.000000e+00 : f32
    %broadcast_in_dim3A_295 = vector.shape_cast %exp3A_293 : vector<1x512xf32> to vector<1x512xf32>
    %broadcast_in_dim3A_296 = vector.broadcast %broadcast_in_dim3A_295 : vector<1x512xf32> to vector<256x512xf32>
    %broadcast_in_dim3A_297 = vector.broadcast %jit3A_294 : f32 to vector<256x512xf32>
    %select_n3A_298 = arith.select %gt3A_291, %broadcast_in_dim3A_296, %broadcast_in_dim3A_297 : vector<256x512xi1>, vector<256x512xf32>
    %reduce_sum3A_299 = arith.constant dense<0.000000e+00> : vector<256xf32>
    %reduce_sum3A_300 = vector.multi_reduction <add>, %select_n3A_298, %reduce_sum3A_299 [1] : vector<256x512xf32> to vector<256xf32>
    %broadcast_in_dim3A_301 = vector.shape_cast %reduce_sum3A_300 : vector<256xf32> to vector<256x1xf32>
    %add3A_302 = arith.addf %add3A_282, %broadcast_in_dim3A_301 : vector<256x1xf32>
    %slice3A_303 = vector.extract_strided_slice %select_n3A {offsets = [0, 128], sizes = [512, 64], strides = [1, 1]} : vector<512x256xf32> to vector<512x64xf32>
    %dot_general3A_304 = arith.constant dense<0.000000e+00> : vector<256x64xf32>
    %dot_general3A_305 = tpu.matmul %select_n3A_298, %slice3A_303, %dot_general3A_304 {dimension_numbers = #tpu.dot_dimension_numbers<[1], [0], [0], [1], [0, 0, 1, 1], [], []>, transpose_lhs_hint = false} : vector<256x512xf32>, vector<512x64xf32>, vector<256x64xf32> -> vector<256x64xf32>
    %add3A_306 = arith.addf %add3A_286, %dot_general3A_305 : vector<256x64xf32>
    %dot_general3A_307 = arith.constant dense<0.000000e+00> : vector<1x512xf32>
    %dot_general3A_308 = tpu.matmul %max3A_244, %convert_element_type3A_232, %dot_general3A_307 {dimension_numbers = #tpu.dot_dimension_numbers<[0], [0], [1], [1], [0, 1, 1, 1], [], []>, transpose_lhs_hint = false} : vector<256x1xf32>, vector<256x512xf32>, vector<1x512xf32> -> vector<1x512xf32>
    %gt3A_309 = arith.constant 0.000000e+00 : f32
    %gt3A_310 = vector.broadcast %gt3A_309 : f32 to vector<256x512xf32>
    %gt3A_311 = arith.cmpf ogt, %convert_element_type3A_232, %gt3A_310 : vector<256x512xf32>
    %sub3A_312 = arith.subf %add3A_223, %dot_general3A_308 : vector<1x512xf32>
    %exp3A_313 = math.exp %sub3A_312 : vector<1x512xf32>
    %jit3A_314 = arith.constant 0.000000e+00 : f32
    %broadcast_in_dim3A_315 = vector.shape_cast %exp3A_313 : vector<1x512xf32> to vector<1x512xf32>
    %broadcast_in_dim3A_316 = vector.broadcast %broadcast_in_dim3A_315 : vector<1x512xf32> to vector<256x512xf32>
    %broadcast_in_dim3A_317 = vector.broadcast %jit3A_314 : f32 to vector<256x512xf32>
    %select_n3A_318 = arith.select %gt3A_311, %broadcast_in_dim3A_316, %broadcast_in_dim3A_317 : vector<256x512xi1>, vector<256x512xf32>
    %reduce_sum3A_319 = arith.constant dense<0.000000e+00> : vector<256xf32>
    %reduce_sum3A_320 = vector.multi_reduction <add>, %select_n3A_318, %reduce_sum3A_319 [1] : vector<256x512xf32> to vector<256xf32>
    %broadcast_in_dim3A_321 = vector.shape_cast %reduce_sum3A_320 : vector<256xf32> to vector<256x1xf32>
    %add3A_322 = arith.addf %add3A_302, %broadcast_in_dim3A_321 : vector<256x1xf32>
    %slice3A_323 = vector.extract_strided_slice %select_n3A {offsets = [0, 192], sizes = [512, 64], strides = [1, 1]} : vector<512x256xf32> to vector<512x64xf32>
    %dot_general3A_324 = arith.constant dense<0.000000e+00> : vector<256x64xf32>
    %dot_general3A_325 = tpu.matmul %select_n3A_318, %slice3A_323, %dot_general3A_324 {dimension_numbers = #tpu.dot_dimension_numbers<[1], [0], [0], [1], [0, 0, 1, 1], [], []>, transpose_lhs_hint = false} : vector<256x512xf32>, vector<512x64xf32>, vector<256x64xf32> -> vector<256x64xf32>
    %add3A_326 = arith.addf %add3A_306, %dot_general3A_325 : vector<256x64xf32>
    %swap3A = arith.constant 0 : index
    %swap3A_327 = arith.constant 0 : index
    %swap3A_328 = vector.load %arg28[%swap3A, %swap3A_327] : memref<256x1xf32, #tpu.memory_space<vmem>>, vector<256x1xf32>
    tpu.vector_store %arg28[%swap3A, %swap3A_327], %max3A_244 {strides = array<i32>} : memref<256x1xf32, #tpu.memory_space<vmem>>, vector<256x1xf32>,
    %get3A_329 = arith.constant 0 : index
    %get3A_330 = arith.constant 0 : index
    %get3A_331 = vector.load %arg29[%get3A_329, %get3A_330] : memref<256x1xf32, #tpu.memory_space<vmem>>, vector<256x1xf32>
    %mul3A_332 = arith.mulf %get3A_331, %exp3A : vector<256x1xf32>
    %add3A_333 = arith.addf %mul3A_332, %add3A_322 : vector<256x1xf32>
    %swap3A_334 = arith.constant 0 : index
    %swap3A_335 = arith.constant 0 : index
    %swap3A_336 = vector.load %arg29[%swap3A_334, %swap3A_335] : memref<256x1xf32, #tpu.memory_space<vmem>>, vector<256x1xf32>
    tpu.vector_store %arg29[%swap3A_334, %swap3A_335], %add3A_333 {strides = array<i32>} : memref<256x1xf32, #tpu.memory_space<vmem>>, vector<256x1xf32>,
    %get3A_337 = arith.constant 0 : index
    %get3A_338 = arith.constant 0 : index
    %get3A_339 = vector.load %arg30[%get3A_337, %get3A_338] : memref<256x64xf32, #tpu.memory_space<vmem>>, vector<256x64xf32>
    %mul3A_340 = vector.broadcast %exp3A : vector<256x1xf32> to vector<256x64xf32>
    %mul3A_341 = arith.mulf %get3A_339, %mul3A_340 : vector<256x64xf32>
    %add3A_342 = arith.addf %mul3A_341, %add3A_326 : vector<256x64xf32>
    %swap3A_343 = arith.constant 0 : index
    %swap3A_344 = arith.constant 0 : index
    %swap3A_345 = vector.load %arg30[%swap3A_343, %swap3A_344] : memref<256x64xf32, #tpu.memory_space<vmem>>, vector<256x64xf32>
    tpu.vector_store %arg30[%swap3A_343, %swap3A_344], %add3A_342 {strides = array<i32>} : memref<256x64xf32, #tpu.memory_space<vmem>>, vector<256x64xf32>,
    %eq3A_346 = arith.constant 24 : i32
    %eq3A_347 = arith.cmpi eq, %arg0, %eq3A_346 : i32
    %convert_element_type3A_348 = arith.extui %eq3A_347 : i1 to i32
    %cond3A_349 = arith.constant 0 : i32
    %cond3A_350 = arith.cmpi ne, %convert_element_type3A_348, %cond3A_349 : i32
    scf.if %cond3A_350 {
      %get3A_351 = arith.constant 0 : index
      %get3A_352 = arith.constant 0 : index
      %get3A_353 = vector.load %arg30[%get3A_351, %get3A_352] : memref<256x64xf32, #tpu.memory_space<vmem>>, vector<256x64xf32>
      %get3A_354 = arith.constant 0 : index
      %get3A_355 = arith.constant 0 : index
      %get3A_356 = vector.load %arg29[%get3A_354, %get3A_355] : memref<256x1xf32, #tpu.memory_space<vmem>>, vector<256x1xf32>
      %add3A_357 = arith.constant 1.000000e-16 : f32
      %add3A_358 = vector.broadcast %add3A_357 : f32 to vector<256x1xf32>
      %add3A_359 = arith.addf %get3A_356, %add3A_358 : vector<256x1xf32>
      %div3A = vector.broadcast %add3A_359 : vector<256x1xf32> to vector<256x64xf32>
      %div3A_360 = arith.divf %get3A_353, %div3A : vector<256x64xf32>
      %get3A_361 = arith.constant 0 : index
      %get3A_362 = arith.constant 0 : index
      %get3A_363 = vector.load %arg25[%get3A_361, %get3A_362] : memref<64x128xf32, #tpu.memory_space<vmem>>, vector<64x128xf32>
      %dot_general3A_364 = arith.constant dense<0.000000e+00> : vector<256x128xf32>
      %dot_general3A_365 = tpu.matmul %div3A_360, %get3A_363, %dot_general3A_364 {dimension_numbers = #tpu.dot_dimension_numbers<[1], [0], [0], [1], [0, 0, 1, 1], [], []>, transpose_lhs_hint = false} : vector<256x64xf32>, vector<64x128xf32>, vector<256x128xf32> -> vector<256x128xf32>
      %get3A_366 = arith.constant 0 : index
      %get3A_367 = arith.constant 0 : index
      %get3A_368 = vector.load %arg26[%get3A_366, %get3A_367] : memref<1x128xf32, #tpu.memory_space<vmem>>, vector<1x128xf32>
      %add3A_369 = vector.broadcast %get3A_368 : vector<1x128xf32> to vector<256x128xf32>
      %add3A_370 = arith.addf %dot_general3A_365, %add3A_369 : vector<256x128xf32>
      %iota3A_371 = tpu.iota {dimensions = array<i32: 1>} : vector<256x128xi32>
      %lt3A_372 = arith.constant 2 : i32
      %lt3A_373 = vector.broadcast %lt3A_372 : i32 to vector<256x128xi32>
      %lt3A_374 = arith.cmpi slt, %iota3A_371, %lt3A_373 : vector<256x128xi32>
      %jit3A_375 = arith.constant -1.000000e+30 : f32
      %broadcast_in_dim3A_376 = vector.broadcast %jit3A_375 : f32 to vector<256x128xf32>
      %select_n3A_377 = arith.select %lt3A_374, %add3A_370, %broadcast_in_dim3A_376 : vector<256x128xi1>, vector<256x128xf32>
      %reduce_max3A_378 = arith.constant dense<0xFF800000> : vector<256xf32>
      %reduce_max3A_379 = vector.multi_reduction <maximumf>, %select_n3A_377, %reduce_max3A_378 [1] : vector<256x128xf32> to vector<256xf32>
      %broadcast_in_dim3A_380 = vector.shape_cast %reduce_max3A_379 : vector<256xf32> to vector<256x1xf32>
      %sub3A_381 = vector.broadcast %broadcast_in_dim3A_380 : vector<256x1xf32> to vector<256x128xf32>
      %sub3A_382 = arith.subf %select_n3A_377, %sub3A_381 : vector<256x128xf32>
      %exp3A_383 = math.exp %sub3A_382 : vector<256x128xf32>
      %reduce_sum3A_384 = arith.constant dense<0.000000e+00> : vector<256xf32>
      %reduce_sum3A_385 = vector.multi_reduction <add>, %exp3A_383, %reduce_sum3A_384 [1] : vector<256x128xf32> to vector<256xf32>
      %broadcast_in_dim3A_386 = vector.shape_cast %reduce_sum3A_385 : vector<256xf32> to vector<256x1xf32>
      %div3A_387 = vector.broadcast %broadcast_in_dim3A_386 : vector<256x1xf32> to vector<256x128xf32>
      %div3A_388 = arith.divf %exp3A_383, %div3A_387 : vector<256x128xf32>
      %swap3A_389 = arith.constant 0 : index
      %swap3A_390 = arith.constant 0 : index
      %swap3A_391 = vector.load %arg27[%swap3A_389, %swap3A_390] : memref<256x128xf32, #tpu.memory_space<vmem>>, vector<256x128xf32>
      tpu.vector_store %arg27[%swap3A_389, %swap3A_390], %div3A_388 {strides = array<i32>} : memref<256x128xf32, #tpu.memory_space<vmem>>, vector<256x128xf32>,
    } else {
    }
    return
  }
  func.func @transform_0(%arg0: i32) -> (i32, i32, i32) {
    %c0_i32 = arith.constant 0 : i32
    %c0_i32_0 = arith.constant 0 : i32
    %c0_i32_1 = arith.constant 0 : i32
    return %c0_i32, %arg0, %c0_i32_0 : i32, i32, i32
  }
  func.func @transform_1(%arg0: i32) -> (i32, i32, i32) {
    %c1_i32 = arith.constant 1 : i32
    %c0_i32 = arith.constant 0 : i32
    %c0_i32_0 = arith.constant 0 : i32
    return %c1_i32, %arg0, %c0_i32 : i32, i32, i32
  }
  func.func @transform_2(%arg0: i32) -> (i32, i32, i32) {
    %c0_i32 = arith.constant 0 : i32
    %c0_i32_0 = arith.constant 0 : i32
    %c0_i32_1 = arith.constant 0 : i32
    return %c0_i32, %arg0, %c0_i32_0 : i32, i32, i32
  }
  func.func @transform_3(%arg0: i32) -> (i32, i32, i32) {
    %c1_i32 = arith.constant 1 : i32
    %c0_i32 = arith.constant 0 : i32
    %c0_i32_0 = arith.constant 0 : i32
    return %c1_i32, %arg0, %c0_i32 : i32, i32, i32
  }
  func.func @transform_4(%arg0: i32) -> (i32, i32, i32) {
    %c0_i32 = arith.constant 0 : i32
    %c0_i32_0 = arith.constant 0 : i32
    %c0_i32_1 = arith.constant 0 : i32
    return %c0_i32, %arg0, %c0_i32_0 : i32, i32, i32
  }
  func.func @transform_5(%arg0: i32) -> (i32, i32, i32) {
    %c1_i32 = arith.constant 1 : i32
    %c0_i32 = arith.constant 0 : i32
    %c0_i32_0 = arith.constant 0 : i32
    return %c1_i32, %arg0, %c0_i32 : i32, i32, i32
  }
  func.func @transform_6(%arg0: i32) -> (i32, i32, i32) {
    %c0_i32 = arith.constant 0 : i32
    %c0_i32_0 = arith.constant 0 : i32
    %c0_i32_1 = arith.constant 0 : i32
    return %arg0, %c0_i32, %c0_i32_0 : i32, i32, i32
  }
  func.func @transform_7(%arg0: i32) -> (i32, i32) {
    %c0_i32 = arith.constant 0 : i32
    %c0_i32_0 = arith.constant 0 : i32
    %c0_i32_1 = arith.constant 0 : i32
    return %c0_i32, %c0_i32_0 : i32, i32
  }
  func.func @transform_8(%arg0: i32) -> (i32, i32) {
    %c0_i32 = arith.constant 0 : i32
    %c0_i32_0 = arith.constant 0 : i32
    %c0_i32_1 = arith.constant 0 : i32
    return %c0_i32, %c0_i32_0 : i32, i32
  }
  func.func @transform_9(%arg0: i32) -> (i32, i32) {
    %c0_i32 = arith.constant 0 : i32
    %c0_i32_0 = arith.constant 0 : i32
    %c0_i32_1 = arith.constant 0 : i32
    return %c0_i32, %c0_i32_0 : i32, i32
  }
  func.func @transform_10(%arg0: i32) -> (i32, i32) {
    %c0_i32 = arith.constant 0 : i32
    %c0_i32_0 = arith.constant 0 : i32
    %c0_i32_1 = arith.constant 0 : i32
    return %c0_i32, %c0_i32_0 : i32, i32
  }
  func.func @transform_11(%arg0: i32) -> (i32, i32) {
    %c0_i32 = arith.constant 0 : i32
    %c0_i32_0 = arith.constant 0 : i32
    %c0_i32_1 = arith.constant 0 : i32
    return %c0_i32, %c0_i32_0 : i32, i32
  }
  func.func @transform_12(%arg0: i32) -> (i32, i32) {
    %c0_i32 = arith.constant 0 : i32
    %c0_i32_0 = arith.constant 0 : i32
    %c0_i32_1 = arith.constant 0 : i32
    return %c0_i32, %c0_i32_0 : i32, i32
  }
  func.func @transform_13(%arg0: i32) -> (i32, i32) {
    %c0_i32 = arith.constant 0 : i32
    %c0_i32_0 = arith.constant 0 : i32
    %c0_i32_1 = arith.constant 0 : i32
    return %c0_i32, %c0_i32_0 : i32, i32
  }
  func.func @transform_14(%arg0: i32) -> (i32, i32) {
    %c0_i32 = arith.constant 0 : i32
    %c0_i32_0 = arith.constant 0 : i32
    %c0_i32_1 = arith.constant 0 : i32
    return %c0_i32, %c0_i32_0 : i32, i32
  }
  func.func @transform_15(%arg0: i32) -> (i32, i32) {
    %c0_i32 = arith.constant 0 : i32
    %c0_i32_0 = arith.constant 0 : i32
    %c0_i32_1 = arith.constant 0 : i32
    return %c0_i32, %c0_i32_0 : i32, i32
  }
  func.func @transform_16(%arg0: i32) -> (i32, i32) {
    %c0_i32 = arith.constant 0 : i32
    %c0_i32_0 = arith.constant 0 : i32
    %c0_i32_1 = arith.constant 0 : i32
    return %c0_i32, %c0_i32_0 : i32, i32
  }
  func.func @transform_17(%arg0: i32) -> (i32, i32) {
    %c0_i32 = arith.constant 0 : i32
    %c0_i32_0 = arith.constant 0 : i32
    %c0_i32_1 = arith.constant 0 : i32
    return %c0_i32, %c0_i32_0 : i32, i32
  }
  func.func @transform_18(%arg0: i32) -> (i32, i32) {
    %c0_i32 = arith.constant 0 : i32
    %c0_i32_0 = arith.constant 0 : i32
    %c0_i32_1 = arith.constant 0 : i32
    return %c0_i32, %c0_i32_0 : i32, i32
  }
  func.func @transform_19(%arg0: i32) -> (i32, i32) {
    %c0_i32 = arith.constant 0 : i32
    %c0_i32_0 = arith.constant 0 : i32
    %c0_i32_1 = arith.constant 0 : i32
    return %c0_i32, %c0_i32_0 : i32, i32
  }
  func.func @transform_20(%arg0: i32) -> (i32, i32) {
    %c0_i32 = arith.constant 0 : i32
    %c0_i32_0 = arith.constant 0 : i32
    %c0_i32_1 = arith.constant 0 : i32
    return %c0_i32, %c0_i32_0 : i32, i32
  }
  func.func @transform_21(%arg0: i32) -> (i32, i32) {
    %c0_i32 = arith.constant 0 : i32
    %c0_i32_0 = arith.constant 0 : i32
    %c0_i32_1 = arith.constant 0 : i32
    return %c0_i32, %c0_i32_0 : i32, i32
  }
  func.func @transform_22(%arg0: i32) -> (i32, i32) {
    %c0_i32 = arith.constant 0 : i32
    %c0_i32_0 = arith.constant 0 : i32
    %c0_i32_1 = arith.constant 0 : i32
    return %c0_i32, %c0_i32_0 : i32, i32
  }
  func.func @transform_23(%arg0: i32) -> (i32, i32) {
    %c0_i32 = arith.constant 0 : i32
    %c0_i32_0 = arith.constant 0 : i32
    %c0_i32_1 = arith.constant 0 : i32
    return %c0_i32, %c0_i32_0 : i32, i32
  }
  func.func @transform_24(%arg0: i32) -> (i32, i32) {
    %c0_i32 = arith.constant 0 : i32
    %c0_i32_0 = arith.constant 0 : i32
    %c0_i32_1 = arith.constant 0 : i32
    return %c0_i32, %c0_i32_0 : i32, i32
  }
  func.func @transform_25(%arg0: i32) -> (i32, i32) {
    %c0_i32 = arith.constant 0 : i32
    %c0_i32_0 = arith.constant 0 : i32
    %c0_i32_1 = arith.constant 0 : i32
    return %c0_i32, %c0_i32_0 : i32, i32
  }
  func.func @transform_26(%arg0: i32) -> (i32, i32) {
    %c0_i32 = arith.constant 0 : i32
    %c0_i32_0 = arith.constant 0 : i32
    %c0_i32_1 = arith.constant 0 : i32
    return %c0_i32, %c0_i32_0 : i32, i32
  }
}

</mosaic_0001>

<sc_bundles>
// kernel: kernel.11.cloned.1.call-start
scs
__scs_entry_jumppad:
0x0: {  	(pc) =	sbr.rel $0x88, $3  }
0x1: {  	(tag) =	ssettag $0x0;
	lr =	simm.s32 $0x1  }
0x2: {  	[smem:$0x3F88] =	sst lr;
	_ =	strace $0xD0000000  }
0x3: {  	_ = 	snop  }
0x4: {  	_ = 	snop  }
0x5: {  	_ = 	snop  }
0x6: {  	_ = 	snop  }
0x7: {  	_ = 	snop  }
__scs_overlays_trampoline_lowered:
0x8: {  	[smem:$0x3F97] =	sst s0  }
0x9: {  	[smem:$0x3F98] =	sst s1  }
0xa: {  	[smem:$0x3F99] =	sst s2  }
0xb: {  	[smem:$0x3F9A] =	sst s3  }
0xc: {  	[smem:$0x3F9B] =	sst s4  }
0xd: {  	[smem:$0x3F9C] =	sst s5  }
0xe: {  	[smem:$0x3F9D] =	sst s6  }
0xf: {  	[smem:$0x3F9E] =	sst s7  }
0x10: {  	[smem:$0x3F9F] =	sst s8  }
0x11: {  	[smem:$0x3FA0] =	sst s9;
	s0 =	simm.s32 @!p0 $0x0  }
0x12: {  	s1 =	sld [smem:$0x3F86];
	s0 =	simm.s32 @p0 $0x1  }
0x13: {  	[smem:$0x3FA1] =	sst s0;
	s0 =	simm.s32 @!p1 $0x0  }
0x14: {  	s2 =	sld [smem:$0x3F85];
	s0 =	simm.s32 @p1 $0x1  }
0x15: {  	[smem:$0x3FA2] =	sst s0;
	s0 =	simm.s32 @!p2 $0x0  }
0x16: {  	s3 =	sld [smem:$0x3FDB];
	s0 =	simm.s32 @p2 $0x1  }
0x17: {  	s4 =	simm.s32 $0x1BF5;
	[smem:$0x3FA4] =	sst s0  }
0x18: {  	s0 =	sld [smem:$0x3F87];
	_ =	swait.ge [sflag:s4], $0x0  }
0x19: {  	s7 =	sld [smem:$0x3F88]  }
0x1a: {  	s8 =	sadd.s32 $0xFFFFE003, lr  }
0x1b: {  	s9 =	sadd.s32 $0xFFFFFEF7, lr;
	s5 =	simm.s32 $0xFFFFFFFF;
	p2 =	slt.u32 s8, $0xFFFFF086  }
0x1c: {  	p1 =	slt.u32 s9, $0xF7A;
	s5 =	simm.s32 @!p2 $0x0  }
0x1d: {  	s5 =	simm.s32 @p1 $0x1;
	p0 =	seq.s32 s7, s2  }
0x1e: {  	s7 =	smul.u32 @!p0 $0xF7A, s2;
	p2 =	seq.s32 @!p0 s5, $0x0  }
0x1f: {  	s9 =	smul.u32 $0xF7A, s1;
	s8 =	simm.s32 @!p0 $0x1BF5;
	p2 =	por !p2, p0  }
0x20: {  	[sflag:s8] =	ssyncset.s32 @!p0 $0xFFFFF086;
	s6 =	sadd.s32 @!p0 s3, s7;
	s7 =	simm.s32 @!p0 $0x108  }
0x21: {  	s3 =	sadd.s32 s3, s9;
	s6 =	sadd.s32 @!p0 $0x88, s6;
	s7 =	simm.s32 @p2 $0x1082  }
0x22: {  	[simem:s7], [sflag:s8] =	dma.local @!p0 [hbm:s6], $0xF7A  }
0x23: {  	s9 =	sor.u32 $0xD0000000, s2;
	s6 =	simm.s32 $0x108;
	_ =	swait.ge @!p0 [sflag:s8], $0x0  }
0x24: {  	s3 =	sadd.s32 $0x88, s3;
	s6 =	simm.s32 @!p1 $0x1082;
	[sflag:s4] =	ssyncset.s32 $0xFFFFF086  }
0x25: {  	[simem:s6], [sflag:s4] =	dma.local [hbm:s3], $0xF7A  }
0x26: {  	[smem:$0x3F88] =	sst s1;
	(tag) =	ssettag s2;
	_ =	strace s9  }
0x27: {  	s1 =	sld [smem:$0x3F98]  }
0x28: {  	s2 =	sld [smem:$0x3F99]  }
0x29: {  	s4 =	sld [smem:$0x3F9B]  }
0x2a: {  	p0 =	seq.s32 s5, $0x0;
	s5 =	sld [smem:$0x3F9C]  }
0x2b: {  	s6 =	sld [smem:$0x3F9D]  }
0x2c: {  	s7 =	sld [smem:$0x3F9E]  }
0x2d: {  	s3 =	simm.s32 $0x108;
	s8 =	sld [smem:$0x3F9F]  }
0x2e: {  	s3 =	simm.s32 @!p0 $0x1082;
	s9 =	sld [smem:$0x3FA0]  }
0x2f: {  	lr =	sadd.s32 s0, s3;
	s0 =	sld [smem:$0x3F97]  }
0x30: {  	s3 =	sld [smem:$0x3F9A]  }
0x31: {  	[smem:$0x3FA3] =	sst s10  }
0x32: {  	s10 =	sld [smem:$0x3FA1];
	_ =	sdelay $0x3  }
0x33: {  	p0 =	seq.s32 s10, $0x1;
	s10 =	sld [smem:$0x3FA3];
	_ =	sdelay $0x3  }
0x34: {  	[smem:$0x3FA3] =	sst s10  }
0x35: {  	s10 =	sld [smem:$0x3FA2];
	_ =	sdelay $0x3  }
0x36: {  	p1 =	seq.s32 s10, $0x1;
	s10 =	sld [smem:$0x3FA3];
	_ =	sdelay $0x3  }
0x37: {  	[smem:$0x3FA3] =	sst s10  }
0x38: {  	s10 =	sld [smem:$0x3FA4]  }
0x39: {  	_ = 	snop;
	(pc) =	sbr.ind lr, $3  }
0x3a: {  	_ = 	snop  }
0x3b: {  	_ = 	snop  }
0x3c: {  	p2 =	seq.s32 s10, $0x1;
	s10 =	sld [smem:$0x3FA3]  }
0x3d: {  	_ =	shalt  }
0x3e: {  	_ =	shalt  }
0x3f: {  	_ =	shalt  }
0x40: {  	_ =	shalt  }
0x41: {  	_ =	shalt  }
0x42: {  	_ =	shalt  }
0x43: {  	_ =	shalt  }
0x44: {  	_ =	shalt  }
0x45: {  	_ =	shalt  }
0x46: {  	_ =	shalt  }
0x47: {  	_ =	shalt  }
0x48: {  	_ =	shalt  }
0x49: {  	_ =	shalt  }
0x4a: {  	_ =	shalt  }
0x4b: {  	_ =	shalt  }
0x4c: {  	_ =	shalt  }
0x4d: {  	_ =	shalt  }
0x4e: {  	_ =	shalt  }
0x4f: {  	_ =	shalt  }
0x50: {  	_ =	shalt  }
0x51: {  	_ =	shalt  }
0x52: {  	_ =	shalt  }
0x53: {  	_ =	shalt  }
0x54: {  	_ =	shalt  }
0x55: {  	_ =	shalt  }
0x56: {  	_ =	shalt  }
0x57: {  	_ =	shalt  }
0x58: {  	_ =	shalt  }
0x59: {  	_ =	shalt  }
0x5a: {  	_ =	shalt  }
0x5b: {  	_ =	shalt  }
0x5c: {  	_ =	shalt  }
0x5d: {  	_ =	shalt  }
0x5e: {  	_ =	shalt  }
0x5f: {  	_ =	shalt  }
0x60: {  	_ =	shalt  }
0x61: {  	_ =	shalt  }
0x62: {  	_ =	shalt  }
0x63: {  	_ =	shalt  }
0x64: {  	_ =	shalt  }
0x65: {  	_ =	shalt  }
0x66: {  	_ =	shalt  }
0x67: {  	_ =	shalt  }
0x68: {  	_ =	shalt  }
0x69: {  	_ =	shalt  }
0x6a: {  	_ =	shalt  }
0x6b: {  	_ =	shalt  }
0x6c: {  	_ =	shalt  }
0x6d: {  	_ =	shalt  }
0x6e: {  	_ =	shalt  }
0x6f: {  	_ =	shalt  }
0x70: {  	_ =	shalt  }
0x71: {  	_ =	shalt  }
0x72: {  	_ =	shalt  }
0x73: {  	_ =	shalt  }
0x74: {  	_ =	shalt  }
0x75: {  	_ =	shalt  }
0x76: {  	_ =	shalt  }
0x77: {  	_ =	shalt  }
0x78: {  	_ =	shalt  }
0x79: {  	_ =	shalt  }
0x7a: {  	_ =	shalt  }
0x7b: {  	_ =	shalt  }
0x7c: {  	_ =	shalt  }
0x7d: {  	_ =	shalt  }
0x7e: {  	_ =	shalt  }
0x7f: {  	_ =	shalt  }
0x80: {  	_ =	shalt  }
0x81: {  	_ =	shalt  }
0x82: {  	_ =	shalt  }
0x83: {  	_ =	shalt  }
0x84: {  	_ =	shalt  }
0x85: {  	_ =	shalt  }
0x86: {  	_ =	shalt  }
0x87: {  	_ =	shalt  }
.Lfunc_end0:
.L_simem_size_0:
called_computation.1_lowered:
.L_overlay_start_0:
0x88: {  	s2 =	sld [smem:$0x3FD9]  }
0x89: {  	s3 =	sld [smem:$0x3FFE];
	_ =	sdelay $0x1  }
0x8a: {  	s1 =	srdreg.scid  }
0x8b: {  	s0 =	sand.u32 $0x1, s1  }
0x8c: {  	s16 =	sshll.u32 s0, $0xA;
	s2 =	sadd.s32 s3, s2  }
0x8d: {  	s2 =	sadd.s32 s2, s16  }
0x8e: {  	[smem:$0x3FAF] =	sst s2  }
0x8f: {  	_ = 	snop  }
0x90: {  	(tm) =	ssettm $0x1  }
0x91: {  	s17 =	sld [smem:$0x3FFB];
	_ =	sdelay $0x3  }
0x92: {  	_ =	strace s17  }
0x93: {  	s2 =	sld [smem:$0x3FFC];
	_ =	sdelay $0x3  }
0x94: {  	_ =	strace s2  }
0x95: {  	s2 =	sld [smem:$0x3FFD];
	_ =	sdelay $0x3  }
0x96: {  	_ =	strace s2  }
0x97: {  	_ =	strace $0x8FFFFFFF  }
0x98: {  	s18 =	sld [smem:$0x3FDB];
	_ =	sdelay $0x1  }
0x99: {  	s19 =	simm.s32 $_scs_section_size  }
0x9a: {  	s4 =	simm.s32 $_size__tile_overlayer_lowered;
	s5 =	simm.s32 $_tile_overlayer_lowered  }
0x9b: {  	s22 =	simm.s32 $0x1BFF;
	s21 =	sshll.u32 s5, $0x1;
	s2 =	sadd.s32 s19, s18  }
0x9c: {  	s6 =	simm.s32 $0x0;
	s20 =	sshll.u32 s4, $0x1;
	s4 =	sadd.s32 s21, s2  }
0x9d: {  	[timem:s6], [sflag:s22] =	dma.local [hbm:s4], s20  }
0x9e: {  	_ =	swait.ge [sflag:s22], s20  }
0x9f: {  	s3 =	ssub.s32 $0x0, s20;
	[sflag:s22] =	ssyncset.done $0x0  }
0xa0: {  	[sflag:s22] =	ssyncadd.s32 s3;
	_ =	sdelay $0x1  }
0xa1: {  	s23 =	simm.s32 $0x1B8B  }
0xa2: {  	_ =	swait.ge [sflag:s23], $0x1  }
0xa3: {  	[sflag:s23] =	ssyncset.done $0x0  }
0xa4: {  	s25 =	simm.s32 $0x1B8E;
	s24 =	sld [smem:$0x3FFE];
	[sflag:s23] =	ssyncadd.s32 $0xFFFFFFFF  }
0xa5: {  	s26 =	simm.s32 $execute0_lowered;
	[smem:$0x3FD2] =	sst s25  }
0xa6: {  	s4 =	sshll.u32 s26, $0x1;
	_ =	strace $0x80000049;
	[dreg:$0x1] =	wrdreg $0xFFFFFFFF  }
0xa7: {  	s28 =	simm.s32 $_size_execute0_lowered;
	s2 =	sadd.s32 s2, s4;
	[dreg:$0x0] =	wrdreg $0x0  }
0xa8: {  	s4 =	sshll.u32 s28, $0x1;
	[dreg:$0x2] =	wrdreg s2  }
0xa9: {  	[dreg:$0x3] =	wrdreg s4  }
0xaa: {  	[dreg:$0x4] =	wrdreg $0xC0  }
0xab: {  	_ =	task [dreg:s6], $0x5FFFF  }
0xac: {  	[dreg:$0x1] =	wrdreg $0xFFFFFFFF  }
0xad: {  	[dreg:$0x0] =	wrdreg $0x60  }
0xae: {  	[dreg:$0x2] =	wrdreg s24  }
0xaf: {  	[dreg:$0x3] =	wrdreg $0x66000  }
0xb0: {  	[dreg:$0x4] =	wrdreg $0x9  }
0xb1: {  	_ =	task.clear_ibuf [dreg:s6], $0x5FFFF;
	_ =	strace $0x90000049  }
0xb2: {  	s29 =	simm.s32 $0x9;
	_ =	strace $0x8000004B  }
0xb3: {  	_ =	swait.ge [sflag:s29], $0x1  }
0xb4: {  	[sflag:s29] =	ssyncadd.s32 $0xFFFFFFFF  }
0xb5: {  	_ =	strace $0x9000004B  }
0xb6: {  	_ =	sfence  }
0xb7: {  	s30 =	sld [smem:$0x0];
	_ =	sdelay $0x2  }
0xb8: {  	s31 =	sshll.u32 s1, $0xD;
	s1 =	sshrl.u32 s1, $0x2  }
0xb9: {  	s3 =	sand.u32 $0x4000, s31;
	s1 =	sadd.s32 s1, s30  }
0xba: {  	s0 =	sor.u32 s3, s0;
	s1 =	sshll.u32 s1, $0x11  }
0xbb: {  	s0 =	sor.u32 s1, s0  }
0xbc: {  	s0 =	sadd.s32 $0x8F2B, s0  }
0xbd: {  	[sflag:s0] =	ssyncadd.remote.s32 $0x1  }
0xbe: {  	_ =	sfence.sel $0xFFFF  }
0xbf: {  	[dreg:$0x0] =	wrdreg $0xFFFFFFFF;
	(pc) =	sbr.abs _section_cstart, $3  }
0xc0: {  	[dreg:$0x1] =	wrdreg $0xFFFFFFFF  }
0xc1: {  	_ =	task.clear_ibuf [dreg:s6], $0x2FFFF;
	_ =	strace $0x9FFFFFFF  }
0xc2: {  	(tm) =	ssettm $0x7FFFFFFF  }
0xc3: {  	_ =	shalt  }
tec
execute0_lowered:
.L_overlay_start_1:
0x0: {  	(tag) =	ssettag $0x1  }
0x1: {  	s0 =	rddreg [dreg:$0x0]  }
0x2: {  	s1 =	rddreg [dreg:$0x1];
	s3 =	simm.s32 $0x0  }
0x3: {  	s2 =	srdreg.scid;
	s10 =	stileid.u32;
	s29 =	simm.s32 $0x200  }
0x4: {  	s30 =	simm.s32 $0x300;
	s31 =	simm.s32 $0x2;
	s4 =	smul.u32 $0xC800, s10  }
0x5: {  	[smem:$0x7FF] =	sst s3;
	s2 =	sand.u32 $0x1, s2;
	s5 =	sadd.s32 $0xCC400, s0  }
0x6: {  	s6 =	smul.u32 $0x32000, s2;
	s2 =	ssub.s32 $0x2, s2;
	s4 =	sshrl.u32 s4, $0x3  }
0x7: {  	s8 =	smul.u32 $0x62000, s10;
	s7 =	sshrl.u32 s2, $0x1;
	s4 =	sadd.s32 s5, s4  }
0x8: {  	_ =	strace $0x8000004A;
	s2 =	ssub.s32 s2, s7;
	s7 =	sadd.s32 $0x20, s4  }
0x9: {  	s11 =	sshrl.u32 s8, $0x2;
	s9 =	sadd.s32 $0x19020, s4;
	[dreg:$0x3] =	wrdreg s7  }
0xa: {  	s8 =	sadd.s32 s11, s1;
	s13 =	sadd.s32 $0x19040, s4;
	[dreg:$0x4] =	wrdreg s9  }
0xb: {  	s12 =	smul.u32 $0x18800, s10;
	s14 =	sadd.s32 $0x18000, s8;
	[dreg:$0x6] =	wrdreg s13  }
0xc: {  	s20 =	smul.u32 $0x1900, s10;
	s15 =	sadd.s32 $0x19000, s4;
	[dreg:$0x7] =	wrdreg s14  }
0xd: {  	s10 =	simm.s32 $0x4600;
	s2 =	smax.u32 s2, $0x1;
	[dreg:$0x8] =	wrdreg s15  }
0xe: {  	s16 =	sshrl.u32 s12, $0x3;
	s17 =	sadd.s32 $0x2000, s8;
	[dreg:$0x9] =	wrdreg s2  }
0xf: {  	s0 =	sadd.s32 s6, s0;
	s18 =	sadd.s32 $0x4000, s8;
	[dreg:$0xa] =	wrdreg s17  }
0x10: {  	s6 =	sadd.s32 s12, s1;
	s19 =	sadd.s32 $0x6000, s8;
	[dreg:$0xb] =	wrdreg s18  }
0x11: {  	s11 =	simm.s32 $0x600;
	s21 =	sadd.s32 $0x8000, s8;
	[dreg:$0xc] =	wrdreg s19  }
0x12: {  	s12 =	simm.s32 $0xA;
	s22 =	sadd.s32 $0xA000, s8;
	[dreg:$0xd] =	wrdreg s21  }
0x13: {  	s23 =	sadd.s32 $0xC000, s8;
	s24 =	sadd.s32 $0xE000, s8;
	[dreg:$0xe] =	wrdreg s22  }
0x14: {  	s25 =	sadd.s32 $0x10000, s8;
	s26 =	sadd.s32 $0x12000, s8;
	[dreg:$0xf] =	wrdreg s23  }
0x15: {  	s28 =	sadd.s32 $0x16000, s8;
	s7 =	sadd.s32 $0xFE400, s0;
	[dreg:$0x10] =	wrdreg s24  }
0x16: {  	s9 =	sadd.s32 $0x40, s4;
	s0 =	sadd.s32 $0x162400, s0;
	[dreg:$0x11] =	wrdreg s25  }
0x17: {  	s21 =	sadd.s32 s20, s5;
	[dreg:$0x13] =	wrdreg s26;
	s25 =	sshrl.u32 s6, $0x3  }
0x18: {  	s26 =	sadd.s32 $0x14000, s8;
	s2 =	simm.s32 $0x2600;
	s5 =	simm.s32 $0x400  }
.Ltmp0:
0x19: {  	s6 =	simm.s32 $0x500;
	s13 =	simm.s32 $0x1;
	(pc) =	sbr.rel .LBB2_1-.Ltmp0, $4  }
0x1a: {  	s14 =	simm.s32 $0x4;
	s15 =	simm.s32 $0x5;
	s17 =	simm.s32 $0x7  }
0x1b: {  	s18 =	simm.s32 $0x8;
	s19 =	simm.s32 $0x9;
	s20 =	simm.s32 $0x0  }
0x1c: {  	[dreg:$0x5] =	wrdreg s9;
	s0 =	sadd.s32 s16, s0;
	s9 =	simm.s32 $0x3  }
0x1d: {  	v0 =	vimm.f32 $0.0e+00;
	s16 =	simm.s32 $0x6;
	[dreg:$0x12] =	wrdreg s0;
	s0 =	simm.s32 $0x100  }
.LBB2_6:
0x1e: {  	_ =	swait.ge [sflag:s14], $0x2000  }
0x1f: {  	[sflag:s14] =	ssyncset.done $0x0  }
0x20: {  	[sflag:s14] =	ssyncadd.s32 $0xFFFFE000  }
0x21: {  	[spmem:s1] =	stream.indirect.scatter.add.f32 [tilespmem:s11], [sflag:$0x7], $0x20, s0, s0, $0xb8;
	[tilespmem:$0x1EE00] =	vst v63  }
0x22: {  	_ =	swait.ge [sflag:s15], $0x2000  }
0x23: {  	[sflag:s15] =	ssyncset.done $0x0  }
0x24: {  	[sflag:s15] =	ssyncadd.s32 $0xFFFFE000  }
0x25: {  	[spmem:s1] =	stream.indirect.scatter.add.f32 [tilespmem:s2], [sflag:$0x8], $0x20, s30, s0, $0xb8;
	[tilespmem:$0x1EE00] =	vst v63  }
0x26: {  	_ =	swait.ge [sflag:s17], $0x2000  }
0x27: {  	[sflag:s17] =	ssyncset.done $0x0  }
0x28: {  	[sflag:s17] =	ssyncadd.s32 $0xFFFFE000  }
0x29: {  	_ =	swait.ge [sflag:s18], $0x2000  }
0x2a: {  	[sflag:s18] =	ssyncset.done $0x0  }
0x2b: {  	s22 =	stileid.u32;
	[sflag:s18] =	ssyncadd.s32 $0xFFFFE000  }
0x2c: {  	s22 =	sshll.u32 s22, $0x6;
	[bflag:$0x0] =	sbarrier.arrive $0xFFFF  }
0x2d: {  	s22 =	sor.u32 $0x1C0A, s22;
	s23 =	rddreg [dreg:$0x12]  }
0x2e: {  	[hbm:s23], [sflag:s22] =	dma.local [spmem:s25], $0x3100  }
0x2f: {  	_ =	swait.ge [sflag:s12], $0x3100  }
0x30: {  	s20 =	sadd.s32 $0x1, s20;
	s24 =	rddreg [dreg:$0x9]  }
0x31: {  	p0 =	sne.s32 s20, s24  }
.Ltmp1:
0x32: {  	_ = 	snop;
	(pc) =	sbr.rel @!p0 .LBB2_7-.Ltmp1, $3  }
0x33: {  	_ =	sdelay $0x1  }
0x34: {  	[sflag:s12] =	ssyncset.done $0x0  }
0x35: {  	[sflag:s12] =	ssyncadd.s32 $0xFFFFCF00  }
.LBB2_1:
0x36: {  	s22 =	rddreg [dreg:$0x3]  }
0x37: {  	[tilespmem:s29], [sflag:$0x2] =	stream.linear.gather [hbm4b:s22+s3], $0x100, $0x38;
	[tilespmem:$0x1EE00] =	vst v63  }
0x38: {  	s24 =	rddreg [dreg:$0x4]  }
0x39: {  	[tilespmem:s30], [sflag:$0x2] =	stream.linear.gather [hbm4b:s24+s3], $0x100, $0x38;
	[tilespmem:$0x1EE00] =	vst v63  }
0x3a: {  	_ =	swait.ge [sflag:s31], $0x100  }
0x3b: {  	[sflag:s31] =	ssyncset.done $0x0  }
0x3c: {  	[sflag:s31] =	ssyncadd.s32 $0xFFFFFF00  }
0x3d: {  	_ =	swait.ge [sflag:s31], $0x100  }
0x3e: {  	[sflag:s31] =	ssyncset.done $0x0  }
0x3f: {  	[sflag:s31] =	ssyncadd.s32 $0xFFFFFF00  }
0x40: {  	[tilespmem:s2], [sflag:$0x5] =	stream.indirect.gather [hbm4b:s7+s0], $0x20, s29, s0, $0xb8;
	[tilespmem:$0x1EE00] =	vst v63  }
0x41: {  	s23 =	rddreg [dreg:$0x5]  }
0x42: {  	[tilespmem:s5], [sflag:$0x3] =	stream.linear.gather [hbm4b:s23+s3], $0x100, $0x38;
	[tilespmem:$0x1EE00] =	vst v63  }
0x43: {  	s24 =	rddreg [dreg:$0x6]  }
0x44: {  	[tilespmem:s6], [sflag:$0x3] =	stream.linear.gather [hbm4b:s24+s3], $0x100, $0x38;
	[tilespmem:$0x1EE00] =	vst v63  }
0x45: {  	_ =	swait.ge [sflag:s9], $0x100  }
0x46: {  	[sflag:s9] =	ssyncset.done $0x0  }
0x47: {  	[sflag:s9] =	ssyncadd.s32 $0xFFFFFF00  }
0x48: {  	_ =	swait.ge [sflag:s9], $0x100  }
0x49: {  	[sflag:s9] =	ssyncset.done $0x0  }
0x4a: {  	s22 =	simm.s32 $0x80;
	s23 =	simm.s32 $0x0;
	[sflag:s9] =	ssyncadd.s32 $0xFFFFFF00  }
0x4b: {  	[tilespmem:s10], [sflag:$0x6] =	stream.indirect.gather [hbm4b:s7+s0], $0x20, s5, s0, $0xb8;
	[tilespmem:$0x1EE00] =	vst v63  }
.LBB2_2:
0x4c: {  	p0 =	seq.s32 s22, $0x7F80;
	[tilespmem:s23+$0x600] =	vst v0;
	s24 =	smov.u32 s22;
	s22 =	sadd.s32 $0x80, s22  }
.Ltmp2:
0x4d: {  	[tilespmem:s23+$0x610] =	vst v0;
	(pc) =	sbr.rel @!p0 .LBB2_2-.Ltmp2, $2  }
0x4e: {  	_ =	sdelay $0x2  }
0x4f: {  	s23 =	sshra.s32 s24, $0x2  }
0x50: {  	[tilespmem:s23+$0x600] =	vst v0  }
0x51: {  	[tilespmem:s23+$0x610] =	vst v0  }
0x52: {  	[spmem:s8] =	stream.linear.scatter [tilespmem:s11], [sflag:$0xA], $0x2000, $0x38;
	[tilespmem:$0x1EE00] =	vst v63  }
0x53: {  	_ =	swait.ge [sflag:s12], $0x2000  }
0x54: {  	[sflag:s12] =	ssyncset.done $0x0  }
0x55: {  	s22 =	rddreg [dreg:$0xa];
	[sflag:s12] =	ssyncadd.s32 $0xFFFFE000  }
0x56: {  	[spmem:s22] =	stream.linear.scatter [tilespmem:s11], [sflag:$0xA], $0x2000, $0x38;
	[tilespmem:$0x1EE00] =	vst v63  }
0x57: {  	_ =	swait.ge [sflag:s12], $0x2000  }
0x58: {  	[sflag:s12] =	ssyncset.done $0x0  }
0x59: {  	s23 =	rddreg [dreg:$0xb];
	[sflag:s12] =	ssyncadd.s32 $0xFFFFE000  }
0x5a: {  	[spmem:s23] =	stream.linear.scatter [tilespmem:s11], [sflag:$0xA], $0x2000, $0x38;
	[tilespmem:$0x1EE00] =	vst v63  }
0x5b: {  	_ =	swait.ge [sflag:s12], $0x2000  }
0x5c: {  	[sflag:s12] =	ssyncset.done $0x0  }
0x5d: {  	s24 =	rddreg [dreg:$0xc];
	[sflag:s12] =	ssyncadd.s32 $0xFFFFE000  }
0x5e: {  	[spmem:s24] =	stream.linear.scatter [tilespmem:s11], [sflag:$0xA], $0x2000, $0x38;
	[tilespmem:$0x1EE00] =	vst v63  }
0x5f: {  	_ =	swait.ge [sflag:s12], $0x2000  }
0x60: {  	[sflag:s12] =	ssyncset.done $0x0  }
0x61: {  	s23 =	rddreg [dreg:$0xd];
	[sflag:s12] =	ssyncadd.s32 $0xFFFFE000  }
0x62: {  	[spmem:s23] =	stream.linear.scatter [tilespmem:s11], [sflag:$0xA], $0x2000, $0x38;
	[tilespmem:$0x1EE00] =	vst v63  }
0x63: {  	_ =	swait.ge [sflag:s12], $0x2000  }
0x64: {  	[sflag:s12] =	ssyncset.done $0x0  }
0x65: {  	s24 =	rddreg [dreg:$0xe];
	[sflag:s12] =	ssyncadd.s32 $0xFFFFE000  }
0x66: {  	[spmem:s24] =	stream.linear.scatter [tilespmem:s11], [sflag:$0xA], $0x2000, $0x38;
	[tilespmem:$0x1EE00] =	vst v63  }
0x67: {  	_ =	swait.ge [sflag:s12], $0x2000  }
0x68: {  	[sflag:s12] =	ssyncset.done $0x0  }
0x69: {  	s23 =	rddreg [dreg:$0xf];
	[sflag:s12] =	ssyncadd.s32 $0xFFFFE000  }
0x6a: {  	[spmem:s23] =	stream.linear.scatter [tilespmem:s11], [sflag:$0xA], $0x2000, $0x38;
	[tilespmem:$0x1EE00] =	vst v63  }
0x6b: {  	_ =	swait.ge [sflag:s12], $0x2000  }
0x6c: {  	[sflag:s12] =	ssyncset.done $0x0  }
0x6d: {  	s24 =	rddreg [dreg:$0x10];
	[sflag:s12] =	ssyncadd.s32 $0xFFFFE000  }
0x6e: {  	[spmem:s24] =	stream.linear.scatter [tilespmem:s11], [sflag:$0xA], $0x2000, $0x38;
	[tilespmem:$0x1EE00] =	vst v63  }
0x6f: {  	_ =	swait.ge [sflag:s12], $0x2000  }
0x70: {  	[sflag:s12] =	ssyncset.done $0x0  }
0x71: {  	s23 =	rddreg [dreg:$0x11];
	[sflag:s12] =	ssyncadd.s32 $0xFFFFE000  }
0x72: {  	[spmem:s23] =	stream.linear.scatter [tilespmem:s11], [sflag:$0xA], $0x2000, $0x38;
	[tilespmem:$0x1EE00] =	vst v63  }
0x73: {  	_ =	swait.ge [sflag:s12], $0x2000  }
0x74: {  	[sflag:s12] =	ssyncset.done $0x0  }
0x75: {  	s24 =	rddreg [dreg:$0x13];
	[sflag:s12] =	ssyncadd.s32 $0xFFFFE000  }
0x76: {  	[spmem:s24] =	stream.linear.scatter [tilespmem:s11], [sflag:$0xA], $0x2000, $0x38;
	[tilespmem:$0x1EE00] =	vst v63  }
0x77: {  	_ =	swait.ge [sflag:s12], $0x2000  }
0x78: {  	[sflag:s12] =	ssyncset.done $0x0  }
0x79: {  	[sflag:s12] =	ssyncadd.s32 $0xFFFFE000  }
0x7a: {  	[spmem:s26] =	stream.linear.scatter [tilespmem:s11], [sflag:$0xA], $0x2000, $0x38;
	[tilespmem:$0x1EE00] =	vst v63  }
0x7b: {  	_ =	swait.ge [sflag:s12], $0x2000  }
0x7c: {  	[sflag:s12] =	ssyncset.done $0x0  }
0x7d: {  	[sflag:s12] =	ssyncadd.s32 $0xFFFFE000  }
0x7e: {  	[spmem:s28] =	stream.linear.scatter [tilespmem:s11], [sflag:$0xA], $0x2000, $0x38;
	[tilespmem:$0x1EE00] =	vst v63  }
0x7f: {  	_ =	swait.ge [sflag:s12], $0x2000  }
0x80: {  	[sflag:s12] =	ssyncset.done $0x0  }
0x81: {  	s23 =	rddreg [dreg:$0x7];
	[sflag:s12] =	ssyncadd.s32 $0xFFFFE000  }
0x82: {  	[spmem:s23] =	stream.linear.scatter [tilespmem:s11], [sflag:$0xA], $0x800, $0x38;
	[tilespmem:$0x1EE00] =	vst v63  }
0x83: {  	_ =	swait.ge [sflag:s12], $0x800  }
0x84: {  	[sflag:s12] =	ssyncset.done $0x0  }
0x85: {  	s22 =	simm.s32 $0x0;
	[sflag:s12] =	ssyncadd.s32 $0xFFFFF800  }
0x86: {  	[tilespmem:s22], [sflag:$0x1] =	stream.linear.gather [hbm4b:s4+s22], $0x100, $0x38;
	[tilespmem:$0x1EE00] =	vst v63  }
0x87: {  	s24 =	rddreg [dreg:$0x8]  }
0x88: {  	[tilespmem:s0], [sflag:$0x1] =	stream.linear.gather [hbm4b:s24+s22], $0x100, $0x38;
	[tilespmem:$0x1EE00] =	vst v63  }
0x89: {  	_ =	swait.ge [sflag:s13], $0x100  }
0x8a: {  	[sflag:s13] =	ssyncset.done $0x0  }
0x8b: {  	[sflag:s13] =	ssyncadd.s32 $0xFFFFFF00  }
0x8c: {  	_ =	swait.ge [sflag:s13], $0x100  }
0x8d: {  	[sflag:s13] =	ssyncset.done $0x0  }
0x8e: {  	[sflag:s13] =	ssyncadd.s32 $0xFFFFFF00  }
0x8f: {  	[tilespmem:s11], [sflag:$0x4] =	stream.indirect.gather [hbm4b:s7+s0], $0x20, s22, s0, $0xb8;
	[tilespmem:$0x1EE00] =	vst v63  }
0x90: {  	[bflag:$0x0] =	sbarrier.arrive $0xFFFF  }
.LBB2_4:
0x91: {  	_ =	swait.ge [sflag:s14], $0x2000  }
0x92: {  	[sflag:s14] =	ssyncset.done $0x0  }
0x93: {  	[sflag:s14] =	ssyncadd.s32 $0xFFFFE000  }
0x94: {  	[spmem:s1] =	stream.indirect.scatter.add.f32 [tilespmem:s11], [sflag:$0x7], $0x20, s0, s0, $0xb8;
	[tilespmem:$0x1EE00] =	vst v63  }
0x95: {  	_ =	swait.ge [sflag:s15], $0x2000  }
0x96: {  	[sflag:s15] =	ssyncset.done $0x0  }
0x97: {  	[sflag:s15] =	ssyncadd.s32 $0xFFFFE000  }
0x98: {  	[spmem:s1] =	stream.indirect.scatter.add.f32 [tilespmem:s2], [sflag:$0x8], $0x20, s30, s0, $0xb8;
	[tilespmem:$0x1EE00] =	vst v63  }
0x99: {  	_ =	swait.ge [sflag:s16], $0x2000  }
0x9a: {  	[sflag:s16] =	ssyncset.done $0x0  }
0x9b: {  	[sflag:s16] =	ssyncadd.s32 $0xFFFFE000  }
0x9c: {  	[spmem:s1] =	stream.indirect.scatter.add.f32 [tilespmem:s10], [sflag:$0x9], $0x20, s6, s0, $0xb8;
	[tilespmem:$0x1EE00] =	vst v63  }
0x9d: {  	_ =	swait.ge [sflag:s17], $0x2000  }
0x9e: {  	s23 =	sadd.s32 s22, s21;
	[sflag:s17] =	ssyncset.done $0x0  }
0x9f: {  	s24 =	sadd.s32 $0x60, s23;
	[sflag:s17] =	ssyncadd.s32 $0xFFFFE000  }
0xa0: {  	[tilespmem:s3], [sflag:$0x1] =	stream.linear.gather [hbm4b:s24+s3], $0x100, $0x38;
	[tilespmem:$0x1EE00] =	vst v63  }
0xa1: {  	s24 =	sadd.s32 $0x19060, s23  }
0xa2: {  	[tilespmem:s0], [sflag:$0x1] =	stream.linear.gather [hbm4b:s24+s3], $0x100, $0x38;
	[tilespmem:$0x1EE00] =	vst v63  }
0xa3: {  	_ =	swait.ge [sflag:s13], $0x100  }
0xa4: {  	[sflag:s13] =	ssyncset.done $0x0  }
0xa5: {  	[sflag:s13] =	ssyncadd.s32 $0xFFFFFF00  }
0xa6: {  	_ =	swait.ge [sflag:s13], $0x100  }
0xa7: {  	[sflag:s13] =	ssyncset.done $0x0  }
0xa8: {  	[sflag:s13] =	ssyncadd.s32 $0xFFFFFF00  }
0xa9: {  	[tilespmem:s11], [sflag:$0x4] =	stream.indirect.gather [hbm4b:s7+s0], $0x20, s3, s0, $0xb8;
	[tilespmem:$0x1EE00] =	vst v63  }
0xaa: {  	_ =	swait.ge [sflag:s18], $0x2000  }
0xab: {  	[sflag:s18] =	ssyncset.done $0x0  }
0xac: {  	s24 =	sadd.s32 $0x80, s23;
	[sflag:s18] =	ssyncadd.s32 $0xFFFFE000  }
0xad: {  	[tilespmem:s29], [sflag:$0x2] =	stream.linear.gather [hbm4b:s24+s3], $0x100, $0x38;
	[tilespmem:$0x1EE00] =	vst v63  }
0xae: {  	s24 =	sadd.s32 $0x19080, s23  }
0xaf: {  	[tilespmem:s30], [sflag:$0x2] =	stream.linear.gather [hbm4b:s24+s3], $0x100, $0x38;
	[tilespmem:$0x1EE00] =	vst v63  }
0xb0: {  	_ =	swait.ge [sflag:s31], $0x100  }
0xb1: {  	[sflag:s31] =	ssyncset.done $0x0  }
0xb2: {  	[sflag:s31] =	ssyncadd.s32 $0xFFFFFF00  }
0xb3: {  	_ =	swait.ge [sflag:s31], $0x100  }
0xb4: {  	p0 =	seq.s32 s22, $0x1860;
	[sflag:s31] =	ssyncset.done $0x0  }
.Ltmp3:
0xb5: {  	[sflag:s31] =	ssyncadd.s32 $0xFFFFFF00;
	(pc) =	sbr.rel @p0 .LBB2_6-.Ltmp3, $4  }
0xb6: {  	[tilespmem:s2], [sflag:$0x5] =	stream.indirect.gather [hbm4b:s7+s0], $0x20, s29, s0, $0xb8;
	[tilespmem:$0x1EE00] =	vst v63  }
0xb7: {  	_ =	swait.ge [sflag:s19], $0x2000  }
0xb8: {  	[sflag:s19] =	ssyncset.done $0x0  }
0xb9: {  	[sflag:s19] =	ssyncadd.s32 $0xFFFFE000  }
0xba: {  	s24 =	sadd.s32 $0xA0, s23  }
0xbb: {  	[tilespmem:s5], [sflag:$0x3] =	stream.linear.gather [hbm4b:s24+s3], $0x100, $0x38;
	[tilespmem:$0x1EE00] =	vst v63  }
0xbc: {  	s24 =	sadd.s32 $0x190A0, s23  }
0xbd: {  	[tilespmem:s6], [sflag:$0x3] =	stream.linear.gather [hbm4b:s24+s3], $0x100, $0x38;
	[tilespmem:$0x1EE00] =	vst v63  }
0xbe: {  	_ =	swait.ge [sflag:s9], $0x100  }
0xbf: {  	[sflag:s9] =	ssyncset.done $0x0  }
.Ltmp4:
0xc0: {  	[sflag:s9] =	ssyncadd.s32 $0xFFFFFF00;
	(pc) =	sbr.rel .LBB2_4-.Ltmp4, $4  }
0xc1: {  	_ =	swait.ge [sflag:s9], $0x100  }
0xc2: {  	[sflag:s9] =	ssyncset.done $0x0  }
0xc3: {  	s22 =	sadd.s32 $0x60, s22;
	[sflag:s9] =	ssyncadd.s32 $0xFFFFFF00  }
0xc4: {  	[tilespmem:s10], [sflag:$0x6] =	stream.indirect.gather [hbm4b:s7+s0], $0x20, s5, s0, $0xb8;
	[tilespmem:$0x1EE00] =	vst v63  }
.LBB2_7:
0xc5: {  	_ =	sfence.sel $0x180000  }
0xc6: {  	[bflag:$0x0] =	sbarrier.arrive $0xFFFF  }
0xc7: {  	_ =	strace $0x9000004A  }
0xc8: {  	s0 =	stileid.u32;
	[bflag:$0x2] =	sbarrier.arrive $0xFFFF  }
0xc9: {  	p0 =	sne.s32 s0, $0x0;
	s0 =	rddreg [dreg:$0x2]  }
0xca: {  	s0 =	sadd.s32 @!p0 $0x100000, s0  }
0xcb: {  	[sflag:s0] =	ssyncadd.tile.s32 @!p0 $0x1;
	_ =	shalt  }
.Lfunc_end2:
_tile_overlayer_lowered:
.L_overlay_start_2:
0xcc: {  	(tag) =	ssettag $0x2  }
0xcd: {  	s0 =	rddreg [dreg:$0x0];
	s2 =	stileid.u32  }
0xce: {  	s1 =	rddreg [dreg:$0x1];
	p0 =	sne.s32 s2, $0x0  }
0xcf: {  	s3 =	rddreg [dreg:$0x2];
	[bflag:$0x3] =	sbarrier.arrive $0xFFFF;
	s2 =	simm.s32 @!p0 $0x1C0A  }
0xd0: {  	[timem:s3], [sflag:s2] =	dma.local @!p0 [hbm:s0], s1  }
0xd1: {  	s0 =	simm.s32 @!p0 $0xA  }
0xd2: {  	_ =	swait.ge @!p0 [sflag:s0], s1  }
0xd3: {  	s1 =	ssub.s32 @!p0 $0x0, s1;
	[sflag:s0] =	ssyncset.done @!p0 $0x0  }
0xd4: {  	[sflag:s0] =	ssyncadd.s32 @!p0 s1  }
0xd5: {  	[bflag:$0x3] =	sbarrier.arrive $0xFFFF  }
0xd6: {  	_ =	shalt  }

// kernel: kernel.8.cloned.1.call-start
scs
__scs_entry_jumppad:
0x0: {  	(pc) =	sbr.rel $0x88, $3  }
0x1: {  	(tag) =	ssettag $0x0;
	lr =	simm.s32 $0x1  }
0x2: {  	[smem:$0x3F88] =	sst lr;
	_ =	strace $0xD0000000  }
0x3: {  	_ = 	snop  }
0x4: {  	_ = 	snop  }
0x5: {  	_ = 	snop  }
0x6: {  	_ = 	snop  }
0x7: {  	_ = 	snop  }
__scs_overlays_trampoline_lowered:
0x8: {  	[smem:$0x3F97] =	sst s0  }
0x9: {  	[smem:$0x3F98] =	sst s1  }
0xa: {  	[smem:$0x3F99] =	sst s2  }
0xb: {  	[smem:$0x3F9A] =	sst s3  }
0xc: {  	[smem:$0x3F9B] =	sst s4  }
0xd: {  	[smem:$0x3F9C] =	sst s5  }
0xe: {  	[smem:$0x3F9D] =	sst s6  }
0xf: {  	[smem:$0x3F9E] =	sst s7  }
0x10: {  	[smem:$0x3F9F] =	sst s8  }
0x11: {  	[smem:$0x3FA0] =	sst s9;
	s0 =	simm.s32 @!p0 $0x0  }
0x12: {  	s1 =	sld [smem:$0x3F86];
	s0 =	simm.s32 @p0 $0x1  }
0x13: {  	[smem:$0x3FA1] =	sst s0;
	s0 =	simm.s32 @!p1 $0x0  }
0x14: {  	s2 =	sld [smem:$0x3F85];
	s0 =	simm.s32 @p1 $0x1  }
0x15: {  	[smem:$0x3FA2] =	sst s0;
	s0 =	simm.s32 @!p2 $0x0  }
0x16: {  	s3 =	sld [smem:$0x3FDB];
	s0 =	simm.s32 @p2 $0x1  }
0x17: {  	s4 =	simm.s32 $0x1BF5;
	[smem:$0x3FA4] =	sst s0  }
0x18: {  	s0 =	sld [smem:$0x3F87];
	_ =	swait.ge [sflag:s4], $0x0  }
0x19: {  	s7 =	sld [smem:$0x3F88]  }
0x1a: {  	s8 =	sadd.s32 $0xFFFFE003, lr  }
0x1b: {  	s9 =	sadd.s32 $0xFFFFFEF7, lr;
	s5 =	simm.s32 $0xFFFFFFFF;
	p2 =	slt.u32 s8, $0xFFFFF086  }
0x1c: {  	p1 =	slt.u32 s9, $0xF7A;
	s5 =	simm.s32 @!p2 $0x0  }
0x1d: {  	s5 =	simm.s32 @p1 $0x1;
	p0 =	seq.s32 s7, s2  }
0x1e: {  	s7 =	smul.u32 @!p0 $0xF7A, s2;
	p2 =	seq.s32 @!p0 s5, $0x0  }
0x1f: {  	s9 =	smul.u32 $0xF7A, s1;
	s8 =	simm.s32 @!p0 $0x1BF5;
	p2 =	por !p2, p0  }
0x20: {  	[sflag:s8] =	ssyncset.s32 @!p0 $0xFFFFF086;
	s6 =	sadd.s32 @!p0 s3, s7;
	s7 =	simm.s32 @!p0 $0x108  }
0x21: {  	s3 =	sadd.s32 s3, s9;
	s6 =	sadd.s32 @!p0 $0x88, s6;
	s7 =	simm.s32 @p2 $0x1082  }
0x22: {  	[simem:s7], [sflag:s8] =	dma.local @!p0 [hbm:s6], $0xF7A  }
0x23: {  	s9 =	sor.u32 $0xD0000000, s2;
	s6 =	simm.s32 $0x108;
	_ =	swait.ge @!p0 [sflag:s8], $0x0  }
0x24: {  	s3 =	sadd.s32 $0x88, s3;
	s6 =	simm.s32 @!p1 $0x1082;
	[sflag:s4] =	ssyncset.s32 $0xFFFFF086  }
0x25: {  	[simem:s6], [sflag:s4] =	dma.local [hbm:s3], $0xF7A  }
0x26: {  	[smem:$0x3F88] =	sst s1;
	(tag) =	ssettag s2;
	_ =	strace s9  }
0x27: {  	s1 =	sld [smem:$0x3F98]  }
0x28: {  	s2 =	sld [smem:$0x3F99]  }
0x29: {  	s4 =	sld [smem:$0x3F9B]  }
0x2a: {  	p0 =	seq.s32 s5, $0x0;
	s5 =	sld [smem:$0x3F9C]  }
0x2b: {  	s6 =	sld [smem:$0x3F9D]  }
0x2c: {  	s7 =	sld [smem:$0x3F9E]  }
0x2d: {  	s3 =	simm.s32 $0x108;
	s8 =	sld [smem:$0x3F9F]  }
0x2e: {  	s3 =	simm.s32 @!p0 $0x1082;
	s9 =	sld [smem:$0x3FA0]  }
0x2f: {  	lr =	sadd.s32 s0, s3;
	s0 =	sld [smem:$0x3F97]  }
0x30: {  	s3 =	sld [smem:$0x3F9A]  }
0x31: {  	[smem:$0x3FA3] =	sst s10  }
0x32: {  	s10 =	sld [smem:$0x3FA1];
	_ =	sdelay $0x3  }
0x33: {  	p0 =	seq.s32 s10, $0x1;
	s10 =	sld [smem:$0x3FA3];
	_ =	sdelay $0x3  }
0x34: {  	[smem:$0x3FA3] =	sst s10  }
0x35: {  	s10 =	sld [smem:$0x3FA2];
	_ =	sdelay $0x3  }
0x36: {  	p1 =	seq.s32 s10, $0x1;
	s10 =	sld [smem:$0x3FA3];
	_ =	sdelay $0x3  }
0x37: {  	[smem:$0x3FA3] =	sst s10  }
0x38: {  	s10 =	sld [smem:$0x3FA4]  }
0x39: {  	_ = 	snop;
	(pc) =	sbr.ind lr, $3  }
0x3a: {  	_ = 	snop  }
0x3b: {  	_ = 	snop  }
0x3c: {  	p2 =	seq.s32 s10, $0x1;
	s10 =	sld [smem:$0x3FA3]  }
0x3d: {  	_ =	shalt  }
0x3e: {  	_ =	shalt  }
0x3f: {  	_ =	shalt  }
0x40: {  	_ =	shalt  }
0x41: {  	_ =	shalt  }
0x42: {  	_ =	shalt  }
0x43: {  	_ =	shalt  }
0x44: {  	_ =	shalt  }
0x45: {  	_ =	shalt  }
0x46: {  	_ =	shalt  }
0x47: {  	_ =	shalt  }
0x48: {  	_ =	shalt  }
0x49: {  	_ =	shalt  }
0x4a: {  	_ =	shalt  }
0x4b: {  	_ =	shalt  }
0x4c: {  	_ =	shalt  }
0x4d: {  	_ =	shalt  }
0x4e: {  	_ =	shalt  }
0x4f: {  	_ =	shalt  }
0x50: {  	_ =	shalt  }
0x51: {  	_ =	shalt  }
0x52: {  	_ =	shalt  }
0x53: {  	_ =	shalt  }
0x54: {  	_ =	shalt  }
0x55: {  	_ =	shalt  }
0x56: {  	_ =	shalt  }
0x57: {  	_ =	shalt  }
0x58: {  	_ =	shalt  }
0x59: {  	_ =	shalt  }
0x5a: {  	_ =	shalt  }
0x5b: {  	_ =	shalt  }
0x5c: {  	_ =	shalt  }
0x5d: {  	_ =	shalt  }
0x5e: {  	_ =	shalt  }
0x5f: {  	_ =	shalt  }
0x60: {  	_ =	shalt  }
0x61: {  	_ =	shalt  }
0x62: {  	_ =	shalt  }
0x63: {  	_ =	shalt  }
0x64: {  	_ =	shalt  }
0x65: {  	_ =	shalt  }
0x66: {  	_ =	shalt  }
0x67: {  	_ =	shalt  }
0x68: {  	_ =	shalt  }
0x69: {  	_ =	shalt  }
0x6a: {  	_ =	shalt  }
0x6b: {  	_ =	shalt  }
0x6c: {  	_ =	shalt  }
0x6d: {  	_ =	shalt  }
0x6e: {  	_ =	shalt  }
0x6f: {  	_ =	shalt  }
0x70: {  	_ =	shalt  }
0x71: {  	_ =	shalt  }
0x72: {  	_ =	shalt  }
0x73: {  	_ =	shalt  }
0x74: {  	_ =	shalt  }
0x75: {  	_ =	shalt  }
0x76: {  	_ =	shalt  }
0x77: {  	_ =	shalt  }
0x78: {  	_ =	shalt  }
0x79: {  	_ =	shalt  }
0x7a: {  	_ =	shalt  }
0x7b: {  	_ =	shalt  }
0x7c: {  	_ =	shalt  }
0x7d: {  	_ =	shalt  }
0x7e: {  	_ =	shalt  }
0x7f: {  	_ =	shalt  }
0x80: {  	_ =	shalt  }
0x81: {  	_ =	shalt  }
0x82: {  	_ =	shalt  }
0x83: {  	_ =	shalt  }
0x84: {  	_ =	shalt  }
0x85: {  	_ =	shalt  }
0x86: {  	_ =	shalt  }
0x87: {  	_ =	shalt  }
.Lfunc_end0:
.L_simem_size_0:
called_computation_lowered:
.L_overlay_start_0:
0x88: {  	s2 =	sld [smem:$0x3FD9]  }
0x89: {  	s3 =	sld [smem:$0x3FFE];
	_ =	sdelay $0x1  }
0x8a: {  	s1 =	srdreg.scid  }
0x8b: {  	s0 =	sand.u32 $0x1, s1  }
0x8c: {  	s16 =	sshll.u32 s0, $0xA;
	s2 =	sadd.s32 s3, s2  }
0x8d: {  	s2 =	sadd.s32 s2, s16  }
0x8e: {  	[smem:$0x3FAF] =	sst s2  }
0x8f: {  	_ = 	snop  }
0x90: {  	(tm) =	ssettm $0x1  }
0x91: {  	s17 =	sld [smem:$0x3FFB];
	_ =	sdelay $0x3  }
0x92: {  	_ =	strace s17  }
0x93: {  	s2 =	sld [smem:$0x3FFC];
	_ =	sdelay $0x3  }
0x94: {  	_ =	strace s2  }
0x95: {  	s2 =	sld [smem:$0x3FFD];
	_ =	sdelay $0x3  }
0x96: {  	_ =	strace s2  }
0x97: {  	_ =	strace $0x8FFFFFFF  }
0x98: {  	s18 =	sld [smem:$0x3FDB];
	_ =	sdelay $0x1  }
0x99: {  	s19 =	simm.s32 $_scs_section_size  }
0x9a: {  	s4 =	simm.s32 $_size__tile_overlayer_lowered;
	s5 =	simm.s32 $_tile_overlayer_lowered  }
0x9b: {  	s22 =	simm.s32 $0x1BFF;
	s21 =	sshll.u32 s5, $0x1;
	s2 =	sadd.s32 s19, s18  }
0x9c: {  	s6 =	simm.s32 $0x0;
	s20 =	sshll.u32 s4, $0x1;
	s4 =	sadd.s32 s21, s2  }
0x9d: {  	[timem:s6], [sflag:s22] =	dma.local [hbm:s4], s20  }
0x9e: {  	_ =	swait.ge [sflag:s22], s20  }
0x9f: {  	s3 =	ssub.s32 $0x0, s20;
	[sflag:s22] =	ssyncset.done $0x0  }
0xa0: {  	[sflag:s22] =	ssyncadd.s32 s3;
	_ =	sdelay $0x1  }
0xa1: {  	s23 =	simm.s32 $0x1B8B  }
0xa2: {  	_ =	swait.ge [sflag:s23], $0x1  }
0xa3: {  	[sflag:s23] =	ssyncset.done $0x0  }
0xa4: {  	s25 =	simm.s32 $0x1B8E;
	s24 =	sld [smem:$0x3FFE];
	[sflag:s23] =	ssyncadd.s32 $0xFFFFFFFF  }
0xa5: {  	s26 =	simm.s32 $execute0_lowered;
	[smem:$0x3FD2] =	sst s25  }
0xa6: {  	s4 =	sshll.u32 s26, $0x1;
	_ =	strace $0x80000046;
	[dreg:$0x1] =	wrdreg $0xFFFFFFFF  }
0xa7: {  	s28 =	simm.s32 $_size_execute0_lowered;
	s2 =	sadd.s32 s2, s4;
	[dreg:$0x0] =	wrdreg $0x0  }
0xa8: {  	s4 =	sshll.u32 s28, $0x1;
	[dreg:$0x2] =	wrdreg s2  }
0xa9: {  	[dreg:$0x3] =	wrdreg s4  }
0xaa: {  	[dreg:$0x4] =	wrdreg $0xC0  }
0xab: {  	_ =	task [dreg:s6], $0x5FFFF  }
0xac: {  	[dreg:$0x1] =	wrdreg $0xFFFFFFFF  }
0xad: {  	[dreg:$0x0] =	wrdreg $0x60  }
0xae: {  	[dreg:$0x2] =	wrdreg s24  }
0xaf: {  	[dreg:$0x3] =	wrdreg $0x66000  }
0xb0: {  	[dreg:$0x4] =	wrdreg $0x1F0C00  }
0xb1: {  	[dreg:$0x5] =	wrdreg $0x9  }
0xb2: {  	_ =	task.clear_ibuf [dreg:s6], $0x6FFFF;
	_ =	strace $0x90000046  }
0xb3: {  	s29 =	simm.s32 $0x9;
	_ =	strace $0x80000048  }
0xb4: {  	_ =	swait.ge [sflag:s29], $0x1  }
0xb5: {  	[sflag:s29] =	ssyncadd.s32 $0xFFFFFFFF  }
0xb6: {  	_ =	strace $0x90000048  }
0xb7: {  	_ =	sfence  }
0xb8: {  	s30 =	sld [smem:$0x0];
	_ =	sdelay $0x2  }
0xb9: {  	s31 =	sshll.u32 s1, $0xD;
	s1 =	sshrl.u32 s1, $0x2  }
0xba: {  	s3 =	sand.u32 $0x4000, s31;
	s1 =	sadd.s32 s1, s30  }
0xbb: {  	s0 =	sor.u32 s3, s0;
	s1 =	sshll.u32 s1, $0x11  }
0xbc: {  	s0 =	sor.u32 s1, s0  }
0xbd: {  	s0 =	sadd.s32 $0x8F2B, s0  }
0xbe: {  	[sflag:s0] =	ssyncadd.remote.s32 $0x1  }
0xbf: {  	_ =	sfence.sel $0xFFFF  }
0xc0: {  	[dreg:$0x0] =	wrdreg $0xFFFFFFFF;
	(pc) =	sbr.abs _section_cstart, $3  }
0xc1: {  	[dreg:$0x1] =	wrdreg $0xFFFFFFFF  }
0xc2: {  	_ =	task.clear_ibuf [dreg:s6], $0x2FFFF;
	_ =	strace $0x9FFFFFFF  }
0xc3: {  	(tm) =	ssettm $0x7FFFFFFF  }
tec
execute0_lowered:
.L_overlay_start_1:
0x0: {  	(tag) =	ssettag $0x1  }
0x1: {  	s0 =	rddreg [dreg:$0x0];
	s14 =	stileid.u32  }
0x2: {  	s1 =	rddreg [dreg:$0x1];
	s6 =	smul.u32 $0xC40, s14  }
0x3: {  	s2 =	rddreg [dreg:$0x2];
	s8 =	smul.u32 $0xC800, s14  }
0x4: {  	s3 =	srdreg.scid;
	s12 =	smul.u32 $0x62000, s14  }
0x5: {  	s4 =	simm.s32 $0x0;
	s3 =	sand.u32 $0x1, s3;
	s24 =	smul.u32 $0x18800, s14  }
0x6: {  	[smem:$0x7FF] =	sst s4;
	s7 =	sadd.s32 $0xCC400, s0;
	s5 =	smul.u32 $0x32000, s3  }
0x7: {  	_ =	strace $0x80000047;
	s18 =	sshrl.u32 s6, $0x3;
	s8 =	sshrl.u32 s8, $0x3  }
0x8: {  	s20 =	sshrl.u32 s12, $0x2;
	s12 =	sadd.s32 s24, s1;
	s9 =	sadd.s32 s5, s0  }
0x9: {  	s0 =	sadd.s32 s18, s0;
	s5 =	sadd.s32 s7, s8;
	s18 =	sshrl.u32 s12, $0x3  }
0xa: {  	s10 =	ssub.s32 $0x2, s3;
	s8 =	sadd.s32 $0x20, s5;
	[dreg:$0x13] =	wrdreg s18  }
0xb: {  	s11 =	sshrl.u32 s10, $0x1;
	s19 =	sadd.s32 $0x19020, s5;
	[dreg:$0x4] =	wrdreg s8  }
0xc: {  	s11 =	ssub.s32 s10, s11;
	s21 =	sadd.s32 $0x40, s5;
	[dreg:$0x5] =	wrdreg s19  }
0xd: {  	s10 =	sadd.s32 s20, s1;
	s22 =	sadd.s32 $0x19040, s5;
	[dreg:$0x6] =	wrdreg s21  }
0xe: {  	s23 =	sadd.s32 $0x18000, s10;
	[dreg:$0x7] =	wrdreg s22  }
0xf: {  	s25 =	sadd.s32 $0x19000, s5;
	[dreg:$0x8] =	wrdreg s23  }
0x10: {  	s0 =	sadd.s32 $0x6CE00, s0;
	[dreg:$0x9] =	wrdreg s25  }
0x11: {  	s14 =	smul.u32 $0x1900, s14;
	s29 =	smax.u32 s11, $0x1;
	[dreg:$0xa] =	wrdreg s0  }
0x12: {  	p0 =	seq.s32 s3, $0x0;
	s30 =	sadd.s32 $0x2000, s10;
	[dreg:$0xb] =	wrdreg s29  }
0x13: {  	p1 =	sne.s32 s3, $0x0;
	s31 =	sadd.s32 $0x4000, s10;
	[dreg:$0xc] =	wrdreg s30  }
0x14: {  	s3 =	simm.s32 $0x200;
	s11 =	sadd.s32 $0x6000, s10;
	[dreg:$0xd] =	wrdreg s31  }
0x15: {  	s20 =	sadd.s32 s14, s7;
	s14 =	sadd.s32 $0x8000, s10;
	[dreg:$0xe] =	wrdreg s11  }
0x16: {  	s13 =	sadd.s32 s6, s2;
	s15 =	sadd.s32 $0xA000, s10;
	[dreg:$0xf] =	wrdreg s14  }
0x17: {  	s28 =	sshrl.u32 s24, $0x3;
	s17 =	sadd.s32 $0xC000, s10;
	[dreg:$0x10] =	wrdreg s15  }
0x18: {  	s26 =	sadd.s32 $0xFE400, s9;
	s24 =	sadd.s32 $0x16000, s10;
	[dreg:$0x12] =	wrdreg s17  }
0x19: {  	s6 =	simm.s32 $0x2;
	s16 =	sadd.s32 s28, s26;
	[dreg:$0x18] =	wrdreg s24  }
0x1a: {  	s7 =	simm.s32 $0x100;
	s19 =	sadd.s32 $0xE000, s10;
	[dreg:$0x11] =	wrdreg s16  }
0x1b: {  	s12 =	simm.s32 $0x500;
	s21 =	sadd.s32 $0x10000, s10;
	[dreg:$0x14] =	wrdreg s19  }
0x1c: {  	s18 =	simm.s32 $0x1EE00;
	s22 =	sadd.s32 $0x12000, s10;
	[dreg:$0x15] =	wrdreg s21  }
0x1d: {  	s8 =	sadd.s32 $0x8E00, s9;
	s23 =	sadd.s32 $0x14000, s10;
	[dreg:$0x16] =	wrdreg s22  }
0x1e: {  	s25 =	sadd.s32 $0x1C0, s13;
	s26 =	sadd.s32 $0x380, s13;
	[dreg:$0x17] =	wrdreg s23  }
0x1f: {  	s28 =	sadd.s32 $0x540, s13;
	s29 =	sadd.s32 $0x700, s13;
	[dreg:$0x19] =	wrdreg s25  }
0x20: {  	s30 =	sadd.s32 $0x8C0, s13;
	s31 =	sadd.s32 $0xA80, s13;
	[dreg:$0x1a] =	wrdreg s26  }
0x21: {  	s0 =	simm.s32 $0x300;
	s9 =	simm.s32 $0x2600;
	[dreg:$0x1b] =	wrdreg s28  }
.Ltmp0:
0x22: {  	s11 =	simm.s32 $0x400;
	[dreg:$0x1c] =	wrdreg s29;
	(pc) =	sbr.rel .LBB2_1-.Ltmp0, $4  }
0x23: {  	s14 =	simm.s32 $0x3;
	s15 =	simm.s32 $0x4600;
	[dreg:$0x1d] =	wrdreg s30  }
0x24: {  	s17 =	simm.s32 $0xA;
	s24 =	simm.s32 $0x9;
	[dreg:$0x1e] =	wrdreg s31  }
0x25: {  	s16 =	simm.s32 $0x600;
	s19 =	simm.s32 $0x1;
	s21 =	simm.s32 $0x4  }
0x26: {  	v0 =	vimm.f32 $0.0e+00;
	v1 =	vimm.f32 $1.000000000e+00;
	s22 =	simm.s32 $0x6;
	s23 =	simm.s32 $0x8;
	s25 =	simm.s32 $0x0  }
.LBB2_8:
0x27: {  	_ =	swait.ge [sflag:s21], $0x2000  }
0x28: {  	[sflag:s21] =	ssyncset.done $0x0  }
0x29: {  	[sflag:s21] =	ssyncadd.s32 $0xFFFFE000  }
0x2a: {  	[spmem:s1] =	stream.indirect.scatter.add.f32 [tilespmem:s16], [sflag:$0x7], $0x20, s7, s7, $0xb8;
	[tilespmem:$0x1FD00] =	vst v63  }
0x2b: {  	s26 =	simm.s32 @p0 $0x100;
	s28 =	simm.s32 @p0 $0x1EFC0;
	s29 =	simm.s32 @p0 $0x5  }
0x2c: {  	[spmem:s2] =	stream.indirect.scatter.add.f32 @p0 [tilespmem:s28], [sflag:$0x7], $0x1, s26, s26, $0xb8;
	[tilespmem:$0x1FD00] =	vst v63  }
0x2d: {  	_ =	swait.ge @p0 [sflag:s29], $0x2000  }
0x2e: {  	[sflag:s29] =	ssyncset.done @p0 $0x0  }
0x2f: {  	s30 =	simm.s32 @p0 $0x2600;
	[sflag:s29] =	ssyncadd.s32 @p0 $0xFFFFE000;
	s29 =	simm.s32 @p0 $0x300  }
0x30: {  	[spmem:s1] =	stream.indirect.scatter.add.f32 @p0 [tilespmem:s30], [sflag:$0x8], $0x20, s29, s26, $0xb8;
	[tilespmem:$0x1FD00] =	vst v63  }
0x31: {  	_ = 	snop  }
0x32: {  	[spmem:s2] =	stream.indirect.scatter.add.f32 @p0 [tilespmem:s28], [sflag:$0x8], $0x1, s29, s26, $0xb8;
	[tilespmem:$0x1FD00] =	vst v63  }
0x33: {  	s26 =	simm.s32 @p0 $0x7  }
0x34: {  	_ =	swait.ge @p0 [sflag:s26], $0x2000  }
0x35: {  	[sflag:s26] =	ssyncset.done @p0 $0x0  }
0x36: {  	[sflag:s26] =	ssyncadd.s32 @p0 $0xFFFFE000  }
0x37: {  	_ =	swait.ge @p0 [sflag:s26], $0x100  }
0x38: {  	[sflag:s26] =	ssyncset.done @p0 $0x0  }
0x39: {  	[sflag:s26] =	ssyncadd.s32 @p0 $0xFFFFFF00;
	s26 =	simm.s32 @p0 $0x8  }
0x3a: {  	_ =	swait.ge @p0 [sflag:s26], $0x2000  }
0x3b: {  	[sflag:s26] =	ssyncset.done @p0 $0x0  }
0x3c: {  	[sflag:s26] =	ssyncadd.s32 @p0 $0xFFFFE000  }
0x3d: {  	_ =	swait.ge @p0 [sflag:s26], $0x100  }
0x3e: {  	[sflag:s26] =	ssyncset.done @p0 $0x0  }
0x3f: {  	[sflag:s26] =	ssyncadd.s32 @p0 $0xFFFFFF00;
	s26 =	simm.s32 @!p0 $0x5  }
0x40: {  	_ =	swait.ge @!p0 [sflag:s26], $0x2000  }
0x41: {  	s28 =	simm.s32 @!p0 $0x300;
	[sflag:s26] =	ssyncset.done @!p0 $0x0  }
0x42: {  	s29 =	simm.s32 @!p0 $0x2600;
	[sflag:s26] =	ssyncadd.s32 @!p0 $0xFFFFE000;
	s26 =	simm.s32 @!p0 $0x100  }
0x43: {  	[spmem:s1] =	stream.indirect.scatter.add.f32 @!p0 [tilespmem:s29], [sflag:$0x8], $0x20, s28, s26, $0xb8;
	[tilespmem:$0x1FD00] =	vst v63  }
0x44: {  	s26 =	simm.s32 @!p0 $0x7  }
0x45: {  	_ =	swait.ge @!p0 [sflag:s26], $0x2000  }
0x46: {  	[sflag:s26] =	ssyncset.done @!p0 $0x0  }
0x47: {  	[sflag:s26] =	ssyncadd.s32 @!p0 $0xFFFFE000;
	s26 =	simm.s32 @!p0 $0x8  }
0x48: {  	_ =	swait.ge @!p0 [sflag:s26], $0x2000  }
0x49: {  	[sflag:s26] =	ssyncset.done @!p0 $0x0  }
0x4a: {  	[sflag:s26] =	ssyncadd.s32 @!p0 $0xFFFFE000  }
0x4b: {  	s30 =	stileid.u32;
	[bflag:$0x0] =	sbarrier.arrive $0xFFFF  }
0x4c: {  	s26 =	sshll.u32 s30, $0x6;
	s31 =	rddreg [dreg:$0x11]  }
0x4d: {  	s26 =	sor.u32 $0x1C0A, s26;
	s30 =	rddreg [dreg:$0x13]  }
0x4e: {  	[hbm:s31], [sflag:s26] =	dma.local [spmem:s30], $0x3100  }
0x4f: {  	_ =	swait.ge [sflag:s17], $0x3100  }
0x50: {  	[sflag:s17] =	ssyncset.done $0x0  }
0x51: {  	s28 =	sshrl.u32 @!p1 s13, $0x3;
	s29 =	rddreg [dreg:$0xa];
	[sflag:s17] =	ssyncadd.s32 $0xFFFFCF00  }
0x52: {  	[hbm:s29], [sflag:s26] =	dma.local @!p1 [spmem:s28], $0x188  }
0x53: {  	s26 =	simm.s32 @!p1 $0xA  }
0x54: {  	_ =	swait.ge @!p1 [sflag:s26], $0x188  }
0x55: {  	s25 =	sadd.s32 $0x1, s25;
	s31 =	rddreg [dreg:$0xb]  }
0x56: {  	p2 =	sne.s32 s25, s31  }
.Ltmp1:
0x57: {  	_ = 	snop;
	(pc) =	sbr.rel @!p2 .LBB2_9-.Ltmp1, $3  }
0x58: {  	_ =	sdelay $0x1  }
0x59: {  	[sflag:s26] =	ssyncset.done @!p1 $0x0  }
0x5a: {  	[sflag:s26] =	ssyncadd.s32 @!p1 $0xFFFFFE78  }
.LBB2_1:
0x5b: {  	s26 =	rddreg [dreg:$0x4]  }
0x5c: {  	[tilespmem:s3], [sflag:$0x2] =	stream.linear.gather [hbm4b:s26+s4], $0x100, $0x38;
	[tilespmem:$0x1FD00] =	vst v63  }
0x5d: {  	s29 =	rddreg [dreg:$0x5]  }
0x5e: {  	[tilespmem:s0], [sflag:$0x2] =	stream.linear.gather [hbm4b:s29+s4], $0x100, $0x38;
	[tilespmem:$0x1FD00] =	vst v63  }
0x5f: {  	_ =	swait.ge [sflag:s6], $0x100  }
0x60: {  	[sflag:s6] =	ssyncset.done $0x0  }
0x61: {  	[sflag:s6] =	ssyncadd.s32 $0xFFFFFF00  }
0x62: {  	_ =	swait.ge [sflag:s6], $0x100  }
0x63: {  	[sflag:s6] =	ssyncset.done $0x0  }
0x64: {  	[sflag:s6] =	ssyncadd.s32 $0xFFFFFF00  }
0x65: {  	[tilespmem:s9], [sflag:$0x5] =	stream.indirect.gather [hbm4b:s8+s7], $0x20, s3, s7, $0xb8;
	[tilespmem:$0x1FD00] =	vst v63  }
0x66: {  	s30 =	rddreg [dreg:$0x6]  }
0x67: {  	[tilespmem:s11], [sflag:$0x3] =	stream.linear.gather [hbm4b:s30+s4], $0x100, $0x38;
	[tilespmem:$0x1FD00] =	vst v63  }
0x68: {  	s31 =	rddreg [dreg:$0x7]  }
0x69: {  	[tilespmem:s12], [sflag:$0x3] =	stream.linear.gather [hbm4b:s31+s4], $0x100, $0x38;
	[tilespmem:$0x1FD00] =	vst v63  }
0x6a: {  	_ =	swait.ge [sflag:s14], $0x100  }
0x6b: {  	[sflag:s14] =	ssyncset.done $0x0  }
0x6c: {  	[sflag:s14] =	ssyncadd.s32 $0xFFFFFF00  }
0x6d: {  	_ =	swait.ge [sflag:s14], $0x100  }
0x6e: {  	[sflag:s14] =	ssyncset.done $0x0  }
0x6f: {  	s28 =	simm.s32 $0x0;
	s26 =	simm.s32 $0x80;
	[sflag:s14] =	ssyncadd.s32 $0xFFFFFF00  }
0x70: {  	[tilespmem:s15], [sflag:$0x6] =	stream.indirect.gather [hbm4b:s8+s7], $0x20, s11, s7, $0xb8;
	[tilespmem:$0x1FD00] =	vst v63  }
.LBB2_2:
0x71: {  	p2 =	seq.s32 s26, $0x7F80;
	[tilespmem:s28+$0x600] =	vst v0;
	s29 =	smov.u32 s26;
	s26 =	sadd.s32 $0x80, s26  }
.Ltmp2:
0x72: {  	[tilespmem:s28+$0x610] =	vst v0;
	(pc) =	sbr.rel @!p2 .LBB2_2-.Ltmp2, $2  }
0x73: {  	_ =	sdelay $0x2  }
0x74: {  	s28 =	sshra.s32 s29, $0x2  }
0x75: {  	[tilespmem:s28+$0x600] =	vst v0  }
0x76: {  	[tilespmem:s28+$0x610] =	vst v0  }
0x77: {  	[spmem:s10] =	stream.linear.scatter [tilespmem:s16], [sflag:$0xA], $0x2000, $0x38;
	[tilespmem:$0x1FD00] =	vst v63  }
0x78: {  	_ =	swait.ge [sflag:s17], $0x2000  }
0x79: {  	[sflag:s17] =	ssyncset.done $0x0  }
0x7a: {  	s26 =	rddreg [dreg:$0xc];
	[sflag:s17] =	ssyncadd.s32 $0xFFFFE000  }
0x7b: {  	[spmem:s26] =	stream.linear.scatter [tilespmem:s16], [sflag:$0xA], $0x2000, $0x38;
	[tilespmem:$0x1FD00] =	vst v63  }
0x7c: {  	_ =	swait.ge [sflag:s17], $0x2000  }
0x7d: {  	[sflag:s17] =	ssyncset.done $0x0  }
0x7e: {  	s29 =	rddreg [dreg:$0xd];
	[sflag:s17] =	ssyncadd.s32 $0xFFFFE000  }
0x7f: {  	[spmem:s29] =	stream.linear.scatter [tilespmem:s16], [sflag:$0xA], $0x2000, $0x38;
	[tilespmem:$0x1FD00] =	vst v63  }
0x80: {  	_ =	swait.ge [sflag:s17], $0x2000  }
0x81: {  	[sflag:s17] =	ssyncset.done $0x0  }
0x82: {  	s30 =	rddreg [dreg:$0xe];
	[sflag:s17] =	ssyncadd.s32 $0xFFFFE000  }
0x83: {  	[spmem:s30] =	stream.linear.scatter [tilespmem:s16], [sflag:$0xA], $0x2000, $0x38;
	[tilespmem:$0x1FD00] =	vst v63  }
0x84: {  	_ =	swait.ge [sflag:s17], $0x2000  }
0x85: {  	[sflag:s17] =	ssyncset.done $0x0  }
0x86: {  	s31 =	rddreg [dreg:$0xf];
	[sflag:s17] =	ssyncadd.s32 $0xFFFFE000  }
0x87: {  	[spmem:s31] =	stream.linear.scatter [tilespmem:s16], [sflag:$0xA], $0x2000, $0x38;
	[tilespmem:$0x1FD00] =	vst v63  }
0x88: {  	_ =	swait.ge [sflag:s17], $0x2000  }
0x89: {  	[sflag:s17] =	ssyncset.done $0x0  }
0x8a: {  	s28 =	rddreg [dreg:$0x10];
	[sflag:s17] =	ssyncadd.s32 $0xFFFFE000  }
0x8b: {  	[spmem:s28] =	stream.linear.scatter [tilespmem:s16], [sflag:$0xA], $0x2000, $0x38;
	[tilespmem:$0x1FD00] =	vst v63  }
0x8c: {  	_ =	swait.ge [sflag:s17], $0x2000  }
0x8d: {  	[sflag:s17] =	ssyncset.done $0x0  }
0x8e: {  	s29 =	rddreg [dreg:$0x12];
	[sflag:s17] =	ssyncadd.s32 $0xFFFFE000  }
0x8f: {  	[spmem:s29] =	stream.linear.scatter [tilespmem:s16], [sflag:$0xA], $0x2000, $0x38;
	[tilespmem:$0x1FD00] =	vst v63  }
0x90: {  	_ =	swait.ge [sflag:s17], $0x2000  }
0x91: {  	[sflag:s17] =	ssyncset.done $0x0  }
0x92: {  	s30 =	rddreg [dreg:$0x14];
	[sflag:s17] =	ssyncadd.s32 $0xFFFFE000  }
0x93: {  	[spmem:s30] =	stream.linear.scatter [tilespmem:s16], [sflag:$0xA], $0x2000, $0x38;
	[tilespmem:$0x1FD00] =	vst v63  }
0x94: {  	_ =	swait.ge [sflag:s17], $0x2000  }
0x95: {  	[sflag:s17] =	ssyncset.done $0x0  }
0x96: {  	s31 =	rddreg [dreg:$0x15];
	[sflag:s17] =	ssyncadd.s32 $0xFFFFE000  }
0x97: {  	[spmem:s31] =	stream.linear.scatter [tilespmem:s16], [sflag:$0xA], $0x2000, $0x38;
	[tilespmem:$0x1FD00] =	vst v63  }
0x98: {  	_ =	swait.ge [sflag:s17], $0x2000  }
0x99: {  	[sflag:s17] =	ssyncset.done $0x0  }
0x9a: {  	s28 =	rddreg [dreg:$0x16];
	[sflag:s17] =	ssyncadd.s32 $0xFFFFE000  }
0x9b: {  	[spmem:s28] =	stream.linear.scatter [tilespmem:s16], [sflag:$0xA], $0x2000, $0x38;
	[tilespmem:$0x1FD00] =	vst v63  }
0x9c: {  	_ =	swait.ge [sflag:s17], $0x2000  }
0x9d: {  	[sflag:s17] =	ssyncset.done $0x0  }
0x9e: {  	s29 =	rddreg [dreg:$0x17];
	[sflag:s17] =	ssyncadd.s32 $0xFFFFE000  }
0x9f: {  	[spmem:s29] =	stream.linear.scatter [tilespmem:s16], [sflag:$0xA], $0x2000, $0x38;
	[tilespmem:$0x1FD00] =	vst v63  }
0xa0: {  	_ =	swait.ge [sflag:s17], $0x2000  }
0xa1: {  	[sflag:s17] =	ssyncset.done $0x0  }
0xa2: {  	s30 =	rddreg [dreg:$0x18];
	[sflag:s17] =	ssyncadd.s32 $0xFFFFE000  }
0xa3: {  	[spmem:s30] =	stream.linear.scatter [tilespmem:s16], [sflag:$0xA], $0x2000, $0x38;
	[tilespmem:$0x1FD00] =	vst v63  }
0xa4: {  	_ =	swait.ge [sflag:s17], $0x2000  }
0xa5: {  	[sflag:s17] =	ssyncset.done $0x0  }
.Ltmp3:
0xa6: {  	s31 =	rddreg [dreg:$0x8];
	[sflag:s17] =	ssyncadd.s32 $0xFFFFE000;
	(pc) =	sbr.rel @!p0 .LBB2_5-.Ltmp3, $4  }
0xa7: {  	[spmem:s31] =	stream.linear.scatter [tilespmem:s16], [sflag:$0xA], $0x800, $0x38;
	[tilespmem:$0x1FD00] =	vst v63  }
0xa8: {  	_ =	swait.ge [sflag:s17], $0x800  }
0xa9: {  	[sflag:s17] =	ssyncset.done $0x0  }
0xaa: {  	[sflag:s17] =	ssyncadd.s32 $0xFFFFF800  }
0xab: {  	[tilespmem:$0x1EE00] =	vst v0  }
0xac: {  	[tilespmem:$0x1EE10] =	vst v0  }
0xad: {  	[tilespmem:$0x1EE20] =	vst v0  }
0xae: {  	[tilespmem:$0x1EE30] =	vst v0  }
0xaf: {  	[tilespmem:$0x1EE40] =	vst v0  }
0xb0: {  	[tilespmem:$0x1EE50] =	vst v0  }
0xb1: {  	[tilespmem:$0x1EE60] =	vst v0  }
0xb2: {  	[tilespmem:$0x1EE70] =	vst v0  }
0xb3: {  	[tilespmem:$0x1EE80] =	vst v0  }
0xb4: {  	[tilespmem:$0x1EE90] =	vst v0  }
0xb5: {  	[tilespmem:$0x1EEA0] =	vst v0  }
0xb6: {  	[tilespmem:$0x1EEB0] =	vst v0  }
0xb7: {  	[tilespmem:$0x1EEC0] =	vst v0  }
0xb8: {  	[tilespmem:$0x1EED0] =	vst v0  }
0xb9: {  	[tilespmem:$0x1EEE0] =	vst v0  }
0xba: {  	[tilespmem:$0x1EEF0] =	vst v0  }
0xbb: {  	[tilespmem:$0x1EF00] =	vst v0  }
0xbc: {  	[tilespmem:$0x1EF10] =	vst v0  }
0xbd: {  	[tilespmem:$0x1EF20] =	vst v0  }
0xbe: {  	[tilespmem:$0x1EF30] =	vst v0  }
0xbf: {  	[tilespmem:$0x1EF40] =	vst v0  }
0xc0: {  	[tilespmem:$0x1EF50] =	vst v0  }
0xc1: {  	[tilespmem:$0x1EF60] =	vst v0  }
0xc2: {  	[tilespmem:$0x1EF70] =	vst v0  }
0xc3: {  	[tilespmem:$0x1EF80] =	vst v0  }
0xc4: {  	[tilespmem:$0x1EF90] =	vst v0  }
0xc5: {  	[tilespmem:$0x1EFA0] =	vst v0  }
0xc6: {  	[tilespmem:$0x1EFB0] =	vst v0  }
0xc7: {  	[tilespmem:$0x1EFC0] =	vst v1  }
0xc8: {  	[tilespmem:$0x1EFD0] =	vst v1  }
0xc9: {  	[tilespmem:$0x1EFE0] =	vst v1  }
0xca: {  	[tilespmem:$0x1EFF0] =	vst v1  }
0xcb: {  	[tilespmem:$0x1F000] =	vst v1  }
0xcc: {  	[tilespmem:$0x1F010] =	vst v1  }
0xcd: {  	[tilespmem:$0x1F020] =	vst v1  }
0xce: {  	[tilespmem:$0x1F030] =	vst v1  }
0xcf: {  	[tilespmem:$0x1F040] =	vst v1  }
0xd0: {  	[tilespmem:$0x1F050] =	vst v1  }
0xd1: {  	[tilespmem:$0x1F060] =	vst v1  }
0xd2: {  	[tilespmem:$0x1F070] =	vst v1  }
0xd3: {  	[tilespmem:$0x1F080] =	vst v1  }
0xd4: {  	[tilespmem:$0x1F090] =	vst v1  }
0xd5: {  	[tilespmem:$0x1F0A0] =	vst v1  }
0xd6: {  	[tilespmem:$0x1F0B0] =	vst v1  }
0xd7: {  	[spmem:s13] =	stream.linear.scatter [tilespmem:s18], [sflag:$0xA], $0x1C0, $0x38;
	[tilespmem:$0x1FD00] =	vst v63  }
0xd8: {  	_ =	swait.ge [sflag:s17], $0x1C0  }
0xd9: {  	[sflag:s17] =	ssyncset.done $0x0  }
0xda: {  	s26 =	rddreg [dreg:$0x19];
	[sflag:s17] =	ssyncadd.s32 $0xFFFFFE40  }
0xdb: {  	[spmem:s26] =	stream.linear.scatter [tilespmem:s18], [sflag:$0xA], $0x1C0, $0x38;
	[tilespmem:$0x1FD00] =	vst v63  }
0xdc: {  	_ =	swait.ge [sflag:s17], $0x1C0  }
0xdd: {  	[sflag:s17] =	ssyncset.done $0x0  }
0xde: {  	s31 =	rddreg [dreg:$0x1a];
	[sflag:s17] =	ssyncadd.s32 $0xFFFFFE40  }
0xdf: {  	[spmem:s31] =	stream.linear.scatter [tilespmem:s18], [sflag:$0xA], $0x1C0, $0x38;
	[tilespmem:$0x1FD00] =	vst v63  }
0xe0: {  	_ =	swait.ge [sflag:s17], $0x1C0  }
0xe1: {  	[sflag:s17] =	ssyncset.done $0x0  }
0xe2: {  	s28 =	rddreg [dreg:$0x1b];
	[sflag:s17] =	ssyncadd.s32 $0xFFFFFE40  }
0xe3: {  	[spmem:s28] =	stream.linear.scatter [tilespmem:s18], [sflag:$0xA], $0x1C0, $0x38;
	[tilespmem:$0x1FD00] =	vst v63  }
0xe4: {  	_ =	swait.ge [sflag:s17], $0x1C0  }
0xe5: {  	[sflag:s17] =	ssyncset.done $0x0  }
0xe6: {  	s29 =	rddreg [dreg:$0x1c];
	[sflag:s17] =	ssyncadd.s32 $0xFFFFFE40  }
0xe7: {  	[spmem:s29] =	stream.linear.scatter [tilespmem:s18], [sflag:$0xA], $0x1C0, $0x38;
	[tilespmem:$0x1FD00] =	vst v63  }
0xe8: {  	_ =	swait.ge [sflag:s17], $0x1C0  }
0xe9: {  	[sflag:s17] =	ssyncset.done $0x0  }
0xea: {  	s30 =	rddreg [dreg:$0x1d];
	[sflag:s17] =	ssyncadd.s32 $0xFFFFFE40  }
0xeb: {  	[spmem:s30] =	stream.linear.scatter [tilespmem:s18], [sflag:$0xA], $0x1C0, $0x38;
	[tilespmem:$0x1FD00] =	vst v63  }
0xec: {  	_ =	swait.ge [sflag:s17], $0x1C0  }
0xed: {  	[sflag:s17] =	ssyncset.done $0x0  }
0xee: {  	s31 =	rddreg [dreg:$0x1e];
	[sflag:s17] =	ssyncadd.s32 $0xFFFFFE40  }
0xef: {  	[spmem:s31] =	stream.linear.scatter [tilespmem:s18], [sflag:$0xA], $0x1C0, $0x38;
	[tilespmem:$0x1FD00] =	vst v63  }
0xf0: {  	_ =	swait.ge [sflag:s17], $0x1C0  }
0xf1: {  	[sflag:s17] =	ssyncset.done $0x0  }
0xf2: {  	[sflag:s17] =	ssyncadd.s32 $0xFFFFFE40  }
.LBB2_5:
0xf3: {  	s26 =	simm.s32 $0x0  }
0xf4: {  	[tilespmem:s26], [sflag:$0x1] =	stream.linear.gather [hbm4b:s5+s26], $0x100, $0x38;
	[tilespmem:$0x1FD00] =	vst v63  }
0xf5: {  	s28 =	rddreg [dreg:$0x9]  }
0xf6: {  	[tilespmem:s7], [sflag:$0x1] =	stream.linear.gather [hbm4b:s28+s26], $0x100, $0x38;
	[tilespmem:$0x1FD00] =	vst v63  }
0xf7: {  	_ =	swait.ge [sflag:s19], $0x100  }
0xf8: {  	[sflag:s19] =	ssyncset.done $0x0  }
0xf9: {  	[sflag:s19] =	ssyncadd.s32 $0xFFFFFF00  }
0xfa: {  	_ =	swait.ge [sflag:s19], $0x100  }
0xfb: {  	[sflag:s19] =	ssyncset.done $0x0  }
0xfc: {  	[sflag:s19] =	ssyncadd.s32 $0xFFFFFF00  }
0xfd: {  	[tilespmem:s16], [sflag:$0x4] =	stream.indirect.gather [hbm4b:s8+s7], $0x20, s26, s7, $0xb8;
	[tilespmem:$0x1FD00] =	vst v63  }
0xfe: {  	[bflag:$0x0] =	sbarrier.arrive $0xFFFF  }
.LBB2_6:
0xff: {  	_ =	swait.ge [sflag:s21], $0x2000  }
0x100: {  	[sflag:s21] =	ssyncset.done $0x0  }
0x101: {  	s28 =	simm.s32 @p1 $0x5;
	[sflag:s21] =	ssyncadd.s32 $0xFFFFE000  }
0x102: {  	[spmem:s1] =	stream.indirect.scatter.add.f32 [tilespmem:s16], [sflag:$0x7], $0x20, s7, s7, $0xb8;
	[tilespmem:$0x1FD00] =	vst v63  }
0x103: {  	_ =	swait.ge @p1 [sflag:s28], $0x2000  }
0x104: {  	s29 =	simm.s32 @p1 $0x300;
	[sflag:s28] =	ssyncset.done @p1 $0x0  }
0x105: {  	s30 =	simm.s32 @p1 $0x2600;
	[sflag:s28] =	ssyncadd.s32 @p1 $0xFFFFE000;
	s28 =	simm.s32 @p1 $0x100  }
0x106: {  	[spmem:s1] =	stream.indirect.scatter.add.f32 @p1 [tilespmem:s30], [sflag:$0x8], $0x20, s29, s28, $0xb8;
	[tilespmem:$0x1FD00] =	vst v63  }
0x107: {  	s28 =	simm.s32 @!p1 $0x100;
	s29 =	simm.s32 @!p1 $0x1EFC0;
	s30 =	simm.s32 @!p1 $0x5  }
0x108: {  	[spmem:s2] =	stream.indirect.scatter.add.f32 @!p1 [tilespmem:s29], [sflag:$0x7], $0x1, s28, s28, $0xb8;
	[tilespmem:$0x1FD00] =	vst v63  }
0x109: {  	_ =	swait.ge @!p1 [sflag:s30], $0x2000  }
0x10a: {  	[sflag:s30] =	ssyncset.done @!p1 $0x0  }
0x10b: {  	s31 =	simm.s32 @!p1 $0x2600;
	[sflag:s30] =	ssyncadd.s32 @!p1 $0xFFFFE000;
	s30 =	simm.s32 @!p1 $0x300  }
0x10c: {  	[spmem:s1] =	stream.indirect.scatter.add.f32 @!p1 [tilespmem:s31], [sflag:$0x8], $0x20, s30, s28, $0xb8;
	[tilespmem:$0x1FD00] =	vst v63  }
0x10d: {  	_ = 	snop  }
0x10e: {  	[spmem:s2] =	stream.indirect.scatter.add.f32 @!p1 [tilespmem:s29], [sflag:$0x8], $0x1, s30, s28, $0xb8;
	[tilespmem:$0x1FD00] =	vst v63  }
0x10f: {  	_ =	swait.ge [sflag:s22], $0x2000  }
0x110: {  	[sflag:s22] =	ssyncset.done $0x0  }
0x111: {  	s30 =	simm.s32 @p1 $0x7;
	[sflag:s22] =	ssyncadd.s32 $0xFFFFE000  }
0x112: {  	[spmem:s1] =	stream.indirect.scatter.add.f32 [tilespmem:s15], [sflag:$0x9], $0x20, s12, s7, $0xb8;
	[tilespmem:$0x1FD00] =	vst v63  }
0x113: {  	_ =	swait.ge @p1 [sflag:s30], $0x2000  }
0x114: {  	[sflag:s30] =	ssyncset.done @p1 $0x0  }
0x115: {  	[sflag:s30] =	ssyncadd.s32 @p1 $0xFFFFE000;
	s30 =	simm.s32 @!p1 $0x500  }
0x116: {  	[spmem:s2] =	stream.indirect.scatter.add.f32 @!p1 [tilespmem:s29], [sflag:$0x9], $0x1, s30, s28, $0xb8;
	[tilespmem:$0x1FD00] =	vst v63  }
0x117: {  	s29 =	simm.s32 @!p1 $0x7  }
0x118: {  	_ =	swait.ge @!p1 [sflag:s29], $0x2000  }
0x119: {  	[sflag:s29] =	ssyncset.done @!p1 $0x0  }
0x11a: {  	[sflag:s29] =	ssyncadd.s32 @!p1 $0xFFFFE000  }
0x11b: {  	_ =	swait.ge @!p1 [sflag:s29], $0x100  }
0x11c: {  	s28 =	sadd.s32 s26, s20;
	[sflag:s29] =	ssyncset.done @!p1 $0x0  }
0x11d: {  	s30 =	sadd.s32 $0x60, s28;
	[sflag:s29] =	ssyncadd.s32 @!p1 $0xFFFFFF00  }
0x11e: {  	[tilespmem:s4], [sflag:$0x1] =	stream.linear.gather [hbm4b:s30+s4], $0x100, $0x38;
	[tilespmem:$0x1FD00] =	vst v63  }
0x11f: {  	s31 =	sadd.s32 $0x19060, s28  }
0x120: {  	[tilespmem:s7], [sflag:$0x1] =	stream.linear.gather [hbm4b:s31+s4], $0x100, $0x38;
	[tilespmem:$0x1FD00] =	vst v63  }
0x121: {  	_ =	swait.ge [sflag:s19], $0x100  }
0x122: {  	[sflag:s19] =	ssyncset.done $0x0  }
0x123: {  	[sflag:s19] =	ssyncadd.s32 $0xFFFFFF00  }
0x124: {  	_ =	swait.ge [sflag:s19], $0x100  }
0x125: {  	[sflag:s19] =	ssyncset.done $0x0  }
0x126: {  	[sflag:s19] =	ssyncadd.s32 $0xFFFFFF00  }
0x127: {  	[tilespmem:s16], [sflag:$0x4] =	stream.indirect.gather [hbm4b:s8+s7], $0x20, s4, s7, $0xb8;
	[tilespmem:$0x1FD00] =	vst v63  }
0x128: {  	_ =	swait.ge [sflag:s23], $0x2000  }
0x129: {  	[sflag:s23] =	ssyncset.done $0x0  }
0x12a: {  	s29 =	simm.s32 @!p1 $0x8;
	[sflag:s23] =	ssyncadd.s32 $0xFFFFE000  }
0x12b: {  	_ =	swait.ge @!p1 [sflag:s29], $0x100  }
0x12c: {  	[sflag:s29] =	ssyncset.done @!p1 $0x0  }
0x12d: {  	s30 =	sadd.s32 $0x80, s28;
	[sflag:s29] =	ssyncadd.s32 @!p1 $0xFFFFFF00  }
0x12e: {  	[tilespmem:s3], [sflag:$0x2] =	stream.linear.gather [hbm4b:s30+s4], $0x100, $0x38;
	[tilespmem:$0x1FD00] =	vst v63  }
0x12f: {  	s31 =	sadd.s32 $0x19080, s28  }
0x130: {  	[tilespmem:s0], [sflag:$0x2] =	stream.linear.gather [hbm4b:s31+s4], $0x100, $0x38;
	[tilespmem:$0x1FD00] =	vst v63  }
0x131: {  	_ =	swait.ge [sflag:s6], $0x100  }
0x132: {  	[sflag:s6] =	ssyncset.done $0x0  }
0x133: {  	[sflag:s6] =	ssyncadd.s32 $0xFFFFFF00  }
0x134: {  	_ =	swait.ge [sflag:s6], $0x100  }
0x135: {  	[sflag:s6] =	ssyncset.done $0x0  }
0x136: {  	[sflag:s6] =	ssyncadd.s32 $0xFFFFFF00  }
0x137: {  	[tilespmem:s9], [sflag:$0x5] =	stream.indirect.gather [hbm4b:s8+s7], $0x20, s3, s7, $0xb8;
	[tilespmem:$0x1FD00] =	vst v63  }
0x138: {  	p2 =	seq.s32 s26, $0x1860;
	_ =	swait.ge [sflag:s24], $0x2000  }
.Ltmp4:
0x139: {  	[sflag:s24] =	ssyncset.done $0x0;
	(pc) =	sbr.rel @p2 .LBB2_8-.Ltmp4, $4  }
0x13a: {  	s29 =	simm.s32 @!p1 $0x9;
	[sflag:s24] =	ssyncadd.s32 $0xFFFFE000  }
0x13b: {  	_ =	swait.ge @!p1 [sflag:s29], $0x100  }
0x13c: {  	[sflag:s29] =	ssyncset.done @!p1 $0x0  }
0x13d: {  	[sflag:s29] =	ssyncadd.s32 @!p1 $0xFFFFFF00  }
0x13e: {  	s29 =	sadd.s32 $0xA0, s28  }
0x13f: {  	[tilespmem:s11], [sflag:$0x3] =	stream.linear.gather [hbm4b:s29+s4], $0x100, $0x38;
	[tilespmem:$0x1FD00] =	vst v63  }
0x140: {  	s31 =	sadd.s32 $0x190A0, s28  }
0x141: {  	[tilespmem:s12], [sflag:$0x3] =	stream.linear.gather [hbm4b:s31+s4], $0x100, $0x38;
	[tilespmem:$0x1FD00] =	vst v63  }
0x142: {  	_ =	swait.ge [sflag:s14], $0x100  }
0x143: {  	[sflag:s14] =	ssyncset.done $0x0  }
.Ltmp5:
0x144: {  	[sflag:s14] =	ssyncadd.s32 $0xFFFFFF00;
	(pc) =	sbr.rel .LBB2_6-.Ltmp5, $4  }
0x145: {  	_ =	swait.ge [sflag:s14], $0x100  }
0x146: {  	[sflag:s14] =	ssyncset.done $0x0  }
0x147: {  	s26 =	sadd.s32 $0x60, s26;
	[sflag:s14] =	ssyncadd.s32 $0xFFFFFF00  }
0x148: {  	[tilespmem:s15], [sflag:$0x6] =	stream.indirect.gather [hbm4b:s8+s7], $0x20, s11, s7, $0xb8;
	[tilespmem:$0x1FD00] =	vst v63  }
.LBB2_9:
0x149: {  	_ =	sfence.sel $0x180000  }
0x14a: {  	[bflag:$0x0] =	sbarrier.arrive $0xFFFF  }
0x14b: {  	_ =	strace $0x90000047  }
0x14c: {  	s0 =	stileid.u32;
	[bflag:$0x2] =	sbarrier.arrive $0xFFFF  }
0x14d: {  	p0 =	sne.s32 s0, $0x0;
	s0 =	rddreg [dreg:$0x3]  }
0x14e: {  	s0 =	sadd.s32 @!p0 $0x100000, s0  }
0x14f: {  	[sflag:s0] =	ssyncadd.tile.s32 @!p0 $0x1;
	_ =	shalt  }
.Lfunc_end2:
_tile_overlayer_lowered:
.L_overlay_start_2:
0x150: {  	(tag) =	ssettag $0x2  }
0x151: {  	s0 =	rddreg [dreg:$0x0];
	s2 =	stileid.u32  }
0x152: {  	s1 =	rddreg [dreg:$0x1];
	p0 =	sne.s32 s2, $0x0  }
0x153: {  	s3 =	rddreg [dreg:$0x2];
	[bflag:$0x3] =	sbarrier.arrive $0xFFFF;
	s2 =	simm.s32 @!p0 $0x1C0A  }
0x154: {  	[timem:s3], [sflag:s2] =	dma.local @!p0 [hbm:s0], s1  }
0x155: {  	s0 =	simm.s32 @!p0 $0xA  }
0x156: {  	_ =	swait.ge @!p0 [sflag:s0], s1  }
0x157: {  	s1 =	ssub.s32 @!p0 $0x0, s1;
	[sflag:s0] =	ssyncset.done @!p0 $0x0  }
0x158: {  	[sflag:s0] =	ssyncadd.s32 @!p0 s1  }
0x159: {  	[bflag:$0x3] =	sbarrier.arrive $0xFFFF  }
0x15a: {  	_ =	shalt  }

</sc_bundles>
